<compile_context>
chip_gen: v7x
topology: tpu7x:2x2x1
jax: 0.10.2.dev20260603
libtpu: 0.0.44.dev20260713+nightly
codegen_flags: <defaults>
</compile_context>

<pallas_src>
import functools

import jax
import jax.numpy as jnp
from jax import lax
from jax.experimental import pallas as pl
from jax.experimental.pallas import tpu as pltpu
from jax.experimental.pallas import tpu_sc as plsc

DIM = 128
N = 1_000_000
B = 16384
NUM_CORES = 2
NUM_SUBCORES = 16
NW = NUM_CORES * NUM_SUBCORES
NBLK = (N + 127) // 128
BPT = (NBLK + NW - 1) // NW
NSB = 16
STEPS = B // 16
CAP = B + 16 * NSB
SENT = 1 << 27
SC_SPILL = B + NUM_SUBCORES * 64
POS_ROWS = B + NW

S_CNT, S_WROW, S_FROW, S_NFIRE, S_NWAIT, S_GBASE, S_XCHG = 0, 1, 2, 3, 4, 5, 6
S_BASE = 8
S_ESTEP = 24
S_OFFS = 40

_MESH = plsc.VectorSubcoreMesh(core_axis_name="c", subcore_axis_name="s")


@functools.partial(
    pl.kernel,
    mesh=_MESH,
    compiler_params=pltpu.CompilerParams(needs_layout_passes=False),
    out_type=[
        jax.ShapeDtypeStruct((NUM_CORES * SC_SPILL, 128), jnp.float32),
        jax.ShapeDtypeStruct((POS_ROWS,), jnp.int32),
    ],
    scratch_types=[
        pltpu.VMEM((CAP,), jnp.int32),
        pltpu.VMEM((CAP,), jnp.int32),
        pltpu.VMEM((CAP,), jnp.int32),
        pltpu.VMEM((CAP,), jnp.int32),
        pltpu.VMEM((256, 128), jnp.float32),
        pltpu.VMEM((128, 128), jnp.float32),
        pltpu.VMEM((2, 64), jnp.int32),
        pltpu.VMEM((2, 64), jnp.int32),
        pltpu.SMEM((64,), jnp.int32),
        pltpu.SemaphoreType.DMA,
        pltpu.SemaphoreType.DMA,
    ],
)
def _scan_spill(mem_hbm, idx_hbm, spill_hbm, pos_hbm, X, An, Ak, Dk, blk,
                stage, kg, posbuf, scal, sem_b, sem_s):
    scid = lax.axis_index("c")
    sid = lax.axis_index("s")
    wid = sid * NUM_CORES + scid
    cb0 = wid * BPT
    nb = jnp.minimum(BPT, NBLK - cb0)
    lo = cb0 * 128
    hi = jnp.minimum((cb0 + nb) * 128, N)
    iota = lax.iota(jnp.int32, 16)
    pad_row = B + wid

    for i in range(7):
        scal[i] = 0
    for slot in range(2):
        for i in range(4):
            plsc.store_scatter(
                kg,
                [jnp.full((16,), slot, jnp.int32), 16 * i + iota],
                jnp.full((16,), pad_row, jnp.int32),
            )

    def fire_blk(cb):
        slot = jnp.bitwise_and(cb, 1)
        col = pl.multiple_of((cb0 + cb) * 128, 128)
        pltpu.async_copy(
            mem_hbm.at[:, pl.ds(col, 128)],
            blk.at[pl.ds(slot * 128, 128), :],
            sem_b,
        )

    def wait_blk(cb):
        pltpu.make_async_copy(
            mem_hbm.at[:, pl.ds(0, 128)],
            blk.at[pl.ds(0, 128), :],
            sem_b,
        ).wait()

    def drain_one_spill():
        pltpu.make_async_copy(
            spill_hbm.at[pl.ds(0, 64), :],
            stage.at[pl.ds(0, 64), :],
            sem_s,
        ).wait()
        pltpu.make_async_copy(
            idx_hbm.at[pl.ds(0, 64)],
            posbuf.at[0],
            sem_s,
        ).wait()
        scal[S_NWAIT] = scal[S_NWAIT] + 1

    def flush():
        frow = scal[S_FROW]
        slot = jnp.bitwise_and(lax.shift_right_logical(frow, 6), 1)
        dst_row = pl.multiple_of(scal[S_GBASE] + frow, 64)
        grow = jnp.full((16,), dst_row, jnp.int32)
        for i in range(4):
            plsc.store_scatter(
                posbuf,
                [jnp.full((16,), slot, jnp.int32), 16 * i + iota],
                grow + 16 * i + iota,
            )
        pltpu.async_copy(
            stage.at[pl.ds(slot * 64, 64), :],
            spill_hbm.at[pl.ds(dst_row, 64), :],
            sem_s,
        )
        pltpu.async_copy(
            posbuf.at[slot],
            pos_hbm.at[kg.at[slot]],
            sem_s,
        )
        scal[S_FROW] = frow + 64
        scal[S_NFIRE] = scal[S_NFIRE] + 1

        @pl.when(scal[S_NFIRE] - scal[S_NWAIT] >= 2)
        def _():
            drain_one_spill()

    pltpu.sync_copy(idx_hbm.at[pl.ds(0, B)], X.at[pl.ds(0, B)])
    fire_blk(0)

    @pl.when(nb > 1)
    def _():
        fire_blk(1)

    def filt(s, carry):
        v = X[pl.ds(16 * s, 16)]
        m = (v >= lo) & (v < hi)
        pc = plsc.cumsum(m.astype(jnp.int32))
        cnt = scal[S_CNT]
        pos = cnt + pc - 1
        plsc.store_scatter(An, [pos], v, mask=m)
        plsc.store_scatter(Ak, [pos], 16 * s + iota, mask=m)
        scal[S_CNT] = cnt + jnp.max(pc)
        return carry

    lax.fori_loop(0, STEPS, filt, 0)
    cnt = scal[S_CNT]
    nsteps = lax.shift_right_logical(cnt + 15, 4)

    aligned_cnt = lax.shift_left(lax.shift_right_logical(cnt + 63, 6), 6)
    plsc.subcore_barrier()
    my_base = plsc.fetch_and_add(scal.at[S_XCHG], aligned_cnt, subcore_id=0)
    scal[S_GBASE] = scid * SC_SPILL + my_base

    for sb in range(NSB):
        scal[S_OFFS + sb] = 0

    def count_step(u, carry):
        v = An[pl.ds(16 * u, 16)]
        valid = (16 * u + iota) < cnt
        sbv = lax.shift_right_logical(v - lo, 11)
        for sb in range(NSB):
            msb = valid & (sbv == sb)
            pc = plsc.all_reduce_population_count(msb)
            scal[S_OFFS + sb] = scal[S_OFFS + sb] + jnp.max(pc)
        return carry

    lax.fori_loop(0, nsteps, count_step, 0)

    run = jnp.int32(0)
    for sb in range(NSB):
        ln = scal[S_OFFS + sb]
        scal[S_BASE + sb] = run
        aln = lax.shift_left(lax.shift_right_logical(ln + 15, 4), 4)
        scal[S_ESTEP + sb] = lax.shift_right_logical(aln, 4)
        scal[S_OFFS + sb] = run
        plsc.store_scatter(
            X, [run + ln + iota], jnp.full((16,), SENT, jnp.int32))
        run = run + aln

    def redist(u, carry):
        v = An[pl.ds(16 * u, 16)]
        kv = Ak[pl.ds(16 * u, 16)]
        valid = (16 * u + iota) < cnt
        sbv = lax.shift_right_logical(v - lo, 11)
        for sb in range(NSB):
            msb = valid & (sbv == sb)
            pc = plsc.cumsum(msb.astype(jnp.int32))
            pos = scal[S_OFFS + sb] + pc - 1
            plsc.store_scatter(X, [pos], v, mask=msb)
            plsc.store_scatter(Dk, [pos], kv, mask=msb)
            scal[S_OFFS + sb] = scal[S_OFFS + sb] + jnp.max(pc)
        return carry

    lax.fori_loop(0, nsteps, redist, 0)

    def per_block(cb, carry):
        wait_blk(cb)
        slot = jnp.bitwise_and(cb, 1)
        blo = (cb0 + cb) * 128
        sb = lax.shift_right_logical(cb, 4)
        base = scal[S_BASE + sb]
        esteps = scal[S_ESTEP + sb]

        def scan_step(u, c2):
            v = X[pl.ds(base + 16 * u, 16)]
            mb = (v >= blo) & (v < blo + 128)
            j_all = v - blo
            kvec = Dk[pl.ds(base + 16 * u, 16)]

            def any_left(mc):
                return jnp.max(mc.astype(jnp.int32)) > 0

            def extract(mc):
                ffs = plsc.all_reduce_ffs(mc)
                sel = iota == ffs
                zero = jnp.zeros((16,), jnp.int32)
                js = jnp.max(jnp.where(sel, j_all, zero))
                ks = jnp.max(jnp.where(sel, kvec, zero))
                srow = scal[S_WROW]
                sr_v = jnp.full((16,), jnp.bitwise_and(srow, 127), jnp.int32)
                for t in range(8):
                    rows = slot * 128 + 16 * t + iota
                    vals = plsc.load_gather(
                        blk, [rows, jnp.full((16,), js, jnp.int32)])
                    plsc.store_scatter(stage, [sr_v, 16 * t + iota], vals)
                gslot = jnp.bitwise_and(lax.shift_right_logical(srow, 6), 1)
                glane = jnp.bitwise_and(srow, 63)
                plsc.store_scatter(
                    kg,
                    [jnp.full((16,), gslot, jnp.int32),
                     jnp.full((16,), glane, jnp.int32)],
                    jnp.full((16,), ks, jnp.int32),
                    mask=(iota == 0),
                )
                scal[S_WROW] = srow + 1

                @pl.when(scal[S_WROW] - scal[S_FROW] >= 64)
                def _():
                    flush()

                return mc & jnp.logical_not(sel)

            lax.while_loop(any_left, extract, mb)
            return c2

        lax.fori_loop(0, esteps, scan_step, 0)

        @pl.when(cb + 2 < nb)
        def _():
            fire_blk(cb + 2)

        return carry

    lax.fori_loop(0, nb, per_block, 0)

    @pl.when(scal[S_WROW] > scal[S_FROW])
    def _():
        flush()

    def drain(i, c):
        drain_one_spill()
        return c

    lax.fori_loop(0, scal[S_NFIRE] - scal[S_NWAIT], drain, 0)


KPW = B // NW


@functools.partial(
    pl.kernel,
    mesh=_MESH,
    compiler_params=pltpu.CompilerParams(needs_layout_passes=False),
    out_type=jax.ShapeDtypeStruct((B, 128), jnp.float32),
    scratch_types=[
        pltpu.VMEM((KPW,), jnp.int32),
        pltpu.VMEM((KPW, 128), jnp.float32),
        pltpu.SemaphoreType.DMA,
    ],
)
def _permute(spill_hbm, pos_hbm, out_hbm, pos_v, rows_v, sem):
    scid = lax.axis_index("c")
    sid = lax.axis_index("s")
    wid = sid * NUM_CORES + scid
    base = wid * KPW
    pltpu.sync_copy(pos_hbm.at[pl.ds(base, KPW)], pos_v)
    pltpu.async_copy(spill_hbm.at[pos_v], rows_v, sem).wait()
    pltpu.sync_copy(rows_v, out_hbm.at[pl.ds(base, KPW), :])


def kernel(membank, n_index):
    idx = n_index.astype(jnp.int32)
    spill, pos = _scan_spill(membank, idx)
    out2 = _permute(spill, pos)
    return out2.T

# --- scband reference (transcript-rebuilt; emitter-appended) ---
"""Pipeline reference for scband-memorybank-28802050686993 (READ-ONLY COPY).

The authoritative reference and input builder live on the scoring server;
editing this copy changes nothing except your own understanding.
"""

import jax, jax.numpy as jnp
import numpy as np

N = 1000000
DIM = 128
B = 16384

def setup_inputs(seed: int = 0) -> dict:
    key = jax.random.key(seed)
    k1, k2 = jax.random.split(key)
    # membank buffer: randn(dim, N), then F.normalize along dim=0 (per-column L2 norm)
    membank = jax.random.normal(k1, (DIM, N), dtype=jnp.float32)
    norm = jnp.sqrt(jnp.sum(membank * membank, axis=0, keepdims=True))
    membank = membank / jnp.maximum(norm, 1e-12)
    # negative-sample indices, 1D int64-ish
    n_index = jax.random.randint(k2, (B,), 0, N)
    return {"membank": membank, "n_index": n_index}

def reference(membank, n_index):
    # torch.index_select(self.membank, 1, n_index) -> gather columns; output D x K
    return jnp.take(membank, n_index, axis=1)

if __name__ == "__main__":
    import jax
    _d = setup_inputs()
    print(jax.jit(kernel)(*tuple(_d.values())))

</pallas_src>

<mosaic_0001>
#map = affine_map<(d0, d1) -> (0, 0)>
#map1 = affine_map<(d0, d1) -> (0)>
module attributes {stable_mosaic.version = 14 : i64} {
  func.func @_scan_spill(%arg0: i32, %arg1: i32, %arg2: memref<128x1000000xf32, #tpu.memory_space<hbm>>, %arg3: memref<16384xi32, #tpu.memory_space<hbm>>, %arg4: memref<34816x128xf32, #tpu.memory_space<hbm>>, %arg5: memref<16416xi32, #tpu.memory_space<hbm>>, %arg6: memref<16640xi32, #tpu.memory_space<vmem>>, %arg7: memref<16640xi32, #tpu.memory_space<vmem>>, %arg8: memref<16640xi32, #tpu.memory_space<vmem>>, %arg9: memref<16640xi32, #tpu.memory_space<vmem>>, %arg10: memref<256x128xf32, #tpu.memory_space<vmem>>, %arg11: memref<128x128xf32, #tpu.memory_space<vmem>>, %arg12: memref<2x64xi32, #tpu.memory_space<vmem>>, %arg13: memref<2x64xi32, #tpu.memory_space<vmem>>, %arg14: memref<64xi32, #tpu.memory_space<smem>>, %arg15: memref<!tpu.dma_semaphore, #tpu.memory_space<semaphore_mem>>, %arg16: memref<!tpu.dma_semaphore, #tpu.memory_space<semaphore_mem>>) attributes {dimension_semantics = [#tpu.dimension_semantics<core_parallel>, #tpu.dimension_semantics<subcore_parallel>], iteration_bounds = array<i64: 2, 16>, scalar_prefetch = 0 : i64, scratch_operands = 11 : i64, tpu.core_type = #tpu.core_type<sc_vector_subcore>, window_params = [{transform_indices = #map}, {transform_indices = #map1}, {transform_indices = #map}, {transform_indices = #map1}]} {
    %mul3A = arith.constant 2 : i32
    %mul3A_0 = arith.muli %arg1, %mul3A : i32
    %add3A = arith.addi %mul3A_0, %arg0 : i32
    %mul3A_1 = arith.constant 245 : i32
    %mul3A_2 = arith.muli %add3A, %mul3A_1 : i32
    %sub3A = arith.constant 7813 : i32
    %sub3A_3 = arith.subi %sub3A, %mul3A_2 : i32
    %min3A = arith.constant 245 : i32
    %min3A_4 = arith.minsi %min3A, %sub3A_3 : i32
    %mul3A_5 = arith.constant 128 : i32
    %mul3A_6 = arith.muli %mul3A_2, %mul3A_5 : i32
    %add3A_7 = arith.addi %mul3A_2, %min3A_4 : i32
    %mul3A_8 = arith.constant 128 : i32
    %mul3A_9 = arith.muli %add3A_7, %mul3A_8 : i32
    %min3A_10 = arith.constant 1000000 : i32
    %min3A_11 = arith.minsi %mul3A_9, %min3A_10 : i32
    %iota3A = tpu.iota {dimensions = array<i32: 0>} : vector<16xi32>
    %add3A_12 = arith.constant 16384 : i32
    %add3A_13 = arith.addi %add3A_12, %add3A : i32
    %swap3A = arith.constant 0 : i32
    %swap3A_14 = arith.constant 0 : i32
    %swap3A_15 = arith.index_cast %swap3A_14 : i32 to index
    %swap3A_16 = memref.load %arg14[%swap3A_15] : memref<64xi32, #tpu.memory_space<smem>>
    memref.store %swap3A, %arg14[%swap3A_15] : memref<64xi32, #tpu.memory_space<smem>>
    %swap3A_17 = arith.constant 0 : i32
    %swap3A_18 = arith.constant 1 : i32
    %swap3A_19 = arith.index_cast %swap3A_18 : i32 to index
    %swap3A_20 = memref.load %arg14[%swap3A_19] : memref<64xi32, #tpu.memory_space<smem>>
    memref.store %swap3A_17, %arg14[%swap3A_19] : memref<64xi32, #tpu.memory_space<smem>>
    %swap3A_21 = arith.constant 0 : i32
    %swap3A_22 = arith.constant 2 : i32
    %swap3A_23 = arith.index_cast %swap3A_22 : i32 to index
    %swap3A_24 = memref.load %arg14[%swap3A_23] : memref<64xi32, #tpu.memory_space<smem>>
    memref.store %swap3A_21, %arg14[%swap3A_23] : memref<64xi32, #tpu.memory_space<smem>>
    %swap3A_25 = arith.constant 0 : i32
    %swap3A_26 = arith.constant 3 : i32
    %swap3A_27 = arith.index_cast %swap3A_26 : i32 to index
    %swap3A_28 = memref.load %arg14[%swap3A_27] : memref<64xi32, #tpu.memory_space<smem>>
    memref.store %swap3A_25, %arg14[%swap3A_27] : memref<64xi32, #tpu.memory_space<smem>>
    %swap3A_29 = arith.constant 0 : i32
    %swap3A_30 = arith.constant 4 : i32
    %swap3A_31 = arith.index_cast %swap3A_30 : i32 to index
    %swap3A_32 = memref.load %arg14[%swap3A_31] : memref<64xi32, #tpu.memory_space<smem>>
    memref.store %swap3A_29, %arg14[%swap3A_31] : memref<64xi32, #tpu.memory_space<smem>>
    %swap3A_33 = arith.constant 0 : i32
    %swap3A_34 = arith.constant 5 : i32
    %swap3A_35 = arith.index_cast %swap3A_34 : i32 to index
    %swap3A_36 = memref.load %arg14[%swap3A_35] : memref<64xi32, #tpu.memory_space<smem>>
    memref.store %swap3A_33, %arg14[%swap3A_35] : memref<64xi32, #tpu.memory_space<smem>>
    %swap3A_37 = arith.constant 0 : i32
    %swap3A_38 = arith.constant 6 : i32
    %swap3A_39 = arith.index_cast %swap3A_38 : i32 to index
    %swap3A_40 = memref.load %arg14[%swap3A_39] : memref<64xi32, #tpu.memory_space<smem>>
    memref.store %swap3A_37, %arg14[%swap3A_39] : memref<64xi32, #tpu.memory_space<smem>>
    %broadcast_in_dim3A = arith.constant 0 : i32
    %broadcast_in_dim3A_41 = vector.broadcast %broadcast_in_dim3A : i32 to vector<16xi32>
    %add3A_42 = arith.constant 0 : i32
    %add3A_43 = vector.broadcast %add3A_42 : i32 to vector<16xi32>
    %add3A_44 = arith.addi %add3A_43, %iota3A : vector<16xi32>
    %broadcast_in_dim3A_45 = vector.broadcast %add3A_13 : i32 to vector<16xi32>
    tpu.vector_store_idx %arg12[%broadcast_in_dim3A_41, %add3A_44], %broadcast_in_dim3A_45 : memref<2x64xi32, #tpu.memory_space<vmem>>[vector<16xi32>, vector<16xi32>], vector<16xi32>,
    %broadcast_in_dim3A_46 = arith.constant 0 : i32
    %broadcast_in_dim3A_47 = vector.broadcast %broadcast_in_dim3A_46 : i32 to vector<16xi32>
    %add3A_48 = arith.constant 16 : i32
    %add3A_49 = vector.broadcast %add3A_48 : i32 to vector<16xi32>
    %add3A_50 = arith.addi %add3A_49, %iota3A : vector<16xi32>
    %broadcast_in_dim3A_51 = vector.broadcast %add3A_13 : i32 to vector<16xi32>
    tpu.vector_store_idx %arg12[%broadcast_in_dim3A_47, %add3A_50], %broadcast_in_dim3A_51 : memref<2x64xi32, #tpu.memory_space<vmem>>[vector<16xi32>, vector<16xi32>], vector<16xi32>,
    %broadcast_in_dim3A_52 = arith.constant 0 : i32
    %broadcast_in_dim3A_53 = vector.broadcast %broadcast_in_dim3A_52 : i32 to vector<16xi32>
    %add3A_54 = arith.constant 32 : i32
    %add3A_55 = vector.broadcast %add3A_54 : i32 to vector<16xi32>
    %add3A_56 = arith.addi %add3A_55, %iota3A : vector<16xi32>
    %broadcast_in_dim3A_57 = vector.broadcast %add3A_13 : i32 to vector<16xi32>
    tpu.vector_store_idx %arg12[%broadcast_in_dim3A_53, %add3A_56], %broadcast_in_dim3A_57 : memref<2x64xi32, #tpu.memory_space<vmem>>[vector<16xi32>, vector<16xi32>], vector<16xi32>,
    %broadcast_in_dim3A_58 = arith.constant 0 : i32
    %broadcast_in_dim3A_59 = vector.broadcast %broadcast_in_dim3A_58 : i32 to vector<16xi32>
    %add3A_60 = arith.constant 48 : i32
    %add3A_61 = vector.broadcast %add3A_60 : i32 to vector<16xi32>
    %add3A_62 = arith.addi %add3A_61, %iota3A : vector<16xi32>
    %broadcast_in_dim3A_63 = vector.broadcast %add3A_13 : i32 to vector<16xi32>
    tpu.vector_store_idx %arg12[%broadcast_in_dim3A_59, %add3A_62], %broadcast_in_dim3A_63 : memref<2x64xi32, #tpu.memory_space<vmem>>[vector<16xi32>, vector<16xi32>], vector<16xi32>,
    %broadcast_in_dim3A_64 = arith.constant 1 : i32
    %broadcast_in_dim3A_65 = vector.broadcast %broadcast_in_dim3A_64 : i32 to vector<16xi32>
    %add3A_66 = arith.constant 0 : i32
    %add3A_67 = vector.broadcast %add3A_66 : i32 to vector<16xi32>
    %add3A_68 = arith.addi %add3A_67, %iota3A : vector<16xi32>
    %broadcast_in_dim3A_69 = vector.broadcast %add3A_13 : i32 to vector<16xi32>
    tpu.vector_store_idx %arg12[%broadcast_in_dim3A_65, %add3A_68], %broadcast_in_dim3A_69 : memref<2x64xi32, #tpu.memory_space<vmem>>[vector<16xi32>, vector<16xi32>], vector<16xi32>,
    %broadcast_in_dim3A_70 = arith.constant 1 : i32
    %broadcast_in_dim3A_71 = vector.broadcast %broadcast_in_dim3A_70 : i32 to vector<16xi32>
    %add3A_72 = arith.constant 16 : i32
    %add3A_73 = vector.broadcast %add3A_72 : i32 to vector<16xi32>
    %add3A_74 = arith.addi %add3A_73, %iota3A : vector<16xi32>
    %broadcast_in_dim3A_75 = vector.broadcast %add3A_13 : i32 to vector<16xi32>
    tpu.vector_store_idx %arg12[%broadcast_in_dim3A_71, %add3A_74], %broadcast_in_dim3A_75 : memref<2x64xi32, #tpu.memory_space<vmem>>[vector<16xi32>, vector<16xi32>], vector<16xi32>,
    %broadcast_in_dim3A_76 = arith.constant 1 : i32
    %broadcast_in_dim3A_77 = vector.broadcast %broadcast_in_dim3A_76 : i32 to vector<16xi32>
    %add3A_78 = arith.constant 32 : i32
    %add3A_79 = vector.broadcast %add3A_78 : i32 to vector<16xi32>
    %add3A_80 = arith.addi %add3A_79, %iota3A : vector<16xi32>
    %broadcast_in_dim3A_81 = vector.broadcast %add3A_13 : i32 to vector<16xi32>
    tpu.vector_store_idx %arg12[%broadcast_in_dim3A_77, %add3A_80], %broadcast_in_dim3A_81 : memref<2x64xi32, #tpu.memory_space<vmem>>[vector<16xi32>, vector<16xi32>], vector<16xi32>,
    %broadcast_in_dim3A_82 = arith.constant 1 : i32
    %broadcast_in_dim3A_83 = vector.broadcast %broadcast_in_dim3A_82 : i32 to vector<16xi32>
    %add3A_84 = arith.constant 48 : i32
    %add3A_85 = vector.broadcast %add3A_84 : i32 to vector<16xi32>
    %add3A_86 = arith.addi %add3A_85, %iota3A : vector<16xi32>
    %broadcast_in_dim3A_87 = vector.broadcast %add3A_13 : i32 to vector<16xi32>
    tpu.vector_store_idx %arg12[%broadcast_in_dim3A_83, %add3A_86], %broadcast_in_dim3A_87 : memref<2x64xi32, #tpu.memory_space<vmem>>[vector<16xi32>, vector<16xi32>], vector<16xi32>,
    "tpu.region"() ({
      %run_scoped3A = tpu.sem_alloc : memref<!tpu.dma_semaphore, #tpu.memory_space<semaphore_mem>>
      %dma_start3A_668 = arith.constant 0 : i32
      %dma_start3A_669 = tpu.memref_slice %arg6[%dma_start3A_668] : memref<16640xi32, #tpu.memory_space<vmem>> -> memref<16384xi32, #tpu.memory_space<vmem>>
      %dma_start3A_670 = arith.constant 0 : i32
      %dma_start3A_671 = tpu.memref_slice %arg3[%dma_start3A_670] : memref<16384xi32, #tpu.memory_space<hbm>> -> memref<16384xi32, #tpu.memory_space<hbm>>
      %dma_start3A_672 = arith.constant 0 : i32
      %dma_start3A_673 = tpu.memref_slice %arg6[%dma_start3A_672] : memref<16640xi32, #tpu.memory_space<vmem>> -> memref<16384xi32, #tpu.memory_space<vmem>>
      %dma_start3A_674 = arith.constant 0 : i32
      %dma_start3A_675 = tpu.memref_slice %arg3[%dma_start3A_674] : memref<16384xi32, #tpu.memory_space<hbm>> -> memref<16384xi32, #tpu.memory_space<hbm>>
      tpu.enqueue_dma source(%dma_start3A_675 : memref<16384xi32, #tpu.memory_space<hbm>>) target(%dma_start3A_673 : memref<16384xi32, #tpu.memory_space<vmem>>) target_semaphore(%run_scoped3A : memref<!tpu.dma_semaphore, #tpu.memory_space<semaphore_mem>>)
      %dma_wait3A = arith.constant 0 : i32
      %dma_wait3A_676 = tpu.memref_slice %arg6[%dma_wait3A] : memref<16640xi32, #tpu.memory_space<vmem>> -> memref<16384xi32, #tpu.memory_space<vmem>>
      %dma_wait3A_677 = arith.constant 0 : i32
      %dma_wait3A_678 = tpu.memref_slice %arg3[%dma_wait3A_677] : memref<16384xi32, #tpu.memory_space<hbm>> -> memref<16384xi32, #tpu.memory_space<hbm>>
      %dma_wait3A_679 = arith.constant 0 : i32
      %dma_wait3A_680 = tpu.memref_slice %arg6[%dma_wait3A_679] : memref<16640xi32, #tpu.memory_space<vmem>> -> memref<16384xi32, #tpu.memory_space<vmem>>
      %dma_wait3A_681 = arith.constant 0 : i32
      %dma_wait3A_682 = tpu.memref_slice %arg3[%dma_wait3A_681] : memref<16384xi32, #tpu.memory_space<hbm>> -> memref<16384xi32, #tpu.memory_space<hbm>>
      tpu.wait_dma2 semaphore(%run_scoped3A : memref<!tpu.dma_semaphore, #tpu.memory_space<semaphore_mem>>) src(%dma_wait3A_682 : memref<16384xi32, #tpu.memory_space<hbm>>) dst(%dma_wait3A_680 : memref<16384xi32, #tpu.memory_space<vmem>>)
      tpu.yield
    }) : () -> ()
    %and3A = arith.constant 0 : i32
    %and3A_88 = arith.constant 1 : i32
    %and3A_89 = arith.andi %and3A, %and3A_88 : i32
    %add3A_90 = arith.constant 0 : i32
    %add3A_91 = arith.addi %mul3A_2, %add3A_90 : i32
    %mul3A_92 = arith.constant 128 : i32
    %mul3A_93 = arith.muli %add3A_91, %mul3A_92 : i32
    %multiple_of3A = tpu.assume_multiple %mul3A_93, 128 : i32
    %mul3A_94 = arith.constant 128 : i32
    %mul3A_95 = arith.muli %and3A_89, %mul3A_94 : i32
    %dma_start3A = arith.constant 0 : i32
    %dma_start3A_96 = tpu.memref_slice %arg10[%mul3A_95, %dma_start3A] : memref<256x128xf32, #tpu.memory_space<vmem>> -> memref<128x128xf32, #tpu.memory_space<vmem>>
    %dma_start3A_97 = arith.constant 0 : i32
    %dma_start3A_98 = tpu.memref_slice %arg2[%dma_start3A_97, %multiple_of3A] : memref<128x1000000xf32, #tpu.memory_space<hbm>> -> memref<128x128xf32, #tpu.memory_space<hbm>>
    %dma_start3A_99 = arith.constant 0 : i32
    %dma_start3A_100 = tpu.memref_slice %arg10[%mul3A_95, %dma_start3A_99] : memref<256x128xf32, #tpu.memory_space<vmem>> -> memref<128x128xf32, #tpu.memory_space<vmem>>
    %dma_start3A_101 = arith.constant 0 : i32
    %dma_start3A_102 = tpu.memref_slice %arg2[%dma_start3A_101, %multiple_of3A] : memref<128x1000000xf32, #tpu.memory_space<hbm>> -> memref<128x128xf32, #tpu.memory_space<hbm>>
    tpu.enqueue_dma source(%dma_start3A_102 : memref<128x128xf32, #tpu.memory_space<hbm>>) target(%dma_start3A_100 : memref<128x128xf32, #tpu.memory_space<vmem>>) target_semaphore(%arg15 : memref<!tpu.dma_semaphore, #tpu.memory_space<semaphore_mem>>)
    %gt3A = arith.constant 1 : i32
    %gt3A_103 = arith.cmpi sgt, %min3A_4, %gt3A : i32
    %convert_element_type3A = arith.extui %gt3A_103 : i1 to i32
    %cond3A = arith.constant 0 : i32
    %cond3A_104 = arith.cmpi ne, %convert_element_type3A, %cond3A : i32
    scf.if %cond3A_104 {
      %and3A_668 = arith.constant 1 : i32
      %and3A_669 = arith.constant 1 : i32
      %and3A_670 = arith.andi %and3A_668, %and3A_669 : i32
      %add3A_671 = arith.constant 1 : i32
      %add3A_672 = arith.addi %mul3A_2, %add3A_671 : i32
      %mul3A_673 = arith.constant 128 : i32
      %mul3A_674 = arith.muli %add3A_672, %mul3A_673 : i32
      %multiple_of3A_675 = tpu.assume_multiple %mul3A_674, 128 : i32
      %mul3A_676 = arith.constant 128 : i32
      %mul3A_677 = arith.muli %and3A_670, %mul3A_676 : i32
      %dma_start3A_678 = arith.constant 0 : i32
      %dma_start3A_679 = tpu.memref_slice %arg10[%mul3A_677, %dma_start3A_678] : memref<256x128xf32, #tpu.memory_space<vmem>> -> memref<128x128xf32, #tpu.memory_space<vmem>>
      %dma_start3A_680 = arith.constant 0 : i32
      %dma_start3A_681 = tpu.memref_slice %arg2[%dma_start3A_680, %multiple_of3A_675] : memref<128x1000000xf32, #tpu.memory_space<hbm>> -> memref<128x128xf32, #tpu.memory_space<hbm>>
      %dma_start3A_682 = arith.constant 0 : i32
      %dma_start3A_683 = tpu.memref_slice %arg10[%mul3A_677, %dma_start3A_682] : memref<256x128xf32, #tpu.memory_space<vmem>> -> memref<128x128xf32, #tpu.memory_space<vmem>>
      %dma_start3A_684 = arith.constant 0 : i32
      %dma_start3A_685 = tpu.memref_slice %arg2[%dma_start3A_684, %multiple_of3A_675] : memref<128x1000000xf32, #tpu.memory_space<hbm>> -> memref<128x128xf32, #tpu.memory_space<hbm>>
      tpu.enqueue_dma source(%dma_start3A_685 : memref<128x128xf32, #tpu.memory_space<hbm>>) target(%dma_start3A_683 : memref<128x128xf32, #tpu.memory_space<vmem>>) target_semaphore(%arg15 : memref<!tpu.dma_semaphore, #tpu.memory_space<semaphore_mem>>)
    } else {
    }
    %scan3A = arith.constant 0 : i32
    %scan3A_105 = arith.constant 0 : i32
    %scan3A_106 = arith.constant 1024 : i32
    %scan3A_107 = arith.addi %scan3A_105, %scan3A_106 : i32
    %scan3A_108 = arith.constant 1 : i32
    scf.for %scan3A_668 = %scan3A_105 to %scan3A_107 step %scan3A_108  : i32 {
      %mul3A_669 = arith.constant 16 : i32
      %mul3A_670 = arith.muli %mul3A_669, %scan3A_668 : i32
      %get3A_671 = arith.index_cast %mul3A_670 : i32 to index
      %get3A_672 = tpu.vector_load %arg6[%get3A_671] {strides = array<i32>} : memref<16640xi32, #tpu.memory_space<vmem>>, vector<16xi32>,
      %ge3A = vector.broadcast %mul3A_6 : i32 to vector<16xi32>
      %ge3A_673 = arith.cmpi sge, %get3A_672, %ge3A : vector<16xi32>
      %lt3A = vector.broadcast %min3A_11 : i32 to vector<16xi32>
      %lt3A_674 = arith.cmpi slt, %get3A_672, %lt3A : vector<16xi32>
      %and3A_675 = arith.andi %ge3A_673, %lt3A_674 : vector<16xi1>
      %convert_element_type3A_676 = arith.extui %and3A_675 : vector<16xi1> to vector<16xi32>
      %broadcast_in_dim3A_677 = arith.constant true
      %broadcast_in_dim3A_678 = vector.broadcast %broadcast_in_dim3A_677 : i1 to vector<16xi1>
      %masked_cumsum3A = tpu.scan <sum>, %convert_element_type3A_676 masked %broadcast_in_dim3A_678 : vector<16xi32>, vector<16xi1> -> vector<16xi32>
      %get3A_679 = arith.constant 0 : i32
      %get3A_680 = arith.index_cast %get3A_679 : i32 to index
      %get3A_681 = memref.load %arg14[%get3A_680] : memref<64xi32, #tpu.memory_space<smem>>
      %add3A_682 = vector.broadcast %get3A_681 : i32 to vector<16xi32>
      %add3A_683 = arith.addi %add3A_682, %masked_cumsum3A : vector<16xi32>
      %sub3A_684 = arith.constant 1 : i32
      %sub3A_685 = vector.broadcast %sub3A_684 : i32 to vector<16xi32>
      %sub3A_686 = arith.subi %add3A_683, %sub3A_685 : vector<16xi32>
      tpu.vector_store_idx %arg7[%sub3A_686], %get3A_672 masked %and3A_675 : memref<16640xi32, #tpu.memory_space<vmem>>[vector<16xi32>], vector<16xi32>, vector<16xi1>
      %mul3A_687 = arith.constant 16 : i32
      %mul3A_688 = arith.muli %mul3A_687, %scan3A_668 : i32
      %add3A_689 = vector.broadcast %mul3A_688 : i32 to vector<16xi32>
      %add3A_690 = arith.addi %add3A_689, %iota3A : vector<16xi32>
      tpu.vector_store_idx %arg8[%sub3A_686], %add3A_690 masked %and3A_675 : memref<16640xi32, #tpu.memory_space<vmem>>[vector<16xi32>], vector<16xi32>, vector<16xi1>
      %reduce_max3A = arith.constant true
      %reduce_max3A_691 = vector.broadcast %reduce_max3A : i1 to vector<16xi1>
      %reduce_max3A_692 = arith.constant -2147483648 : i32
      %reduce_max3A_693 = vector.broadcast %reduce_max3A_692 : i32 to vector<16xi32>
      %reduce_max3A_694 = arith.xori %masked_cumsum3A, %reduce_max3A_693 : vector<16xi32>
      %reduce_max3A_695 = tpu.scan <max>, %reduce_max3A_694 masked %reduce_max3A_691 : vector<16xi32>, vector<16xi1> -> vector<16xi32>
      %reduce_max3A_696 = arith.xori %reduce_max3A_695, %reduce_max3A_693 : vector<16xi32>
      %reduce_max3A_697 = vector.extract %reduce_max3A_696[15] : i32 from vector<16xi32>
      %add3A_698 = arith.addi %get3A_681, %reduce_max3A_697 : i32
      %swap3A_699 = arith.constant 0 : i32
      %swap3A_700 = arith.index_cast %swap3A_699 : i32 to index
      %swap3A_701 = memref.load %arg14[%swap3A_700] : memref<64xi32, #tpu.memory_space<smem>>
      memref.store %add3A_698, %arg14[%swap3A_700] : memref<64xi32, #tpu.memory_space<smem>>
    }
    %scan3A_109 = arith.constant 1024 : i32
    %get3A = arith.constant 0 : i32
    %get3A_110 = arith.index_cast %get3A : i32 to index
    %get3A_111 = memref.load %arg14[%get3A_110] : memref<64xi32, #tpu.memory_space<smem>>
    %add3A_112 = arith.constant 15 : i32
    %add3A_113 = arith.addi %get3A_111, %add3A_112 : i32
    %shift_right_logical3A = arith.constant 4 : i32
    %shift_right_logical3A_114 = arith.shrui %add3A_113, %shift_right_logical3A : i32
    %add3A_115 = arith.constant 63 : i32
    %add3A_116 = arith.addi %get3A_111, %add3A_115 : i32
    %shift_right_logical3A_117 = arith.constant 6 : i32
    %shift_right_logical3A_118 = arith.shrui %add3A_116, %shift_right_logical3A_117 : i32
    %shift_left3A = arith.constant 6 : i32
    %shift_left3A_119 = arith.shli %shift_right_logical3A_118, %shift_left3A : i32
    %barrier3A = arith.constant 0 : index
    tpu.barrier barrier_id(%barrier3A)
    %sc_fetch_and_add3A = arith.constant 6 : i32
    %sc_fetch_and_add3A_120 = arith.constant 0 : i32
    %sc_fetch_and_add3A_121 = tpu.fetch_and_add_sync %arg14[%sc_fetch_and_add3A], %shift_left3A_119, %sc_fetch_and_add3A_120 : memref<64xi32, #tpu.memory_space<smem>>, i32 -> i32
    %mul3A_122 = arith.constant 17408 : i32
    %mul3A_123 = arith.muli %arg0, %mul3A_122 : i32
    %add3A_124 = arith.addi %mul3A_123, %sc_fetch_and_add3A_121 : i32
    %swap3A_125 = arith.constant 5 : i32
    %swap3A_126 = arith.index_cast %swap3A_125 : i32 to index
    %swap3A_127 = memref.load %arg14[%swap3A_126] : memref<64xi32, #tpu.memory_space<smem>>
    memref.store %add3A_124, %arg14[%swap3A_126] : memref<64xi32, #tpu.memory_space<smem>>
    %swap3A_128 = arith.constant 0 : i32
    %swap3A_129 = arith.constant 40 : i32
    %swap3A_130 = arith.index_cast %swap3A_129 : i32 to index
    %swap3A_131 = memref.load %arg14[%swap3A_130] : memref<64xi32, #tpu.memory_space<smem>>
    memref.store %swap3A_128, %arg14[%swap3A_130] : memref<64xi32, #tpu.memory_space<smem>>
    %swap3A_132 = arith.constant 0 : i32
    %swap3A_133 = arith.constant 41 : i32
    %swap3A_134 = arith.index_cast %swap3A_133 : i32 to index
    %swap3A_135 = memref.load %arg14[%swap3A_134] : memref<64xi32, #tpu.memory_space<smem>>
    memref.store %swap3A_132, %arg14[%swap3A_134] : memref<64xi32, #tpu.memory_space<smem>>
    %swap3A_136 = arith.constant 0 : i32
    %swap3A_137 = arith.constant 42 : i32
    %swap3A_138 = arith.index_cast %swap3A_137 : i32 to index
    %swap3A_139 = memref.load %arg14[%swap3A_138] : memref<64xi32, #tpu.memory_space<smem>>
    memref.store %swap3A_136, %arg14[%swap3A_138] : memref<64xi32, #tpu.memory_space<smem>>
    %swap3A_140 = arith.constant 0 : i32
    %swap3A_141 = arith.constant 43 : i32
    %swap3A_142 = arith.index_cast %swap3A_141 : i32 to index
    %swap3A_143 = memref.load %arg14[%swap3A_142] : memref<64xi32, #tpu.memory_space<smem>>
    memref.store %swap3A_140, %arg14[%swap3A_142] : memref<64xi32, #tpu.memory_space<smem>>
    %swap3A_144 = arith.constant 0 : i32
    %swap3A_145 = arith.constant 44 : i32
    %swap3A_146 = arith.index_cast %swap3A_145 : i32 to index
    %swap3A_147 = memref.load %arg14[%swap3A_146] : memref<64xi32, #tpu.memory_space<smem>>
    memref.store %swap3A_144, %arg14[%swap3A_146] : memref<64xi32, #tpu.memory_space<smem>>
    %swap3A_148 = arith.constant 0 : i32
    %swap3A_149 = arith.constant 45 : i32
    %swap3A_150 = arith.index_cast %swap3A_149 : i32 to index
    %swap3A_151 = memref.load %arg14[%swap3A_150] : memref<64xi32, #tpu.memory_space<smem>>
    memref.store %swap3A_148, %arg14[%swap3A_150] : memref<64xi32, #tpu.memory_space<smem>>
    %swap3A_152 = arith.constant 0 : i32
    %swap3A_153 = arith.constant 46 : i32
    %swap3A_154 = arith.index_cast %swap3A_153 : i32 to index
    %swap3A_155 = memref.load %arg14[%swap3A_154] : memref<64xi32, #tpu.memory_space<smem>>
    memref.store %swap3A_152, %arg14[%swap3A_154] : memref<64xi32, #tpu.memory_space<smem>>
    %swap3A_156 = arith.constant 0 : i32
    %swap3A_157 = arith.constant 47 : i32
    %swap3A_158 = arith.index_cast %swap3A_157 : i32 to index
    %swap3A_159 = memref.load %arg14[%swap3A_158] : memref<64xi32, #tpu.memory_space<smem>>
    memref.store %swap3A_156, %arg14[%swap3A_158] : memref<64xi32, #tpu.memory_space<smem>>
    %swap3A_160 = arith.constant 0 : i32
    %swap3A_161 = arith.constant 48 : i32
    %swap3A_162 = arith.index_cast %swap3A_161 : i32 to index
    %swap3A_163 = memref.load %arg14[%swap3A_162] : memref<64xi32, #tpu.memory_space<smem>>
    memref.store %swap3A_160, %arg14[%swap3A_162] : memref<64xi32, #tpu.memory_space<smem>>
    %swap3A_164 = arith.constant 0 : i32
    %swap3A_165 = arith.constant 49 : i32
    %swap3A_166 = arith.index_cast %swap3A_165 : i32 to index
    %swap3A_167 = memref.load %arg14[%swap3A_166] : memref<64xi32, #tpu.memory_space<smem>>
    memref.store %swap3A_164, %arg14[%swap3A_166] : memref<64xi32, #tpu.memory_space<smem>>
    %swap3A_168 = arith.constant 0 : i32
    %swap3A_169 = arith.constant 50 : i32
    %swap3A_170 = arith.index_cast %swap3A_169 : i32 to index
    %swap3A_171 = memref.load %arg14[%swap3A_170] : memref<64xi32, #tpu.memory_space<smem>>
    memref.store %swap3A_168, %arg14[%swap3A_170] : memref<64xi32, #tpu.memory_space<smem>>
    %swap3A_172 = arith.constant 0 : i32
    %swap3A_173 = arith.constant 51 : i32
    %swap3A_174 = arith.index_cast %swap3A_173 : i32 to index
    %swap3A_175 = memref.load %arg14[%swap3A_174] : memref<64xi32, #tpu.memory_space<smem>>
    memref.store %swap3A_172, %arg14[%swap3A_174] : memref<64xi32, #tpu.memory_space<smem>>
    %swap3A_176 = arith.constant 0 : i32
    %swap3A_177 = arith.constant 52 : i32
    %swap3A_178 = arith.index_cast %swap3A_177 : i32 to index
    %swap3A_179 = memref.load %arg14[%swap3A_178] : memref<64xi32, #tpu.memory_space<smem>>
    memref.store %swap3A_176, %arg14[%swap3A_178] : memref<64xi32, #tpu.memory_space<smem>>
    %swap3A_180 = arith.constant 0 : i32
    %swap3A_181 = arith.constant 53 : i32
    %swap3A_182 = arith.index_cast %swap3A_181 : i32 to index
    %swap3A_183 = memref.load %arg14[%swap3A_182] : memref<64xi32, #tpu.memory_space<smem>>
    memref.store %swap3A_180, %arg14[%swap3A_182] : memref<64xi32, #tpu.memory_space<smem>>
    %swap3A_184 = arith.constant 0 : i32
    %swap3A_185 = arith.constant 54 : i32
    %swap3A_186 = arith.index_cast %swap3A_185 : i32 to index
    %swap3A_187 = memref.load %arg14[%swap3A_186] : memref<64xi32, #tpu.memory_space<smem>>
    memref.store %swap3A_184, %arg14[%swap3A_186] : memref<64xi32, #tpu.memory_space<smem>>
    %swap3A_188 = arith.constant 0 : i32
    %swap3A_189 = arith.constant 55 : i32
    %swap3A_190 = arith.index_cast %swap3A_189 : i32 to index
    %swap3A_191 = memref.load %arg14[%swap3A_190] : memref<64xi32, #tpu.memory_space<smem>>
    memref.store %swap3A_188, %arg14[%swap3A_190] : memref<64xi32, #tpu.memory_space<smem>>
    %while3A = arith.constant 0 : i32
    %while3A_192 = arith.constant 0 : i32
    %while3A_193 = arith.subi %shift_right_logical3A_114, %while3A_192 : i32
    %while3A_194 = arith.addi %while3A_192, %while3A_193 : i32
    %while3A_195 = arith.constant 1 : i32
    %while3A_196 = arith.divsi %while3A_193, %while3A_195 : i32
    %while3A_197 = arith.muli %while3A_196, %while3A_195 : i32
    %while3A_198 = arith.addi %while3A_192, %while3A_197 : i32
    %while3A_199 = arith.constant 1 : i32
    scf.for %while3A_668 = %while3A_192 to %while3A_198 step %while3A_199  : i32 {
      %mul3A_669 = arith.constant 16 : i32
      %mul3A_670 = arith.muli %mul3A_669, %while3A_668 : i32
      %get3A_671 = arith.index_cast %mul3A_670 : i32 to index
      %get3A_672 = tpu.vector_load %arg7[%get3A_671] {strides = array<i32>} : memref<16640xi32, #tpu.memory_space<vmem>>, vector<16xi32>,
      %mul3A_673 = arith.constant 16 : i32
      %mul3A_674 = arith.muli %mul3A_673, %while3A_668 : i32
      %add3A_675 = vector.broadcast %mul3A_674 : i32 to vector<16xi32>
      %add3A_676 = arith.addi %add3A_675, %iota3A : vector<16xi32>
      %lt3A = vector.broadcast %get3A_111 : i32 to vector<16xi32>
      %lt3A_677 = arith.cmpi slt, %add3A_676, %lt3A : vector<16xi32>
      %sub3A_678 = vector.broadcast %mul3A_6 : i32 to vector<16xi32>
      %sub3A_679 = arith.subi %get3A_672, %sub3A_678 : vector<16xi32>
      %shift_right_logical3A_680 = arith.constant 11 : i32
      %shift_right_logical3A_681 = vector.broadcast %shift_right_logical3A_680 : i32 to vector<16xi32>
      %shift_right_logical3A_682 = arith.shrui %sub3A_679, %shift_right_logical3A_681 : vector<16xi32>
      %eq3A = arith.constant 0 : i32
      %eq3A_683 = vector.broadcast %eq3A : i32 to vector<16xi32>
      %eq3A_684 = arith.cmpi eq, %shift_right_logical3A_682, %eq3A_683 : vector<16xi32>
      %and3A_685 = arith.andi %lt3A_677, %eq3A_684 : vector<16xi1>
      %all_reduce_population_count3A = tpu.all_reduce %and3A_685 {dim = 0 : i64, kind = #tpu.reduction_kind<sum>} : vector<16xi1> -> vector<16xi32>
      %get3A_686 = arith.constant 40 : i32
      %get3A_687 = arith.index_cast %get3A_686 : i32 to index
      %get3A_688 = memref.load %arg14[%get3A_687] : memref<64xi32, #tpu.memory_space<smem>>
      %reduce_max3A = arith.constant true
      %reduce_max3A_689 = vector.broadcast %reduce_max3A : i1 to vector<16xi1>
      %reduce_max3A_690 = arith.constant -2147483648 : i32
      %reduce_max3A_691 = vector.broadcast %reduce_max3A_690 : i32 to vector<16xi32>
      %reduce_max3A_692 = arith.xori %all_reduce_population_count3A, %reduce_max3A_691 : vector<16xi32>
      %reduce_max3A_693 = tpu.scan <max>, %reduce_max3A_692 masked %reduce_max3A_689 : vector<16xi32>, vector<16xi1> -> vector<16xi32>
      %reduce_max3A_694 = arith.xori %reduce_max3A_693, %reduce_max3A_691 : vector<16xi32>
      %reduce_max3A_695 = vector.extract %reduce_max3A_694[15] : i32 from vector<16xi32>
      %add3A_696 = arith.addi %get3A_688, %reduce_max3A_695 : i32
      %swap3A_697 = arith.constant 40 : i32
      %swap3A_698 = arith.index_cast %swap3A_697 : i32 to index
      %swap3A_699 = memref.load %arg14[%swap3A_698] : memref<64xi32, #tpu.memory_space<smem>>
      memref.store %add3A_696, %arg14[%swap3A_698] : memref<64xi32, #tpu.memory_space<smem>>
      %eq3A_700 = arith.constant 1 : i32
      %eq3A_701 = vector.broadcast %eq3A_700 : i32 to vector<16xi32>
      %eq3A_702 = arith.cmpi eq, %shift_right_logical3A_682, %eq3A_701 : vector<16xi32>
      %and3A_703 = arith.andi %lt3A_677, %eq3A_702 : vector<16xi1>
      %all_reduce_population_count3A_704 = tpu.all_reduce %and3A_703 {dim = 0 : i64, kind = #tpu.reduction_kind<sum>} : vector<16xi1> -> vector<16xi32>
      %get3A_705 = arith.constant 41 : i32
      %get3A_706 = arith.index_cast %get3A_705 : i32 to index
      %get3A_707 = memref.load %arg14[%get3A_706] : memref<64xi32, #tpu.memory_space<smem>>
      %reduce_max3A_708 = arith.constant true
      %reduce_max3A_709 = vector.broadcast %reduce_max3A_708 : i1 to vector<16xi1>
      %reduce_max3A_710 = arith.constant -2147483648 : i32
      %reduce_max3A_711 = vector.broadcast %reduce_max3A_710 : i32 to vector<16xi32>
      %reduce_max3A_712 = arith.xori %all_reduce_population_count3A_704, %reduce_max3A_711 : vector<16xi32>
      %reduce_max3A_713 = tpu.scan <max>, %reduce_max3A_712 masked %reduce_max3A_709 : vector<16xi32>, vector<16xi1> -> vector<16xi32>
      %reduce_max3A_714 = arith.xori %reduce_max3A_713, %reduce_max3A_711 : vector<16xi32>
      %reduce_max3A_715 = vector.extract %reduce_max3A_714[15] : i32 from vector<16xi32>
      %add3A_716 = arith.addi %get3A_707, %reduce_max3A_715 : i32
      %swap3A_717 = arith.constant 41 : i32
      %swap3A_718 = arith.index_cast %swap3A_717 : i32 to index
      %swap3A_719 = memref.load %arg14[%swap3A_718] : memref<64xi32, #tpu.memory_space<smem>>
      memref.store %add3A_716, %arg14[%swap3A_718] : memref<64xi32, #tpu.memory_space<smem>>
      %eq3A_720 = arith.constant 2 : i32
      %eq3A_721 = vector.broadcast %eq3A_720 : i32 to vector<16xi32>
      %eq3A_722 = arith.cmpi eq, %shift_right_logical3A_682, %eq3A_721 : vector<16xi32>
      %and3A_723 = arith.andi %lt3A_677, %eq3A_722 : vector<16xi1>
      %all_reduce_population_count3A_724 = tpu.all_reduce %and3A_723 {dim = 0 : i64, kind = #tpu.reduction_kind<sum>} : vector<16xi1> -> vector<16xi32>
      %get3A_725 = arith.constant 42 : i32
      %get3A_726 = arith.index_cast %get3A_725 : i32 to index
      %get3A_727 = memref.load %arg14[%get3A_726] : memref<64xi32, #tpu.memory_space<smem>>
      %reduce_max3A_728 = arith.constant true
      %reduce_max3A_729 = vector.broadcast %reduce_max3A_728 : i1 to vector<16xi1>
      %reduce_max3A_730 = arith.constant -2147483648 : i32
      %reduce_max3A_731 = vector.broadcast %reduce_max3A_730 : i32 to vector<16xi32>
      %reduce_max3A_732 = arith.xori %all_reduce_population_count3A_724, %reduce_max3A_731 : vector<16xi32>
      %reduce_max3A_733 = tpu.scan <max>, %reduce_max3A_732 masked %reduce_max3A_729 : vector<16xi32>, vector<16xi1> -> vector<16xi32>
      %reduce_max3A_734 = arith.xori %reduce_max3A_733, %reduce_max3A_731 : vector<16xi32>
      %reduce_max3A_735 = vector.extract %reduce_max3A_734[15] : i32 from vector<16xi32>
      %add3A_736 = arith.addi %get3A_727, %reduce_max3A_735 : i32
      %swap3A_737 = arith.constant 42 : i32
      %swap3A_738 = arith.index_cast %swap3A_737 : i32 to index
      %swap3A_739 = memref.load %arg14[%swap3A_738] : memref<64xi32, #tpu.memory_space<smem>>
      memref.store %add3A_736, %arg14[%swap3A_738] : memref<64xi32, #tpu.memory_space<smem>>
      %eq3A_740 = arith.constant 3 : i32
      %eq3A_741 = vector.broadcast %eq3A_740 : i32 to vector<16xi32>
      %eq3A_742 = arith.cmpi eq, %shift_right_logical3A_682, %eq3A_741 : vector<16xi32>
      %and3A_743 = arith.andi %lt3A_677, %eq3A_742 : vector<16xi1>
      %all_reduce_population_count3A_744 = tpu.all_reduce %and3A_743 {dim = 0 : i64, kind = #tpu.reduction_kind<sum>} : vector<16xi1> -> vector<16xi32>
      %get3A_745 = arith.constant 43 : i32
      %get3A_746 = arith.index_cast %get3A_745 : i32 to index
      %get3A_747 = memref.load %arg14[%get3A_746] : memref<64xi32, #tpu.memory_space<smem>>
      %reduce_max3A_748 = arith.constant true
      %reduce_max3A_749 = vector.broadcast %reduce_max3A_748 : i1 to vector<16xi1>
      %reduce_max3A_750 = arith.constant -2147483648 : i32
      %reduce_max3A_751 = vector.broadcast %reduce_max3A_750 : i32 to vector<16xi32>
      %reduce_max3A_752 = arith.xori %all_reduce_population_count3A_744, %reduce_max3A_751 : vector<16xi32>
      %reduce_max3A_753 = tpu.scan <max>, %reduce_max3A_752 masked %reduce_max3A_749 : vector<16xi32>, vector<16xi1> -> vector<16xi32>
      %reduce_max3A_754 = arith.xori %reduce_max3A_753, %reduce_max3A_751 : vector<16xi32>
      %reduce_max3A_755 = vector.extract %reduce_max3A_754[15] : i32 from vector<16xi32>
      %add3A_756 = arith.addi %get3A_747, %reduce_max3A_755 : i32
      %swap3A_757 = arith.constant 43 : i32
      %swap3A_758 = arith.index_cast %swap3A_757 : i32 to index
      %swap3A_759 = memref.load %arg14[%swap3A_758] : memref<64xi32, #tpu.memory_space<smem>>
      memref.store %add3A_756, %arg14[%swap3A_758] : memref<64xi32, #tpu.memory_space<smem>>
      %eq3A_760 = arith.constant 4 : i32
      %eq3A_761 = vector.broadcast %eq3A_760 : i32 to vector<16xi32>
      %eq3A_762 = arith.cmpi eq, %shift_right_logical3A_682, %eq3A_761 : vector<16xi32>
      %and3A_763 = arith.andi %lt3A_677, %eq3A_762 : vector<16xi1>
      %all_reduce_population_count3A_764 = tpu.all_reduce %and3A_763 {dim = 0 : i64, kind = #tpu.reduction_kind<sum>} : vector<16xi1> -> vector<16xi32>
      %get3A_765 = arith.constant 44 : i32
      %get3A_766 = arith.index_cast %get3A_765 : i32 to index
      %get3A_767 = memref.load %arg14[%get3A_766] : memref<64xi32, #tpu.memory_space<smem>>
      %reduce_max3A_768 = arith.constant true
      %reduce_max3A_769 = vector.broadcast %reduce_max3A_768 : i1 to vector<16xi1>
      %reduce_max3A_770 = arith.constant -2147483648 : i32
      %reduce_max3A_771 = vector.broadcast %reduce_max3A_770 : i32 to vector<16xi32>
      %reduce_max3A_772 = arith.xori %all_reduce_population_count3A_764, %reduce_max3A_771 : vector<16xi32>
      %reduce_max3A_773 = tpu.scan <max>, %reduce_max3A_772 masked %reduce_max3A_769 : vector<16xi32>, vector<16xi1> -> vector<16xi32>
      %reduce_max3A_774 = arith.xori %reduce_max3A_773, %reduce_max3A_771 : vector<16xi32>
      %reduce_max3A_775 = vector.extract %reduce_max3A_774[15] : i32 from vector<16xi32>
      %add3A_776 = arith.addi %get3A_767, %reduce_max3A_775 : i32
      %swap3A_777 = arith.constant 44 : i32
      %swap3A_778 = arith.index_cast %swap3A_777 : i32 to index
      %swap3A_779 = memref.load %arg14[%swap3A_778] : memref<64xi32, #tpu.memory_space<smem>>
      memref.store %add3A_776, %arg14[%swap3A_778] : memref<64xi32, #tpu.memory_space<smem>>
      %eq3A_780 = arith.constant 5 : i32
      %eq3A_781 = vector.broadcast %eq3A_780 : i32 to vector<16xi32>
      %eq3A_782 = arith.cmpi eq, %shift_right_logical3A_682, %eq3A_781 : vector<16xi32>
      %and3A_783 = arith.andi %lt3A_677, %eq3A_782 : vector<16xi1>
      %all_reduce_population_count3A_784 = tpu.all_reduce %and3A_783 {dim = 0 : i64, kind = #tpu.reduction_kind<sum>} : vector<16xi1> -> vector<16xi32>
      %get3A_785 = arith.constant 45 : i32
      %get3A_786 = arith.index_cast %get3A_785 : i32 to index
      %get3A_787 = memref.load %arg14[%get3A_786] : memref<64xi32, #tpu.memory_space<smem>>
      %reduce_max3A_788 = arith.constant true
      %reduce_max3A_789 = vector.broadcast %reduce_max3A_788 : i1 to vector<16xi1>
      %reduce_max3A_790 = arith.constant -2147483648 : i32
      %reduce_max3A_791 = vector.broadcast %reduce_max3A_790 : i32 to vector<16xi32>
      %reduce_max3A_792 = arith.xori %all_reduce_population_count3A_784, %reduce_max3A_791 : vector<16xi32>
      %reduce_max3A_793 = tpu.scan <max>, %reduce_max3A_792 masked %reduce_max3A_789 : vector<16xi32>, vector<16xi1> -> vector<16xi32>
      %reduce_max3A_794 = arith.xori %reduce_max3A_793, %reduce_max3A_791 : vector<16xi32>
      %reduce_max3A_795 = vector.extract %reduce_max3A_794[15] : i32 from vector<16xi32>
      %add3A_796 = arith.addi %get3A_787, %reduce_max3A_795 : i32
      %swap3A_797 = arith.constant 45 : i32
      %swap3A_798 = arith.index_cast %swap3A_797 : i32 to index
      %swap3A_799 = memref.load %arg14[%swap3A_798] : memref<64xi32, #tpu.memory_space<smem>>
      memref.store %add3A_796, %arg14[%swap3A_798] : memref<64xi32, #tpu.memory_space<smem>>
      %eq3A_800 = arith.constant 6 : i32
      %eq3A_801 = vector.broadcast %eq3A_800 : i32 to vector<16xi32>
      %eq3A_802 = arith.cmpi eq, %shift_right_logical3A_682, %eq3A_801 : vector<16xi32>
      %and3A_803 = arith.andi %lt3A_677, %eq3A_802 : vector<16xi1>
      %all_reduce_population_count3A_804 = tpu.all_reduce %and3A_803 {dim = 0 : i64, kind = #tpu.reduction_kind<sum>} : vector<16xi1> -> vector<16xi32>
      %get3A_805 = arith.constant 46 : i32
      %get3A_806 = arith.index_cast %get3A_805 : i32 to index
      %get3A_807 = memref.load %arg14[%get3A_806] : memref<64xi32, #tpu.memory_space<smem>>
      %reduce_max3A_808 = arith.constant true
      %reduce_max3A_809 = vector.broadcast %reduce_max3A_808 : i1 to vector<16xi1>
      %reduce_max3A_810 = arith.constant -2147483648 : i32
      %reduce_max3A_811 = vector.broadcast %reduce_max3A_810 : i32 to vector<16xi32>
      %reduce_max3A_812 = arith.xori %all_reduce_population_count3A_804, %reduce_max3A_811 : vector<16xi32>
      %reduce_max3A_813 = tpu.scan <max>, %reduce_max3A_812 masked %reduce_max3A_809 : vector<16xi32>, vector<16xi1> -> vector<16xi32>
      %reduce_max3A_814 = arith.xori %reduce_max3A_813, %reduce_max3A_811 : vector<16xi32>
      %reduce_max3A_815 = vector.extract %reduce_max3A_814[15] : i32 from vector<16xi32>
      %add3A_816 = arith.addi %get3A_807, %reduce_max3A_815 : i32
      %swap3A_817 = arith.constant 46 : i32
      %swap3A_818 = arith.index_cast %swap3A_817 : i32 to index
      %swap3A_819 = memref.load %arg14[%swap3A_818] : memref<64xi32, #tpu.memory_space<smem>>
      memref.store %add3A_816, %arg14[%swap3A_818] : memref<64xi32, #tpu.memory_space<smem>>
      %eq3A_820 = arith.constant 7 : i32
      %eq3A_821 = vector.broadcast %eq3A_820 : i32 to vector<16xi32>
      %eq3A_822 = arith.cmpi eq, %shift_right_logical3A_682, %eq3A_821 : vector<16xi32>
      %and3A_823 = arith.andi %lt3A_677, %eq3A_822 : vector<16xi1>
      %all_reduce_population_count3A_824 = tpu.all_reduce %and3A_823 {dim = 0 : i64, kind = #tpu.reduction_kind<sum>} : vector<16xi1> -> vector<16xi32>
      %get3A_825 = arith.constant 47 : i32
      %get3A_826 = arith.index_cast %get3A_825 : i32 to index
      %get3A_827 = memref.load %arg14[%get3A_826] : memref<64xi32, #tpu.memory_space<smem>>
      %reduce_max3A_828 = arith.constant true
      %reduce_max3A_829 = vector.broadcast %reduce_max3A_828 : i1 to vector<16xi1>
      %reduce_max3A_830 = arith.constant -2147483648 : i32
      %reduce_max3A_831 = vector.broadcast %reduce_max3A_830 : i32 to vector<16xi32>
      %reduce_max3A_832 = arith.xori %all_reduce_population_count3A_824, %reduce_max3A_831 : vector<16xi32>
      %reduce_max3A_833 = tpu.scan <max>, %reduce_max3A_832 masked %reduce_max3A_829 : vector<16xi32>, vector<16xi1> -> vector<16xi32>
      %reduce_max3A_834 = arith.xori %reduce_max3A_833, %reduce_max3A_831 : vector<16xi32>
      %reduce_max3A_835 = vector.extract %reduce_max3A_834[15] : i32 from vector<16xi32>
      %add3A_836 = arith.addi %get3A_827, %reduce_max3A_835 : i32
      %swap3A_837 = arith.constant 47 : i32
      %swap3A_838 = arith.index_cast %swap3A_837 : i32 to index
      %swap3A_839 = memref.load %arg14[%swap3A_838] : memref<64xi32, #tpu.memory_space<smem>>
      memref.store %add3A_836, %arg14[%swap3A_838] : memref<64xi32, #tpu.memory_space<smem>>
      %eq3A_840 = arith.constant 8 : i32
      %eq3A_841 = vector.broadcast %eq3A_840 : i32 to vector<16xi32>
      %eq3A_842 = arith.cmpi eq, %shift_right_logical3A_682, %eq3A_841 : vector<16xi32>
      %and3A_843 = arith.andi %lt3A_677, %eq3A_842 : vector<16xi1>
      %all_reduce_population_count3A_844 = tpu.all_reduce %and3A_843 {dim = 0 : i64, kind = #tpu.reduction_kind<sum>} : vector<16xi1> -> vector<16xi32>
      %get3A_845 = arith.constant 48 : i32
      %get3A_846 = arith.index_cast %get3A_845 : i32 to index
      %get3A_847 = memref.load %arg14[%get3A_846] : memref<64xi32, #tpu.memory_space<smem>>
      %reduce_max3A_848 = arith.constant true
      %reduce_max3A_849 = vector.broadcast %reduce_max3A_848 : i1 to vector<16xi1>
      %reduce_max3A_850 = arith.constant -2147483648 : i32
      %reduce_max3A_851 = vector.broadcast %reduce_max3A_850 : i32 to vector<16xi32>
      %reduce_max3A_852 = arith.xori %all_reduce_population_count3A_844, %reduce_max3A_851 : vector<16xi32>
      %reduce_max3A_853 = tpu.scan <max>, %reduce_max3A_852 masked %reduce_max3A_849 : vector<16xi32>, vector<16xi1> -> vector<16xi32>
      %reduce_max3A_854 = arith.xori %reduce_max3A_853, %reduce_max3A_851 : vector<16xi32>
      %reduce_max3A_855 = vector.extract %reduce_max3A_854[15] : i32 from vector<16xi32>
      %add3A_856 = arith.addi %get3A_847, %reduce_max3A_855 : i32
      %swap3A_857 = arith.constant 48 : i32
      %swap3A_858 = arith.index_cast %swap3A_857 : i32 to index
      %swap3A_859 = memref.load %arg14[%swap3A_858] : memref<64xi32, #tpu.memory_space<smem>>
      memref.store %add3A_856, %arg14[%swap3A_858] : memref<64xi32, #tpu.memory_space<smem>>
      %eq3A_860 = arith.constant 9 : i32
      %eq3A_861 = vector.broadcast %eq3A_860 : i32 to vector<16xi32>
      %eq3A_862 = arith.cmpi eq, %shift_right_logical3A_682, %eq3A_861 : vector<16xi32>
      %and3A_863 = arith.andi %lt3A_677, %eq3A_862 : vector<16xi1>
      %all_reduce_population_count3A_864 = tpu.all_reduce %and3A_863 {dim = 0 : i64, kind = #tpu.reduction_kind<sum>} : vector<16xi1> -> vector<16xi32>
      %get3A_865 = arith.constant 49 : i32
      %get3A_866 = arith.index_cast %get3A_865 : i32 to index
      %get3A_867 = memref.load %arg14[%get3A_866] : memref<64xi32, #tpu.memory_space<smem>>
      %reduce_max3A_868 = arith.constant true
      %reduce_max3A_869 = vector.broadcast %reduce_max3A_868 : i1 to vector<16xi1>
      %reduce_max3A_870 = arith.constant -2147483648 : i32
      %reduce_max3A_871 = vector.broadcast %reduce_max3A_870 : i32 to vector<16xi32>
      %reduce_max3A_872 = arith.xori %all_reduce_population_count3A_864, %reduce_max3A_871 : vector<16xi32>
      %reduce_max3A_873 = tpu.scan <max>, %reduce_max3A_872 masked %reduce_max3A_869 : vector<16xi32>, vector<16xi1> -> vector<16xi32>
      %reduce_max3A_874 = arith.xori %reduce_max3A_873, %reduce_max3A_871 : vector<16xi32>
      %reduce_max3A_875 = vector.extract %reduce_max3A_874[15] : i32 from vector<16xi32>
      %add3A_876 = arith.addi %get3A_867, %reduce_max3A_875 : i32
      %swap3A_877 = arith.constant 49 : i32
      %swap3A_878 = arith.index_cast %swap3A_877 : i32 to index
      %swap3A_879 = memref.load %arg14[%swap3A_878] : memref<64xi32, #tpu.memory_space<smem>>
      memref.store %add3A_876, %arg14[%swap3A_878] : memref<64xi32, #tpu.memory_space<smem>>
      %eq3A_880 = arith.constant 10 : i32
      %eq3A_881 = vector.broadcast %eq3A_880 : i32 to vector<16xi32>
      %eq3A_882 = arith.cmpi eq, %shift_right_logical3A_682, %eq3A_881 : vector<16xi32>
      %and3A_883 = arith.andi %lt3A_677, %eq3A_882 : vector<16xi1>
      %all_reduce_population_count3A_884 = tpu.all_reduce %and3A_883 {dim = 0 : i64, kind = #tpu.reduction_kind<sum>} : vector<16xi1> -> vector<16xi32>
      %get3A_885 = arith.constant 50 : i32
      %get3A_886 = arith.index_cast %get3A_885 : i32 to index
      %get3A_887 = memref.load %arg14[%get3A_886] : memref<64xi32, #tpu.memory_space<smem>>
      %reduce_max3A_888 = arith.constant true
      %reduce_max3A_889 = vector.broadcast %reduce_max3A_888 : i1 to vector<16xi1>
      %reduce_max3A_890 = arith.constant -2147483648 : i32
      %reduce_max3A_891 = vector.broadcast %reduce_max3A_890 : i32 to vector<16xi32>
      %reduce_max3A_892 = arith.xori %all_reduce_population_count3A_884, %reduce_max3A_891 : vector<16xi32>
      %reduce_max3A_893 = tpu.scan <max>, %reduce_max3A_892 masked %reduce_max3A_889 : vector<16xi32>, vector<16xi1> -> vector<16xi32>
      %reduce_max3A_894 = arith.xori %reduce_max3A_893, %reduce_max3A_891 : vector<16xi32>
      %reduce_max3A_895 = vector.extract %reduce_max3A_894[15] : i32 from vector<16xi32>
      %add3A_896 = arith.addi %get3A_887, %reduce_max3A_895 : i32
      %swap3A_897 = arith.constant 50 : i32
      %swap3A_898 = arith.index_cast %swap3A_897 : i32 to index
      %swap3A_899 = memref.load %arg14[%swap3A_898] : memref<64xi32, #tpu.memory_space<smem>>
      memref.store %add3A_896, %arg14[%swap3A_898] : memref<64xi32, #tpu.memory_space<smem>>
      %eq3A_900 = arith.constant 11 : i32
      %eq3A_901 = vector.broadcast %eq3A_900 : i32 to vector<16xi32>
      %eq3A_902 = arith.cmpi eq, %shift_right_logical3A_682, %eq3A_901 : vector<16xi32>
      %and3A_903 = arith.andi %lt3A_677, %eq3A_902 : vector<16xi1>
      %all_reduce_population_count3A_904 = tpu.all_reduce %and3A_903 {dim = 0 : i64, kind = #tpu.reduction_kind<sum>} : vector<16xi1> -> vector<16xi32>
      %get3A_905 = arith.constant 51 : i32
      %get3A_906 = arith.index_cast %get3A_905 : i32 to index
      %get3A_907 = memref.load %arg14[%get3A_906] : memref<64xi32, #tpu.memory_space<smem>>
      %reduce_max3A_908 = arith.constant true
      %reduce_max3A_909 = vector.broadcast %reduce_max3A_908 : i1 to vector<16xi1>
      %reduce_max3A_910 = arith.constant -2147483648 : i32
      %reduce_max3A_911 = vector.broadcast %reduce_max3A_910 : i32 to vector<16xi32>
      %reduce_max3A_912 = arith.xori %all_reduce_population_count3A_904, %reduce_max3A_911 : vector<16xi32>
      %reduce_max3A_913 = tpu.scan <max>, %reduce_max3A_912 masked %reduce_max3A_909 : vector<16xi32>, vector<16xi1> -> vector<16xi32>
      %reduce_max3A_914 = arith.xori %reduce_max3A_913, %reduce_max3A_911 : vector<16xi32>
      %reduce_max3A_915 = vector.extract %reduce_max3A_914[15] : i32 from vector<16xi32>
      %add3A_916 = arith.addi %get3A_907, %reduce_max3A_915 : i32
      %swap3A_917 = arith.constant 51 : i32
      %swap3A_918 = arith.index_cast %swap3A_917 : i32 to index
      %swap3A_919 = memref.load %arg14[%swap3A_918] : memref<64xi32, #tpu.memory_space<smem>>
      memref.store %add3A_916, %arg14[%swap3A_918] : memref<64xi32, #tpu.memory_space<smem>>
      %eq3A_920 = arith.constant 12 : i32
      %eq3A_921 = vector.broadcast %eq3A_920 : i32 to vector<16xi32>
      %eq3A_922 = arith.cmpi eq, %shift_right_logical3A_682, %eq3A_921 : vector<16xi32>
      %and3A_923 = arith.andi %lt3A_677, %eq3A_922 : vector<16xi1>
      %all_reduce_population_count3A_924 = tpu.all_reduce %and3A_923 {dim = 0 : i64, kind = #tpu.reduction_kind<sum>} : vector<16xi1> -> vector<16xi32>
      %get3A_925 = arith.constant 52 : i32
      %get3A_926 = arith.index_cast %get3A_925 : i32 to index
      %get3A_927 = memref.load %arg14[%get3A_926] : memref<64xi32, #tpu.memory_space<smem>>
      %reduce_max3A_928 = arith.constant true
      %reduce_max3A_929 = vector.broadcast %reduce_max3A_928 : i1 to vector<16xi1>
      %reduce_max3A_930 = arith.constant -2147483648 : i32
      %reduce_max3A_931 = vector.broadcast %reduce_max3A_930 : i32 to vector<16xi32>
      %reduce_max3A_932 = arith.xori %all_reduce_population_count3A_924, %reduce_max3A_931 : vector<16xi32>
      %reduce_max3A_933 = tpu.scan <max>, %reduce_max3A_932 masked %reduce_max3A_929 : vector<16xi32>, vector<16xi1> -> vector<16xi32>
      %reduce_max3A_934 = arith.xori %reduce_max3A_933, %reduce_max3A_931 : vector<16xi32>
      %reduce_max3A_935 = vector.extract %reduce_max3A_934[15] : i32 from vector<16xi32>
      %add3A_936 = arith.addi %get3A_927, %reduce_max3A_935 : i32
      %swap3A_937 = arith.constant 52 : i32
      %swap3A_938 = arith.index_cast %swap3A_937 : i32 to index
      %swap3A_939 = memref.load %arg14[%swap3A_938] : memref<64xi32, #tpu.memory_space<smem>>
      memref.store %add3A_936, %arg14[%swap3A_938] : memref<64xi32, #tpu.memory_space<smem>>
      %eq3A_940 = arith.constant 13 : i32
      %eq3A_941 = vector.broadcast %eq3A_940 : i32 to vector<16xi32>
      %eq3A_942 = arith.cmpi eq, %shift_right_logical3A_682, %eq3A_941 : vector<16xi32>
      %and3A_943 = arith.andi %lt3A_677, %eq3A_942 : vector<16xi1>
      %all_reduce_population_count3A_944 = tpu.all_reduce %and3A_943 {dim = 0 : i64, kind = #tpu.reduction_kind<sum>} : vector<16xi1> -> vector<16xi32>
      %get3A_945 = arith.constant 53 : i32
      %get3A_946 = arith.index_cast %get3A_945 : i32 to index
      %get3A_947 = memref.load %arg14[%get3A_946] : memref<64xi32, #tpu.memory_space<smem>>
      %reduce_max3A_948 = arith.constant true
      %reduce_max3A_949 = vector.broadcast %reduce_max3A_948 : i1 to vector<16xi1>
      %reduce_max3A_950 = arith.constant -2147483648 : i32
      %reduce_max3A_951 = vector.broadcast %reduce_max3A_950 : i32 to vector<16xi32>
      %reduce_max3A_952 = arith.xori %all_reduce_population_count3A_944, %reduce_max3A_951 : vector<16xi32>
      %reduce_max3A_953 = tpu.scan <max>, %reduce_max3A_952 masked %reduce_max3A_949 : vector<16xi32>, vector<16xi1> -> vector<16xi32>
      %reduce_max3A_954 = arith.xori %reduce_max3A_953, %reduce_max3A_951 : vector<16xi32>
      %reduce_max3A_955 = vector.extract %reduce_max3A_954[15] : i32 from vector<16xi32>
      %add3A_956 = arith.addi %get3A_947, %reduce_max3A_955 : i32
      %swap3A_957 = arith.constant 53 : i32
      %swap3A_958 = arith.index_cast %swap3A_957 : i32 to index
      %swap3A_959 = memref.load %arg14[%swap3A_958] : memref<64xi32, #tpu.memory_space<smem>>
      memref.store %add3A_956, %arg14[%swap3A_958] : memref<64xi32, #tpu.memory_space<smem>>
      %eq3A_960 = arith.constant 14 : i32
      %eq3A_961 = vector.broadcast %eq3A_960 : i32 to vector<16xi32>
      %eq3A_962 = arith.cmpi eq, %shift_right_logical3A_682, %eq3A_961 : vector<16xi32>
      %and3A_963 = arith.andi %lt3A_677, %eq3A_962 : vector<16xi1>
      %all_reduce_population_count3A_964 = tpu.all_reduce %and3A_963 {dim = 0 : i64, kind = #tpu.reduction_kind<sum>} : vector<16xi1> -> vector<16xi32>
      %get3A_965 = arith.constant 54 : i32
      %get3A_966 = arith.index_cast %get3A_965 : i32 to index
      %get3A_967 = memref.load %arg14[%get3A_966] : memref<64xi32, #tpu.memory_space<smem>>
      %reduce_max3A_968 = arith.constant true
      %reduce_max3A_969 = vector.broadcast %reduce_max3A_968 : i1 to vector<16xi1>
      %reduce_max3A_970 = arith.constant -2147483648 : i32
      %reduce_max3A_971 = vector.broadcast %reduce_max3A_970 : i32 to vector<16xi32>
      %reduce_max3A_972 = arith.xori %all_reduce_population_count3A_964, %reduce_max3A_971 : vector<16xi32>
      %reduce_max3A_973 = tpu.scan <max>, %reduce_max3A_972 masked %reduce_max3A_969 : vector<16xi32>, vector<16xi1> -> vector<16xi32>
      %reduce_max3A_974 = arith.xori %reduce_max3A_973, %reduce_max3A_971 : vector<16xi32>
      %reduce_max3A_975 = vector.extract %reduce_max3A_974[15] : i32 from vector<16xi32>
      %add3A_976 = arith.addi %get3A_967, %reduce_max3A_975 : i32
      %swap3A_977 = arith.constant 54 : i32
      %swap3A_978 = arith.index_cast %swap3A_977 : i32 to index
      %swap3A_979 = memref.load %arg14[%swap3A_978] : memref<64xi32, #tpu.memory_space<smem>>
      memref.store %add3A_976, %arg14[%swap3A_978] : memref<64xi32, #tpu.memory_space<smem>>
      %eq3A_980 = arith.constant 15 : i32
      %eq3A_981 = vector.broadcast %eq3A_980 : i32 to vector<16xi32>
      %eq3A_982 = arith.cmpi eq, %shift_right_logical3A_682, %eq3A_981 : vector<16xi32>
      %and3A_983 = arith.andi %lt3A_677, %eq3A_982 : vector<16xi1>
      %all_reduce_population_count3A_984 = tpu.all_reduce %and3A_983 {dim = 0 : i64, kind = #tpu.reduction_kind<sum>} : vector<16xi1> -> vector<16xi32>
      %get3A_985 = arith.constant 55 : i32
      %get3A_986 = arith.index_cast %get3A_985 : i32 to index
      %get3A_987 = memref.load %arg14[%get3A_986] : memref<64xi32, #tpu.memory_space<smem>>
      %reduce_max3A_988 = arith.constant true
      %reduce_max3A_989 = vector.broadcast %reduce_max3A_988 : i1 to vector<16xi1>
      %reduce_max3A_990 = arith.constant -2147483648 : i32
      %reduce_max3A_991 = vector.broadcast %reduce_max3A_990 : i32 to vector<16xi32>
      %reduce_max3A_992 = arith.xori %all_reduce_population_count3A_984, %reduce_max3A_991 : vector<16xi32>
      %reduce_max3A_993 = tpu.scan <max>, %reduce_max3A_992 masked %reduce_max3A_989 : vector<16xi32>, vector<16xi1> -> vector<16xi32>
      %reduce_max3A_994 = arith.xori %reduce_max3A_993, %reduce_max3A_991 : vector<16xi32>
      %reduce_max3A_995 = vector.extract %reduce_max3A_994[15] : i32 from vector<16xi32>
      %add3A_996 = arith.addi %get3A_987, %reduce_max3A_995 : i32
      %swap3A_997 = arith.constant 55 : i32
      %swap3A_998 = arith.index_cast %swap3A_997 : i32 to index
      %swap3A_999 = memref.load %arg14[%swap3A_998] : memref<64xi32, #tpu.memory_space<smem>>
      memref.store %add3A_996, %arg14[%swap3A_998] : memref<64xi32, #tpu.memory_space<smem>>
    }
    %while3A_200 = arith.constant 1 : i32
    scf.for %while3A_668 = %while3A_198 to %while3A_194 step %while3A_200  : i32 {
      %mul3A_669 = arith.constant 16 : i32
      %mul3A_670 = arith.muli %mul3A_669, %while3A_668 : i32
      %get3A_671 = arith.index_cast %mul3A_670 : i32 to index
      %get3A_672 = tpu.vector_load %arg7[%get3A_671] {strides = array<i32>} : memref<16640xi32, #tpu.memory_space<vmem>>, vector<16xi32>,
      %mul3A_673 = arith.constant 16 : i32
      %mul3A_674 = arith.muli %mul3A_673, %while3A_668 : i32
      %add3A_675 = vector.broadcast %mul3A_674 : i32 to vector<16xi32>
      %add3A_676 = arith.addi %add3A_675, %iota3A : vector<16xi32>
      %lt3A = vector.broadcast %get3A_111 : i32 to vector<16xi32>
      %lt3A_677 = arith.cmpi slt, %add3A_676, %lt3A : vector<16xi32>
      %sub3A_678 = vector.broadcast %mul3A_6 : i32 to vector<16xi32>
      %sub3A_679 = arith.subi %get3A_672, %sub3A_678 : vector<16xi32>
      %shift_right_logical3A_680 = arith.constant 11 : i32
      %shift_right_logical3A_681 = vector.broadcast %shift_right_logical3A_680 : i32 to vector<16xi32>
      %shift_right_logical3A_682 = arith.shrui %sub3A_679, %shift_right_logical3A_681 : vector<16xi32>
      %eq3A = arith.constant 0 : i32
      %eq3A_683 = vector.broadcast %eq3A : i32 to vector<16xi32>
      %eq3A_684 = arith.cmpi eq, %shift_right_logical3A_682, %eq3A_683 : vector<16xi32>
      %and3A_685 = arith.andi %lt3A_677, %eq3A_684 : vector<16xi1>
      %all_reduce_population_count3A = tpu.all_reduce %and3A_685 {dim = 0 : i64, kind = #tpu.reduction_kind<sum>} : vector<16xi1> -> vector<16xi32>
      %get3A_686 = arith.constant 40 : i32
      %get3A_687 = arith.index_cast %get3A_686 : i32 to index
      %get3A_688 = memref.load %arg14[%get3A_687] : memref<64xi32, #tpu.memory_space<smem>>
      %reduce_max3A = arith.constant true
      %reduce_max3A_689 = vector.broadcast %reduce_max3A : i1 to vector<16xi1>
      %reduce_max3A_690 = arith.constant -2147483648 : i32
      %reduce_max3A_691 = vector.broadcast %reduce_max3A_690 : i32 to vector<16xi32>
      %reduce_max3A_692 = arith.xori %all_reduce_population_count3A, %reduce_max3A_691 : vector<16xi32>
      %reduce_max3A_693 = tpu.scan <max>, %reduce_max3A_692 masked %reduce_max3A_689 : vector<16xi32>, vector<16xi1> -> vector<16xi32>
      %reduce_max3A_694 = arith.xori %reduce_max3A_693, %reduce_max3A_691 : vector<16xi32>
      %reduce_max3A_695 = vector.extract %reduce_max3A_694[15] : i32 from vector<16xi32>
      %add3A_696 = arith.addi %get3A_688, %reduce_max3A_695 : i32
      %swap3A_697 = arith.constant 40 : i32
      %swap3A_698 = arith.index_cast %swap3A_697 : i32 to index
      %swap3A_699 = memref.load %arg14[%swap3A_698] : memref<64xi32, #tpu.memory_space<smem>>
      memref.store %add3A_696, %arg14[%swap3A_698] : memref<64xi32, #tpu.memory_space<smem>>
      %eq3A_700 = arith.constant 1 : i32
      %eq3A_701 = vector.broadcast %eq3A_700 : i32 to vector<16xi32>
      %eq3A_702 = arith.cmpi eq, %shift_right_logical3A_682, %eq3A_701 : vector<16xi32>
      %and3A_703 = arith.andi %lt3A_677, %eq3A_702 : vector<16xi1>
      %all_reduce_population_count3A_704 = tpu.all_reduce %and3A_703 {dim = 0 : i64, kind = #tpu.reduction_kind<sum>} : vector<16xi1> -> vector<16xi32>
      %get3A_705 = arith.constant 41 : i32
      %get3A_706 = arith.index_cast %get3A_705 : i32 to index
      %get3A_707 = memref.load %arg14[%get3A_706] : memref<64xi32, #tpu.memory_space<smem>>
      %reduce_max3A_708 = arith.constant true
      %reduce_max3A_709 = vector.broadcast %reduce_max3A_708 : i1 to vector<16xi1>
      %reduce_max3A_710 = arith.constant -2147483648 : i32
      %reduce_max3A_711 = vector.broadcast %reduce_max3A_710 : i32 to vector<16xi32>
      %reduce_max3A_712 = arith.xori %all_reduce_population_count3A_704, %reduce_max3A_711 : vector<16xi32>
      %reduce_max3A_713 = tpu.scan <max>, %reduce_max3A_712 masked %reduce_max3A_709 : vector<16xi32>, vector<16xi1> -> vector<16xi32>
      %reduce_max3A_714 = arith.xori %reduce_max3A_713, %reduce_max3A_711 : vector<16xi32>
      %reduce_max3A_715 = vector.extract %reduce_max3A_714[15] : i32 from vector<16xi32>
      %add3A_716 = arith.addi %get3A_707, %reduce_max3A_715 : i32
      %swap3A_717 = arith.constant 41 : i32
      %swap3A_718 = arith.index_cast %swap3A_717 : i32 to index
      %swap3A_719 = memref.load %arg14[%swap3A_718] : memref<64xi32, #tpu.memory_space<smem>>
      memref.store %add3A_716, %arg14[%swap3A_718] : memref<64xi32, #tpu.memory_space<smem>>
      %eq3A_720 = arith.constant 2 : i32
      %eq3A_721 = vector.broadcast %eq3A_720 : i32 to vector<16xi32>
      %eq3A_722 = arith.cmpi eq, %shift_right_logical3A_682, %eq3A_721 : vector<16xi32>
      %and3A_723 = arith.andi %lt3A_677, %eq3A_722 : vector<16xi1>
      %all_reduce_population_count3A_724 = tpu.all_reduce %and3A_723 {dim = 0 : i64, kind = #tpu.reduction_kind<sum>} : vector<16xi1> -> vector<16xi32>
      %get3A_725 = arith.constant 42 : i32
      %get3A_726 = arith.index_cast %get3A_725 : i32 to index
      %get3A_727 = memref.load %arg14[%get3A_726] : memref<64xi32, #tpu.memory_space<smem>>
      %reduce_max3A_728 = arith.constant true
      %reduce_max3A_729 = vector.broadcast %reduce_max3A_728 : i1 to vector<16xi1>
      %reduce_max3A_730 = arith.constant -2147483648 : i32
      %reduce_max3A_731 = vector.broadcast %reduce_max3A_730 : i32 to vector<16xi32>
      %reduce_max3A_732 = arith.xori %all_reduce_population_count3A_724, %reduce_max3A_731 : vector<16xi32>
      %reduce_max3A_733 = tpu.scan <max>, %reduce_max3A_732 masked %reduce_max3A_729 : vector<16xi32>, vector<16xi1> -> vector<16xi32>
      %reduce_max3A_734 = arith.xori %reduce_max3A_733, %reduce_max3A_731 : vector<16xi32>
      %reduce_max3A_735 = vector.extract %reduce_max3A_734[15] : i32 from vector<16xi32>
      %add3A_736 = arith.addi %get3A_727, %reduce_max3A_735 : i32
      %swap3A_737 = arith.constant 42 : i32
      %swap3A_738 = arith.index_cast %swap3A_737 : i32 to index
      %swap3A_739 = memref.load %arg14[%swap3A_738] : memref<64xi32, #tpu.memory_space<smem>>
      memref.store %add3A_736, %arg14[%swap3A_738] : memref<64xi32, #tpu.memory_space<smem>>
      %eq3A_740 = arith.constant 3 : i32
      %eq3A_741 = vector.broadcast %eq3A_740 : i32 to vector<16xi32>
      %eq3A_742 = arith.cmpi eq, %shift_right_logical3A_682, %eq3A_741 : vector<16xi32>
      %and3A_743 = arith.andi %lt3A_677, %eq3A_742 : vector<16xi1>
      %all_reduce_population_count3A_744 = tpu.all_reduce %and3A_743 {dim = 0 : i64, kind = #tpu.reduction_kind<sum>} : vector<16xi1> -> vector<16xi32>
      %get3A_745 = arith.constant 43 : i32
      %get3A_746 = arith.index_cast %get3A_745 : i32 to index
      %get3A_747 = memref.load %arg14[%get3A_746] : memref<64xi32, #tpu.memory_space<smem>>
      %reduce_max3A_748 = arith.constant true
      %reduce_max3A_749 = vector.broadcast %reduce_max3A_748 : i1 to vector<16xi1>
      %reduce_max3A_750 = arith.constant -2147483648 : i32
      %reduce_max3A_751 = vector.broadcast %reduce_max3A_750 : i32 to vector<16xi32>
      %reduce_max3A_752 = arith.xori %all_reduce_population_count3A_744, %reduce_max3A_751 : vector<16xi32>
      %reduce_max3A_753 = tpu.scan <max>, %reduce_max3A_752 masked %reduce_max3A_749 : vector<16xi32>, vector<16xi1> -> vector<16xi32>
      %reduce_max3A_754 = arith.xori %reduce_max3A_753, %reduce_max3A_751 : vector<16xi32>
      %reduce_max3A_755 = vector.extract %reduce_max3A_754[15] : i32 from vector<16xi32>
      %add3A_756 = arith.addi %get3A_747, %reduce_max3A_755 : i32
      %swap3A_757 = arith.constant 43 : i32
      %swap3A_758 = arith.index_cast %swap3A_757 : i32 to index
      %swap3A_759 = memref.load %arg14[%swap3A_758] : memref<64xi32, #tpu.memory_space<smem>>
      memref.store %add3A_756, %arg14[%swap3A_758] : memref<64xi32, #tpu.memory_space<smem>>
      %eq3A_760 = arith.constant 4 : i32
      %eq3A_761 = vector.broadcast %eq3A_760 : i32 to vector<16xi32>
      %eq3A_762 = arith.cmpi eq, %shift_right_logical3A_682, %eq3A_761 : vector<16xi32>
      %and3A_763 = arith.andi %lt3A_677, %eq3A_762 : vector<16xi1>
      %all_reduce_population_count3A_764 = tpu.all_reduce %and3A_763 {dim = 0 : i64, kind = #tpu.reduction_kind<sum>} : vector<16xi1> -> vector<16xi32>
      %get3A_765 = arith.constant 44 : i32
      %get3A_766 = arith.index_cast %get3A_765 : i32 to index
      %get3A_767 = memref.load %arg14[%get3A_766] : memref<64xi32, #tpu.memory_space<smem>>
      %reduce_max3A_768 = arith.constant true
      %reduce_max3A_769 = vector.broadcast %reduce_max3A_768 : i1 to vector<16xi1>
      %reduce_max3A_770 = arith.constant -2147483648 : i32
      %reduce_max3A_771 = vector.broadcast %reduce_max3A_770 : i32 to vector<16xi32>
      %reduce_max3A_772 = arith.xori %all_reduce_population_count3A_764, %reduce_max3A_771 : vector<16xi32>
      %reduce_max3A_773 = tpu.scan <max>, %reduce_max3A_772 masked %reduce_max3A_769 : vector<16xi32>, vector<16xi1> -> vector<16xi32>
      %reduce_max3A_774 = arith.xori %reduce_max3A_773, %reduce_max3A_771 : vector<16xi32>
      %reduce_max3A_775 = vector.extract %reduce_max3A_774[15] : i32 from vector<16xi32>
      %add3A_776 = arith.addi %get3A_767, %reduce_max3A_775 : i32
      %swap3A_777 = arith.constant 44 : i32
      %swap3A_778 = arith.index_cast %swap3A_777 : i32 to index
      %swap3A_779 = memref.load %arg14[%swap3A_778] : memref<64xi32, #tpu.memory_space<smem>>
      memref.store %add3A_776, %arg14[%swap3A_778] : memref<64xi32, #tpu.memory_space<smem>>
      %eq3A_780 = arith.constant 5 : i32
      %eq3A_781 = vector.broadcast %eq3A_780 : i32 to vector<16xi32>
      %eq3A_782 = arith.cmpi eq, %shift_right_logical3A_682, %eq3A_781 : vector<16xi32>
      %and3A_783 = arith.andi %lt3A_677, %eq3A_782 : vector<16xi1>
      %all_reduce_population_count3A_784 = tpu.all_reduce %and3A_783 {dim = 0 : i64, kind = #tpu.reduction_kind<sum>} : vector<16xi1> -> vector<16xi32>
      %get3A_785 = arith.constant 45 : i32
      %get3A_786 = arith.index_cast %get3A_785 : i32 to index
      %get3A_787 = memref.load %arg14[%get3A_786] : memref<64xi32, #tpu.memory_space<smem>>
      %reduce_max3A_788 = arith.constant true
      %reduce_max3A_789 = vector.broadcast %reduce_max3A_788 : i1 to vector<16xi1>
      %reduce_max3A_790 = arith.constant -2147483648 : i32
      %reduce_max3A_791 = vector.broadcast %reduce_max3A_790 : i32 to vector<16xi32>
      %reduce_max3A_792 = arith.xori %all_reduce_population_count3A_784, %reduce_max3A_791 : vector<16xi32>
      %reduce_max3A_793 = tpu.scan <max>, %reduce_max3A_792 masked %reduce_max3A_789 : vector<16xi32>, vector<16xi1> -> vector<16xi32>
      %reduce_max3A_794 = arith.xori %reduce_max3A_793, %reduce_max3A_791 : vector<16xi32>
      %reduce_max3A_795 = vector.extract %reduce_max3A_794[15] : i32 from vector<16xi32>
      %add3A_796 = arith.addi %get3A_787, %reduce_max3A_795 : i32
      %swap3A_797 = arith.constant 45 : i32
      %swap3A_798 = arith.index_cast %swap3A_797 : i32 to index
      %swap3A_799 = memref.load %arg14[%swap3A_798] : memref<64xi32, #tpu.memory_space<smem>>
      memref.store %add3A_796, %arg14[%swap3A_798] : memref<64xi32, #tpu.memory_space<smem>>
      %eq3A_800 = arith.constant 6 : i32
      %eq3A_801 = vector.broadcast %eq3A_800 : i32 to vector<16xi32>
      %eq3A_802 = arith.cmpi eq, %shift_right_logical3A_682, %eq3A_801 : vector<16xi32>
      %and3A_803 = arith.andi %lt3A_677, %eq3A_802 : vector<16xi1>
      %all_reduce_population_count3A_804 = tpu.all_reduce %and3A_803 {dim = 0 : i64, kind = #tpu.reduction_kind<sum>} : vector<16xi1> -> vector<16xi32>
      %get3A_805 = arith.constant 46 : i32
      %get3A_806 = arith.index_cast %get3A_805 : i32 to index
      %get3A_807 = memref.load %arg14[%get3A_806] : memref<64xi32, #tpu.memory_space<smem>>
      %reduce_max3A_808 = arith.constant true
      %reduce_max3A_809 = vector.broadcast %reduce_max3A_808 : i1 to vector<16xi1>
      %reduce_max3A_810 = arith.constant -2147483648 : i32
      %reduce_max3A_811 = vector.broadcast %reduce_max3A_810 : i32 to vector<16xi32>
      %reduce_max3A_812 = arith.xori %all_reduce_population_count3A_804, %reduce_max3A_811 : vector<16xi32>
      %reduce_max3A_813 = tpu.scan <max>, %reduce_max3A_812 masked %reduce_max3A_809 : vector<16xi32>, vector<16xi1> -> vector<16xi32>
      %reduce_max3A_814 = arith.xori %reduce_max3A_813, %reduce_max3A_811 : vector<16xi32>
      %reduce_max3A_815 = vector.extract %reduce_max3A_814[15] : i32 from vector<16xi32>
      %add3A_816 = arith.addi %get3A_807, %reduce_max3A_815 : i32
      %swap3A_817 = arith.constant 46 : i32
      %swap3A_818 = arith.index_cast %swap3A_817 : i32 to index
      %swap3A_819 = memref.load %arg14[%swap3A_818] : memref<64xi32, #tpu.memory_space<smem>>
      memref.store %add3A_816, %arg14[%swap3A_818] : memref<64xi32, #tpu.memory_space<smem>>
      %eq3A_820 = arith.constant 7 : i32
      %eq3A_821 = vector.broadcast %eq3A_820 : i32 to vector<16xi32>
      %eq3A_822 = arith.cmpi eq, %shift_right_logical3A_682, %eq3A_821 : vector<16xi32>
      %and3A_823 = arith.andi %lt3A_677, %eq3A_822 : vector<16xi1>
      %all_reduce_population_count3A_824 = tpu.all_reduce %and3A_823 {dim = 0 : i64, kind = #tpu.reduction_kind<sum>} : vector<16xi1> -> vector<16xi32>
      %get3A_825 = arith.constant 47 : i32
      %get3A_826 = arith.index_cast %get3A_825 : i32 to index
      %get3A_827 = memref.load %arg14[%get3A_826] : memref<64xi32, #tpu.memory_space<smem>>
      %reduce_max3A_828 = arith.constant true
      %reduce_max3A_829 = vector.broadcast %reduce_max3A_828 : i1 to vector<16xi1>
      %reduce_max3A_830 = arith.constant -2147483648 : i32
      %reduce_max3A_831 = vector.broadcast %reduce_max3A_830 : i32 to vector<16xi32>
      %reduce_max3A_832 = arith.xori %all_reduce_population_count3A_824, %reduce_max3A_831 : vector<16xi32>
      %reduce_max3A_833 = tpu.scan <max>, %reduce_max3A_832 masked %reduce_max3A_829 : vector<16xi32>, vector<16xi1> -> vector<16xi32>
      %reduce_max3A_834 = arith.xori %reduce_max3A_833, %reduce_max3A_831 : vector<16xi32>
      %reduce_max3A_835 = vector.extract %reduce_max3A_834[15] : i32 from vector<16xi32>
      %add3A_836 = arith.addi %get3A_827, %reduce_max3A_835 : i32
      %swap3A_837 = arith.constant 47 : i32
      %swap3A_838 = arith.index_cast %swap3A_837 : i32 to index
      %swap3A_839 = memref.load %arg14[%swap3A_838] : memref<64xi32, #tpu.memory_space<smem>>
      memref.store %add3A_836, %arg14[%swap3A_838] : memref<64xi32, #tpu.memory_space<smem>>
      %eq3A_840 = arith.constant 8 : i32
      %eq3A_841 = vector.broadcast %eq3A_840 : i32 to vector<16xi32>
      %eq3A_842 = arith.cmpi eq, %shift_right_logical3A_682, %eq3A_841 : vector<16xi32>
      %and3A_843 = arith.andi %lt3A_677, %eq3A_842 : vector<16xi1>
      %all_reduce_population_count3A_844 = tpu.all_reduce %and3A_843 {dim = 0 : i64, kind = #tpu.reduction_kind<sum>} : vector<16xi1> -> vector<16xi32>
      %get3A_845 = arith.constant 48 : i32
      %get3A_846 = arith.index_cast %get3A_845 : i32 to index
      %get3A_847 = memref.load %arg14[%get3A_846] : memref<64xi32, #tpu.memory_space<smem>>
      %reduce_max3A_848 = arith.constant true
      %reduce_max3A_849 = vector.broadcast %reduce_max3A_848 : i1 to vector<16xi1>
      %reduce_max3A_850 = arith.constant -2147483648 : i32
      %reduce_max3A_851 = vector.broadcast %reduce_max3A_850 : i32 to vector<16xi32>
      %reduce_max3A_852 = arith.xori %all_reduce_population_count3A_844, %reduce_max3A_851 : vector<16xi32>
      %reduce_max3A_853 = tpu.scan <max>, %reduce_max3A_852 masked %reduce_max3A_849 : vector<16xi32>, vector<16xi1> -> vector<16xi32>
      %reduce_max3A_854 = arith.xori %reduce_max3A_853, %reduce_max3A_851 : vector<16xi32>
      %reduce_max3A_855 = vector.extract %reduce_max3A_854[15] : i32 from vector<16xi32>
      %add3A_856 = arith.addi %get3A_847, %reduce_max3A_855 : i32
      %swap3A_857 = arith.constant 48 : i32
      %swap3A_858 = arith.index_cast %swap3A_857 : i32 to index
      %swap3A_859 = memref.load %arg14[%swap3A_858] : memref<64xi32, #tpu.memory_space<smem>>
      memref.store %add3A_856, %arg14[%swap3A_858] : memref<64xi32, #tpu.memory_space<smem>>
      %eq3A_860 = arith.constant 9 : i32
      %eq3A_861 = vector.broadcast %eq3A_860 : i32 to vector<16xi32>
      %eq3A_862 = arith.cmpi eq, %shift_right_logical3A_682, %eq3A_861 : vector<16xi32>
      %and3A_863 = arith.andi %lt3A_677, %eq3A_862 : vector<16xi1>
      %all_reduce_population_count3A_864 = tpu.all_reduce %and3A_863 {dim = 0 : i64, kind = #tpu.reduction_kind<sum>} : vector<16xi1> -> vector<16xi32>
      %get3A_865 = arith.constant 49 : i32
      %get3A_866 = arith.index_cast %get3A_865 : i32 to index
      %get3A_867 = memref.load %arg14[%get3A_866] : memref<64xi32, #tpu.memory_space<smem>>
      %reduce_max3A_868 = arith.constant true
      %reduce_max3A_869 = vector.broadcast %reduce_max3A_868 : i1 to vector<16xi1>
      %reduce_max3A_870 = arith.constant -2147483648 : i32
      %reduce_max3A_871 = vector.broadcast %reduce_max3A_870 : i32 to vector<16xi32>
      %reduce_max3A_872 = arith.xori %all_reduce_population_count3A_864, %reduce_max3A_871 : vector<16xi32>
      %reduce_max3A_873 = tpu.scan <max>, %reduce_max3A_872 masked %reduce_max3A_869 : vector<16xi32>, vector<16xi1> -> vector<16xi32>
      %reduce_max3A_874 = arith.xori %reduce_max3A_873, %reduce_max3A_871 : vector<16xi32>
      %reduce_max3A_875 = vector.extract %reduce_max3A_874[15] : i32 from vector<16xi32>
      %add3A_876 = arith.addi %get3A_867, %reduce_max3A_875 : i32
      %swap3A_877 = arith.constant 49 : i32
      %swap3A_878 = arith.index_cast %swap3A_877 : i32 to index
      %swap3A_879 = memref.load %arg14[%swap3A_878] : memref<64xi32, #tpu.memory_space<smem>>
      memref.store %add3A_876, %arg14[%swap3A_878] : memref<64xi32, #tpu.memory_space<smem>>
      %eq3A_880 = arith.constant 10 : i32
      %eq3A_881 = vector.broadcast %eq3A_880 : i32 to vector<16xi32>
      %eq3A_882 = arith.cmpi eq, %shift_right_logical3A_682, %eq3A_881 : vector<16xi32>
      %and3A_883 = arith.andi %lt3A_677, %eq3A_882 : vector<16xi1>
      %all_reduce_population_count3A_884 = tpu.all_reduce %and3A_883 {dim = 0 : i64, kind = #tpu.reduction_kind<sum>} : vector<16xi1> -> vector<16xi32>
      %get3A_885 = arith.constant 50 : i32
      %get3A_886 = arith.index_cast %get3A_885 : i32 to index
      %get3A_887 = memref.load %arg14[%get3A_886] : memref<64xi32, #tpu.memory_space<smem>>
      %reduce_max3A_888 = arith.constant true
      %reduce_max3A_889 = vector.broadcast %reduce_max3A_888 : i1 to vector<16xi1>
      %reduce_max3A_890 = arith.constant -2147483648 : i32
      %reduce_max3A_891 = vector.broadcast %reduce_max3A_890 : i32 to vector<16xi32>
      %reduce_max3A_892 = arith.xori %all_reduce_population_count3A_884, %reduce_max3A_891 : vector<16xi32>
      %reduce_max3A_893 = tpu.scan <max>, %reduce_max3A_892 masked %reduce_max3A_889 : vector<16xi32>, vector<16xi1> -> vector<16xi32>
      %reduce_max3A_894 = arith.xori %reduce_max3A_893, %reduce_max3A_891 : vector<16xi32>
      %reduce_max3A_895 = vector.extract %reduce_max3A_894[15] : i32 from vector<16xi32>
      %add3A_896 = arith.addi %get3A_887, %reduce_max3A_895 : i32
      %swap3A_897 = arith.constant 50 : i32
      %swap3A_898 = arith.index_cast %swap3A_897 : i32 to index
      %swap3A_899 = memref.load %arg14[%swap3A_898] : memref<64xi32, #tpu.memory_space<smem>>
      memref.store %add3A_896, %arg14[%swap3A_898] : memref<64xi32, #tpu.memory_space<smem>>
      %eq3A_900 = arith.constant 11 : i32
      %eq3A_901 = vector.broadcast %eq3A_900 : i32 to vector<16xi32>
      %eq3A_902 = arith.cmpi eq, %shift_right_logical3A_682, %eq3A_901 : vector<16xi32>
      %and3A_903 = arith.andi %lt3A_677, %eq3A_902 : vector<16xi1>
      %all_reduce_population_count3A_904 = tpu.all_reduce %and3A_903 {dim = 0 : i64, kind = #tpu.reduction_kind<sum>} : vector<16xi1> -> vector<16xi32>
      %get3A_905 = arith.constant 51 : i32
      %get3A_906 = arith.index_cast %get3A_905 : i32 to index
      %get3A_907 = memref.load %arg14[%get3A_906] : memref<64xi32, #tpu.memory_space<smem>>
      %reduce_max3A_908 = arith.constant true
      %reduce_max3A_909 = vector.broadcast %reduce_max3A_908 : i1 to vector<16xi1>
      %reduce_max3A_910 = arith.constant -2147483648 : i32
      %reduce_max3A_911 = vector.broadcast %reduce_max3A_910 : i32 to vector<16xi32>
      %reduce_max3A_912 = arith.xori %all_reduce_population_count3A_904, %reduce_max3A_911 : vector<16xi32>
      %reduce_max3A_913 = tpu.scan <max>, %reduce_max3A_912 masked %reduce_max3A_909 : vector<16xi32>, vector<16xi1> -> vector<16xi32>
      %reduce_max3A_914 = arith.xori %reduce_max3A_913, %reduce_max3A_911 : vector<16xi32>
      %reduce_max3A_915 = vector.extract %reduce_max3A_914[15] : i32 from vector<16xi32>
      %add3A_916 = arith.addi %get3A_907, %reduce_max3A_915 : i32
      %swap3A_917 = arith.constant 51 : i32
      %swap3A_918 = arith.index_cast %swap3A_917 : i32 to index
      %swap3A_919 = memref.load %arg14[%swap3A_918] : memref<64xi32, #tpu.memory_space<smem>>
      memref.store %add3A_916, %arg14[%swap3A_918] : memref<64xi32, #tpu.memory_space<smem>>
      %eq3A_920 = arith.constant 12 : i32
      %eq3A_921 = vector.broadcast %eq3A_920 : i32 to vector<16xi32>
      %eq3A_922 = arith.cmpi eq, %shift_right_logical3A_682, %eq3A_921 : vector<16xi32>
      %and3A_923 = arith.andi %lt3A_677, %eq3A_922 : vector<16xi1>
      %all_reduce_population_count3A_924 = tpu.all_reduce %and3A_923 {dim = 0 : i64, kind = #tpu.reduction_kind<sum>} : vector<16xi1> -> vector<16xi32>
      %get3A_925 = arith.constant 52 : i32
      %get3A_926 = arith.index_cast %get3A_925 : i32 to index
      %get3A_927 = memref.load %arg14[%get3A_926] : memref<64xi32, #tpu.memory_space<smem>>
      %reduce_max3A_928 = arith.constant true
      %reduce_max3A_929 = vector.broadcast %reduce_max3A_928 : i1 to vector<16xi1>
      %reduce_max3A_930 = arith.constant -2147483648 : i32
      %reduce_max3A_931 = vector.broadcast %reduce_max3A_930 : i32 to vector<16xi32>
      %reduce_max3A_932 = arith.xori %all_reduce_population_count3A_924, %reduce_max3A_931 : vector<16xi32>
      %reduce_max3A_933 = tpu.scan <max>, %reduce_max3A_932 masked %reduce_max3A_929 : vector<16xi32>, vector<16xi1> -> vector<16xi32>
      %reduce_max3A_934 = arith.xori %reduce_max3A_933, %reduce_max3A_931 : vector<16xi32>
      %reduce_max3A_935 = vector.extract %reduce_max3A_934[15] : i32 from vector<16xi32>
      %add3A_936 = arith.addi %get3A_927, %reduce_max3A_935 : i32
      %swap3A_937 = arith.constant 52 : i32
      %swap3A_938 = arith.index_cast %swap3A_937 : i32 to index
      %swap3A_939 = memref.load %arg14[%swap3A_938] : memref<64xi32, #tpu.memory_space<smem>>
      memref.store %add3A_936, %arg14[%swap3A_938] : memref<64xi32, #tpu.memory_space<smem>>
      %eq3A_940 = arith.constant 13 : i32
      %eq3A_941 = vector.broadcast %eq3A_940 : i32 to vector<16xi32>
      %eq3A_942 = arith.cmpi eq, %shift_right_logical3A_682, %eq3A_941 : vector<16xi32>
      %and3A_943 = arith.andi %lt3A_677, %eq3A_942 : vector<16xi1>
      %all_reduce_population_count3A_944 = tpu.all_reduce %and3A_943 {dim = 0 : i64, kind = #tpu.reduction_kind<sum>} : vector<16xi1> -> vector<16xi32>
      %get3A_945 = arith.constant 53 : i32
      %get3A_946 = arith.index_cast %get3A_945 : i32 to index
      %get3A_947 = memref.load %arg14[%get3A_946] : memref<64xi32, #tpu.memory_space<smem>>
      %reduce_max3A_948 = arith.constant true
      %reduce_max3A_949 = vector.broadcast %reduce_max3A_948 : i1 to vector<16xi1>
      %reduce_max3A_950 = arith.constant -2147483648 : i32
      %reduce_max3A_951 = vector.broadcast %reduce_max3A_950 : i32 to vector<16xi32>
      %reduce_max3A_952 = arith.xori %all_reduce_population_count3A_944, %reduce_max3A_951 : vector<16xi32>
      %reduce_max3A_953 = tpu.scan <max>, %reduce_max3A_952 masked %reduce_max3A_949 : vector<16xi32>, vector<16xi1> -> vector<16xi32>
      %reduce_max3A_954 = arith.xori %reduce_max3A_953, %reduce_max3A_951 : vector<16xi32>
      %reduce_max3A_955 = vector.extract %reduce_max3A_954[15] : i32 from vector<16xi32>
      %add3A_956 = arith.addi %get3A_947, %reduce_max3A_955 : i32
      %swap3A_957 = arith.constant 53 : i32
      %swap3A_958 = arith.index_cast %swap3A_957 : i32 to index
      %swap3A_959 = memref.load %arg14[%swap3A_958] : memref<64xi32, #tpu.memory_space<smem>>
      memref.store %add3A_956, %arg14[%swap3A_958] : memref<64xi32, #tpu.memory_space<smem>>
      %eq3A_960 = arith.constant 14 : i32
      %eq3A_961 = vector.broadcast %eq3A_960 : i32 to vector<16xi32>
      %eq3A_962 = arith.cmpi eq, %shift_right_logical3A_682, %eq3A_961 : vector<16xi32>
      %and3A_963 = arith.andi %lt3A_677, %eq3A_962 : vector<16xi1>
      %all_reduce_population_count3A_964 = tpu.all_reduce %and3A_963 {dim = 0 : i64, kind = #tpu.reduction_kind<sum>} : vector<16xi1> -> vector<16xi32>
      %get3A_965 = arith.constant 54 : i32
      %get3A_966 = arith.index_cast %get3A_965 : i32 to index
      %get3A_967 = memref.load %arg14[%get3A_966] : memref<64xi32, #tpu.memory_space<smem>>
      %reduce_max3A_968 = arith.constant true
      %reduce_max3A_969 = vector.broadcast %reduce_max3A_968 : i1 to vector<16xi1>
      %reduce_max3A_970 = arith.constant -2147483648 : i32
      %reduce_max3A_971 = vector.broadcast %reduce_max3A_970 : i32 to vector<16xi32>
      %reduce_max3A_972 = arith.xori %all_reduce_population_count3A_964, %reduce_max3A_971 : vector<16xi32>
      %reduce_max3A_973 = tpu.scan <max>, %reduce_max3A_972 masked %reduce_max3A_969 : vector<16xi32>, vector<16xi1> -> vector<16xi32>
      %reduce_max3A_974 = arith.xori %reduce_max3A_973, %reduce_max3A_971 : vector<16xi32>
      %reduce_max3A_975 = vector.extract %reduce_max3A_974[15] : i32 from vector<16xi32>
      %add3A_976 = arith.addi %get3A_967, %reduce_max3A_975 : i32
      %swap3A_977 = arith.constant 54 : i32
      %swap3A_978 = arith.index_cast %swap3A_977 : i32 to index
      %swap3A_979 = memref.load %arg14[%swap3A_978] : memref<64xi32, #tpu.memory_space<smem>>
      memref.store %add3A_976, %arg14[%swap3A_978] : memref<64xi32, #tpu.memory_space<smem>>
      %eq3A_980 = arith.constant 15 : i32
      %eq3A_981 = vector.broadcast %eq3A_980 : i32 to vector<16xi32>
      %eq3A_982 = arith.cmpi eq, %shift_right_logical3A_682, %eq3A_981 : vector<16xi32>
      %and3A_983 = arith.andi %lt3A_677, %eq3A_982 : vector<16xi1>
      %all_reduce_population_count3A_984 = tpu.all_reduce %and3A_983 {dim = 0 : i64, kind = #tpu.reduction_kind<sum>} : vector<16xi1> -> vector<16xi32>
      %get3A_985 = arith.constant 55 : i32
      %get3A_986 = arith.index_cast %get3A_985 : i32 to index
      %get3A_987 = memref.load %arg14[%get3A_986] : memref<64xi32, #tpu.memory_space<smem>>
      %reduce_max3A_988 = arith.constant true
      %reduce_max3A_989 = vector.broadcast %reduce_max3A_988 : i1 to vector<16xi1>
      %reduce_max3A_990 = arith.constant -2147483648 : i32
      %reduce_max3A_991 = vector.broadcast %reduce_max3A_990 : i32 to vector<16xi32>
      %reduce_max3A_992 = arith.xori %all_reduce_population_count3A_984, %reduce_max3A_991 : vector<16xi32>
      %reduce_max3A_993 = tpu.scan <max>, %reduce_max3A_992 masked %reduce_max3A_989 : vector<16xi32>, vector<16xi1> -> vector<16xi32>
      %reduce_max3A_994 = arith.xori %reduce_max3A_993, %reduce_max3A_991 : vector<16xi32>
      %reduce_max3A_995 = vector.extract %reduce_max3A_994[15] : i32 from vector<16xi32>
      %add3A_996 = arith.addi %get3A_987, %reduce_max3A_995 : i32
      %swap3A_997 = arith.constant 55 : i32
      %swap3A_998 = arith.index_cast %swap3A_997 : i32 to index
      %swap3A_999 = memref.load %arg14[%swap3A_998] : memref<64xi32, #tpu.memory_space<smem>>
      memref.store %add3A_996, %arg14[%swap3A_998] : memref<64xi32, #tpu.memory_space<smem>>
    }
    %get3A_201 = arith.constant 40 : i32
    %get3A_202 = arith.index_cast %get3A_201 : i32 to index
    %get3A_203 = memref.load %arg14[%get3A_202] : memref<64xi32, #tpu.memory_space<smem>>
    %swap3A_204 = arith.constant 0 : i32
    %swap3A_205 = arith.constant 8 : i32
    %swap3A_206 = arith.index_cast %swap3A_205 : i32 to index
    %swap3A_207 = memref.load %arg14[%swap3A_206] : memref<64xi32, #tpu.memory_space<smem>>
    memref.store %swap3A_204, %arg14[%swap3A_206] : memref<64xi32, #tpu.memory_space<smem>>
    %add3A_208 = arith.constant 15 : i32
    %add3A_209 = arith.addi %get3A_203, %add3A_208 : i32
    %shift_right_logical3A_210 = arith.constant 4 : i32
    %shift_right_logical3A_211 = arith.shrui %add3A_209, %shift_right_logical3A_210 : i32
    %shift_left3A_212 = arith.constant 4 : i32
    %shift_left3A_213 = arith.shli %shift_right_logical3A_211, %shift_left3A_212 : i32
    %shift_right_logical3A_214 = arith.constant 4 : i32
    %shift_right_logical3A_215 = arith.shrui %shift_left3A_213, %shift_right_logical3A_214 : i32
    %swap3A_216 = arith.constant 24 : i32
    %swap3A_217 = arith.index_cast %swap3A_216 : i32 to index
    %swap3A_218 = memref.load %arg14[%swap3A_217] : memref<64xi32, #tpu.memory_space<smem>>
    memref.store %shift_right_logical3A_215, %arg14[%swap3A_217] : memref<64xi32, #tpu.memory_space<smem>>
    %swap3A_219 = arith.constant 0 : i32
    %swap3A_220 = arith.constant 40 : i32
    %swap3A_221 = arith.index_cast %swap3A_220 : i32 to index
    %swap3A_222 = memref.load %arg14[%swap3A_221] : memref<64xi32, #tpu.memory_space<smem>>
    memref.store %swap3A_219, %arg14[%swap3A_221] : memref<64xi32, #tpu.memory_space<smem>>
    %add3A_223 = arith.constant 0 : i32
    %add3A_224 = arith.addi %add3A_223, %get3A_203 : i32
    %add3A_225 = vector.broadcast %add3A_224 : i32 to vector<16xi32>
    %add3A_226 = arith.addi %add3A_225, %iota3A : vector<16xi32>
    %broadcast_in_dim3A_227 = arith.constant 134217728 : i32
    %broadcast_in_dim3A_228 = vector.broadcast %broadcast_in_dim3A_227 : i32 to vector<16xi32>
    tpu.vector_store_idx %arg6[%add3A_226], %broadcast_in_dim3A_228 : memref<16640xi32, #tpu.memory_space<vmem>>[vector<16xi32>], vector<16xi32>,
    %add3A_229 = arith.constant 0 : i32
    %add3A_230 = arith.addi %add3A_229, %shift_left3A_213 : i32
    %get3A_231 = arith.constant 41 : i32
    %get3A_232 = arith.index_cast %get3A_231 : i32 to index
    %get3A_233 = memref.load %arg14[%get3A_232] : memref<64xi32, #tpu.memory_space<smem>>
    %swap3A_234 = arith.constant 9 : i32
    %swap3A_235 = arith.index_cast %swap3A_234 : i32 to index
    %swap3A_236 = memref.load %arg14[%swap3A_235] : memref<64xi32, #tpu.memory_space<smem>>
    memref.store %add3A_230, %arg14[%swap3A_235] : memref<64xi32, #tpu.memory_space<smem>>
    %add3A_237 = arith.constant 15 : i32
    %add3A_238 = arith.addi %get3A_233, %add3A_237 : i32
    %shift_right_logical3A_239 = arith.constant 4 : i32
    %shift_right_logical3A_240 = arith.shrui %add3A_238, %shift_right_logical3A_239 : i32
    %shift_left3A_241 = arith.constant 4 : i32
    %shift_left3A_242 = arith.shli %shift_right_logical3A_240, %shift_left3A_241 : i32
    %shift_right_logical3A_243 = arith.constant 4 : i32
    %shift_right_logical3A_244 = arith.shrui %shift_left3A_242, %shift_right_logical3A_243 : i32
    %swap3A_245 = arith.constant 25 : i32
    %swap3A_246 = arith.index_cast %swap3A_245 : i32 to index
    %swap3A_247 = memref.load %arg14[%swap3A_246] : memref<64xi32, #tpu.memory_space<smem>>
    memref.store %shift_right_logical3A_244, %arg14[%swap3A_246] : memref<64xi32, #tpu.memory_space<smem>>
    %swap3A_248 = arith.constant 41 : i32
    %swap3A_249 = arith.index_cast %swap3A_248 : i32 to index
    %swap3A_250 = memref.load %arg14[%swap3A_249] : memref<64xi32, #tpu.memory_space<smem>>
    memref.store %add3A_230, %arg14[%swap3A_249] : memref<64xi32, #tpu.memory_space<smem>>
    %add3A_251 = arith.addi %add3A_230, %get3A_233 : i32
    %add3A_252 = vector.broadcast %add3A_251 : i32 to vector<16xi32>
    %add3A_253 = arith.addi %add3A_252, %iota3A : vector<16xi32>
    %broadcast_in_dim3A_254 = arith.constant 134217728 : i32
    %broadcast_in_dim3A_255 = vector.broadcast %broadcast_in_dim3A_254 : i32 to vector<16xi32>
    tpu.vector_store_idx %arg6[%add3A_253], %broadcast_in_dim3A_255 : memref<16640xi32, #tpu.memory_space<vmem>>[vector<16xi32>], vector<16xi32>,
    %add3A_256 = arith.addi %add3A_230, %shift_left3A_242 : i32
    %get3A_257 = arith.constant 42 : i32
    %get3A_258 = arith.index_cast %get3A_257 : i32 to index
    %get3A_259 = memref.load %arg14[%get3A_258] : memref<64xi32, #tpu.memory_space<smem>>
    %swap3A_260 = arith.constant 10 : i32
    %swap3A_261 = arith.index_cast %swap3A_260 : i32 to index
    %swap3A_262 = memref.load %arg14[%swap3A_261] : memref<64xi32, #tpu.memory_space<smem>>
    memref.store %add3A_256, %arg14[%swap3A_261] : memref<64xi32, #tpu.memory_space<smem>>
    %add3A_263 = arith.constant 15 : i32
    %add3A_264 = arith.addi %get3A_259, %add3A_263 : i32
    %shift_right_logical3A_265 = arith.constant 4 : i32
    %shift_right_logical3A_266 = arith.shrui %add3A_264, %shift_right_logical3A_265 : i32
    %shift_left3A_267 = arith.constant 4 : i32
    %shift_left3A_268 = arith.shli %shift_right_logical3A_266, %shift_left3A_267 : i32
    %shift_right_logical3A_269 = arith.constant 4 : i32
    %shift_right_logical3A_270 = arith.shrui %shift_left3A_268, %shift_right_logical3A_269 : i32
    %swap3A_271 = arith.constant 26 : i32
    %swap3A_272 = arith.index_cast %swap3A_271 : i32 to index
    %swap3A_273 = memref.load %arg14[%swap3A_272] : memref<64xi32, #tpu.memory_space<smem>>
    memref.store %shift_right_logical3A_270, %arg14[%swap3A_272] : memref<64xi32, #tpu.memory_space<smem>>
    %swap3A_274 = arith.constant 42 : i32
    %swap3A_275 = arith.index_cast %swap3A_274 : i32 to index
    %swap3A_276 = memref.load %arg14[%swap3A_275] : memref<64xi32, #tpu.memory_space<smem>>
    memref.store %add3A_256, %arg14[%swap3A_275] : memref<64xi32, #tpu.memory_space<smem>>
    %add3A_277 = arith.addi %add3A_256, %get3A_259 : i32
    %add3A_278 = vector.broadcast %add3A_277 : i32 to vector<16xi32>
    %add3A_279 = arith.addi %add3A_278, %iota3A : vector<16xi32>
    %broadcast_in_dim3A_280 = arith.constant 134217728 : i32
    %broadcast_in_dim3A_281 = vector.broadcast %broadcast_in_dim3A_280 : i32 to vector<16xi32>
    tpu.vector_store_idx %arg6[%add3A_279], %broadcast_in_dim3A_281 : memref<16640xi32, #tpu.memory_space<vmem>>[vector<16xi32>], vector<16xi32>,
    %add3A_282 = arith.addi %add3A_256, %shift_left3A_268 : i32
    %get3A_283 = arith.constant 43 : i32
    %get3A_284 = arith.index_cast %get3A_283 : i32 to index
    %get3A_285 = memref.load %arg14[%get3A_284] : memref<64xi32, #tpu.memory_space<smem>>
    %swap3A_286 = arith.constant 11 : i32
    %swap3A_287 = arith.index_cast %swap3A_286 : i32 to index
    %swap3A_288 = memref.load %arg14[%swap3A_287] : memref<64xi32, #tpu.memory_space<smem>>
    memref.store %add3A_282, %arg14[%swap3A_287] : memref<64xi32, #tpu.memory_space<smem>>
    %add3A_289 = arith.constant 15 : i32
    %add3A_290 = arith.addi %get3A_285, %add3A_289 : i32
    %shift_right_logical3A_291 = arith.constant 4 : i32
    %shift_right_logical3A_292 = arith.shrui %add3A_290, %shift_right_logical3A_291 : i32
    %shift_left3A_293 = arith.constant 4 : i32
    %shift_left3A_294 = arith.shli %shift_right_logical3A_292, %shift_left3A_293 : i32
    %shift_right_logical3A_295 = arith.constant 4 : i32
    %shift_right_logical3A_296 = arith.shrui %shift_left3A_294, %shift_right_logical3A_295 : i32
    %swap3A_297 = arith.constant 27 : i32
    %swap3A_298 = arith.index_cast %swap3A_297 : i32 to index
    %swap3A_299 = memref.load %arg14[%swap3A_298] : memref<64xi32, #tpu.memory_space<smem>>
    memref.store %shift_right_logical3A_296, %arg14[%swap3A_298] : memref<64xi32, #tpu.memory_space<smem>>
    %swap3A_300 = arith.constant 43 : i32
    %swap3A_301 = arith.index_cast %swap3A_300 : i32 to index
    %swap3A_302 = memref.load %arg14[%swap3A_301] : memref<64xi32, #tpu.memory_space<smem>>
    memref.store %add3A_282, %arg14[%swap3A_301] : memref<64xi32, #tpu.memory_space<smem>>
    %add3A_303 = arith.addi %add3A_282, %get3A_285 : i32
    %add3A_304 = vector.broadcast %add3A_303 : i32 to vector<16xi32>
    %add3A_305 = arith.addi %add3A_304, %iota3A : vector<16xi32>
    %broadcast_in_dim3A_306 = arith.constant 134217728 : i32
    %broadcast_in_dim3A_307 = vector.broadcast %broadcast_in_dim3A_306 : i32 to vector<16xi32>
    tpu.vector_store_idx %arg6[%add3A_305], %broadcast_in_dim3A_307 : memref<16640xi32, #tpu.memory_space<vmem>>[vector<16xi32>], vector<16xi32>,
    %add3A_308 = arith.addi %add3A_282, %shift_left3A_294 : i32
    %get3A_309 = arith.constant 44 : i32
    %get3A_310 = arith.index_cast %get3A_309 : i32 to index
    %get3A_311 = memref.load %arg14[%get3A_310] : memref<64xi32, #tpu.memory_space<smem>>
    %swap3A_312 = arith.constant 12 : i32
    %swap3A_313 = arith.index_cast %swap3A_312 : i32 to index
    %swap3A_314 = memref.load %arg14[%swap3A_313] : memref<64xi32, #tpu.memory_space<smem>>
    memref.store %add3A_308, %arg14[%swap3A_313] : memref<64xi32, #tpu.memory_space<smem>>
    %add3A_315 = arith.constant 15 : i32
    %add3A_316 = arith.addi %get3A_311, %add3A_315 : i32
    %shift_right_logical3A_317 = arith.constant 4 : i32
    %shift_right_logical3A_318 = arith.shrui %add3A_316, %shift_right_logical3A_317 : i32
    %shift_left3A_319 = arith.constant 4 : i32
    %shift_left3A_320 = arith.shli %shift_right_logical3A_318, %shift_left3A_319 : i32
    %shift_right_logical3A_321 = arith.constant 4 : i32
    %shift_right_logical3A_322 = arith.shrui %shift_left3A_320, %shift_right_logical3A_321 : i32
    %swap3A_323 = arith.constant 28 : i32
    %swap3A_324 = arith.index_cast %swap3A_323 : i32 to index
    %swap3A_325 = memref.load %arg14[%swap3A_324] : memref<64xi32, #tpu.memory_space<smem>>
    memref.store %shift_right_logical3A_322, %arg14[%swap3A_324] : memref<64xi32, #tpu.memory_space<smem>>
    %swap3A_326 = arith.constant 44 : i32
    %swap3A_327 = arith.index_cast %swap3A_326 : i32 to index
    %swap3A_328 = memref.load %arg14[%swap3A_327] : memref<64xi32, #tpu.memory_space<smem>>
    memref.store %add3A_308, %arg14[%swap3A_327] : memref<64xi32, #tpu.memory_space<smem>>
    %add3A_329 = arith.addi %add3A_308, %get3A_311 : i32
    %add3A_330 = vector.broadcast %add3A_329 : i32 to vector<16xi32>
    %add3A_331 = arith.addi %add3A_330, %iota3A : vector<16xi32>
    %broadcast_in_dim3A_332 = arith.constant 134217728 : i32
    %broadcast_in_dim3A_333 = vector.broadcast %broadcast_in_dim3A_332 : i32 to vector<16xi32>
    tpu.vector_store_idx %arg6[%add3A_331], %broadcast_in_dim3A_333 : memref<16640xi32, #tpu.memory_space<vmem>>[vector<16xi32>], vector<16xi32>,
    %add3A_334 = arith.addi %add3A_308, %shift_left3A_320 : i32
    %get3A_335 = arith.constant 45 : i32
    %get3A_336 = arith.index_cast %get3A_335 : i32 to index
    %get3A_337 = memref.load %arg14[%get3A_336] : memref<64xi32, #tpu.memory_space<smem>>
    %swap3A_338 = arith.constant 13 : i32
    %swap3A_339 = arith.index_cast %swap3A_338 : i32 to index
    %swap3A_340 = memref.load %arg14[%swap3A_339] : memref<64xi32, #tpu.memory_space<smem>>
    memref.store %add3A_334, %arg14[%swap3A_339] : memref<64xi32, #tpu.memory_space<smem>>
    %add3A_341 = arith.constant 15 : i32
    %add3A_342 = arith.addi %get3A_337, %add3A_341 : i32
    %shift_right_logical3A_343 = arith.constant 4 : i32
    %shift_right_logical3A_344 = arith.shrui %add3A_342, %shift_right_logical3A_343 : i32
    %shift_left3A_345 = arith.constant 4 : i32
    %shift_left3A_346 = arith.shli %shift_right_logical3A_344, %shift_left3A_345 : i32
    %shift_right_logical3A_347 = arith.constant 4 : i32
    %shift_right_logical3A_348 = arith.shrui %shift_left3A_346, %shift_right_logical3A_347 : i32
    %swap3A_349 = arith.constant 29 : i32
    %swap3A_350 = arith.index_cast %swap3A_349 : i32 to index
    %swap3A_351 = memref.load %arg14[%swap3A_350] : memref<64xi32, #tpu.memory_space<smem>>
    memref.store %shift_right_logical3A_348, %arg14[%swap3A_350] : memref<64xi32, #tpu.memory_space<smem>>
    %swap3A_352 = arith.constant 45 : i32
    %swap3A_353 = arith.index_cast %swap3A_352 : i32 to index
    %swap3A_354 = memref.load %arg14[%swap3A_353] : memref<64xi32, #tpu.memory_space<smem>>
    memref.store %add3A_334, %arg14[%swap3A_353] : memref<64xi32, #tpu.memory_space<smem>>
    %add3A_355 = arith.addi %add3A_334, %get3A_337 : i32
    %add3A_356 = vector.broadcast %add3A_355 : i32 to vector<16xi32>
    %add3A_357 = arith.addi %add3A_356, %iota3A : vector<16xi32>
    %broadcast_in_dim3A_358 = arith.constant 134217728 : i32
    %broadcast_in_dim3A_359 = vector.broadcast %broadcast_in_dim3A_358 : i32 to vector<16xi32>
    tpu.vector_store_idx %arg6[%add3A_357], %broadcast_in_dim3A_359 : memref<16640xi32, #tpu.memory_space<vmem>>[vector<16xi32>], vector<16xi32>,
    %add3A_360 = arith.addi %add3A_334, %shift_left3A_346 : i32
    %get3A_361 = arith.constant 46 : i32
    %get3A_362 = arith.index_cast %get3A_361 : i32 to index
    %get3A_363 = memref.load %arg14[%get3A_362] : memref<64xi32, #tpu.memory_space<smem>>
    %swap3A_364 = arith.constant 14 : i32
    %swap3A_365 = arith.index_cast %swap3A_364 : i32 to index
    %swap3A_366 = memref.load %arg14[%swap3A_365] : memref<64xi32, #tpu.memory_space<smem>>
    memref.store %add3A_360, %arg14[%swap3A_365] : memref<64xi32, #tpu.memory_space<smem>>
    %add3A_367 = arith.constant 15 : i32
    %add3A_368 = arith.addi %get3A_363, %add3A_367 : i32
    %shift_right_logical3A_369 = arith.constant 4 : i32
    %shift_right_logical3A_370 = arith.shrui %add3A_368, %shift_right_logical3A_369 : i32
    %shift_left3A_371 = arith.constant 4 : i32
    %shift_left3A_372 = arith.shli %shift_right_logical3A_370, %shift_left3A_371 : i32
    %shift_right_logical3A_373 = arith.constant 4 : i32
    %shift_right_logical3A_374 = arith.shrui %shift_left3A_372, %shift_right_logical3A_373 : i32
    %swap3A_375 = arith.constant 30 : i32
    %swap3A_376 = arith.index_cast %swap3A_375 : i32 to index
    %swap3A_377 = memref.load %arg14[%swap3A_376] : memref<64xi32, #tpu.memory_space<smem>>
    memref.store %shift_right_logical3A_374, %arg14[%swap3A_376] : memref<64xi32, #tpu.memory_space<smem>>
    %swap3A_378 = arith.constant 46 : i32
    %swap3A_379 = arith.index_cast %swap3A_378 : i32 to index
    %swap3A_380 = memref.load %arg14[%swap3A_379] : memref<64xi32, #tpu.memory_space<smem>>
    memref.store %add3A_360, %arg14[%swap3A_379] : memref<64xi32, #tpu.memory_space<smem>>
    %add3A_381 = arith.addi %add3A_360, %get3A_363 : i32
    %add3A_382 = vector.broadcast %add3A_381 : i32 to vector<16xi32>
    %add3A_383 = arith.addi %add3A_382, %iota3A : vector<16xi32>
    %broadcast_in_dim3A_384 = arith.constant 134217728 : i32
    %broadcast_in_dim3A_385 = vector.broadcast %broadcast_in_dim3A_384 : i32 to vector<16xi32>
    tpu.vector_store_idx %arg6[%add3A_383], %broadcast_in_dim3A_385 : memref<16640xi32, #tpu.memory_space<vmem>>[vector<16xi32>], vector<16xi32>,
    %add3A_386 = arith.addi %add3A_360, %shift_left3A_372 : i32
    %get3A_387 = arith.constant 47 : i32
    %get3A_388 = arith.index_cast %get3A_387 : i32 to index
    %get3A_389 = memref.load %arg14[%get3A_388] : memref<64xi32, #tpu.memory_space<smem>>
    %swap3A_390 = arith.constant 15 : i32
    %swap3A_391 = arith.index_cast %swap3A_390 : i32 to index
    %swap3A_392 = memref.load %arg14[%swap3A_391] : memref<64xi32, #tpu.memory_space<smem>>
    memref.store %add3A_386, %arg14[%swap3A_391] : memref<64xi32, #tpu.memory_space<smem>>
    %add3A_393 = arith.constant 15 : i32
    %add3A_394 = arith.addi %get3A_389, %add3A_393 : i32
    %shift_right_logical3A_395 = arith.constant 4 : i32
    %shift_right_logical3A_396 = arith.shrui %add3A_394, %shift_right_logical3A_395 : i32
    %shift_left3A_397 = arith.constant 4 : i32
    %shift_left3A_398 = arith.shli %shift_right_logical3A_396, %shift_left3A_397 : i32
    %shift_right_logical3A_399 = arith.constant 4 : i32
    %shift_right_logical3A_400 = arith.shrui %shift_left3A_398, %shift_right_logical3A_399 : i32
    %swap3A_401 = arith.constant 31 : i32
    %swap3A_402 = arith.index_cast %swap3A_401 : i32 to index
    %swap3A_403 = memref.load %arg14[%swap3A_402] : memref<64xi32, #tpu.memory_space<smem>>
    memref.store %shift_right_logical3A_400, %arg14[%swap3A_402] : memref<64xi32, #tpu.memory_space<smem>>
    %swap3A_404 = arith.constant 47 : i32
    %swap3A_405 = arith.index_cast %swap3A_404 : i32 to index
    %swap3A_406 = memref.load %arg14[%swap3A_405] : memref<64xi32, #tpu.memory_space<smem>>
    memref.store %add3A_386, %arg14[%swap3A_405] : memref<64xi32, #tpu.memory_space<smem>>
    %add3A_407 = arith.addi %add3A_386, %get3A_389 : i32
    %add3A_408 = vector.broadcast %add3A_407 : i32 to vector<16xi32>
    %add3A_409 = arith.addi %add3A_408, %iota3A : vector<16xi32>
    %broadcast_in_dim3A_410 = arith.constant 134217728 : i32
    %broadcast_in_dim3A_411 = vector.broadcast %broadcast_in_dim3A_410 : i32 to vector<16xi32>
    tpu.vector_store_idx %arg6[%add3A_409], %broadcast_in_dim3A_411 : memref<16640xi32, #tpu.memory_space<vmem>>[vector<16xi32>], vector<16xi32>,
    %add3A_412 = arith.addi %add3A_386, %shift_left3A_398 : i32
    %get3A_413 = arith.constant 48 : i32
    %get3A_414 = arith.index_cast %get3A_413 : i32 to index
    %get3A_415 = memref.load %arg14[%get3A_414] : memref<64xi32, #tpu.memory_space<smem>>
    %swap3A_416 = arith.constant 16 : i32
    %swap3A_417 = arith.index_cast %swap3A_416 : i32 to index
    %swap3A_418 = memref.load %arg14[%swap3A_417] : memref<64xi32, #tpu.memory_space<smem>>
    memref.store %add3A_412, %arg14[%swap3A_417] : memref<64xi32, #tpu.memory_space<smem>>
    %add3A_419 = arith.constant 15 : i32
    %add3A_420 = arith.addi %get3A_415, %add3A_419 : i32
    %shift_right_logical3A_421 = arith.constant 4 : i32
    %shift_right_logical3A_422 = arith.shrui %add3A_420, %shift_right_logical3A_421 : i32
    %shift_left3A_423 = arith.constant 4 : i32
    %shift_left3A_424 = arith.shli %shift_right_logical3A_422, %shift_left3A_423 : i32
    %shift_right_logical3A_425 = arith.constant 4 : i32
    %shift_right_logical3A_426 = arith.shrui %shift_left3A_424, %shift_right_logical3A_425 : i32
    %swap3A_427 = arith.constant 32 : i32
    %swap3A_428 = arith.index_cast %swap3A_427 : i32 to index
    %swap3A_429 = memref.load %arg14[%swap3A_428] : memref<64xi32, #tpu.memory_space<smem>>
    memref.store %shift_right_logical3A_426, %arg14[%swap3A_428] : memref<64xi32, #tpu.memory_space<smem>>
    %swap3A_430 = arith.constant 48 : i32
    %swap3A_431 = arith.index_cast %swap3A_430 : i32 to index
    %swap3A_432 = memref.load %arg14[%swap3A_431] : memref<64xi32, #tpu.memory_space<smem>>
    memref.store %add3A_412, %arg14[%swap3A_431] : memref<64xi32, #tpu.memory_space<smem>>
    %add3A_433 = arith.addi %add3A_412, %get3A_415 : i32
    %add3A_434 = vector.broadcast %add3A_433 : i32 to vector<16xi32>
    %add3A_435 = arith.addi %add3A_434, %iota3A : vector<16xi32>
    %broadcast_in_dim3A_436 = arith.constant 134217728 : i32
    %broadcast_in_dim3A_437 = vector.broadcast %broadcast_in_dim3A_436 : i32 to vector<16xi32>
    tpu.vector_store_idx %arg6[%add3A_435], %broadcast_in_dim3A_437 : memref<16640xi32, #tpu.memory_space<vmem>>[vector<16xi32>], vector<16xi32>,
    %add3A_438 = arith.addi %add3A_412, %shift_left3A_424 : i32
    %get3A_439 = arith.constant 49 : i32
    %get3A_440 = arith.index_cast %get3A_439 : i32 to index
    %get3A_441 = memref.load %arg14[%get3A_440] : memref<64xi32, #tpu.memory_space<smem>>
    %swap3A_442 = arith.constant 17 : i32
    %swap3A_443 = arith.index_cast %swap3A_442 : i32 to index
    %swap3A_444 = memref.load %arg14[%swap3A_443] : memref<64xi32, #tpu.memory_space<smem>>
    memref.store %add3A_438, %arg14[%swap3A_443] : memref<64xi32, #tpu.memory_space<smem>>
    %add3A_445 = arith.constant 15 : i32
    %add3A_446 = arith.addi %get3A_441, %add3A_445 : i32
    %shift_right_logical3A_447 = arith.constant 4 : i32
    %shift_right_logical3A_448 = arith.shrui %add3A_446, %shift_right_logical3A_447 : i32
    %shift_left3A_449 = arith.constant 4 : i32
    %shift_left3A_450 = arith.shli %shift_right_logical3A_448, %shift_left3A_449 : i32
    %shift_right_logical3A_451 = arith.constant 4 : i32
    %shift_right_logical3A_452 = arith.shrui %shift_left3A_450, %shift_right_logical3A_451 : i32
    %swap3A_453 = arith.constant 33 : i32
    %swap3A_454 = arith.index_cast %swap3A_453 : i32 to index
    %swap3A_455 = memref.load %arg14[%swap3A_454] : memref<64xi32, #tpu.memory_space<smem>>
    memref.store %shift_right_logical3A_452, %arg14[%swap3A_454] : memref<64xi32, #tpu.memory_space<smem>>
    %swap3A_456 = arith.constant 49 : i32
    %swap3A_457 = arith.index_cast %swap3A_456 : i32 to index
    %swap3A_458 = memref.load %arg14[%swap3A_457] : memref<64xi32, #tpu.memory_space<smem>>
    memref.store %add3A_438, %arg14[%swap3A_457] : memref<64xi32, #tpu.memory_space<smem>>
    %add3A_459 = arith.addi %add3A_438, %get3A_441 : i32
    %add3A_460 = vector.broadcast %add3A_459 : i32 to vector<16xi32>
    %add3A_461 = arith.addi %add3A_460, %iota3A : vector<16xi32>
    %broadcast_in_dim3A_462 = arith.constant 134217728 : i32
    %broadcast_in_dim3A_463 = vector.broadcast %broadcast_in_dim3A_462 : i32 to vector<16xi32>
    tpu.vector_store_idx %arg6[%add3A_461], %broadcast_in_dim3A_463 : memref<16640xi32, #tpu.memory_space<vmem>>[vector<16xi32>], vector<16xi32>,
    %add3A_464 = arith.addi %add3A_438, %shift_left3A_450 : i32
    %get3A_465 = arith.constant 50 : i32
    %get3A_466 = arith.index_cast %get3A_465 : i32 to index
    %get3A_467 = memref.load %arg14[%get3A_466] : memref<64xi32, #tpu.memory_space<smem>>
    %swap3A_468 = arith.constant 18 : i32
    %swap3A_469 = arith.index_cast %swap3A_468 : i32 to index
    %swap3A_470 = memref.load %arg14[%swap3A_469] : memref<64xi32, #tpu.memory_space<smem>>
    memref.store %add3A_464, %arg14[%swap3A_469] : memref<64xi32, #tpu.memory_space<smem>>
    %add3A_471 = arith.constant 15 : i32
    %add3A_472 = arith.addi %get3A_467, %add3A_471 : i32
    %shift_right_logical3A_473 = arith.constant 4 : i32
    %shift_right_logical3A_474 = arith.shrui %add3A_472, %shift_right_logical3A_473 : i32
    %shift_left3A_475 = arith.constant 4 : i32
    %shift_left3A_476 = arith.shli %shift_right_logical3A_474, %shift_left3A_475 : i32
    %shift_right_logical3A_477 = arith.constant 4 : i32
    %shift_right_logical3A_478 = arith.shrui %shift_left3A_476, %shift_right_logical3A_477 : i32
    %swap3A_479 = arith.constant 34 : i32
    %swap3A_480 = arith.index_cast %swap3A_479 : i32 to index
    %swap3A_481 = memref.load %arg14[%swap3A_480] : memref<64xi32, #tpu.memory_space<smem>>
    memref.store %shift_right_logical3A_478, %arg14[%swap3A_480] : memref<64xi32, #tpu.memory_space<smem>>
    %swap3A_482 = arith.constant 50 : i32
    %swap3A_483 = arith.index_cast %swap3A_482 : i32 to index
    %swap3A_484 = memref.load %arg14[%swap3A_483] : memref<64xi32, #tpu.memory_space<smem>>
    memref.store %add3A_464, %arg14[%swap3A_483] : memref<64xi32, #tpu.memory_space<smem>>
    %add3A_485 = arith.addi %add3A_464, %get3A_467 : i32
    %add3A_486 = vector.broadcast %add3A_485 : i32 to vector<16xi32>
    %add3A_487 = arith.addi %add3A_486, %iota3A : vector<16xi32>
    %broadcast_in_dim3A_488 = arith.constant 134217728 : i32
    %broadcast_in_dim3A_489 = vector.broadcast %broadcast_in_dim3A_488 : i32 to vector<16xi32>
    tpu.vector_store_idx %arg6[%add3A_487], %broadcast_in_dim3A_489 : memref<16640xi32, #tpu.memory_space<vmem>>[vector<16xi32>], vector<16xi32>,
    %add3A_490 = arith.addi %add3A_464, %shift_left3A_476 : i32
    %get3A_491 = arith.constant 51 : i32
    %get3A_492 = arith.index_cast %get3A_491 : i32 to index
    %get3A_493 = memref.load %arg14[%get3A_492] : memref<64xi32, #tpu.memory_space<smem>>
    %swap3A_494 = arith.constant 19 : i32
    %swap3A_495 = arith.index_cast %swap3A_494 : i32 to index
    %swap3A_496 = memref.load %arg14[%swap3A_495] : memref<64xi32, #tpu.memory_space<smem>>
    memref.store %add3A_490, %arg14[%swap3A_495] : memref<64xi32, #tpu.memory_space<smem>>
    %add3A_497 = arith.constant 15 : i32
    %add3A_498 = arith.addi %get3A_493, %add3A_497 : i32
    %shift_right_logical3A_499 = arith.constant 4 : i32
    %shift_right_logical3A_500 = arith.shrui %add3A_498, %shift_right_logical3A_499 : i32
    %shift_left3A_501 = arith.constant 4 : i32
    %shift_left3A_502 = arith.shli %shift_right_logical3A_500, %shift_left3A_501 : i32
    %shift_right_logical3A_503 = arith.constant 4 : i32
    %shift_right_logical3A_504 = arith.shrui %shift_left3A_502, %shift_right_logical3A_503 : i32
    %swap3A_505 = arith.constant 35 : i32
    %swap3A_506 = arith.index_cast %swap3A_505 : i32 to index
    %swap3A_507 = memref.load %arg14[%swap3A_506] : memref<64xi32, #tpu.memory_space<smem>>
    memref.store %shift_right_logical3A_504, %arg14[%swap3A_506] : memref<64xi32, #tpu.memory_space<smem>>
    %swap3A_508 = arith.constant 51 : i32
    %swap3A_509 = arith.index_cast %swap3A_508 : i32 to index
    %swap3A_510 = memref.load %arg14[%swap3A_509] : memref<64xi32, #tpu.memory_space<smem>>
    memref.store %add3A_490, %arg14[%swap3A_509] : memref<64xi32, #tpu.memory_space<smem>>
    %add3A_511 = arith.addi %add3A_490, %get3A_493 : i32
    %add3A_512 = vector.broadcast %add3A_511 : i32 to vector<16xi32>
    %add3A_513 = arith.addi %add3A_512, %iota3A : vector<16xi32>
    %broadcast_in_dim3A_514 = arith.constant 134217728 : i32
    %broadcast_in_dim3A_515 = vector.broadcast %broadcast_in_dim3A_514 : i32 to vector<16xi32>
    tpu.vector_store_idx %arg6[%add3A_513], %broadcast_in_dim3A_515 : memref<16640xi32, #tpu.memory_space<vmem>>[vector<16xi32>], vector<16xi32>,
    %add3A_516 = arith.addi %add3A_490, %shift_left3A_502 : i32
    %get3A_517 = arith.constant 52 : i32
    %get3A_518 = arith.index_cast %get3A_517 : i32 to index
    %get3A_519 = memref.load %arg14[%get3A_518] : memref<64xi32, #tpu.memory_space<smem>>
    %swap3A_520 = arith.constant 20 : i32
    %swap3A_521 = arith.index_cast %swap3A_520 : i32 to index
    %swap3A_522 = memref.load %arg14[%swap3A_521] : memref<64xi32, #tpu.memory_space<smem>>
    memref.store %add3A_516, %arg14[%swap3A_521] : memref<64xi32, #tpu.memory_space<smem>>
    %add3A_523 = arith.constant 15 : i32
    %add3A_524 = arith.addi %get3A_519, %add3A_523 : i32
    %shift_right_logical3A_525 = arith.constant 4 : i32
    %shift_right_logical3A_526 = arith.shrui %add3A_524, %shift_right_logical3A_525 : i32
    %shift_left3A_527 = arith.constant 4 : i32
    %shift_left3A_528 = arith.shli %shift_right_logical3A_526, %shift_left3A_527 : i32
    %shift_right_logical3A_529 = arith.constant 4 : i32
    %shift_right_logical3A_530 = arith.shrui %shift_left3A_528, %shift_right_logical3A_529 : i32
    %swap3A_531 = arith.constant 36 : i32
    %swap3A_532 = arith.index_cast %swap3A_531 : i32 to index
    %swap3A_533 = memref.load %arg14[%swap3A_532] : memref<64xi32, #tpu.memory_space<smem>>
    memref.store %shift_right_logical3A_530, %arg14[%swap3A_532] : memref<64xi32, #tpu.memory_space<smem>>
    %swap3A_534 = arith.constant 52 : i32
    %swap3A_535 = arith.index_cast %swap3A_534 : i32 to index
    %swap3A_536 = memref.load %arg14[%swap3A_535] : memref<64xi32, #tpu.memory_space<smem>>
    memref.store %add3A_516, %arg14[%swap3A_535] : memref<64xi32, #tpu.memory_space<smem>>
    %add3A_537 = arith.addi %add3A_516, %get3A_519 : i32
    %add3A_538 = vector.broadcast %add3A_537 : i32 to vector<16xi32>
    %add3A_539 = arith.addi %add3A_538, %iota3A : vector<16xi32>
    %broadcast_in_dim3A_540 = arith.constant 134217728 : i32
    %broadcast_in_dim3A_541 = vector.broadcast %broadcast_in_dim3A_540 : i32 to vector<16xi32>
    tpu.vector_store_idx %arg6[%add3A_539], %broadcast_in_dim3A_541 : memref<16640xi32, #tpu.memory_space<vmem>>[vector<16xi32>], vector<16xi32>,
    %add3A_542 = arith.addi %add3A_516, %shift_left3A_528 : i32
    %get3A_543 = arith.constant 53 : i32
    %get3A_544 = arith.index_cast %get3A_543 : i32 to index
    %get3A_545 = memref.load %arg14[%get3A_544] : memref<64xi32, #tpu.memory_space<smem>>
    %swap3A_546 = arith.constant 21 : i32
    %swap3A_547 = arith.index_cast %swap3A_546 : i32 to index
    %swap3A_548 = memref.load %arg14[%swap3A_547] : memref<64xi32, #tpu.memory_space<smem>>
    memref.store %add3A_542, %arg14[%swap3A_547] : memref<64xi32, #tpu.memory_space<smem>>
    %add3A_549 = arith.constant 15 : i32
    %add3A_550 = arith.addi %get3A_545, %add3A_549 : i32
    %shift_right_logical3A_551 = arith.constant 4 : i32
    %shift_right_logical3A_552 = arith.shrui %add3A_550, %shift_right_logical3A_551 : i32
    %shift_left3A_553 = arith.constant 4 : i32
    %shift_left3A_554 = arith.shli %shift_right_logical3A_552, %shift_left3A_553 : i32
    %shift_right_logical3A_555 = arith.constant 4 : i32
    %shift_right_logical3A_556 = arith.shrui %shift_left3A_554, %shift_right_logical3A_555 : i32
    %swap3A_557 = arith.constant 37 : i32
    %swap3A_558 = arith.index_cast %swap3A_557 : i32 to index
    %swap3A_559 = memref.load %arg14[%swap3A_558] : memref<64xi32, #tpu.memory_space<smem>>
    memref.store %shift_right_logical3A_556, %arg14[%swap3A_558] : memref<64xi32, #tpu.memory_space<smem>>
    %swap3A_560 = arith.constant 53 : i32
    %swap3A_561 = arith.index_cast %swap3A_560 : i32 to index
    %swap3A_562 = memref.load %arg14[%swap3A_561] : memref<64xi32, #tpu.memory_space<smem>>
    memref.store %add3A_542, %arg14[%swap3A_561] : memref<64xi32, #tpu.memory_space<smem>>
    %add3A_563 = arith.addi %add3A_542, %get3A_545 : i32
    %add3A_564 = vector.broadcast %add3A_563 : i32 to vector<16xi32>
    %add3A_565 = arith.addi %add3A_564, %iota3A : vector<16xi32>
    %broadcast_in_dim3A_566 = arith.constant 134217728 : i32
    %broadcast_in_dim3A_567 = vector.broadcast %broadcast_in_dim3A_566 : i32 to vector<16xi32>
    tpu.vector_store_idx %arg6[%add3A_565], %broadcast_in_dim3A_567 : memref<16640xi32, #tpu.memory_space<vmem>>[vector<16xi32>], vector<16xi32>,
    %add3A_568 = arith.addi %add3A_542, %shift_left3A_554 : i32
    %get3A_569 = arith.constant 54 : i32
    %get3A_570 = arith.index_cast %get3A_569 : i32 to index
    %get3A_571 = memref.load %arg14[%get3A_570] : memref<64xi32, #tpu.memory_space<smem>>
    %swap3A_572 = arith.constant 22 : i32
    %swap3A_573 = arith.index_cast %swap3A_572 : i32 to index
    %swap3A_574 = memref.load %arg14[%swap3A_573] : memref<64xi32, #tpu.memory_space<smem>>
    memref.store %add3A_568, %arg14[%swap3A_573] : memref<64xi32, #tpu.memory_space<smem>>
    %add3A_575 = arith.constant 15 : i32
    %add3A_576 = arith.addi %get3A_571, %add3A_575 : i32
    %shift_right_logical3A_577 = arith.constant 4 : i32
    %shift_right_logical3A_578 = arith.shrui %add3A_576, %shift_right_logical3A_577 : i32
    %shift_left3A_579 = arith.constant 4 : i32
    %shift_left3A_580 = arith.shli %shift_right_logical3A_578, %shift_left3A_579 : i32
    %shift_right_logical3A_581 = arith.constant 4 : i32
    %shift_right_logical3A_582 = arith.shrui %shift_left3A_580, %shift_right_logical3A_581 : i32
    %swap3A_583 = arith.constant 38 : i32
    %swap3A_584 = arith.index_cast %swap3A_583 : i32 to index
    %swap3A_585 = memref.load %arg14[%swap3A_584] : memref<64xi32, #tpu.memory_space<smem>>
    memref.store %shift_right_logical3A_582, %arg14[%swap3A_584] : memref<64xi32, #tpu.memory_space<smem>>
    %swap3A_586 = arith.constant 54 : i32
    %swap3A_587 = arith.index_cast %swap3A_586 : i32 to index
    %swap3A_588 = memref.load %arg14[%swap3A_587] : memref<64xi32, #tpu.memory_space<smem>>
    memref.store %add3A_568, %arg14[%swap3A_587] : memref<64xi32, #tpu.memory_space<smem>>
    %add3A_589 = arith.addi %add3A_568, %get3A_571 : i32
    %add3A_590 = vector.broadcast %add3A_589 : i32 to vector<16xi32>
    %add3A_591 = arith.addi %add3A_590, %iota3A : vector<16xi32>
    %broadcast_in_dim3A_592 = arith.constant 134217728 : i32
    %broadcast_in_dim3A_593 = vector.broadcast %broadcast_in_dim3A_592 : i32 to vector<16xi32>
    tpu.vector_store_idx %arg6[%add3A_591], %broadcast_in_dim3A_593 : memref<16640xi32, #tpu.memory_space<vmem>>[vector<16xi32>], vector<16xi32>,
    %add3A_594 = arith.addi %add3A_568, %shift_left3A_580 : i32
    %get3A_595 = arith.constant 55 : i32
    %get3A_596 = arith.index_cast %get3A_595 : i32 to index
    %get3A_597 = memref.load %arg14[%get3A_596] : memref<64xi32, #tpu.memory_space<smem>>
    %swap3A_598 = arith.constant 23 : i32
    %swap3A_599 = arith.index_cast %swap3A_598 : i32 to index
    %swap3A_600 = memref.load %arg14[%swap3A_599] : memref<64xi32, #tpu.memory_space<smem>>
    memref.store %add3A_594, %arg14[%swap3A_599] : memref<64xi32, #tpu.memory_space<smem>>
    %add3A_601 = arith.constant 15 : i32
    %add3A_602 = arith.addi %get3A_597, %add3A_601 : i32
    %shift_right_logical3A_603 = arith.constant 4 : i32
    %shift_right_logical3A_604 = arith.shrui %add3A_602, %shift_right_logical3A_603 : i32
    %shift_left3A_605 = arith.constant 4 : i32
    %shift_left3A_606 = arith.shli %shift_right_logical3A_604, %shift_left3A_605 : i32
    %shift_right_logical3A_607 = arith.constant 4 : i32
    %shift_right_logical3A_608 = arith.shrui %shift_left3A_606, %shift_right_logical3A_607 : i32
    %swap3A_609 = arith.constant 39 : i32
    %swap3A_610 = arith.index_cast %swap3A_609 : i32 to index
    %swap3A_611 = memref.load %arg14[%swap3A_610] : memref<64xi32, #tpu.memory_space<smem>>
    memref.store %shift_right_logical3A_608, %arg14[%swap3A_610] : memref<64xi32, #tpu.memory_space<smem>>
    %swap3A_612 = arith.constant 55 : i32
    %swap3A_613 = arith.index_cast %swap3A_612 : i32 to index
    %swap3A_614 = memref.load %arg14[%swap3A_613] : memref<64xi32, #tpu.memory_space<smem>>
    memref.store %add3A_594, %arg14[%swap3A_613] : memref<64xi32, #tpu.memory_space<smem>>
    %add3A_615 = arith.addi %add3A_594, %get3A_597 : i32
    %add3A_616 = vector.broadcast %add3A_615 : i32 to vector<16xi32>
    %add3A_617 = arith.addi %add3A_616, %iota3A : vector<16xi32>
    %broadcast_in_dim3A_618 = arith.constant 134217728 : i32
    %broadcast_in_dim3A_619 = vector.broadcast %broadcast_in_dim3A_618 : i32 to vector<16xi32>
    tpu.vector_store_idx %arg6[%add3A_617], %broadcast_in_dim3A_619 : memref<16640xi32, #tpu.memory_space<vmem>>[vector<16xi32>], vector<16xi32>,
    %add3A_620 = arith.addi %add3A_594, %shift_left3A_606 : i32
    %while3A_621 = arith.constant 0 : i32
    %while3A_622 = arith.constant 0 : i32
    %while3A_623 = arith.subi %shift_right_logical3A_114, %while3A_622 : i32
    %while3A_624 = arith.addi %while3A_622, %while3A_623 : i32
    %while3A_625 = arith.constant 1 : i32
    %while3A_626 = arith.divsi %while3A_623, %while3A_625 : i32
    %while3A_627 = arith.muli %while3A_626, %while3A_625 : i32
    %while3A_628 = arith.addi %while3A_622, %while3A_627 : i32
    %while3A_629 = arith.constant 1 : i32
    scf.for %while3A_668 = %while3A_622 to %while3A_628 step %while3A_629  : i32 {
      %mul3A_669 = arith.constant 16 : i32
      %mul3A_670 = arith.muli %mul3A_669, %while3A_668 : i32
      %get3A_671 = arith.index_cast %mul3A_670 : i32 to index
      %get3A_672 = tpu.vector_load %arg7[%get3A_671] {strides = array<i32>} : memref<16640xi32, #tpu.memory_space<vmem>>, vector<16xi32>,
      %mul3A_673 = arith.constant 16 : i32
      %mul3A_674 = arith.muli %mul3A_673, %while3A_668 : i32
      %get3A_675 = arith.index_cast %mul3A_674 : i32 to index
      %get3A_676 = tpu.vector_load %arg8[%get3A_675] {strides = array<i32>} : memref<16640xi32, #tpu.memory_space<vmem>>, vector<16xi32>,
      %mul3A_677 = arith.constant 16 : i32
      %mul3A_678 = arith.muli %mul3A_677, %while3A_668 : i32
      %add3A_679 = vector.broadcast %mul3A_678 : i32 to vector<16xi32>
      %add3A_680 = arith.addi %add3A_679, %iota3A : vector<16xi32>
      %lt3A = vector.broadcast %get3A_111 : i32 to vector<16xi32>
      %lt3A_681 = arith.cmpi slt, %add3A_680, %lt3A : vector<16xi32>
      %sub3A_682 = vector.broadcast %mul3A_6 : i32 to vector<16xi32>
      %sub3A_683 = arith.subi %get3A_672, %sub3A_682 : vector<16xi32>
      %shift_right_logical3A_684 = arith.constant 11 : i32
      %shift_right_logical3A_685 = vector.broadcast %shift_right_logical3A_684 : i32 to vector<16xi32>
      %shift_right_logical3A_686 = arith.shrui %sub3A_683, %shift_right_logical3A_685 : vector<16xi32>
      %eq3A = arith.constant 0 : i32
      %eq3A_687 = vector.broadcast %eq3A : i32 to vector<16xi32>
      %eq3A_688 = arith.cmpi eq, %shift_right_logical3A_686, %eq3A_687 : vector<16xi32>
      %and3A_689 = arith.andi %lt3A_681, %eq3A_688 : vector<16xi1>
      %convert_element_type3A_690 = arith.extui %and3A_689 : vector<16xi1> to vector<16xi32>
      %broadcast_in_dim3A_691 = arith.constant true
      %broadcast_in_dim3A_692 = vector.broadcast %broadcast_in_dim3A_691 : i1 to vector<16xi1>
      %masked_cumsum3A = tpu.scan <sum>, %convert_element_type3A_690 masked %broadcast_in_dim3A_692 : vector<16xi32>, vector<16xi1> -> vector<16xi32>
      %get3A_693 = arith.constant 40 : i32
      %get3A_694 = arith.index_cast %get3A_693 : i32 to index
      %get3A_695 = memref.load %arg14[%get3A_694] : memref<64xi32, #tpu.memory_space<smem>>
      %add3A_696 = vector.broadcast %get3A_695 : i32 to vector<16xi32>
      %add3A_697 = arith.addi %add3A_696, %masked_cumsum3A : vector<16xi32>
      %sub3A_698 = arith.constant 1 : i32
      %sub3A_699 = vector.broadcast %sub3A_698 : i32 to vector<16xi32>
      %sub3A_700 = arith.subi %add3A_697, %sub3A_699 : vector<16xi32>
      tpu.vector_store_idx %arg6[%sub3A_700], %get3A_672 masked %and3A_689 : memref<16640xi32, #tpu.memory_space<vmem>>[vector<16xi32>], vector<16xi32>, vector<16xi1>
      tpu.vector_store_idx %arg9[%sub3A_700], %get3A_676 masked %and3A_689 : memref<16640xi32, #tpu.memory_space<vmem>>[vector<16xi32>], vector<16xi32>, vector<16xi1>
      %get3A_701 = arith.constant 40 : i32
      %get3A_702 = arith.index_cast %get3A_701 : i32 to index
      %get3A_703 = memref.load %arg14[%get3A_702] : memref<64xi32, #tpu.memory_space<smem>>
      %reduce_max3A = arith.constant true
      %reduce_max3A_704 = vector.broadcast %reduce_max3A : i1 to vector<16xi1>
      %reduce_max3A_705 = arith.constant -2147483648 : i32
      %reduce_max3A_706 = vector.broadcast %reduce_max3A_705 : i32 to vector<16xi32>
      %reduce_max3A_707 = arith.xori %masked_cumsum3A, %reduce_max3A_706 : vector<16xi32>
      %reduce_max3A_708 = tpu.scan <max>, %reduce_max3A_707 masked %reduce_max3A_704 : vector<16xi32>, vector<16xi1> -> vector<16xi32>
      %reduce_max3A_709 = arith.xori %reduce_max3A_708, %reduce_max3A_706 : vector<16xi32>
      %reduce_max3A_710 = vector.extract %reduce_max3A_709[15] : i32 from vector<16xi32>
      %add3A_711 = arith.addi %get3A_703, %reduce_max3A_710 : i32
      %swap3A_712 = arith.constant 40 : i32
      %swap3A_713 = arith.index_cast %swap3A_712 : i32 to index
      %swap3A_714 = memref.load %arg14[%swap3A_713] : memref<64xi32, #tpu.memory_space<smem>>
      memref.store %add3A_711, %arg14[%swap3A_713] : memref<64xi32, #tpu.memory_space<smem>>
      %eq3A_715 = arith.constant 1 : i32
      %eq3A_716 = vector.broadcast %eq3A_715 : i32 to vector<16xi32>
      %eq3A_717 = arith.cmpi eq, %shift_right_logical3A_686, %eq3A_716 : vector<16xi32>
      %and3A_718 = arith.andi %lt3A_681, %eq3A_717 : vector<16xi1>
      %convert_element_type3A_719 = arith.extui %and3A_718 : vector<16xi1> to vector<16xi32>
      %broadcast_in_dim3A_720 = arith.constant true
      %broadcast_in_dim3A_721 = vector.broadcast %broadcast_in_dim3A_720 : i1 to vector<16xi1>
      %masked_cumsum3A_722 = tpu.scan <sum>, %convert_element_type3A_719 masked %broadcast_in_dim3A_721 : vector<16xi32>, vector<16xi1> -> vector<16xi32>
      %get3A_723 = arith.constant 41 : i32
      %get3A_724 = arith.index_cast %get3A_723 : i32 to index
      %get3A_725 = memref.load %arg14[%get3A_724] : memref<64xi32, #tpu.memory_space<smem>>
      %add3A_726 = vector.broadcast %get3A_725 : i32 to vector<16xi32>
      %add3A_727 = arith.addi %add3A_726, %masked_cumsum3A_722 : vector<16xi32>
      %sub3A_728 = arith.constant 1 : i32
      %sub3A_729 = vector.broadcast %sub3A_728 : i32 to vector<16xi32>
      %sub3A_730 = arith.subi %add3A_727, %sub3A_729 : vector<16xi32>
      tpu.vector_store_idx %arg6[%sub3A_730], %get3A_672 masked %and3A_718 : memref<16640xi32, #tpu.memory_space<vmem>>[vector<16xi32>], vector<16xi32>, vector<16xi1>
      tpu.vector_store_idx %arg9[%sub3A_730], %get3A_676 masked %and3A_718 : memref<16640xi32, #tpu.memory_space<vmem>>[vector<16xi32>], vector<16xi32>, vector<16xi1>
      %get3A_731 = arith.constant 41 : i32
      %get3A_732 = arith.index_cast %get3A_731 : i32 to index
      %get3A_733 = memref.load %arg14[%get3A_732] : memref<64xi32, #tpu.memory_space<smem>>
      %reduce_max3A_734 = arith.constant true
      %reduce_max3A_735 = vector.broadcast %reduce_max3A_734 : i1 to vector<16xi1>
      %reduce_max3A_736 = arith.constant -2147483648 : i32
      %reduce_max3A_737 = vector.broadcast %reduce_max3A_736 : i32 to vector<16xi32>
      %reduce_max3A_738 = arith.xori %masked_cumsum3A_722, %reduce_max3A_737 : vector<16xi32>
      %reduce_max3A_739 = tpu.scan <max>, %reduce_max3A_738 masked %reduce_max3A_735 : vector<16xi32>, vector<16xi1> -> vector<16xi32>
      %reduce_max3A_740 = arith.xori %reduce_max3A_739, %reduce_max3A_737 : vector<16xi32>
      %reduce_max3A_741 = vector.extract %reduce_max3A_740[15] : i32 from vector<16xi32>
      %add3A_742 = arith.addi %get3A_733, %reduce_max3A_741 : i32
      %swap3A_743 = arith.constant 41 : i32
      %swap3A_744 = arith.index_cast %swap3A_743 : i32 to index
      %swap3A_745 = memref.load %arg14[%swap3A_744] : memref<64xi32, #tpu.memory_space<smem>>
      memref.store %add3A_742, %arg14[%swap3A_744] : memref<64xi32, #tpu.memory_space<smem>>
      %eq3A_746 = arith.constant 2 : i32
      %eq3A_747 = vector.broadcast %eq3A_746 : i32 to vector<16xi32>
      %eq3A_748 = arith.cmpi eq, %shift_right_logical3A_686, %eq3A_747 : vector<16xi32>
      %and3A_749 = arith.andi %lt3A_681, %eq3A_748 : vector<16xi1>
      %convert_element_type3A_750 = arith.extui %and3A_749 : vector<16xi1> to vector<16xi32>
      %broadcast_in_dim3A_751 = arith.constant true
      %broadcast_in_dim3A_752 = vector.broadcast %broadcast_in_dim3A_751 : i1 to vector<16xi1>
      %masked_cumsum3A_753 = tpu.scan <sum>, %convert_element_type3A_750 masked %broadcast_in_dim3A_752 : vector<16xi32>, vector<16xi1> -> vector<16xi32>
      %get3A_754 = arith.constant 42 : i32
      %get3A_755 = arith.index_cast %get3A_754 : i32 to index
      %get3A_756 = memref.load %arg14[%get3A_755] : memref<64xi32, #tpu.memory_space<smem>>
      %add3A_757 = vector.broadcast %get3A_756 : i32 to vector<16xi32>
      %add3A_758 = arith.addi %add3A_757, %masked_cumsum3A_753 : vector<16xi32>
      %sub3A_759 = arith.constant 1 : i32
      %sub3A_760 = vector.broadcast %sub3A_759 : i32 to vector<16xi32>
      %sub3A_761 = arith.subi %add3A_758, %sub3A_760 : vector<16xi32>
      tpu.vector_store_idx %arg6[%sub3A_761], %get3A_672 masked %and3A_749 : memref<16640xi32, #tpu.memory_space<vmem>>[vector<16xi32>], vector<16xi32>, vector<16xi1>
      tpu.vector_store_idx %arg9[%sub3A_761], %get3A_676 masked %and3A_749 : memref<16640xi32, #tpu.memory_space<vmem>>[vector<16xi32>], vector<16xi32>, vector<16xi1>
      %get3A_762 = arith.constant 42 : i32
      %get3A_763 = arith.index_cast %get3A_762 : i32 to index
      %get3A_764 = memref.load %arg14[%get3A_763] : memref<64xi32, #tpu.memory_space<smem>>
      %reduce_max3A_765 = arith.constant true
      %reduce_max3A_766 = vector.broadcast %reduce_max3A_765 : i1 to vector<16xi1>
      %reduce_max3A_767 = arith.constant -2147483648 : i32
      %reduce_max3A_768 = vector.broadcast %reduce_max3A_767 : i32 to vector<16xi32>
      %reduce_max3A_769 = arith.xori %masked_cumsum3A_753, %reduce_max3A_768 : vector<16xi32>
      %reduce_max3A_770 = tpu.scan <max>, %reduce_max3A_769 masked %reduce_max3A_766 : vector<16xi32>, vector<16xi1> -> vector<16xi32>
      %reduce_max3A_771 = arith.xori %reduce_max3A_770, %reduce_max3A_768 : vector<16xi32>
      %reduce_max3A_772 = vector.extract %reduce_max3A_771[15] : i32 from vector<16xi32>
      %add3A_773 = arith.addi %get3A_764, %reduce_max3A_772 : i32
      %swap3A_774 = arith.constant 42 : i32
      %swap3A_775 = arith.index_cast %swap3A_774 : i32 to index
      %swap3A_776 = memref.load %arg14[%swap3A_775] : memref<64xi32, #tpu.memory_space<smem>>
      memref.store %add3A_773, %arg14[%swap3A_775] : memref<64xi32, #tpu.memory_space<smem>>
      %eq3A_777 = arith.constant 3 : i32
      %eq3A_778 = vector.broadcast %eq3A_777 : i32 to vector<16xi32>
      %eq3A_779 = arith.cmpi eq, %shift_right_logical3A_686, %eq3A_778 : vector<16xi32>
      %and3A_780 = arith.andi %lt3A_681, %eq3A_779 : vector<16xi1>
      %convert_element_type3A_781 = arith.extui %and3A_780 : vector<16xi1> to vector<16xi32>
      %broadcast_in_dim3A_782 = arith.constant true
      %broadcast_in_dim3A_783 = vector.broadcast %broadcast_in_dim3A_782 : i1 to vector<16xi1>
      %masked_cumsum3A_784 = tpu.scan <sum>, %convert_element_type3A_781 masked %broadcast_in_dim3A_783 : vector<16xi32>, vector<16xi1> -> vector<16xi32>
      %get3A_785 = arith.constant 43 : i32
      %get3A_786 = arith.index_cast %get3A_785 : i32 to index
      %get3A_787 = memref.load %arg14[%get3A_786] : memref<64xi32, #tpu.memory_space<smem>>
      %add3A_788 = vector.broadcast %get3A_787 : i32 to vector<16xi32>
      %add3A_789 = arith.addi %add3A_788, %masked_cumsum3A_784 : vector<16xi32>
      %sub3A_790 = arith.constant 1 : i32
      %sub3A_791 = vector.broadcast %sub3A_790 : i32 to vector<16xi32>
      %sub3A_792 = arith.subi %add3A_789, %sub3A_791 : vector<16xi32>
      tpu.vector_store_idx %arg6[%sub3A_792], %get3A_672 masked %and3A_780 : memref<16640xi32, #tpu.memory_space<vmem>>[vector<16xi32>], vector<16xi32>, vector<16xi1>
      tpu.vector_store_idx %arg9[%sub3A_792], %get3A_676 masked %and3A_780 : memref<16640xi32, #tpu.memory_space<vmem>>[vector<16xi32>], vector<16xi32>, vector<16xi1>
      %get3A_793 = arith.constant 43 : i32
      %get3A_794 = arith.index_cast %get3A_793 : i32 to index
      %get3A_795 = memref.load %arg14[%get3A_794] : memref<64xi32, #tpu.memory_space<smem>>
      %reduce_max3A_796 = arith.constant true
      %reduce_max3A_797 = vector.broadcast %reduce_max3A_796 : i1 to vector<16xi1>
      %reduce_max3A_798 = arith.constant -2147483648 : i32
      %reduce_max3A_799 = vector.broadcast %reduce_max3A_798 : i32 to vector<16xi32>
      %reduce_max3A_800 = arith.xori %masked_cumsum3A_784, %reduce_max3A_799 : vector<16xi32>
      %reduce_max3A_801 = tpu.scan <max>, %reduce_max3A_800 masked %reduce_max3A_797 : vector<16xi32>, vector<16xi1> -> vector<16xi32>
      %reduce_max3A_802 = arith.xori %reduce_max3A_801, %reduce_max3A_799 : vector<16xi32>
      %reduce_max3A_803 = vector.extract %reduce_max3A_802[15] : i32 from vector<16xi32>
      %add3A_804 = arith.addi %get3A_795, %reduce_max3A_803 : i32
      %swap3A_805 = arith.constant 43 : i32
      %swap3A_806 = arith.index_cast %swap3A_805 : i32 to index
      %swap3A_807 = memref.load %arg14[%swap3A_806] : memref<64xi32, #tpu.memory_space<smem>>
      memref.store %add3A_804, %arg14[%swap3A_806] : memref<64xi32, #tpu.memory_space<smem>>
      %eq3A_808 = arith.constant 4 : i32
      %eq3A_809 = vector.broadcast %eq3A_808 : i32 to vector<16xi32>
      %eq3A_810 = arith.cmpi eq, %shift_right_logical3A_686, %eq3A_809 : vector<16xi32>
      %and3A_811 = arith.andi %lt3A_681, %eq3A_810 : vector<16xi1>
      %convert_element_type3A_812 = arith.extui %and3A_811 : vector<16xi1> to vector<16xi32>
      %broadcast_in_dim3A_813 = arith.constant true
      %broadcast_in_dim3A_814 = vector.broadcast %broadcast_in_dim3A_813 : i1 to vector<16xi1>
      %masked_cumsum3A_815 = tpu.scan <sum>, %convert_element_type3A_812 masked %broadcast_in_dim3A_814 : vector<16xi32>, vector<16xi1> -> vector<16xi32>
      %get3A_816 = arith.constant 44 : i32
      %get3A_817 = arith.index_cast %get3A_816 : i32 to index
      %get3A_818 = memref.load %arg14[%get3A_817] : memref<64xi32, #tpu.memory_space<smem>>
      %add3A_819 = vector.broadcast %get3A_818 : i32 to vector<16xi32>
      %add3A_820 = arith.addi %add3A_819, %masked_cumsum3A_815 : vector<16xi32>
      %sub3A_821 = arith.constant 1 : i32
      %sub3A_822 = vector.broadcast %sub3A_821 : i32 to vector<16xi32>
      %sub3A_823 = arith.subi %add3A_820, %sub3A_822 : vector<16xi32>
      tpu.vector_store_idx %arg6[%sub3A_823], %get3A_672 masked %and3A_811 : memref<16640xi32, #tpu.memory_space<vmem>>[vector<16xi32>], vector<16xi32>, vector<16xi1>
      tpu.vector_store_idx %arg9[%sub3A_823], %get3A_676 masked %and3A_811 : memref<16640xi32, #tpu.memory_space<vmem>>[vector<16xi32>], vector<16xi32>, vector<16xi1>
      %get3A_824 = arith.constant 44 : i32
      %get3A_825 = arith.index_cast %get3A_824 : i32 to index
      %get3A_826 = memref.load %arg14[%get3A_825] : memref<64xi32, #tpu.memory_space<smem>>
      %reduce_max3A_827 = arith.constant true
      %reduce_max3A_828 = vector.broadcast %reduce_max3A_827 : i1 to vector<16xi1>
      %reduce_max3A_829 = arith.constant -2147483648 : i32
      %reduce_max3A_830 = vector.broadcast %reduce_max3A_829 : i32 to vector<16xi32>
      %reduce_max3A_831 = arith.xori %masked_cumsum3A_815, %reduce_max3A_830 : vector<16xi32>
      %reduce_max3A_832 = tpu.scan <max>, %reduce_max3A_831 masked %reduce_max3A_828 : vector<16xi32>, vector<16xi1> -> vector<16xi32>
      %reduce_max3A_833 = arith.xori %reduce_max3A_832, %reduce_max3A_830 : vector<16xi32>
      %reduce_max3A_834 = vector.extract %reduce_max3A_833[15] : i32 from vector<16xi32>
      %add3A_835 = arith.addi %get3A_826, %reduce_max3A_834 : i32
      %swap3A_836 = arith.constant 44 : i32
      %swap3A_837 = arith.index_cast %swap3A_836 : i32 to index
      %swap3A_838 = memref.load %arg14[%swap3A_837] : memref<64xi32, #tpu.memory_space<smem>>
      memref.store %add3A_835, %arg14[%swap3A_837] : memref<64xi32, #tpu.memory_space<smem>>
      %eq3A_839 = arith.constant 5 : i32
      %eq3A_840 = vector.broadcast %eq3A_839 : i32 to vector<16xi32>
      %eq3A_841 = arith.cmpi eq, %shift_right_logical3A_686, %eq3A_840 : vector<16xi32>
      %and3A_842 = arith.andi %lt3A_681, %eq3A_841 : vector<16xi1>
      %convert_element_type3A_843 = arith.extui %and3A_842 : vector<16xi1> to vector<16xi32>
      %broadcast_in_dim3A_844 = arith.constant true
      %broadcast_in_dim3A_845 = vector.broadcast %broadcast_in_dim3A_844 : i1 to vector<16xi1>
      %masked_cumsum3A_846 = tpu.scan <sum>, %convert_element_type3A_843 masked %broadcast_in_dim3A_845 : vector<16xi32>, vector<16xi1> -> vector<16xi32>
      %get3A_847 = arith.constant 45 : i32
      %get3A_848 = arith.index_cast %get3A_847 : i32 to index
      %get3A_849 = memref.load %arg14[%get3A_848] : memref<64xi32, #tpu.memory_space<smem>>
      %add3A_850 = vector.broadcast %get3A_849 : i32 to vector<16xi32>
      %add3A_851 = arith.addi %add3A_850, %masked_cumsum3A_846 : vector<16xi32>
      %sub3A_852 = arith.constant 1 : i32
      %sub3A_853 = vector.broadcast %sub3A_852 : i32 to vector<16xi32>
      %sub3A_854 = arith.subi %add3A_851, %sub3A_853 : vector<16xi32>
      tpu.vector_store_idx %arg6[%sub3A_854], %get3A_672 masked %and3A_842 : memref<16640xi32, #tpu.memory_space<vmem>>[vector<16xi32>], vector<16xi32>, vector<16xi1>
      tpu.vector_store_idx %arg9[%sub3A_854], %get3A_676 masked %and3A_842 : memref<16640xi32, #tpu.memory_space<vmem>>[vector<16xi32>], vector<16xi32>, vector<16xi1>
      %get3A_855 = arith.constant 45 : i32
      %get3A_856 = arith.index_cast %get3A_855 : i32 to index
      %get3A_857 = memref.load %arg14[%get3A_856] : memref<64xi32, #tpu.memory_space<smem>>
      %reduce_max3A_858 = arith.constant true
      %reduce_max3A_859 = vector.broadcast %reduce_max3A_858 : i1 to vector<16xi1>
      %reduce_max3A_860 = arith.constant -2147483648 : i32
      %reduce_max3A_861 = vector.broadcast %reduce_max3A_860 : i32 to vector<16xi32>
      %reduce_max3A_862 = arith.xori %masked_cumsum3A_846, %reduce_max3A_861 : vector<16xi32>
      %reduce_max3A_863 = tpu.scan <max>, %reduce_max3A_862 masked %reduce_max3A_859 : vector<16xi32>, vector<16xi1> -> vector<16xi32>
      %reduce_max3A_864 = arith.xori %reduce_max3A_863, %reduce_max3A_861 : vector<16xi32>
      %reduce_max3A_865 = vector.extract %reduce_max3A_864[15] : i32 from vector<16xi32>
      %add3A_866 = arith.addi %get3A_857, %reduce_max3A_865 : i32
      %swap3A_867 = arith.constant 45 : i32
      %swap3A_868 = arith.index_cast %swap3A_867 : i32 to index
      %swap3A_869 = memref.load %arg14[%swap3A_868] : memref<64xi32, #tpu.memory_space<smem>>
      memref.store %add3A_866, %arg14[%swap3A_868] : memref<64xi32, #tpu.memory_space<smem>>
      %eq3A_870 = arith.constant 6 : i32
      %eq3A_871 = vector.broadcast %eq3A_870 : i32 to vector<16xi32>
      %eq3A_872 = arith.cmpi eq, %shift_right_logical3A_686, %eq3A_871 : vector<16xi32>
      %and3A_873 = arith.andi %lt3A_681, %eq3A_872 : vector<16xi1>
      %convert_element_type3A_874 = arith.extui %and3A_873 : vector<16xi1> to vector<16xi32>
      %broadcast_in_dim3A_875 = arith.constant true
      %broadcast_in_dim3A_876 = vector.broadcast %broadcast_in_dim3A_875 : i1 to vector<16xi1>
      %masked_cumsum3A_877 = tpu.scan <sum>, %convert_element_type3A_874 masked %broadcast_in_dim3A_876 : vector<16xi32>, vector<16xi1> -> vector<16xi32>
      %get3A_878 = arith.constant 46 : i32
      %get3A_879 = arith.index_cast %get3A_878 : i32 to index
      %get3A_880 = memref.load %arg14[%get3A_879] : memref<64xi32, #tpu.memory_space<smem>>
      %add3A_881 = vector.broadcast %get3A_880 : i32 to vector<16xi32>
      %add3A_882 = arith.addi %add3A_881, %masked_cumsum3A_877 : vector<16xi32>
      %sub3A_883 = arith.constant 1 : i32
      %sub3A_884 = vector.broadcast %sub3A_883 : i32 to vector<16xi32>
      %sub3A_885 = arith.subi %add3A_882, %sub3A_884 : vector<16xi32>
      tpu.vector_store_idx %arg6[%sub3A_885], %get3A_672 masked %and3A_873 : memref<16640xi32, #tpu.memory_space<vmem>>[vector<16xi32>], vector<16xi32>, vector<16xi1>
      tpu.vector_store_idx %arg9[%sub3A_885], %get3A_676 masked %and3A_873 : memref<16640xi32, #tpu.memory_space<vmem>>[vector<16xi32>], vector<16xi32>, vector<16xi1>
      %get3A_886 = arith.constant 46 : i32
      %get3A_887 = arith.index_cast %get3A_886 : i32 to index
      %get3A_888 = memref.load %arg14[%get3A_887] : memref<64xi32, #tpu.memory_space<smem>>
      %reduce_max3A_889 = arith.constant true
      %reduce_max3A_890 = vector.broadcast %reduce_max3A_889 : i1 to vector<16xi1>
      %reduce_max3A_891 = arith.constant -2147483648 : i32
      %reduce_max3A_892 = vector.broadcast %reduce_max3A_891 : i32 to vector<16xi32>
      %reduce_max3A_893 = arith.xori %masked_cumsum3A_877, %reduce_max3A_892 : vector<16xi32>
      %reduce_max3A_894 = tpu.scan <max>, %reduce_max3A_893 masked %reduce_max3A_890 : vector<16xi32>, vector<16xi1> -> vector<16xi32>
      %reduce_max3A_895 = arith.xori %reduce_max3A_894, %reduce_max3A_892 : vector<16xi32>
      %reduce_max3A_896 = vector.extract %reduce_max3A_895[15] : i32 from vector<16xi32>
      %add3A_897 = arith.addi %get3A_888, %reduce_max3A_896 : i32
      %swap3A_898 = arith.constant 46 : i32
      %swap3A_899 = arith.index_cast %swap3A_898 : i32 to index
      %swap3A_900 = memref.load %arg14[%swap3A_899] : memref<64xi32, #tpu.memory_space<smem>>
      memref.store %add3A_897, %arg14[%swap3A_899] : memref<64xi32, #tpu.memory_space<smem>>
      %eq3A_901 = arith.constant 7 : i32
      %eq3A_902 = vector.broadcast %eq3A_901 : i32 to vector<16xi32>
      %eq3A_903 = arith.cmpi eq, %shift_right_logical3A_686, %eq3A_902 : vector<16xi32>
      %and3A_904 = arith.andi %lt3A_681, %eq3A_903 : vector<16xi1>
      %convert_element_type3A_905 = arith.extui %and3A_904 : vector<16xi1> to vector<16xi32>
      %broadcast_in_dim3A_906 = arith.constant true
      %broadcast_in_dim3A_907 = vector.broadcast %broadcast_in_dim3A_906 : i1 to vector<16xi1>
      %masked_cumsum3A_908 = tpu.scan <sum>, %convert_element_type3A_905 masked %broadcast_in_dim3A_907 : vector<16xi32>, vector<16xi1> -> vector<16xi32>
      %get3A_909 = arith.constant 47 : i32
      %get3A_910 = arith.index_cast %get3A_909 : i32 to index
      %get3A_911 = memref.load %arg14[%get3A_910] : memref<64xi32, #tpu.memory_space<smem>>
      %add3A_912 = vector.broadcast %get3A_911 : i32 to vector<16xi32>
      %add3A_913 = arith.addi %add3A_912, %masked_cumsum3A_908 : vector<16xi32>
      %sub3A_914 = arith.constant 1 : i32
      %sub3A_915 = vector.broadcast %sub3A_914 : i32 to vector<16xi32>
      %sub3A_916 = arith.subi %add3A_913, %sub3A_915 : vector<16xi32>
      tpu.vector_store_idx %arg6[%sub3A_916], %get3A_672 masked %and3A_904 : memref<16640xi32, #tpu.memory_space<vmem>>[vector<16xi32>], vector<16xi32>, vector<16xi1>
      tpu.vector_store_idx %arg9[%sub3A_916], %get3A_676 masked %and3A_904 : memref<16640xi32, #tpu.memory_space<vmem>>[vector<16xi32>], vector<16xi32>, vector<16xi1>
      %get3A_917 = arith.constant 47 : i32
      %get3A_918 = arith.index_cast %get3A_917 : i32 to index
      %get3A_919 = memref.load %arg14[%get3A_918] : memref<64xi32, #tpu.memory_space<smem>>
      %reduce_max3A_920 = arith.constant true
      %reduce_max3A_921 = vector.broadcast %reduce_max3A_920 : i1 to vector<16xi1>
      %reduce_max3A_922 = arith.constant -2147483648 : i32
      %reduce_max3A_923 = vector.broadcast %reduce_max3A_922 : i32 to vector<16xi32>
      %reduce_max3A_924 = arith.xori %masked_cumsum3A_908, %reduce_max3A_923 : vector<16xi32>
      %reduce_max3A_925 = tpu.scan <max>, %reduce_max3A_924 masked %reduce_max3A_921 : vector<16xi32>, vector<16xi1> -> vector<16xi32>
      %reduce_max3A_926 = arith.xori %reduce_max3A_925, %reduce_max3A_923 : vector<16xi32>
      %reduce_max3A_927 = vector.extract %reduce_max3A_926[15] : i32 from vector<16xi32>
      %add3A_928 = arith.addi %get3A_919, %reduce_max3A_927 : i32
      %swap3A_929 = arith.constant 47 : i32
      %swap3A_930 = arith.index_cast %swap3A_929 : i32 to index
      %swap3A_931 = memref.load %arg14[%swap3A_930] : memref<64xi32, #tpu.memory_space<smem>>
      memref.store %add3A_928, %arg14[%swap3A_930] : memref<64xi32, #tpu.memory_space<smem>>
      %eq3A_932 = arith.constant 8 : i32
      %eq3A_933 = vector.broadcast %eq3A_932 : i32 to vector<16xi32>
      %eq3A_934 = arith.cmpi eq, %shift_right_logical3A_686, %eq3A_933 : vector<16xi32>
      %and3A_935 = arith.andi %lt3A_681, %eq3A_934 : vector<16xi1>
      %convert_element_type3A_936 = arith.extui %and3A_935 : vector<16xi1> to vector<16xi32>
      %broadcast_in_dim3A_937 = arith.constant true
      %broadcast_in_dim3A_938 = vector.broadcast %broadcast_in_dim3A_937 : i1 to vector<16xi1>
      %masked_cumsum3A_939 = tpu.scan <sum>, %convert_element_type3A_936 masked %broadcast_in_dim3A_938 : vector<16xi32>, vector<16xi1> -> vector<16xi32>
      %get3A_940 = arith.constant 48 : i32
      %get3A_941 = arith.index_cast %get3A_940 : i32 to index
      %get3A_942 = memref.load %arg14[%get3A_941] : memref<64xi32, #tpu.memory_space<smem>>
      %add3A_943 = vector.broadcast %get3A_942 : i32 to vector<16xi32>
      %add3A_944 = arith.addi %add3A_943, %masked_cumsum3A_939 : vector<16xi32>
      %sub3A_945 = arith.constant 1 : i32
      %sub3A_946 = vector.broadcast %sub3A_945 : i32 to vector<16xi32>
      %sub3A_947 = arith.subi %add3A_944, %sub3A_946 : vector<16xi32>
      tpu.vector_store_idx %arg6[%sub3A_947], %get3A_672 masked %and3A_935 : memref<16640xi32, #tpu.memory_space<vmem>>[vector<16xi32>], vector<16xi32>, vector<16xi1>
      tpu.vector_store_idx %arg9[%sub3A_947], %get3A_676 masked %and3A_935 : memref<16640xi32, #tpu.memory_space<vmem>>[vector<16xi32>], vector<16xi32>, vector<16xi1>
      %get3A_948 = arith.constant 48 : i32
      %get3A_949 = arith.index_cast %get3A_948 : i32 to index
      %get3A_950 = memref.load %arg14[%get3A_949] : memref<64xi32, #tpu.memory_space<smem>>
      %reduce_max3A_951 = arith.constant true
      %reduce_max3A_952 = vector.broadcast %reduce_max3A_951 : i1 to vector<16xi1>
      %reduce_max3A_953 = arith.constant -2147483648 : i32
      %reduce_max3A_954 = vector.broadcast %reduce_max3A_953 : i32 to vector<16xi32>
      %reduce_max3A_955 = arith.xori %masked_cumsum3A_939, %reduce_max3A_954 : vector<16xi32>
      %reduce_max3A_956 = tpu.scan <max>, %reduce_max3A_955 masked %reduce_max3A_952 : vector<16xi32>, vector<16xi1> -> vector<16xi32>
      %reduce_max3A_957 = arith.xori %reduce_max3A_956, %reduce_max3A_954 : vector<16xi32>
      %reduce_max3A_958 = vector.extract %reduce_max3A_957[15] : i32 from vector<16xi32>
      %add3A_959 = arith.addi %get3A_950, %reduce_max3A_958 : i32
      %swap3A_960 = arith.constant 48 : i32
      %swap3A_961 = arith.index_cast %swap3A_960 : i32 to index
      %swap3A_962 = memref.load %arg14[%swap3A_961] : memref<64xi32, #tpu.memory_space<smem>>
      memref.store %add3A_959, %arg14[%swap3A_961] : memref<64xi32, #tpu.memory_space<smem>>
      %eq3A_963 = arith.constant 9 : i32
      %eq3A_964 = vector.broadcast %eq3A_963 : i32 to vector<16xi32>
      %eq3A_965 = arith.cmpi eq, %shift_right_logical3A_686, %eq3A_964 : vector<16xi32>
      %and3A_966 = arith.andi %lt3A_681, %eq3A_965 : vector<16xi1>
      %convert_element_type3A_967 = arith.extui %and3A_966 : vector<16xi1> to vector<16xi32>
      %broadcast_in_dim3A_968 = arith.constant true
      %broadcast_in_dim3A_969 = vector.broadcast %broadcast_in_dim3A_968 : i1 to vector<16xi1>
      %masked_cumsum3A_970 = tpu.scan <sum>, %convert_element_type3A_967 masked %broadcast_in_dim3A_969 : vector<16xi32>, vector<16xi1> -> vector<16xi32>
      %get3A_971 = arith.constant 49 : i32
      %get3A_972 = arith.index_cast %get3A_971 : i32 to index
      %get3A_973 = memref.load %arg14[%get3A_972] : memref<64xi32, #tpu.memory_space<smem>>
      %add3A_974 = vector.broadcast %get3A_973 : i32 to vector<16xi32>
      %add3A_975 = arith.addi %add3A_974, %masked_cumsum3A_970 : vector<16xi32>
      %sub3A_976 = arith.constant 1 : i32
      %sub3A_977 = vector.broadcast %sub3A_976 : i32 to vector<16xi32>
      %sub3A_978 = arith.subi %add3A_975, %sub3A_977 : vector<16xi32>
      tpu.vector_store_idx %arg6[%sub3A_978], %get3A_672 masked %and3A_966 : memref<16640xi32, #tpu.memory_space<vmem>>[vector<16xi32>], vector<16xi32>, vector<16xi1>
      tpu.vector_store_idx %arg9[%sub3A_978], %get3A_676 masked %and3A_966 : memref<16640xi32, #tpu.memory_space<vmem>>[vector<16xi32>], vector<16xi32>, vector<16xi1>
      %get3A_979 = arith.constant 49 : i32
      %get3A_980 = arith.index_cast %get3A_979 : i32 to index
      %get3A_981 = memref.load %arg14[%get3A_980] : memref<64xi32, #tpu.memory_space<smem>>
      %reduce_max3A_982 = arith.constant true
      %reduce_max3A_983 = vector.broadcast %reduce_max3A_982 : i1 to vector<16xi1>
      %reduce_max3A_984 = arith.constant -2147483648 : i32
      %reduce_max3A_985 = vector.broadcast %reduce_max3A_984 : i32 to vector<16xi32>
      %reduce_max3A_986 = arith.xori %masked_cumsum3A_970, %reduce_max3A_985 : vector<16xi32>
      %reduce_max3A_987 = tpu.scan <max>, %reduce_max3A_986 masked %reduce_max3A_983 : vector<16xi32>, vector<16xi1> -> vector<16xi32>
      %reduce_max3A_988 = arith.xori %reduce_max3A_987, %reduce_max3A_985 : vector<16xi32>
      %reduce_max3A_989 = vector.extract %reduce_max3A_988[15] : i32 from vector<16xi32>
      %add3A_990 = arith.addi %get3A_981, %reduce_max3A_989 : i32
      %swap3A_991 = arith.constant 49 : i32
      %swap3A_992 = arith.index_cast %swap3A_991 : i32 to index
      %swap3A_993 = memref.load %arg14[%swap3A_992] : memref<64xi32, #tpu.memory_space<smem>>
      memref.store %add3A_990, %arg14[%swap3A_992] : memref<64xi32, #tpu.memory_space<smem>>
      %eq3A_994 = arith.constant 10 : i32
      %eq3A_995 = vector.broadcast %eq3A_994 : i32 to vector<16xi32>
      %eq3A_996 = arith.cmpi eq, %shift_right_logical3A_686, %eq3A_995 : vector<16xi32>
      %and3A_997 = arith.andi %lt3A_681, %eq3A_996 : vector<16xi1>
      %convert_element_type3A_998 = arith.extui %and3A_997 : vector<16xi1> to vector<16xi32>
      %broadcast_in_dim3A_999 = arith.constant true
      %broadcast_in_dim3A_1000 = vector.broadcast %broadcast_in_dim3A_999 : i1 to vector<16xi1>
      %masked_cumsum3A_1001 = tpu.scan <sum>, %convert_element_type3A_998 masked %broadcast_in_dim3A_1000 : vector<16xi32>, vector<16xi1> -> vector<16xi32>
      %get3A_1002 = arith.constant 50 : i32
      %get3A_1003 = arith.index_cast %get3A_1002 : i32 to index
      %get3A_1004 = memref.load %arg14[%get3A_1003] : memref<64xi32, #tpu.memory_space<smem>>
      %add3A_1005 = vector.broadcast %get3A_1004 : i32 to vector<16xi32>
      %add3A_1006 = arith.addi %add3A_1005, %masked_cumsum3A_1001 : vector<16xi32>
      %sub3A_1007 = arith.constant 1 : i32
      %sub3A_1008 = vector.broadcast %sub3A_1007 : i32 to vector<16xi32>
      %sub3A_1009 = arith.subi %add3A_1006, %sub3A_1008 : vector<16xi32>
      tpu.vector_store_idx %arg6[%sub3A_1009], %get3A_672 masked %and3A_997 : memref<16640xi32, #tpu.memory_space<vmem>>[vector<16xi32>], vector<16xi32>, vector<16xi1>
      tpu.vector_store_idx %arg9[%sub3A_1009], %get3A_676 masked %and3A_997 : memref<16640xi32, #tpu.memory_space<vmem>>[vector<16xi32>], vector<16xi32>, vector<16xi1>
      %get3A_1010 = arith.constant 50 : i32
      %get3A_1011 = arith.index_cast %get3A_1010 : i32 to index
      %get3A_1012 = memref.load %arg14[%get3A_1011] : memref<64xi32, #tpu.memory_space<smem>>
      %reduce_max3A_1013 = arith.constant true
      %reduce_max3A_1014 = vector.broadcast %reduce_max3A_1013 : i1 to vector<16xi1>
      %reduce_max3A_1015 = arith.constant -2147483648 : i32
      %reduce_max3A_1016 = vector.broadcast %reduce_max3A_1015 : i32 to vector<16xi32>
      %reduce_max3A_1017 = arith.xori %masked_cumsum3A_1001, %reduce_max3A_1016 : vector<16xi32>
      %reduce_max3A_1018 = tpu.scan <max>, %reduce_max3A_1017 masked %reduce_max3A_1014 : vector<16xi32>, vector<16xi1> -> vector<16xi32>
      %reduce_max3A_1019 = arith.xori %reduce_max3A_1018, %reduce_max3A_1016 : vector<16xi32>
      %reduce_max3A_1020 = vector.extract %reduce_max3A_1019[15] : i32 from vector<16xi32>
      %add3A_1021 = arith.addi %get3A_1012, %reduce_max3A_1020 : i32
      %swap3A_1022 = arith.constant 50 : i32
      %swap3A_1023 = arith.index_cast %swap3A_1022 : i32 to index
      %swap3A_1024 = memref.load %arg14[%swap3A_1023] : memref<64xi32, #tpu.memory_space<smem>>
      memref.store %add3A_1021, %arg14[%swap3A_1023] : memref<64xi32, #tpu.memory_space<smem>>
      %eq3A_1025 = arith.constant 11 : i32
      %eq3A_1026 = vector.broadcast %eq3A_1025 : i32 to vector<16xi32>
      %eq3A_1027 = arith.cmpi eq, %shift_right_logical3A_686, %eq3A_1026 : vector<16xi32>
      %and3A_1028 = arith.andi %lt3A_681, %eq3A_1027 : vector<16xi1>
      %convert_element_type3A_1029 = arith.extui %and3A_1028 : vector<16xi1> to vector<16xi32>
      %broadcast_in_dim3A_1030 = arith.constant true
      %broadcast_in_dim3A_1031 = vector.broadcast %broadcast_in_dim3A_1030 : i1 to vector<16xi1>
      %masked_cumsum3A_1032 = tpu.scan <sum>, %convert_element_type3A_1029 masked %broadcast_in_dim3A_1031 : vector<16xi32>, vector<16xi1> -> vector<16xi32>
      %get3A_1033 = arith.constant 51 : i32
      %get3A_1034 = arith.index_cast %get3A_1033 : i32 to index
      %get3A_1035 = memref.load %arg14[%get3A_1034] : memref<64xi32, #tpu.memory_space<smem>>
      %add3A_1036 = vector.broadcast %get3A_1035 : i32 to vector<16xi32>
      %add3A_1037 = arith.addi %add3A_1036, %masked_cumsum3A_1032 : vector<16xi32>
      %sub3A_1038 = arith.constant 1 : i32
      %sub3A_1039 = vector.broadcast %sub3A_1038 : i32 to vector<16xi32>
      %sub3A_1040 = arith.subi %add3A_1037, %sub3A_1039 : vector<16xi32>
      tpu.vector_store_idx %arg6[%sub3A_1040], %get3A_672 masked %and3A_1028 : memref<16640xi32, #tpu.memory_space<vmem>>[vector<16xi32>], vector<16xi32>, vector<16xi1>
      tpu.vector_store_idx %arg9[%sub3A_1040], %get3A_676 masked %and3A_1028 : memref<16640xi32, #tpu.memory_space<vmem>>[vector<16xi32>], vector<16xi32>, vector<16xi1>
      %get3A_1041 = arith.constant 51 : i32
      %get3A_1042 = arith.index_cast %get3A_1041 : i32 to index
      %get3A_1043 = memref.load %arg14[%get3A_1042] : memref<64xi32, #tpu.memory_space<smem>>
      %reduce_max3A_1044 = arith.constant true
      %reduce_max3A_1045 = vector.broadcast %reduce_max3A_1044 : i1 to vector<16xi1>
      %reduce_max3A_1046 = arith.constant -2147483648 : i32
      %reduce_max3A_1047 = vector.broadcast %reduce_max3A_1046 : i32 to vector<16xi32>
      %reduce_max3A_1048 = arith.xori %masked_cumsum3A_1032, %reduce_max3A_1047 : vector<16xi32>
      %reduce_max3A_1049 = tpu.scan <max>, %reduce_max3A_1048 masked %reduce_max3A_1045 : vector<16xi32>, vector<16xi1> -> vector<16xi32>
      %reduce_max3A_1050 = arith.xori %reduce_max3A_1049, %reduce_max3A_1047 : vector<16xi32>
      %reduce_max3A_1051 = vector.extract %reduce_max3A_1050[15] : i32 from vector<16xi32>
      %add3A_1052 = arith.addi %get3A_1043, %reduce_max3A_1051 : i32
      %swap3A_1053 = arith.constant 51 : i32
      %swap3A_1054 = arith.index_cast %swap3A_1053 : i32 to index
      %swap3A_1055 = memref.load %arg14[%swap3A_1054] : memref<64xi32, #tpu.memory_space<smem>>
      memref.store %add3A_1052, %arg14[%swap3A_1054] : memref<64xi32, #tpu.memory_space<smem>>
      %eq3A_1056 = arith.constant 12 : i32
      %eq3A_1057 = vector.broadcast %eq3A_1056 : i32 to vector<16xi32>
      %eq3A_1058 = arith.cmpi eq, %shift_right_logical3A_686, %eq3A_1057 : vector<16xi32>
      %and3A_1059 = arith.andi %lt3A_681, %eq3A_1058 : vector<16xi1>
      %convert_element_type3A_1060 = arith.extui %and3A_1059 : vector<16xi1> to vector<16xi32>
      %broadcast_in_dim3A_1061 = arith.constant true
      %broadcast_in_dim3A_1062 = vector.broadcast %broadcast_in_dim3A_1061 : i1 to vector<16xi1>
      %masked_cumsum3A_1063 = tpu.scan <sum>, %convert_element_type3A_1060 masked %broadcast_in_dim3A_1062 : vector<16xi32>, vector<16xi1> -> vector<16xi32>
      %get3A_1064 = arith.constant 52 : i32
      %get3A_1065 = arith.index_cast %get3A_1064 : i32 to index
      %get3A_1066 = memref.load %arg14[%get3A_1065] : memref<64xi32, #tpu.memory_space<smem>>
      %add3A_1067 = vector.broadcast %get3A_1066 : i32 to vector<16xi32>
      %add3A_1068 = arith.addi %add3A_1067, %masked_cumsum3A_1063 : vector<16xi32>
      %sub3A_1069 = arith.constant 1 : i32
      %sub3A_1070 = vector.broadcast %sub3A_1069 : i32 to vector<16xi32>
      %sub3A_1071 = arith.subi %add3A_1068, %sub3A_1070 : vector<16xi32>
      tpu.vector_store_idx %arg6[%sub3A_1071], %get3A_672 masked %and3A_1059 : memref<16640xi32, #tpu.memory_space<vmem>>[vector<16xi32>], vector<16xi32>, vector<16xi1>
      tpu.vector_store_idx %arg9[%sub3A_1071], %get3A_676 masked %and3A_1059 : memref<16640xi32, #tpu.memory_space<vmem>>[vector<16xi32>], vector<16xi32>, vector<16xi1>
      %get3A_1072 = arith.constant 52 : i32
      %get3A_1073 = arith.index_cast %get3A_1072 : i32 to index
      %get3A_1074 = memref.load %arg14[%get3A_1073] : memref<64xi32, #tpu.memory_space<smem>>
      %reduce_max3A_1075 = arith.constant true
      %reduce_max3A_1076 = vector.broadcast %reduce_max3A_1075 : i1 to vector<16xi1>
      %reduce_max3A_1077 = arith.constant -2147483648 : i32
      %reduce_max3A_1078 = vector.broadcast %reduce_max3A_1077 : i32 to vector<16xi32>
      %reduce_max3A_1079 = arith.xori %masked_cumsum3A_1063, %reduce_max3A_1078 : vector<16xi32>
      %reduce_max3A_1080 = tpu.scan <max>, %reduce_max3A_1079 masked %reduce_max3A_1076 : vector<16xi32>, vector<16xi1> -> vector<16xi32>
      %reduce_max3A_1081 = arith.xori %reduce_max3A_1080, %reduce_max3A_1078 : vector<16xi32>
      %reduce_max3A_1082 = vector.extract %reduce_max3A_1081[15] : i32 from vector<16xi32>
      %add3A_1083 = arith.addi %get3A_1074, %reduce_max3A_1082 : i32
      %swap3A_1084 = arith.constant 52 : i32
      %swap3A_1085 = arith.index_cast %swap3A_1084 : i32 to index
      %swap3A_1086 = memref.load %arg14[%swap3A_1085] : memref<64xi32, #tpu.memory_space<smem>>
      memref.store %add3A_1083, %arg14[%swap3A_1085] : memref<64xi32, #tpu.memory_space<smem>>
      %eq3A_1087 = arith.constant 13 : i32
      %eq3A_1088 = vector.broadcast %eq3A_1087 : i32 to vector<16xi32>
      %eq3A_1089 = arith.cmpi eq, %shift_right_logical3A_686, %eq3A_1088 : vector<16xi32>
      %and3A_1090 = arith.andi %lt3A_681, %eq3A_1089 : vector<16xi1>
      %convert_element_type3A_1091 = arith.extui %and3A_1090 : vector<16xi1> to vector<16xi32>
      %broadcast_in_dim3A_1092 = arith.constant true
      %broadcast_in_dim3A_1093 = vector.broadcast %broadcast_in_dim3A_1092 : i1 to vector<16xi1>
      %masked_cumsum3A_1094 = tpu.scan <sum>, %convert_element_type3A_1091 masked %broadcast_in_dim3A_1093 : vector<16xi32>, vector<16xi1> -> vector<16xi32>
      %get3A_1095 = arith.constant 53 : i32
      %get3A_1096 = arith.index_cast %get3A_1095 : i32 to index
      %get3A_1097 = memref.load %arg14[%get3A_1096] : memref<64xi32, #tpu.memory_space<smem>>
      %add3A_1098 = vector.broadcast %get3A_1097 : i32 to vector<16xi32>
      %add3A_1099 = arith.addi %add3A_1098, %masked_cumsum3A_1094 : vector<16xi32>
      %sub3A_1100 = arith.constant 1 : i32
      %sub3A_1101 = vector.broadcast %sub3A_1100 : i32 to vector<16xi32>
      %sub3A_1102 = arith.subi %add3A_1099, %sub3A_1101 : vector<16xi32>
      tpu.vector_store_idx %arg6[%sub3A_1102], %get3A_672 masked %and3A_1090 : memref<16640xi32, #tpu.memory_space<vmem>>[vector<16xi32>], vector<16xi32>, vector<16xi1>
      tpu.vector_store_idx %arg9[%sub3A_1102], %get3A_676 masked %and3A_1090 : memref<16640xi32, #tpu.memory_space<vmem>>[vector<16xi32>], vector<16xi32>, vector<16xi1>
      %get3A_1103 = arith.constant 53 : i32
      %get3A_1104 = arith.index_cast %get3A_1103 : i32 to index
      %get3A_1105 = memref.load %arg14[%get3A_1104] : memref<64xi32, #tpu.memory_space<smem>>
      %reduce_max3A_1106 = arith.constant true
      %reduce_max3A_1107 = vector.broadcast %reduce_max3A_1106 : i1 to vector<16xi1>
      %reduce_max3A_1108 = arith.constant -2147483648 : i32
      %reduce_max3A_1109 = vector.broadcast %reduce_max3A_1108 : i32 to vector<16xi32>
      %reduce_max3A_1110 = arith.xori %masked_cumsum3A_1094, %reduce_max3A_1109 : vector<16xi32>
      %reduce_max3A_1111 = tpu.scan <max>, %reduce_max3A_1110 masked %reduce_max3A_1107 : vector<16xi32>, vector<16xi1> -> vector<16xi32>
      %reduce_max3A_1112 = arith.xori %reduce_max3A_1111, %reduce_max3A_1109 : vector<16xi32>
      %reduce_max3A_1113 = vector.extract %reduce_max3A_1112[15] : i32 from vector<16xi32>
      %add3A_1114 = arith.addi %get3A_1105, %reduce_max3A_1113 : i32
      %swap3A_1115 = arith.constant 53 : i32
      %swap3A_1116 = arith.index_cast %swap3A_1115 : i32 to index
      %swap3A_1117 = memref.load %arg14[%swap3A_1116] : memref<64xi32, #tpu.memory_space<smem>>
      memref.store %add3A_1114, %arg14[%swap3A_1116] : memref<64xi32, #tpu.memory_space<smem>>
      %eq3A_1118 = arith.constant 14 : i32
      %eq3A_1119 = vector.broadcast %eq3A_1118 : i32 to vector<16xi32>
      %eq3A_1120 = arith.cmpi eq, %shift_right_logical3A_686, %eq3A_1119 : vector<16xi32>
      %and3A_1121 = arith.andi %lt3A_681, %eq3A_1120 : vector<16xi1>
      %convert_element_type3A_1122 = arith.extui %and3A_1121 : vector<16xi1> to vector<16xi32>
      %broadcast_in_dim3A_1123 = arith.constant true
      %broadcast_in_dim3A_1124 = vector.broadcast %broadcast_in_dim3A_1123 : i1 to vector<16xi1>
      %masked_cumsum3A_1125 = tpu.scan <sum>, %convert_element_type3A_1122 masked %broadcast_in_dim3A_1124 : vector<16xi32>, vector<16xi1> -> vector<16xi32>
      %get3A_1126 = arith.constant 54 : i32
      %get3A_1127 = arith.index_cast %get3A_1126 : i32 to index
      %get3A_1128 = memref.load %arg14[%get3A_1127] : memref<64xi32, #tpu.memory_space<smem>>
      %add3A_1129 = vector.broadcast %get3A_1128 : i32 to vector<16xi32>
      %add3A_1130 = arith.addi %add3A_1129, %masked_cumsum3A_1125 : vector<16xi32>
      %sub3A_1131 = arith.constant 1 : i32
      %sub3A_1132 = vector.broadcast %sub3A_1131 : i32 to vector<16xi32>
      %sub3A_1133 = arith.subi %add3A_1130, %sub3A_1132 : vector<16xi32>
      tpu.vector_store_idx %arg6[%sub3A_1133], %get3A_672 masked %and3A_1121 : memref<16640xi32, #tpu.memory_space<vmem>>[vector<16xi32>], vector<16xi32>, vector<16xi1>
      tpu.vector_store_idx %arg9[%sub3A_1133], %get3A_676 masked %and3A_1121 : memref<16640xi32, #tpu.memory_space<vmem>>[vector<16xi32>], vector<16xi32>, vector<16xi1>
      %get3A_1134 = arith.constant 54 : i32
      %get3A_1135 = arith.index_cast %get3A_1134 : i32 to index
      %get3A_1136 = memref.load %arg14[%get3A_1135] : memref<64xi32, #tpu.memory_space<smem>>
      %reduce_max3A_1137 = arith.constant true
      %reduce_max3A_1138 = vector.broadcast %reduce_max3A_1137 : i1 to vector<16xi1>
      %reduce_max3A_1139 = arith.constant -2147483648 : i32
      %reduce_max3A_1140 = vector.broadcast %reduce_max3A_1139 : i32 to vector<16xi32>
      %reduce_max3A_1141 = arith.xori %masked_cumsum3A_1125, %reduce_max3A_1140 : vector<16xi32>
      %reduce_max3A_1142 = tpu.scan <max>, %reduce_max3A_1141 masked %reduce_max3A_1138 : vector<16xi32>, vector<16xi1> -> vector<16xi32>
      %reduce_max3A_1143 = arith.xori %reduce_max3A_1142, %reduce_max3A_1140 : vector<16xi32>
      %reduce_max3A_1144 = vector.extract %reduce_max3A_1143[15] : i32 from vector<16xi32>
      %add3A_1145 = arith.addi %get3A_1136, %reduce_max3A_1144 : i32
      %swap3A_1146 = arith.constant 54 : i32
      %swap3A_1147 = arith.index_cast %swap3A_1146 : i32 to index
      %swap3A_1148 = memref.load %arg14[%swap3A_1147] : memref<64xi32, #tpu.memory_space<smem>>
      memref.store %add3A_1145, %arg14[%swap3A_1147] : memref<64xi32, #tpu.memory_space<smem>>
      %eq3A_1149 = arith.constant 15 : i32
      %eq3A_1150 = vector.broadcast %eq3A_1149 : i32 to vector<16xi32>
      %eq3A_1151 = arith.cmpi eq, %shift_right_logical3A_686, %eq3A_1150 : vector<16xi32>
      %and3A_1152 = arith.andi %lt3A_681, %eq3A_1151 : vector<16xi1>
      %convert_element_type3A_1153 = arith.extui %and3A_1152 : vector<16xi1> to vector<16xi32>
      %broadcast_in_dim3A_1154 = arith.constant true
      %broadcast_in_dim3A_1155 = vector.broadcast %broadcast_in_dim3A_1154 : i1 to vector<16xi1>
      %masked_cumsum3A_1156 = tpu.scan <sum>, %convert_element_type3A_1153 masked %broadcast_in_dim3A_1155 : vector<16xi32>, vector<16xi1> -> vector<16xi32>
      %get3A_1157 = arith.constant 55 : i32
      %get3A_1158 = arith.index_cast %get3A_1157 : i32 to index
      %get3A_1159 = memref.load %arg14[%get3A_1158] : memref<64xi32, #tpu.memory_space<smem>>
      %add3A_1160 = vector.broadcast %get3A_1159 : i32 to vector<16xi32>
      %add3A_1161 = arith.addi %add3A_1160, %masked_cumsum3A_1156 : vector<16xi32>
      %sub3A_1162 = arith.constant 1 : i32
      %sub3A_1163 = vector.broadcast %sub3A_1162 : i32 to vector<16xi32>
      %sub3A_1164 = arith.subi %add3A_1161, %sub3A_1163 : vector<16xi32>
      tpu.vector_store_idx %arg6[%sub3A_1164], %get3A_672 masked %and3A_1152 : memref<16640xi32, #tpu.memory_space<vmem>>[vector<16xi32>], vector<16xi32>, vector<16xi1>
      tpu.vector_store_idx %arg9[%sub3A_1164], %get3A_676 masked %and3A_1152 : memref<16640xi32, #tpu.memory_space<vmem>>[vector<16xi32>], vector<16xi32>, vector<16xi1>
      %get3A_1165 = arith.constant 55 : i32
      %get3A_1166 = arith.index_cast %get3A_1165 : i32 to index
      %get3A_1167 = memref.load %arg14[%get3A_1166] : memref<64xi32, #tpu.memory_space<smem>>
      %reduce_max3A_1168 = arith.constant true
      %reduce_max3A_1169 = vector.broadcast %reduce_max3A_1168 : i1 to vector<16xi1>
      %reduce_max3A_1170 = arith.constant -2147483648 : i32
      %reduce_max3A_1171 = vector.broadcast %reduce_max3A_1170 : i32 to vector<16xi32>
      %reduce_max3A_1172 = arith.xori %masked_cumsum3A_1156, %reduce_max3A_1171 : vector<16xi32>
      %reduce_max3A_1173 = tpu.scan <max>, %reduce_max3A_1172 masked %reduce_max3A_1169 : vector<16xi32>, vector<16xi1> -> vector<16xi32>
      %reduce_max3A_1174 = arith.xori %reduce_max3A_1173, %reduce_max3A_1171 : vector<16xi32>
      %reduce_max3A_1175 = vector.extract %reduce_max3A_1174[15] : i32 from vector<16xi32>
      %add3A_1176 = arith.addi %get3A_1167, %reduce_max3A_1175 : i32
      %swap3A_1177 = arith.constant 55 : i32
      %swap3A_1178 = arith.index_cast %swap3A_1177 : i32 to index
      %swap3A_1179 = memref.load %arg14[%swap3A_1178] : memref<64xi32, #tpu.memory_space<smem>>
      memref.store %add3A_1176, %arg14[%swap3A_1178] : memref<64xi32, #tpu.memory_space<smem>>
    }
    %while3A_630 = arith.constant 1 : i32
    scf.for %while3A_668 = %while3A_628 to %while3A_624 step %while3A_630  : i32 {
      %mul3A_669 = arith.constant 16 : i32
      %mul3A_670 = arith.muli %mul3A_669, %while3A_668 : i32
      %get3A_671 = arith.index_cast %mul3A_670 : i32 to index
      %get3A_672 = tpu.vector_load %arg7[%get3A_671] {strides = array<i32>} : memref<16640xi32, #tpu.memory_space<vmem>>, vector<16xi32>,
      %mul3A_673 = arith.constant 16 : i32
      %mul3A_674 = arith.muli %mul3A_673, %while3A_668 : i32
      %get3A_675 = arith.index_cast %mul3A_674 : i32 to index
      %get3A_676 = tpu.vector_load %arg8[%get3A_675] {strides = array<i32>} : memref<16640xi32, #tpu.memory_space<vmem>>, vector<16xi32>,
      %mul3A_677 = arith.constant 16 : i32
      %mul3A_678 = arith.muli %mul3A_677, %while3A_668 : i32
      %add3A_679 = vector.broadcast %mul3A_678 : i32 to vector<16xi32>
      %add3A_680 = arith.addi %add3A_679, %iota3A : vector<16xi32>
      %lt3A = vector.broadcast %get3A_111 : i32 to vector<16xi32>
      %lt3A_681 = arith.cmpi slt, %add3A_680, %lt3A : vector<16xi32>
      %sub3A_682 = vector.broadcast %mul3A_6 : i32 to vector<16xi32>
      %sub3A_683 = arith.subi %get3A_672, %sub3A_682 : vector<16xi32>
      %shift_right_logical3A_684 = arith.constant 11 : i32
      %shift_right_logical3A_685 = vector.broadcast %shift_right_logical3A_684 : i32 to vector<16xi32>
      %shift_right_logical3A_686 = arith.shrui %sub3A_683, %shift_right_logical3A_685 : vector<16xi32>
      %eq3A = arith.constant 0 : i32
      %eq3A_687 = vector.broadcast %eq3A : i32 to vector<16xi32>
      %eq3A_688 = arith.cmpi eq, %shift_right_logical3A_686, %eq3A_687 : vector<16xi32>
      %and3A_689 = arith.andi %lt3A_681, %eq3A_688 : vector<16xi1>
      %convert_element_type3A_690 = arith.extui %and3A_689 : vector<16xi1> to vector<16xi32>
      %broadcast_in_dim3A_691 = arith.constant true
      %broadcast_in_dim3A_692 = vector.broadcast %broadcast_in_dim3A_691 : i1 to vector<16xi1>
      %masked_cumsum3A = tpu.scan <sum>, %convert_element_type3A_690 masked %broadcast_in_dim3A_692 : vector<16xi32>, vector<16xi1> -> vector<16xi32>
      %get3A_693 = arith.constant 40 : i32
      %get3A_694 = arith.index_cast %get3A_693 : i32 to index
      %get3A_695 = memref.load %arg14[%get3A_694] : memref<64xi32, #tpu.memory_space<smem>>
      %add3A_696 = vector.broadcast %get3A_695 : i32 to vector<16xi32>
      %add3A_697 = arith.addi %add3A_696, %masked_cumsum3A : vector<16xi32>
      %sub3A_698 = arith.constant 1 : i32
      %sub3A_699 = vector.broadcast %sub3A_698 : i32 to vector<16xi32>
      %sub3A_700 = arith.subi %add3A_697, %sub3A_699 : vector<16xi32>
      tpu.vector_store_idx %arg6[%sub3A_700], %get3A_672 masked %and3A_689 : memref<16640xi32, #tpu.memory_space<vmem>>[vector<16xi32>], vector<16xi32>, vector<16xi1>
      tpu.vector_store_idx %arg9[%sub3A_700], %get3A_676 masked %and3A_689 : memref<16640xi32, #tpu.memory_space<vmem>>[vector<16xi32>], vector<16xi32>, vector<16xi1>
      %get3A_701 = arith.constant 40 : i32
      %get3A_702 = arith.index_cast %get3A_701 : i32 to index
      %get3A_703 = memref.load %arg14[%get3A_702] : memref<64xi32, #tpu.memory_space<smem>>
      %reduce_max3A = arith.constant true
      %reduce_max3A_704 = vector.broadcast %reduce_max3A : i1 to vector<16xi1>
      %reduce_max3A_705 = arith.constant -2147483648 : i32
      %reduce_max3A_706 = vector.broadcast %reduce_max3A_705 : i32 to vector<16xi32>
      %reduce_max3A_707 = arith.xori %masked_cumsum3A, %reduce_max3A_706 : vector<16xi32>
      %reduce_max3A_708 = tpu.scan <max>, %reduce_max3A_707 masked %reduce_max3A_704 : vector<16xi32>, vector<16xi1> -> vector<16xi32>
      %reduce_max3A_709 = arith.xori %reduce_max3A_708, %reduce_max3A_706 : vector<16xi32>
      %reduce_max3A_710 = vector.extract %reduce_max3A_709[15] : i32 from vector<16xi32>
      %add3A_711 = arith.addi %get3A_703, %reduce_max3A_710 : i32
      %swap3A_712 = arith.constant 40 : i32
      %swap3A_713 = arith.index_cast %swap3A_712 : i32 to index
      %swap3A_714 = memref.load %arg14[%swap3A_713] : memref<64xi32, #tpu.memory_space<smem>>
      memref.store %add3A_711, %arg14[%swap3A_713] : memref<64xi32, #tpu.memory_space<smem>>
      %eq3A_715 = arith.constant 1 : i32
      %eq3A_716 = vector.broadcast %eq3A_715 : i32 to vector<16xi32>
      %eq3A_717 = arith.cmpi eq, %shift_right_logical3A_686, %eq3A_716 : vector<16xi32>
      %and3A_718 = arith.andi %lt3A_681, %eq3A_717 : vector<16xi1>
      %convert_element_type3A_719 = arith.extui %and3A_718 : vector<16xi1> to vector<16xi32>
      %broadcast_in_dim3A_720 = arith.constant true
      %broadcast_in_dim3A_721 = vector.broadcast %broadcast_in_dim3A_720 : i1 to vector<16xi1>
      %masked_cumsum3A_722 = tpu.scan <sum>, %convert_element_type3A_719 masked %broadcast_in_dim3A_721 : vector<16xi32>, vector<16xi1> -> vector<16xi32>
      %get3A_723 = arith.constant 41 : i32
      %get3A_724 = arith.index_cast %get3A_723 : i32 to index
      %get3A_725 = memref.load %arg14[%get3A_724] : memref<64xi32, #tpu.memory_space<smem>>
      %add3A_726 = vector.broadcast %get3A_725 : i32 to vector<16xi32>
      %add3A_727 = arith.addi %add3A_726, %masked_cumsum3A_722 : vector<16xi32>
      %sub3A_728 = arith.constant 1 : i32
      %sub3A_729 = vector.broadcast %sub3A_728 : i32 to vector<16xi32>
      %sub3A_730 = arith.subi %add3A_727, %sub3A_729 : vector<16xi32>
      tpu.vector_store_idx %arg6[%sub3A_730], %get3A_672 masked %and3A_718 : memref<16640xi32, #tpu.memory_space<vmem>>[vector<16xi32>], vector<16xi32>, vector<16xi1>
      tpu.vector_store_idx %arg9[%sub3A_730], %get3A_676 masked %and3A_718 : memref<16640xi32, #tpu.memory_space<vmem>>[vector<16xi32>], vector<16xi32>, vector<16xi1>
      %get3A_731 = arith.constant 41 : i32
      %get3A_732 = arith.index_cast %get3A_731 : i32 to index
      %get3A_733 = memref.load %arg14[%get3A_732] : memref<64xi32, #tpu.memory_space<smem>>
      %reduce_max3A_734 = arith.constant true
      %reduce_max3A_735 = vector.broadcast %reduce_max3A_734 : i1 to vector<16xi1>
      %reduce_max3A_736 = arith.constant -2147483648 : i32
      %reduce_max3A_737 = vector.broadcast %reduce_max3A_736 : i32 to vector<16xi32>
      %reduce_max3A_738 = arith.xori %masked_cumsum3A_722, %reduce_max3A_737 : vector<16xi32>
      %reduce_max3A_739 = tpu.scan <max>, %reduce_max3A_738 masked %reduce_max3A_735 : vector<16xi32>, vector<16xi1> -> vector<16xi32>
      %reduce_max3A_740 = arith.xori %reduce_max3A_739, %reduce_max3A_737 : vector<16xi32>
      %reduce_max3A_741 = vector.extract %reduce_max3A_740[15] : i32 from vector<16xi32>
      %add3A_742 = arith.addi %get3A_733, %reduce_max3A_741 : i32
      %swap3A_743 = arith.constant 41 : i32
      %swap3A_744 = arith.index_cast %swap3A_743 : i32 to index
      %swap3A_745 = memref.load %arg14[%swap3A_744] : memref<64xi32, #tpu.memory_space<smem>>
      memref.store %add3A_742, %arg14[%swap3A_744] : memref<64xi32, #tpu.memory_space<smem>>
      %eq3A_746 = arith.constant 2 : i32
      %eq3A_747 = vector.broadcast %eq3A_746 : i32 to vector<16xi32>
      %eq3A_748 = arith.cmpi eq, %shift_right_logical3A_686, %eq3A_747 : vector<16xi32>
      %and3A_749 = arith.andi %lt3A_681, %eq3A_748 : vector<16xi1>
      %convert_element_type3A_750 = arith.extui %and3A_749 : vector<16xi1> to vector<16xi32>
      %broadcast_in_dim3A_751 = arith.constant true
      %broadcast_in_dim3A_752 = vector.broadcast %broadcast_in_dim3A_751 : i1 to vector<16xi1>
      %masked_cumsum3A_753 = tpu.scan <sum>, %convert_element_type3A_750 masked %broadcast_in_dim3A_752 : vector<16xi32>, vector<16xi1> -> vector<16xi32>
      %get3A_754 = arith.constant 42 : i32
      %get3A_755 = arith.index_cast %get3A_754 : i32 to index
      %get3A_756 = memref.load %arg14[%get3A_755] : memref<64xi32, #tpu.memory_space<smem>>
      %add3A_757 = vector.broadcast %get3A_756 : i32 to vector<16xi32>
      %add3A_758 = arith.addi %add3A_757, %masked_cumsum3A_753 : vector<16xi32>
      %sub3A_759 = arith.constant 1 : i32
      %sub3A_760 = vector.broadcast %sub3A_759 : i32 to vector<16xi32>
      %sub3A_761 = arith.subi %add3A_758, %sub3A_760 : vector<16xi32>
      tpu.vector_store_idx %arg6[%sub3A_761], %get3A_672 masked %and3A_749 : memref<16640xi32, #tpu.memory_space<vmem>>[vector<16xi32>], vector<16xi32>, vector<16xi1>
      tpu.vector_store_idx %arg9[%sub3A_761], %get3A_676 masked %and3A_749 : memref<16640xi32, #tpu.memory_space<vmem>>[vector<16xi32>], vector<16xi32>, vector<16xi1>
      %get3A_762 = arith.constant 42 : i32
      %get3A_763 = arith.index_cast %get3A_762 : i32 to index
      %get3A_764 = memref.load %arg14[%get3A_763] : memref<64xi32, #tpu.memory_space<smem>>
      %reduce_max3A_765 = arith.constant true
      %reduce_max3A_766 = vector.broadcast %reduce_max3A_765 : i1 to vector<16xi1>
      %reduce_max3A_767 = arith.constant -2147483648 : i32
      %reduce_max3A_768 = vector.broadcast %reduce_max3A_767 : i32 to vector<16xi32>
      %reduce_max3A_769 = arith.xori %masked_cumsum3A_753, %reduce_max3A_768 : vector<16xi32>
      %reduce_max3A_770 = tpu.scan <max>, %reduce_max3A_769 masked %reduce_max3A_766 : vector<16xi32>, vector<16xi1> -> vector<16xi32>
      %reduce_max3A_771 = arith.xori %reduce_max3A_770, %reduce_max3A_768 : vector<16xi32>
      %reduce_max3A_772 = vector.extract %reduce_max3A_771[15] : i32 from vector<16xi32>
      %add3A_773 = arith.addi %get3A_764, %reduce_max3A_772 : i32
      %swap3A_774 = arith.constant 42 : i32
      %swap3A_775 = arith.index_cast %swap3A_774 : i32 to index
      %swap3A_776 = memref.load %arg14[%swap3A_775] : memref<64xi32, #tpu.memory_space<smem>>
      memref.store %add3A_773, %arg14[%swap3A_775] : memref<64xi32, #tpu.memory_space<smem>>
      %eq3A_777 = arith.constant 3 : i32
      %eq3A_778 = vector.broadcast %eq3A_777 : i32 to vector<16xi32>
      %eq3A_779 = arith.cmpi eq, %shift_right_logical3A_686, %eq3A_778 : vector<16xi32>
      %and3A_780 = arith.andi %lt3A_681, %eq3A_779 : vector<16xi1>
      %convert_element_type3A_781 = arith.extui %and3A_780 : vector<16xi1> to vector<16xi32>
      %broadcast_in_dim3A_782 = arith.constant true
      %broadcast_in_dim3A_783 = vector.broadcast %broadcast_in_dim3A_782 : i1 to vector<16xi1>
      %masked_cumsum3A_784 = tpu.scan <sum>, %convert_element_type3A_781 masked %broadcast_in_dim3A_783 : vector<16xi32>, vector<16xi1> -> vector<16xi32>
      %get3A_785 = arith.constant 43 : i32
      %get3A_786 = arith.index_cast %get3A_785 : i32 to index
      %get3A_787 = memref.load %arg14[%get3A_786] : memref<64xi32, #tpu.memory_space<smem>>
      %add3A_788 = vector.broadcast %get3A_787 : i32 to vector<16xi32>
      %add3A_789 = arith.addi %add3A_788, %masked_cumsum3A_784 : vector<16xi32>
      %sub3A_790 = arith.constant 1 : i32
      %sub3A_791 = vector.broadcast %sub3A_790 : i32 to vector<16xi32>
      %sub3A_792 = arith.subi %add3A_789, %sub3A_791 : vector<16xi32>
      tpu.vector_store_idx %arg6[%sub3A_792], %get3A_672 masked %and3A_780 : memref<16640xi32, #tpu.memory_space<vmem>>[vector<16xi32>], vector<16xi32>, vector<16xi1>
      tpu.vector_store_idx %arg9[%sub3A_792], %get3A_676 masked %and3A_780 : memref<16640xi32, #tpu.memory_space<vmem>>[vector<16xi32>], vector<16xi32>, vector<16xi1>
      %get3A_793 = arith.constant 43 : i32
      %get3A_794 = arith.index_cast %get3A_793 : i32 to index
      %get3A_795 = memref.load %arg14[%get3A_794] : memref<64xi32, #tpu.memory_space<smem>>
      %reduce_max3A_796 = arith.constant true
      %reduce_max3A_797 = vector.broadcast %reduce_max3A_796 : i1 to vector<16xi1>
      %reduce_max3A_798 = arith.constant -2147483648 : i32
      %reduce_max3A_799 = vector.broadcast %reduce_max3A_798 : i32 to vector<16xi32>
      %reduce_max3A_800 = arith.xori %masked_cumsum3A_784, %reduce_max3A_799 : vector<16xi32>
      %reduce_max3A_801 = tpu.scan <max>, %reduce_max3A_800 masked %reduce_max3A_797 : vector<16xi32>, vector<16xi1> -> vector<16xi32>
      %reduce_max3A_802 = arith.xori %reduce_max3A_801, %reduce_max3A_799 : vector<16xi32>
      %reduce_max3A_803 = vector.extract %reduce_max3A_802[15] : i32 from vector<16xi32>
      %add3A_804 = arith.addi %get3A_795, %reduce_max3A_803 : i32
      %swap3A_805 = arith.constant 43 : i32
      %swap3A_806 = arith.index_cast %swap3A_805 : i32 to index
      %swap3A_807 = memref.load %arg14[%swap3A_806] : memref<64xi32, #tpu.memory_space<smem>>
      memref.store %add3A_804, %arg14[%swap3A_806] : memref<64xi32, #tpu.memory_space<smem>>
      %eq3A_808 = arith.constant 4 : i32
      %eq3A_809 = vector.broadcast %eq3A_808 : i32 to vector<16xi32>
      %eq3A_810 = arith.cmpi eq, %shift_right_logical3A_686, %eq3A_809 : vector<16xi32>
      %and3A_811 = arith.andi %lt3A_681, %eq3A_810 : vector<16xi1>
      %convert_element_type3A_812 = arith.extui %and3A_811 : vector<16xi1> to vector<16xi32>
      %broadcast_in_dim3A_813 = arith.constant true
      %broadcast_in_dim3A_814 = vector.broadcast %broadcast_in_dim3A_813 : i1 to vector<16xi1>
      %masked_cumsum3A_815 = tpu.scan <sum>, %convert_element_type3A_812 masked %broadcast_in_dim3A_814 : vector<16xi32>, vector<16xi1> -> vector<16xi32>
      %get3A_816 = arith.constant 44 : i32
      %get3A_817 = arith.index_cast %get3A_816 : i32 to index
      %get3A_818 = memref.load %arg14[%get3A_817] : memref<64xi32, #tpu.memory_space<smem>>
      %add3A_819 = vector.broadcast %get3A_818 : i32 to vector<16xi32>
      %add3A_820 = arith.addi %add3A_819, %masked_cumsum3A_815 : vector<16xi32>
      %sub3A_821 = arith.constant 1 : i32
      %sub3A_822 = vector.broadcast %sub3A_821 : i32 to vector<16xi32>
      %sub3A_823 = arith.subi %add3A_820, %sub3A_822 : vector<16xi32>
      tpu.vector_store_idx %arg6[%sub3A_823], %get3A_672 masked %and3A_811 : memref<16640xi32, #tpu.memory_space<vmem>>[vector<16xi32>], vector<16xi32>, vector<16xi1>
      tpu.vector_store_idx %arg9[%sub3A_823], %get3A_676 masked %and3A_811 : memref<16640xi32, #tpu.memory_space<vmem>>[vector<16xi32>], vector<16xi32>, vector<16xi1>
      %get3A_824 = arith.constant 44 : i32
      %get3A_825 = arith.index_cast %get3A_824 : i32 to index
      %get3A_826 = memref.load %arg14[%get3A_825] : memref<64xi32, #tpu.memory_space<smem>>
      %reduce_max3A_827 = arith.constant true
      %reduce_max3A_828 = vector.broadcast %reduce_max3A_827 : i1 to vector<16xi1>
      %reduce_max3A_829 = arith.constant -2147483648 : i32
      %reduce_max3A_830 = vector.broadcast %reduce_max3A_829 : i32 to vector<16xi32>
      %reduce_max3A_831 = arith.xori %masked_cumsum3A_815, %reduce_max3A_830 : vector<16xi32>
      %reduce_max3A_832 = tpu.scan <max>, %reduce_max3A_831 masked %reduce_max3A_828 : vector<16xi32>, vector<16xi1> -> vector<16xi32>
      %reduce_max3A_833 = arith.xori %reduce_max3A_832, %reduce_max3A_830 : vector<16xi32>
      %reduce_max3A_834 = vector.extract %reduce_max3A_833[15] : i32 from vector<16xi32>
      %add3A_835 = arith.addi %get3A_826, %reduce_max3A_834 : i32
      %swap3A_836 = arith.constant 44 : i32
      %swap3A_837 = arith.index_cast %swap3A_836 : i32 to index
      %swap3A_838 = memref.load %arg14[%swap3A_837] : memref<64xi32, #tpu.memory_space<smem>>
      memref.store %add3A_835, %arg14[%swap3A_837] : memref<64xi32, #tpu.memory_space<smem>>
      %eq3A_839 = arith.constant 5 : i32
      %eq3A_840 = vector.broadcast %eq3A_839 : i32 to vector<16xi32>
      %eq3A_841 = arith.cmpi eq, %shift_right_logical3A_686, %eq3A_840 : vector<16xi32>
      %and3A_842 = arith.andi %lt3A_681, %eq3A_841 : vector<16xi1>
      %convert_element_type3A_843 = arith.extui %and3A_842 : vector<16xi1> to vector<16xi32>
      %broadcast_in_dim3A_844 = arith.constant true
      %broadcast_in_dim3A_845 = vector.broadcast %broadcast_in_dim3A_844 : i1 to vector<16xi1>
      %masked_cumsum3A_846 = tpu.scan <sum>, %convert_element_type3A_843 masked %broadcast_in_dim3A_845 : vector<16xi32>, vector<16xi1> -> vector<16xi32>
      %get3A_847 = arith.constant 45 : i32
      %get3A_848 = arith.index_cast %get3A_847 : i32 to index
      %get3A_849 = memref.load %arg14[%get3A_848] : memref<64xi32, #tpu.memory_space<smem>>
      %add3A_850 = vector.broadcast %get3A_849 : i32 to vector<16xi32>
      %add3A_851 = arith.addi %add3A_850, %masked_cumsum3A_846 : vector<16xi32>
      %sub3A_852 = arith.constant 1 : i32
      %sub3A_853 = vector.broadcast %sub3A_852 : i32 to vector<16xi32>
      %sub3A_854 = arith.subi %add3A_851, %sub3A_853 : vector<16xi32>
      tpu.vector_store_idx %arg6[%sub3A_854], %get3A_672 masked %and3A_842 : memref<16640xi32, #tpu.memory_space<vmem>>[vector<16xi32>], vector<16xi32>, vector<16xi1>
      tpu.vector_store_idx %arg9[%sub3A_854], %get3A_676 masked %and3A_842 : memref<16640xi32, #tpu.memory_space<vmem>>[vector<16xi32>], vector<16xi32>, vector<16xi1>
      %get3A_855 = arith.constant 45 : i32
      %get3A_856 = arith.index_cast %get3A_855 : i32 to index
      %get3A_857 = memref.load %arg14[%get3A_856] : memref<64xi32, #tpu.memory_space<smem>>
      %reduce_max3A_858 = arith.constant true
      %reduce_max3A_859 = vector.broadcast %reduce_max3A_858 : i1 to vector<16xi1>
      %reduce_max3A_860 = arith.constant -2147483648 : i32
      %reduce_max3A_861 = vector.broadcast %reduce_max3A_860 : i32 to vector<16xi32>
      %reduce_max3A_862 = arith.xori %masked_cumsum3A_846, %reduce_max3A_861 : vector<16xi32>
      %reduce_max3A_863 = tpu.scan <max>, %reduce_max3A_862 masked %reduce_max3A_859 : vector<16xi32>, vector<16xi1> -> vector<16xi32>
      %reduce_max3A_864 = arith.xori %reduce_max3A_863, %reduce_max3A_861 : vector<16xi32>
      %reduce_max3A_865 = vector.extract %reduce_max3A_864[15] : i32 from vector<16xi32>
      %add3A_866 = arith.addi %get3A_857, %reduce_max3A_865 : i32
      %swap3A_867 = arith.constant 45 : i32
      %swap3A_868 = arith.index_cast %swap3A_867 : i32 to index
      %swap3A_869 = memref.load %arg14[%swap3A_868] : memref<64xi32, #tpu.memory_space<smem>>
      memref.store %add3A_866, %arg14[%swap3A_868] : memref<64xi32, #tpu.memory_space<smem>>
      %eq3A_870 = arith.constant 6 : i32
      %eq3A_871 = vector.broadcast %eq3A_870 : i32 to vector<16xi32>
      %eq3A_872 = arith.cmpi eq, %shift_right_logical3A_686, %eq3A_871 : vector<16xi32>
      %and3A_873 = arith.andi %lt3A_681, %eq3A_872 : vector<16xi1>
      %convert_element_type3A_874 = arith.extui %and3A_873 : vector<16xi1> to vector<16xi32>
      %broadcast_in_dim3A_875 = arith.constant true
      %broadcast_in_dim3A_876 = vector.broadcast %broadcast_in_dim3A_875 : i1 to vector<16xi1>
      %masked_cumsum3A_877 = tpu.scan <sum>, %convert_element_type3A_874 masked %broadcast_in_dim3A_876 : vector<16xi32>, vector<16xi1> -> vector<16xi32>
      %get3A_878 = arith.constant 46 : i32
      %get3A_879 = arith.index_cast %get3A_878 : i32 to index
      %get3A_880 = memref.load %arg14[%get3A_879] : memref<64xi32, #tpu.memory_space<smem>>
      %add3A_881 = vector.broadcast %get3A_880 : i32 to vector<16xi32>
      %add3A_882 = arith.addi %add3A_881, %masked_cumsum3A_877 : vector<16xi32>
      %sub3A_883 = arith.constant 1 : i32
      %sub3A_884 = vector.broadcast %sub3A_883 : i32 to vector<16xi32>
      %sub3A_885 = arith.subi %add3A_882, %sub3A_884 : vector<16xi32>
      tpu.vector_store_idx %arg6[%sub3A_885], %get3A_672 masked %and3A_873 : memref<16640xi32, #tpu.memory_space<vmem>>[vector<16xi32>], vector<16xi32>, vector<16xi1>
      tpu.vector_store_idx %arg9[%sub3A_885], %get3A_676 masked %and3A_873 : memref<16640xi32, #tpu.memory_space<vmem>>[vector<16xi32>], vector<16xi32>, vector<16xi1>
      %get3A_886 = arith.constant 46 : i32
      %get3A_887 = arith.index_cast %get3A_886 : i32 to index
      %get3A_888 = memref.load %arg14[%get3A_887] : memref<64xi32, #tpu.memory_space<smem>>
      %reduce_max3A_889 = arith.constant true
      %reduce_max3A_890 = vector.broadcast %reduce_max3A_889 : i1 to vector<16xi1>
      %reduce_max3A_891 = arith.constant -2147483648 : i32
      %reduce_max3A_892 = vector.broadcast %reduce_max3A_891 : i32 to vector<16xi32>
      %reduce_max3A_893 = arith.xori %masked_cumsum3A_877, %reduce_max3A_892 : vector<16xi32>
      %reduce_max3A_894 = tpu.scan <max>, %reduce_max3A_893 masked %reduce_max3A_890 : vector<16xi32>, vector<16xi1> -> vector<16xi32>
      %reduce_max3A_895 = arith.xori %reduce_max3A_894, %reduce_max3A_892 : vector<16xi32>
      %reduce_max3A_896 = vector.extract %reduce_max3A_895[15] : i32 from vector<16xi32>
      %add3A_897 = arith.addi %get3A_888, %reduce_max3A_896 : i32
      %swap3A_898 = arith.constant 46 : i32
      %swap3A_899 = arith.index_cast %swap3A_898 : i32 to index
      %swap3A_900 = memref.load %arg14[%swap3A_899] : memref<64xi32, #tpu.memory_space<smem>>
      memref.store %add3A_897, %arg14[%swap3A_899] : memref<64xi32, #tpu.memory_space<smem>>
      %eq3A_901 = arith.constant 7 : i32
      %eq3A_902 = vector.broadcast %eq3A_901 : i32 to vector<16xi32>
      %eq3A_903 = arith.cmpi eq, %shift_right_logical3A_686, %eq3A_902 : vector<16xi32>
      %and3A_904 = arith.andi %lt3A_681, %eq3A_903 : vector<16xi1>
      %convert_element_type3A_905 = arith.extui %and3A_904 : vector<16xi1> to vector<16xi32>
      %broadcast_in_dim3A_906 = arith.constant true
      %broadcast_in_dim3A_907 = vector.broadcast %broadcast_in_dim3A_906 : i1 to vector<16xi1>
      %masked_cumsum3A_908 = tpu.scan <sum>, %convert_element_type3A_905 masked %broadcast_in_dim3A_907 : vector<16xi32>, vector<16xi1> -> vector<16xi32>
      %get3A_909 = arith.constant 47 : i32
      %get3A_910 = arith.index_cast %get3A_909 : i32 to index
      %get3A_911 = memref.load %arg14[%get3A_910] : memref<64xi32, #tpu.memory_space<smem>>
      %add3A_912 = vector.broadcast %get3A_911 : i32 to vector<16xi32>
      %add3A_913 = arith.addi %add3A_912, %masked_cumsum3A_908 : vector<16xi32>
      %sub3A_914 = arith.constant 1 : i32
      %sub3A_915 = vector.broadcast %sub3A_914 : i32 to vector<16xi32>
      %sub3A_916 = arith.subi %add3A_913, %sub3A_915 : vector<16xi32>
      tpu.vector_store_idx %arg6[%sub3A_916], %get3A_672 masked %and3A_904 : memref<16640xi32, #tpu.memory_space<vmem>>[vector<16xi32>], vector<16xi32>, vector<16xi1>
      tpu.vector_store_idx %arg9[%sub3A_916], %get3A_676 masked %and3A_904 : memref<16640xi32, #tpu.memory_space<vmem>>[vector<16xi32>], vector<16xi32>, vector<16xi1>
      %get3A_917 = arith.constant 47 : i32
      %get3A_918 = arith.index_cast %get3A_917 : i32 to index
      %get3A_919 = memref.load %arg14[%get3A_918] : memref<64xi32, #tpu.memory_space<smem>>
      %reduce_max3A_920 = arith.constant true
      %reduce_max3A_921 = vector.broadcast %reduce_max3A_920 : i1 to vector<16xi1>
      %reduce_max3A_922 = arith.constant -2147483648 : i32
      %reduce_max3A_923 = vector.broadcast %reduce_max3A_922 : i32 to vector<16xi32>
      %reduce_max3A_924 = arith.xori %masked_cumsum3A_908, %reduce_max3A_923 : vector<16xi32>
      %reduce_max3A_925 = tpu.scan <max>, %reduce_max3A_924 masked %reduce_max3A_921 : vector<16xi32>, vector<16xi1> -> vector<16xi32>
      %reduce_max3A_926 = arith.xori %reduce_max3A_925, %reduce_max3A_923 : vector<16xi32>
      %reduce_max3A_927 = vector.extract %reduce_max3A_926[15] : i32 from vector<16xi32>
      %add3A_928 = arith.addi %get3A_919, %reduce_max3A_927 : i32
      %swap3A_929 = arith.constant 47 : i32
      %swap3A_930 = arith.index_cast %swap3A_929 : i32 to index
      %swap3A_931 = memref.load %arg14[%swap3A_930] : memref<64xi32, #tpu.memory_space<smem>>
      memref.store %add3A_928, %arg14[%swap3A_930] : memref<64xi32, #tpu.memory_space<smem>>
      %eq3A_932 = arith.constant 8 : i32
      %eq3A_933 = vector.broadcast %eq3A_932 : i32 to vector<16xi32>
      %eq3A_934 = arith.cmpi eq, %shift_right_logical3A_686, %eq3A_933 : vector<16xi32>
      %and3A_935 = arith.andi %lt3A_681, %eq3A_934 : vector<16xi1>
      %convert_element_type3A_936 = arith.extui %and3A_935 : vector<16xi1> to vector<16xi32>
      %broadcast_in_dim3A_937 = arith.constant true
      %broadcast_in_dim3A_938 = vector.broadcast %broadcast_in_dim3A_937 : i1 to vector<16xi1>
      %masked_cumsum3A_939 = tpu.scan <sum>, %convert_element_type3A_936 masked %broadcast_in_dim3A_938 : vector<16xi32>, vector<16xi1> -> vector<16xi32>
      %get3A_940 = arith.constant 48 : i32
      %get3A_941 = arith.index_cast %get3A_940 : i32 to index
      %get3A_942 = memref.load %arg14[%get3A_941] : memref<64xi32, #tpu.memory_space<smem>>
      %add3A_943 = vector.broadcast %get3A_942 : i32 to vector<16xi32>
      %add3A_944 = arith.addi %add3A_943, %masked_cumsum3A_939 : vector<16xi32>
      %sub3A_945 = arith.constant 1 : i32
      %sub3A_946 = vector.broadcast %sub3A_945 : i32 to vector<16xi32>
      %sub3A_947 = arith.subi %add3A_944, %sub3A_946 : vector<16xi32>
      tpu.vector_store_idx %arg6[%sub3A_947], %get3A_672 masked %and3A_935 : memref<16640xi32, #tpu.memory_space<vmem>>[vector<16xi32>], vector<16xi32>, vector<16xi1>
      tpu.vector_store_idx %arg9[%sub3A_947], %get3A_676 masked %and3A_935 : memref<16640xi32, #tpu.memory_space<vmem>>[vector<16xi32>], vector<16xi32>, vector<16xi1>
      %get3A_948 = arith.constant 48 : i32
      %get3A_949 = arith.index_cast %get3A_948 : i32 to index
      %get3A_950 = memref.load %arg14[%get3A_949] : memref<64xi32, #tpu.memory_space<smem>>
      %reduce_max3A_951 = arith.constant true
      %reduce_max3A_952 = vector.broadcast %reduce_max3A_951 : i1 to vector<16xi1>
      %reduce_max3A_953 = arith.constant -2147483648 : i32
      %reduce_max3A_954 = vector.broadcast %reduce_max3A_953 : i32 to vector<16xi32>
      %reduce_max3A_955 = arith.xori %masked_cumsum3A_939, %reduce_max3A_954 : vector<16xi32>
      %reduce_max3A_956 = tpu.scan <max>, %reduce_max3A_955 masked %reduce_max3A_952 : vector<16xi32>, vector<16xi1> -> vector<16xi32>
      %reduce_max3A_957 = arith.xori %reduce_max3A_956, %reduce_max3A_954 : vector<16xi32>
      %reduce_max3A_958 = vector.extract %reduce_max3A_957[15] : i32 from vector<16xi32>
      %add3A_959 = arith.addi %get3A_950, %reduce_max3A_958 : i32
      %swap3A_960 = arith.constant 48 : i32
      %swap3A_961 = arith.index_cast %swap3A_960 : i32 to index
      %swap3A_962 = memref.load %arg14[%swap3A_961] : memref<64xi32, #tpu.memory_space<smem>>
      memref.store %add3A_959, %arg14[%swap3A_961] : memref<64xi32, #tpu.memory_space<smem>>
      %eq3A_963 = arith.constant 9 : i32
      %eq3A_964 = vector.broadcast %eq3A_963 : i32 to vector<16xi32>
      %eq3A_965 = arith.cmpi eq, %shift_right_logical3A_686, %eq3A_964 : vector<16xi32>
      %and3A_966 = arith.andi %lt3A_681, %eq3A_965 : vector<16xi1>
      %convert_element_type3A_967 = arith.extui %and3A_966 : vector<16xi1> to vector<16xi32>
      %broadcast_in_dim3A_968 = arith.constant true
      %broadcast_in_dim3A_969 = vector.broadcast %broadcast_in_dim3A_968 : i1 to vector<16xi1>
      %masked_cumsum3A_970 = tpu.scan <sum>, %convert_element_type3A_967 masked %broadcast_in_dim3A_969 : vector<16xi32>, vector<16xi1> -> vector<16xi32>
      %get3A_971 = arith.constant 49 : i32
      %get3A_972 = arith.index_cast %get3A_971 : i32 to index
      %get3A_973 = memref.load %arg14[%get3A_972] : memref<64xi32, #tpu.memory_space<smem>>
      %add3A_974 = vector.broadcast %get3A_973 : i32 to vector<16xi32>
      %add3A_975 = arith.addi %add3A_974, %masked_cumsum3A_970 : vector<16xi32>
      %sub3A_976 = arith.constant 1 : i32
      %sub3A_977 = vector.broadcast %sub3A_976 : i32 to vector<16xi32>
      %sub3A_978 = arith.subi %add3A_975, %sub3A_977 : vector<16xi32>
      tpu.vector_store_idx %arg6[%sub3A_978], %get3A_672 masked %and3A_966 : memref<16640xi32, #tpu.memory_space<vmem>>[vector<16xi32>], vector<16xi32>, vector<16xi1>
      tpu.vector_store_idx %arg9[%sub3A_978], %get3A_676 masked %and3A_966 : memref<16640xi32, #tpu.memory_space<vmem>>[vector<16xi32>], vector<16xi32>, vector<16xi1>
      %get3A_979 = arith.constant 49 : i32
      %get3A_980 = arith.index_cast %get3A_979 : i32 to index
      %get3A_981 = memref.load %arg14[%get3A_980] : memref<64xi32, #tpu.memory_space<smem>>
      %reduce_max3A_982 = arith.constant true
      %reduce_max3A_983 = vector.broadcast %reduce_max3A_982 : i1 to vector<16xi1>
      %reduce_max3A_984 = arith.constant -2147483648 : i32
      %reduce_max3A_985 = vector.broadcast %reduce_max3A_984 : i32 to vector<16xi32>
      %reduce_max3A_986 = arith.xori %masked_cumsum3A_970, %reduce_max3A_985 : vector<16xi32>
      %reduce_max3A_987 = tpu.scan <max>, %reduce_max3A_986 masked %reduce_max3A_983 : vector<16xi32>, vector<16xi1> -> vector<16xi32>
      %reduce_max3A_988 = arith.xori %reduce_max3A_987, %reduce_max3A_985 : vector<16xi32>
      %reduce_max3A_989 = vector.extract %reduce_max3A_988[15] : i32 from vector<16xi32>
      %add3A_990 = arith.addi %get3A_981, %reduce_max3A_989 : i32
      %swap3A_991 = arith.constant 49 : i32
      %swap3A_992 = arith.index_cast %swap3A_991 : i32 to index
      %swap3A_993 = memref.load %arg14[%swap3A_992] : memref<64xi32, #tpu.memory_space<smem>>
      memref.store %add3A_990, %arg14[%swap3A_992] : memref<64xi32, #tpu.memory_space<smem>>
      %eq3A_994 = arith.constant 10 : i32
      %eq3A_995 = vector.broadcast %eq3A_994 : i32 to vector<16xi32>
      %eq3A_996 = arith.cmpi eq, %shift_right_logical3A_686, %eq3A_995 : vector<16xi32>
      %and3A_997 = arith.andi %lt3A_681, %eq3A_996 : vector<16xi1>
      %convert_element_type3A_998 = arith.extui %and3A_997 : vector<16xi1> to vector<16xi32>
      %broadcast_in_dim3A_999 = arith.constant true
      %broadcast_in_dim3A_1000 = vector.broadcast %broadcast_in_dim3A_999 : i1 to vector<16xi1>
      %masked_cumsum3A_1001 = tpu.scan <sum>, %convert_element_type3A_998 masked %broadcast_in_dim3A_1000 : vector<16xi32>, vector<16xi1> -> vector<16xi32>
      %get3A_1002 = arith.constant 50 : i32
      %get3A_1003 = arith.index_cast %get3A_1002 : i32 to index
      %get3A_1004 = memref.load %arg14[%get3A_1003] : memref<64xi32, #tpu.memory_space<smem>>
      %add3A_1005 = vector.broadcast %get3A_1004 : i32 to vector<16xi32>
      %add3A_1006 = arith.addi %add3A_1005, %masked_cumsum3A_1001 : vector<16xi32>
      %sub3A_1007 = arith.constant 1 : i32
      %sub3A_1008 = vector.broadcast %sub3A_1007 : i32 to vector<16xi32>
      %sub3A_1009 = arith.subi %add3A_1006, %sub3A_1008 : vector<16xi32>
      tpu.vector_store_idx %arg6[%sub3A_1009], %get3A_672 masked %and3A_997 : memref<16640xi32, #tpu.memory_space<vmem>>[vector<16xi32>], vector<16xi32>, vector<16xi1>
      tpu.vector_store_idx %arg9[%sub3A_1009], %get3A_676 masked %and3A_997 : memref<16640xi32, #tpu.memory_space<vmem>>[vector<16xi32>], vector<16xi32>, vector<16xi1>
      %get3A_1010 = arith.constant 50 : i32
      %get3A_1011 = arith.index_cast %get3A_1010 : i32 to index
      %get3A_1012 = memref.load %arg14[%get3A_1011] : memref<64xi32, #tpu.memory_space<smem>>
      %reduce_max3A_1013 = arith.constant true
      %reduce_max3A_1014 = vector.broadcast %reduce_max3A_1013 : i1 to vector<16xi1>
      %reduce_max3A_1015 = arith.constant -2147483648 : i32
      %reduce_max3A_1016 = vector.broadcast %reduce_max3A_1015 : i32 to vector<16xi32>
      %reduce_max3A_1017 = arith.xori %masked_cumsum3A_1001, %reduce_max3A_1016 : vector<16xi32>
      %reduce_max3A_1018 = tpu.scan <max>, %reduce_max3A_1017 masked %reduce_max3A_1014 : vector<16xi32>, vector<16xi1> -> vector<16xi32>
      %reduce_max3A_1019 = arith.xori %reduce_max3A_1018, %reduce_max3A_1016 : vector<16xi32>
      %reduce_max3A_1020 = vector.extract %reduce_max3A_1019[15] : i32 from vector<16xi32>
      %add3A_1021 = arith.addi %get3A_1012, %reduce_max3A_1020 : i32
      %swap3A_1022 = arith.constant 50 : i32
      %swap3A_1023 = arith.index_cast %swap3A_1022 : i32 to index
      %swap3A_1024 = memref.load %arg14[%swap3A_1023] : memref<64xi32, #tpu.memory_space<smem>>
      memref.store %add3A_1021, %arg14[%swap3A_1023] : memref<64xi32, #tpu.memory_space<smem>>
      %eq3A_1025 = arith.constant 11 : i32
      %eq3A_1026 = vector.broadcast %eq3A_1025 : i32 to vector<16xi32>
      %eq3A_1027 = arith.cmpi eq, %shift_right_logical3A_686, %eq3A_1026 : vector<16xi32>
      %and3A_1028 = arith.andi %lt3A_681, %eq3A_1027 : vector<16xi1>
      %convert_element_type3A_1029 = arith.extui %and3A_1028 : vector<16xi1> to vector<16xi32>
      %broadcast_in_dim3A_1030 = arith.constant true
      %broadcast_in_dim3A_1031 = vector.broadcast %broadcast_in_dim3A_1030 : i1 to vector<16xi1>
      %masked_cumsum3A_1032 = tpu.scan <sum>, %convert_element_type3A_1029 masked %broadcast_in_dim3A_1031 : vector<16xi32>, vector<16xi1> -> vector<16xi32>
      %get3A_1033 = arith.constant 51 : i32
      %get3A_1034 = arith.index_cast %get3A_1033 : i32 to index
      %get3A_1035 = memref.load %arg14[%get3A_1034] : memref<64xi32, #tpu.memory_space<smem>>
      %add3A_1036 = vector.broadcast %get3A_1035 : i32 to vector<16xi32>
      %add3A_1037 = arith.addi %add3A_1036, %masked_cumsum3A_1032 : vector<16xi32>
      %sub3A_1038 = arith.constant 1 : i32
      %sub3A_1039 = vector.broadcast %sub3A_1038 : i32 to vector<16xi32>
      %sub3A_1040 = arith.subi %add3A_1037, %sub3A_1039 : vector<16xi32>
      tpu.vector_store_idx %arg6[%sub3A_1040], %get3A_672 masked %and3A_1028 : memref<16640xi32, #tpu.memory_space<vmem>>[vector<16xi32>], vector<16xi32>, vector<16xi1>
      tpu.vector_store_idx %arg9[%sub3A_1040], %get3A_676 masked %and3A_1028 : memref<16640xi32, #tpu.memory_space<vmem>>[vector<16xi32>], vector<16xi32>, vector<16xi1>
      %get3A_1041 = arith.constant 51 : i32
      %get3A_1042 = arith.index_cast %get3A_1041 : i32 to index
      %get3A_1043 = memref.load %arg14[%get3A_1042] : memref<64xi32, #tpu.memory_space<smem>>
      %reduce_max3A_1044 = arith.constant true
      %reduce_max3A_1045 = vector.broadcast %reduce_max3A_1044 : i1 to vector<16xi1>
      %reduce_max3A_1046 = arith.constant -2147483648 : i32
      %reduce_max3A_1047 = vector.broadcast %reduce_max3A_1046 : i32 to vector<16xi32>
      %reduce_max3A_1048 = arith.xori %masked_cumsum3A_1032, %reduce_max3A_1047 : vector<16xi32>
      %reduce_max3A_1049 = tpu.scan <max>, %reduce_max3A_1048 masked %reduce_max3A_1045 : vector<16xi32>, vector<16xi1> -> vector<16xi32>
      %reduce_max3A_1050 = arith.xori %reduce_max3A_1049, %reduce_max3A_1047 : vector<16xi32>
      %reduce_max3A_1051 = vector.extract %reduce_max3A_1050[15] : i32 from vector<16xi32>
      %add3A_1052 = arith.addi %get3A_1043, %reduce_max3A_1051 : i32
      %swap3A_1053 = arith.constant 51 : i32
      %swap3A_1054 = arith.index_cast %swap3A_1053 : i32 to index
      %swap3A_1055 = memref.load %arg14[%swap3A_1054] : memref<64xi32, #tpu.memory_space<smem>>
      memref.store %add3A_1052, %arg14[%swap3A_1054] : memref<64xi32, #tpu.memory_space<smem>>
      %eq3A_1056 = arith.constant 12 : i32
      %eq3A_1057 = vector.broadcast %eq3A_1056 : i32 to vector<16xi32>
      %eq3A_1058 = arith.cmpi eq, %shift_right_logical3A_686, %eq3A_1057 : vector<16xi32>
      %and3A_1059 = arith.andi %lt3A_681, %eq3A_1058 : vector<16xi1>
      %convert_element_type3A_1060 = arith.extui %and3A_1059 : vector<16xi1> to vector<16xi32>
      %broadcast_in_dim3A_1061 = arith.constant true
      %broadcast_in_dim3A_1062 = vector.broadcast %broadcast_in_dim3A_1061 : i1 to vector<16xi1>
      %masked_cumsum3A_1063 = tpu.scan <sum>, %convert_element_type3A_1060 masked %broadcast_in_dim3A_1062 : vector<16xi32>, vector<16xi1> -> vector<16xi32>
      %get3A_1064 = arith.constant 52 : i32
      %get3A_1065 = arith.index_cast %get3A_1064 : i32 to index
      %get3A_1066 = memref.load %arg14[%get3A_1065] : memref<64xi32, #tpu.memory_space<smem>>
      %add3A_1067 = vector.broadcast %get3A_1066 : i32 to vector<16xi32>
      %add3A_1068 = arith.addi %add3A_1067, %masked_cumsum3A_1063 : vector<16xi32>
      %sub3A_1069 = arith.constant 1 : i32
      %sub3A_1070 = vector.broadcast %sub3A_1069 : i32 to vector<16xi32>
      %sub3A_1071 = arith.subi %add3A_1068, %sub3A_1070 : vector<16xi32>
      tpu.vector_store_idx %arg6[%sub3A_1071], %get3A_672 masked %and3A_1059 : memref<16640xi32, #tpu.memory_space<vmem>>[vector<16xi32>], vector<16xi32>, vector<16xi1>
      tpu.vector_store_idx %arg9[%sub3A_1071], %get3A_676 masked %and3A_1059 : memref<16640xi32, #tpu.memory_space<vmem>>[vector<16xi32>], vector<16xi32>, vector<16xi1>
      %get3A_1072 = arith.constant 52 : i32
      %get3A_1073 = arith.index_cast %get3A_1072 : i32 to index
      %get3A_1074 = memref.load %arg14[%get3A_1073] : memref<64xi32, #tpu.memory_space<smem>>
      %reduce_max3A_1075 = arith.constant true
      %reduce_max3A_1076 = vector.broadcast %reduce_max3A_1075 : i1 to vector<16xi1>
      %reduce_max3A_1077 = arith.constant -2147483648 : i32
      %reduce_max3A_1078 = vector.broadcast %reduce_max3A_1077 : i32 to vector<16xi32>
      %reduce_max3A_1079 = arith.xori %masked_cumsum3A_1063, %reduce_max3A_1078 : vector<16xi32>
      %reduce_max3A_1080 = tpu.scan <max>, %reduce_max3A_1079 masked %reduce_max3A_1076 : vector<16xi32>, vector<16xi1> -> vector<16xi32>
      %reduce_max3A_1081 = arith.xori %reduce_max3A_1080, %reduce_max3A_1078 : vector<16xi32>
      %reduce_max3A_1082 = vector.extract %reduce_max3A_1081[15] : i32 from vector<16xi32>
      %add3A_1083 = arith.addi %get3A_1074, %reduce_max3A_1082 : i32
      %swap3A_1084 = arith.constant 52 : i32
      %swap3A_1085 = arith.index_cast %swap3A_1084 : i32 to index
      %swap3A_1086 = memref.load %arg14[%swap3A_1085] : memref<64xi32, #tpu.memory_space<smem>>
      memref.store %add3A_1083, %arg14[%swap3A_1085] : memref<64xi32, #tpu.memory_space<smem>>
      %eq3A_1087 = arith.constant 13 : i32
      %eq3A_1088 = vector.broadcast %eq3A_1087 : i32 to vector<16xi32>
      %eq3A_1089 = arith.cmpi eq, %shift_right_logical3A_686, %eq3A_1088 : vector<16xi32>
      %and3A_1090 = arith.andi %lt3A_681, %eq3A_1089 : vector<16xi1>
      %convert_element_type3A_1091 = arith.extui %and3A_1090 : vector<16xi1> to vector<16xi32>
      %broadcast_in_dim3A_1092 = arith.constant true
      %broadcast_in_dim3A_1093 = vector.broadcast %broadcast_in_dim3A_1092 : i1 to vector<16xi1>
      %masked_cumsum3A_1094 = tpu.scan <sum>, %convert_element_type3A_1091 masked %broadcast_in_dim3A_1093 : vector<16xi32>, vector<16xi1> -> vector<16xi32>
      %get3A_1095 = arith.constant 53 : i32
      %get3A_1096 = arith.index_cast %get3A_1095 : i32 to index
      %get3A_1097 = memref.load %arg14[%get3A_1096] : memref<64xi32, #tpu.memory_space<smem>>
      %add3A_1098 = vector.broadcast %get3A_1097 : i32 to vector<16xi32>
      %add3A_1099 = arith.addi %add3A_1098, %masked_cumsum3A_1094 : vector<16xi32>
      %sub3A_1100 = arith.constant 1 : i32
      %sub3A_1101 = vector.broadcast %sub3A_1100 : i32 to vector<16xi32>
      %sub3A_1102 = arith.subi %add3A_1099, %sub3A_1101 : vector<16xi32>
      tpu.vector_store_idx %arg6[%sub3A_1102], %get3A_672 masked %and3A_1090 : memref<16640xi32, #tpu.memory_space<vmem>>[vector<16xi32>], vector<16xi32>, vector<16xi1>
      tpu.vector_store_idx %arg9[%sub3A_1102], %get3A_676 masked %and3A_1090 : memref<16640xi32, #tpu.memory_space<vmem>>[vector<16xi32>], vector<16xi32>, vector<16xi1>
      %get3A_1103 = arith.constant 53 : i32
      %get3A_1104 = arith.index_cast %get3A_1103 : i32 to index
      %get3A_1105 = memref.load %arg14[%get3A_1104] : memref<64xi32, #tpu.memory_space<smem>>
      %reduce_max3A_1106 = arith.constant true
      %reduce_max3A_1107 = vector.broadcast %reduce_max3A_1106 : i1 to vector<16xi1>
      %reduce_max3A_1108 = arith.constant -2147483648 : i32
      %reduce_max3A_1109 = vector.broadcast %reduce_max3A_1108 : i32 to vector<16xi32>
      %reduce_max3A_1110 = arith.xori %masked_cumsum3A_1094, %reduce_max3A_1109 : vector<16xi32>
      %reduce_max3A_1111 = tpu.scan <max>, %reduce_max3A_1110 masked %reduce_max3A_1107 : vector<16xi32>, vector<16xi1> -> vector<16xi32>
      %reduce_max3A_1112 = arith.xori %reduce_max3A_1111, %reduce_max3A_1109 : vector<16xi32>
      %reduce_max3A_1113 = vector.extract %reduce_max3A_1112[15] : i32 from vector<16xi32>
      %add3A_1114 = arith.addi %get3A_1105, %reduce_max3A_1113 : i32
      %swap3A_1115 = arith.constant 53 : i32
      %swap3A_1116 = arith.index_cast %swap3A_1115 : i32 to index
      %swap3A_1117 = memref.load %arg14[%swap3A_1116] : memref<64xi32, #tpu.memory_space<smem>>
      memref.store %add3A_1114, %arg14[%swap3A_1116] : memref<64xi32, #tpu.memory_space<smem>>
      %eq3A_1118 = arith.constant 14 : i32
      %eq3A_1119 = vector.broadcast %eq3A_1118 : i32 to vector<16xi32>
      %eq3A_1120 = arith.cmpi eq, %shift_right_logical3A_686, %eq3A_1119 : vector<16xi32>
      %and3A_1121 = arith.andi %lt3A_681, %eq3A_1120 : vector<16xi1>
      %convert_element_type3A_1122 = arith.extui %and3A_1121 : vector<16xi1> to vector<16xi32>
      %broadcast_in_dim3A_1123 = arith.constant true
      %broadcast_in_dim3A_1124 = vector.broadcast %broadcast_in_dim3A_1123 : i1 to vector<16xi1>
      %masked_cumsum3A_1125 = tpu.scan <sum>, %convert_element_type3A_1122 masked %broadcast_in_dim3A_1124 : vector<16xi32>, vector<16xi1> -> vector<16xi32>
      %get3A_1126 = arith.constant 54 : i32
      %get3A_1127 = arith.index_cast %get3A_1126 : i32 to index
      %get3A_1128 = memref.load %arg14[%get3A_1127] : memref<64xi32, #tpu.memory_space<smem>>
      %add3A_1129 = vector.broadcast %get3A_1128 : i32 to vector<16xi32>
      %add3A_1130 = arith.addi %add3A_1129, %masked_cumsum3A_1125 : vector<16xi32>
      %sub3A_1131 = arith.constant 1 : i32
      %sub3A_1132 = vector.broadcast %sub3A_1131 : i32 to vector<16xi32>
      %sub3A_1133 = arith.subi %add3A_1130, %sub3A_1132 : vector<16xi32>
      tpu.vector_store_idx %arg6[%sub3A_1133], %get3A_672 masked %and3A_1121 : memref<16640xi32, #tpu.memory_space<vmem>>[vector<16xi32>], vector<16xi32>, vector<16xi1>
      tpu.vector_store_idx %arg9[%sub3A_1133], %get3A_676 masked %and3A_1121 : memref<16640xi32, #tpu.memory_space<vmem>>[vector<16xi32>], vector<16xi32>, vector<16xi1>
      %get3A_1134 = arith.constant 54 : i32
      %get3A_1135 = arith.index_cast %get3A_1134 : i32 to index
      %get3A_1136 = memref.load %arg14[%get3A_1135] : memref<64xi32, #tpu.memory_space<smem>>
      %reduce_max3A_1137 = arith.constant true
      %reduce_max3A_1138 = vector.broadcast %reduce_max3A_1137 : i1 to vector<16xi1>
      %reduce_max3A_1139 = arith.constant -2147483648 : i32
      %reduce_max3A_1140 = vector.broadcast %reduce_max3A_1139 : i32 to vector<16xi32>
      %reduce_max3A_1141 = arith.xori %masked_cumsum3A_1125, %reduce_max3A_1140 : vector<16xi32>
      %reduce_max3A_1142 = tpu.scan <max>, %reduce_max3A_1141 masked %reduce_max3A_1138 : vector<16xi32>, vector<16xi1> -> vector<16xi32>
      %reduce_max3A_1143 = arith.xori %reduce_max3A_1142, %reduce_max3A_1140 : vector<16xi32>
      %reduce_max3A_1144 = vector.extract %reduce_max3A_1143[15] : i32 from vector<16xi32>
      %add3A_1145 = arith.addi %get3A_1136, %reduce_max3A_1144 : i32
      %swap3A_1146 = arith.constant 54 : i32
      %swap3A_1147 = arith.index_cast %swap3A_1146 : i32 to index
      %swap3A_1148 = memref.load %arg14[%swap3A_1147] : memref<64xi32, #tpu.memory_space<smem>>
      memref.store %add3A_1145, %arg14[%swap3A_1147] : memref<64xi32, #tpu.memory_space<smem>>
      %eq3A_1149 = arith.constant 15 : i32
      %eq3A_1150 = vector.broadcast %eq3A_1149 : i32 to vector<16xi32>
      %eq3A_1151 = arith.cmpi eq, %shift_right_logical3A_686, %eq3A_1150 : vector<16xi32>
      %and3A_1152 = arith.andi %lt3A_681, %eq3A_1151 : vector<16xi1>
      %convert_element_type3A_1153 = arith.extui %and3A_1152 : vector<16xi1> to vector<16xi32>
      %broadcast_in_dim3A_1154 = arith.constant true
      %broadcast_in_dim3A_1155 = vector.broadcast %broadcast_in_dim3A_1154 : i1 to vector<16xi1>
      %masked_cumsum3A_1156 = tpu.scan <sum>, %convert_element_type3A_1153 masked %broadcast_in_dim3A_1155 : vector<16xi32>, vector<16xi1> -> vector<16xi32>
      %get3A_1157 = arith.constant 55 : i32
      %get3A_1158 = arith.index_cast %get3A_1157 : i32 to index
      %get3A_1159 = memref.load %arg14[%get3A_1158] : memref<64xi32, #tpu.memory_space<smem>>
      %add3A_1160 = vector.broadcast %get3A_1159 : i32 to vector<16xi32>
      %add3A_1161 = arith.addi %add3A_1160, %masked_cumsum3A_1156 : vector<16xi32>
      %sub3A_1162 = arith.constant 1 : i32
      %sub3A_1163 = vector.broadcast %sub3A_1162 : i32 to vector<16xi32>
      %sub3A_1164 = arith.subi %add3A_1161, %sub3A_1163 : vector<16xi32>
      tpu.vector_store_idx %arg6[%sub3A_1164], %get3A_672 masked %and3A_1152 : memref<16640xi32, #tpu.memory_space<vmem>>[vector<16xi32>], vector<16xi32>, vector<16xi1>
      tpu.vector_store_idx %arg9[%sub3A_1164], %get3A_676 masked %and3A_1152 : memref<16640xi32, #tpu.memory_space<vmem>>[vector<16xi32>], vector<16xi32>, vector<16xi1>
      %get3A_1165 = arith.constant 55 : i32
      %get3A_1166 = arith.index_cast %get3A_1165 : i32 to index
      %get3A_1167 = memref.load %arg14[%get3A_1166] : memref<64xi32, #tpu.memory_space<smem>>
      %reduce_max3A_1168 = arith.constant true
      %reduce_max3A_1169 = vector.broadcast %reduce_max3A_1168 : i1 to vector<16xi1>
      %reduce_max3A_1170 = arith.constant -2147483648 : i32
      %reduce_max3A_1171 = vector.broadcast %reduce_max3A_1170 : i32 to vector<16xi32>
      %reduce_max3A_1172 = arith.xori %masked_cumsum3A_1156, %reduce_max3A_1171 : vector<16xi32>
      %reduce_max3A_1173 = tpu.scan <max>, %reduce_max3A_1172 masked %reduce_max3A_1169 : vector<16xi32>, vector<16xi1> -> vector<16xi32>
      %reduce_max3A_1174 = arith.xori %reduce_max3A_1173, %reduce_max3A_1171 : vector<16xi32>
      %reduce_max3A_1175 = vector.extract %reduce_max3A_1174[15] : i32 from vector<16xi32>
      %add3A_1176 = arith.addi %get3A_1167, %reduce_max3A_1175 : i32
      %swap3A_1177 = arith.constant 55 : i32
      %swap3A_1178 = arith.index_cast %swap3A_1177 : i32 to index
      %swap3A_1179 = memref.load %arg14[%swap3A_1178] : memref<64xi32, #tpu.memory_space<smem>>
      memref.store %add3A_1176, %arg14[%swap3A_1178] : memref<64xi32, #tpu.memory_space<smem>>
    }
    %while3A_631 = arith.constant 0 : i32
    %while3A_632 = arith.constant 0 : i32
    %while3A_633 = arith.subi %min3A_4, %while3A_632 : i32
    %while3A_634 = arith.addi %while3A_632, %while3A_633 : i32
    %while3A_635 = arith.constant 1 : i32
    %while3A_636 = arith.divsi %while3A_633, %while3A_635 : i32
    %while3A_637 = arith.muli %while3A_636, %while3A_635 : i32
    %while3A_638 = arith.addi %while3A_632, %while3A_637 : i32
    %while3A_639 = arith.constant 1 : i32
    scf.for %while3A_668 = %while3A_632 to %while3A_638 step %while3A_639  : i32 {
      %dma_wait3A = arith.constant 0 : i32
      %dma_wait3A_669 = arith.constant 0 : i32
      %dma_wait3A_670 = tpu.memref_slice %arg10[%dma_wait3A, %dma_wait3A_669] : memref<256x128xf32, #tpu.memory_space<vmem>> -> memref<128x128xf32, #tpu.memory_space<vmem>>
      %dma_wait3A_671 = arith.constant 0 : i32
      %dma_wait3A_672 = arith.constant 0 : i32
      %dma_wait3A_673 = tpu.memref_slice %arg2[%dma_wait3A_671, %dma_wait3A_672] : memref<128x1000000xf32, #tpu.memory_space<hbm>> -> memref<128x128xf32, #tpu.memory_space<hbm>>
      %dma_wait3A_674 = arith.constant 0 : i32
      %dma_wait3A_675 = arith.constant 0 : i32
      %dma_wait3A_676 = tpu.memref_slice %arg10[%dma_wait3A_674, %dma_wait3A_675] : memref<256x128xf32, #tpu.memory_space<vmem>> -> memref<128x128xf32, #tpu.memory_space<vmem>>
      %dma_wait3A_677 = arith.constant 0 : i32
      %dma_wait3A_678 = arith.constant 0 : i32
      %dma_wait3A_679 = tpu.memref_slice %arg2[%dma_wait3A_677, %dma_wait3A_678] : memref<128x1000000xf32, #tpu.memory_space<hbm>> -> memref<128x128xf32, #tpu.memory_space<hbm>>
      tpu.wait_dma2 semaphore(%arg15 : memref<!tpu.dma_semaphore, #tpu.memory_space<semaphore_mem>>) src(%dma_wait3A_679 : memref<128x128xf32, #tpu.memory_space<hbm>>) dst(%dma_wait3A_676 : memref<128x128xf32, #tpu.memory_space<vmem>>)
      %and3A_680 = arith.constant 1 : i32
      %and3A_681 = arith.andi %while3A_668, %and3A_680 : i32
      %add3A_682 = arith.addi %mul3A_2, %while3A_668 : i32
      %mul3A_683 = arith.constant 128 : i32
      %mul3A_684 = arith.muli %add3A_682, %mul3A_683 : i32
      %shift_right_logical3A_685 = arith.constant 4 : i32
      %shift_right_logical3A_686 = arith.shrui %while3A_668, %shift_right_logical3A_685 : i32
      %add3A_687 = arith.constant 8 : i32
      %add3A_688 = arith.addi %add3A_687, %shift_right_logical3A_686 : i32
      %get3A_689 = arith.index_cast %add3A_688 : i32 to index
      %get3A_690 = memref.load %arg14[%get3A_689] : memref<64xi32, #tpu.memory_space<smem>>
      %add3A_691 = arith.constant 24 : i32
      %add3A_692 = arith.addi %add3A_691, %shift_right_logical3A_686 : i32
      %get3A_693 = arith.index_cast %add3A_692 : i32 to index
      %get3A_694 = memref.load %arg14[%get3A_693] : memref<64xi32, #tpu.memory_space<smem>>
      %while3A_695 = arith.constant 0 : i32
      %while3A_696 = arith.constant 0 : i32
      %while3A_697 = arith.subi %get3A_694, %while3A_696 : i32
      %while3A_698 = arith.addi %while3A_696, %while3A_697 : i32
      %while3A_699 = arith.constant 1 : i32
      %while3A_700 = arith.divsi %while3A_697, %while3A_699 : i32
      %while3A_701 = arith.muli %while3A_700, %while3A_699 : i32
      %while3A_702 = arith.addi %while3A_696, %while3A_701 : i32
      %while3A_703 = arith.constant 1 : i32
      scf.for %while3A_710 = %while3A_696 to %while3A_702 step %while3A_703  : i32 {
        %mul3A_711 = arith.constant 16 : i32
        %mul3A_712 = arith.muli %mul3A_711, %while3A_710 : i32
        %add3A_713 = arith.addi %get3A_690, %mul3A_712 : i32
        %get3A_714 = arith.index_cast %add3A_713 : i32 to index
        %get3A_715 = tpu.vector_load %arg6[%get3A_714] {strides = array<i32>} : memref<16640xi32, #tpu.memory_space<vmem>>, vector<16xi32>,
        %ge3A = vector.broadcast %mul3A_684 : i32 to vector<16xi32>
        %ge3A_716 = arith.cmpi sge, %get3A_715, %ge3A : vector<16xi32>
        %add3A_717 = arith.constant 128 : i32
        %add3A_718 = arith.addi %mul3A_684, %add3A_717 : i32
        %lt3A_719 = vector.broadcast %add3A_718 : i32 to vector<16xi32>
        %lt3A_720 = arith.cmpi slt, %get3A_715, %lt3A_719 : vector<16xi32>
        %and3A_721 = arith.andi %ge3A_716, %lt3A_720 : vector<16xi1>
        %sub3A_722 = vector.broadcast %mul3A_684 : i32 to vector<16xi32>
        %sub3A_723 = arith.subi %get3A_715, %sub3A_722 : vector<16xi32>
        %mul3A_724 = arith.constant 16 : i32
        %mul3A_725 = arith.muli %mul3A_724, %while3A_710 : i32
        %add3A_726 = arith.addi %get3A_690, %mul3A_725 : i32
        %get3A_727 = arith.index_cast %add3A_726 : i32 to index
        %get3A_728 = tpu.vector_load %arg9[%get3A_727] {strides = array<i32>} : memref<16640xi32, #tpu.memory_space<vmem>>, vector<16xi32>,
        %while3A_729 = scf.while (%while3A_730 = %and3A_721) : (vector<16xi1>) -> vector<16xi1> {
          %convert_element_type3A_731 = arith.extui %while3A_730 : vector<16xi1> to vector<16xi32>
          %reduce_max3A = arith.constant true
          %reduce_max3A_732 = vector.broadcast %reduce_max3A : i1 to vector<16xi1>
          %reduce_max3A_733 = arith.constant -2147483648 : i32
          %reduce_max3A_734 = vector.broadcast %reduce_max3A_733 : i32 to vector<16xi32>
          %reduce_max3A_735 = arith.xori %convert_element_type3A_731, %reduce_max3A_734 : vector<16xi32>
          %reduce_max3A_736 = tpu.scan <max>, %reduce_max3A_735 masked %reduce_max3A_732 : vector<16xi32>, vector<16xi1> -> vector<16xi32>
          %reduce_max3A_737 = arith.xori %reduce_max3A_736, %reduce_max3A_734 : vector<16xi32>
          %reduce_max3A_738 = vector.extract %reduce_max3A_737[15] : i32 from vector<16xi32>
          %gt3A_739 = arith.constant 0 : i32
          %gt3A_740 = arith.cmpi sgt, %reduce_max3A_738, %gt3A_739 : i32
          scf.condition(%gt3A_740) %while3A_730 : vector<16xi1>
        } do {
        ^bb0(%while3A_730: vector<16xi1>):
          %all_reduce_ffs3A = tpu.all_reduce %while3A_730 {dim = 0 : i64, kind = #tpu.reduction_kind<find_first_set>} : vector<16xi1> -> vector<16xi32>
          %eq3A = arith.cmpi eq, %iota3A, %all_reduce_ffs3A : vector<16xi32>
          %broadcast_in_dim3A_731 = arith.constant 0 : i32
          %broadcast_in_dim3A_732 = vector.broadcast %broadcast_in_dim3A_731 : i32 to vector<16xi32>
          %select_n3A = arith.select %eq3A, %sub3A_723, %broadcast_in_dim3A_732 : vector<16xi1>, vector<16xi32>
          %reduce_max3A = arith.constant true
          %reduce_max3A_733 = vector.broadcast %reduce_max3A : i1 to vector<16xi1>
          %reduce_max3A_734 = arith.constant -2147483648 : i32
          %reduce_max3A_735 = vector.broadcast %reduce_max3A_734 : i32 to vector<16xi32>
          %reduce_max3A_736 = arith.xori %select_n3A, %reduce_max3A_735 : vector<16xi32>
          %reduce_max3A_737 = tpu.scan <max>, %reduce_max3A_736 masked %reduce_max3A_733 : vector<16xi32>, vector<16xi1> -> vector<16xi32>
          %reduce_max3A_738 = arith.xori %reduce_max3A_737, %reduce_max3A_735 : vector<16xi32>
          %reduce_max3A_739 = vector.extract %reduce_max3A_738[15] : i32 from vector<16xi32>
          %select_n3A_740 = arith.select %eq3A, %get3A_728, %broadcast_in_dim3A_732 : vector<16xi1>, vector<16xi32>
          %reduce_max3A_741 = arith.constant true
          %reduce_max3A_742 = vector.broadcast %reduce_max3A_741 : i1 to vector<16xi1>
          %reduce_max3A_743 = arith.constant -2147483648 : i32
          %reduce_max3A_744 = vector.broadcast %reduce_max3A_743 : i32 to vector<16xi32>
          %reduce_max3A_745 = arith.xori %select_n3A_740, %reduce_max3A_744 : vector<16xi32>
          %reduce_max3A_746 = tpu.scan <max>, %reduce_max3A_745 masked %reduce_max3A_742 : vector<16xi32>, vector<16xi1> -> vector<16xi32>
          %reduce_max3A_747 = arith.xori %reduce_max3A_746, %reduce_max3A_744 : vector<16xi32>
          %reduce_max3A_748 = vector.extract %reduce_max3A_747[15] : i32 from vector<16xi32>
          %get3A_749 = arith.constant 1 : i32
          %get3A_750 = arith.index_cast %get3A_749 : i32 to index
          %get3A_751 = memref.load %arg14[%get3A_750] : memref<64xi32, #tpu.memory_space<smem>>
          %and3A_752 = arith.constant 127 : i32
          %and3A_753 = arith.andi %get3A_751, %and3A_752 : i32
          %broadcast_in_dim3A_754 = vector.broadcast %and3A_753 : i32 to vector<16xi32>
          %mul3A_755 = arith.constant 128 : i32
          %mul3A_756 = arith.muli %and3A_681, %mul3A_755 : i32
          %add3A_757 = arith.constant 0 : i32
          %add3A_758 = arith.addi %mul3A_756, %add3A_757 : i32
          %add3A_759 = vector.broadcast %add3A_758 : i32 to vector<16xi32>
          %add3A_760 = arith.addi %add3A_759, %iota3A : vector<16xi32>
          %broadcast_in_dim3A_761 = vector.broadcast %reduce_max3A_739 : i32 to vector<16xi32>
          %gather3A = tpu.vector_load_idx %arg10[%add3A_760, %broadcast_in_dim3A_761] : memref<256x128xf32, #tpu.memory_space<vmem>>[vector<16xi32>, vector<16xi32>], vector<16xf32>,
          %add3A_762 = arith.constant 0 : i32
          %add3A_763 = vector.broadcast %add3A_762 : i32 to vector<16xi32>
          %add3A_764 = arith.addi %add3A_763, %iota3A : vector<16xi32>
          tpu.vector_store_idx %arg11[%broadcast_in_dim3A_754, %add3A_764], %gather3A : memref<128x128xf32, #tpu.memory_space<vmem>>[vector<16xi32>, vector<16xi32>], vector<16xf32>,
          %mul3A_765 = arith.constant 128 : i32
          %mul3A_766 = arith.muli %and3A_681, %mul3A_765 : i32
          %add3A_767 = arith.constant 16 : i32
          %add3A_768 = arith.addi %mul3A_766, %add3A_767 : i32
          %add3A_769 = vector.broadcast %add3A_768 : i32 to vector<16xi32>
          %add3A_770 = arith.addi %add3A_769, %iota3A : vector<16xi32>
          %broadcast_in_dim3A_771 = vector.broadcast %reduce_max3A_739 : i32 to vector<16xi32>
          %gather3A_772 = tpu.vector_load_idx %arg10[%add3A_770, %broadcast_in_dim3A_771] : memref<256x128xf32, #tpu.memory_space<vmem>>[vector<16xi32>, vector<16xi32>], vector<16xf32>,
          %add3A_773 = arith.constant 16 : i32
          %add3A_774 = vector.broadcast %add3A_773 : i32 to vector<16xi32>
          %add3A_775 = arith.addi %add3A_774, %iota3A : vector<16xi32>
          tpu.vector_store_idx %arg11[%broadcast_in_dim3A_754, %add3A_775], %gather3A_772 : memref<128x128xf32, #tpu.memory_space<vmem>>[vector<16xi32>, vector<16xi32>], vector<16xf32>,
          %mul3A_776 = arith.constant 128 : i32
          %mul3A_777 = arith.muli %and3A_681, %mul3A_776 : i32
          %add3A_778 = arith.constant 32 : i32
          %add3A_779 = arith.addi %mul3A_777, %add3A_778 : i32
          %add3A_780 = vector.broadcast %add3A_779 : i32 to vector<16xi32>
          %add3A_781 = arith.addi %add3A_780, %iota3A : vector<16xi32>
          %broadcast_in_dim3A_782 = vector.broadcast %reduce_max3A_739 : i32 to vector<16xi32>
          %gather3A_783 = tpu.vector_load_idx %arg10[%add3A_781, %broadcast_in_dim3A_782] : memref<256x128xf32, #tpu.memory_space<vmem>>[vector<16xi32>, vector<16xi32>], vector<16xf32>,
          %add3A_784 = arith.constant 32 : i32
          %add3A_785 = vector.broadcast %add3A_784 : i32 to vector<16xi32>
          %add3A_786 = arith.addi %add3A_785, %iota3A : vector<16xi32>
          tpu.vector_store_idx %arg11[%broadcast_in_dim3A_754, %add3A_786], %gather3A_783 : memref<128x128xf32, #tpu.memory_space<vmem>>[vector<16xi32>, vector<16xi32>], vector<16xf32>,
          %mul3A_787 = arith.constant 128 : i32
          %mul3A_788 = arith.muli %and3A_681, %mul3A_787 : i32
          %add3A_789 = arith.constant 48 : i32
          %add3A_790 = arith.addi %mul3A_788, %add3A_789 : i32
          %add3A_791 = vector.broadcast %add3A_790 : i32 to vector<16xi32>
          %add3A_792 = arith.addi %add3A_791, %iota3A : vector<16xi32>
          %broadcast_in_dim3A_793 = vector.broadcast %reduce_max3A_739 : i32 to vector<16xi32>
          %gather3A_794 = tpu.vector_load_idx %arg10[%add3A_792, %broadcast_in_dim3A_793] : memref<256x128xf32, #tpu.memory_space<vmem>>[vector<16xi32>, vector<16xi32>], vector<16xf32>,
          %add3A_795 = arith.constant 48 : i32
          %add3A_796 = vector.broadcast %add3A_795 : i32 to vector<16xi32>
          %add3A_797 = arith.addi %add3A_796, %iota3A : vector<16xi32>
          tpu.vector_store_idx %arg11[%broadcast_in_dim3A_754, %add3A_797], %gather3A_794 : memref<128x128xf32, #tpu.memory_space<vmem>>[vector<16xi32>, vector<16xi32>], vector<16xf32>,
          %mul3A_798 = arith.constant 128 : i32
          %mul3A_799 = arith.muli %and3A_681, %mul3A_798 : i32
          %add3A_800 = arith.constant 64 : i32
          %add3A_801 = arith.addi %mul3A_799, %add3A_800 : i32
          %add3A_802 = vector.broadcast %add3A_801 : i32 to vector<16xi32>
          %add3A_803 = arith.addi %add3A_802, %iota3A : vector<16xi32>
          %broadcast_in_dim3A_804 = vector.broadcast %reduce_max3A_739 : i32 to vector<16xi32>
          %gather3A_805 = tpu.vector_load_idx %arg10[%add3A_803, %broadcast_in_dim3A_804] : memref<256x128xf32, #tpu.memory_space<vmem>>[vector<16xi32>, vector<16xi32>], vector<16xf32>,
          %add3A_806 = arith.constant 64 : i32
          %add3A_807 = vector.broadcast %add3A_806 : i32 to vector<16xi32>
          %add3A_808 = arith.addi %add3A_807, %iota3A : vector<16xi32>
          tpu.vector_store_idx %arg11[%broadcast_in_dim3A_754, %add3A_808], %gather3A_805 : memref<128x128xf32, #tpu.memory_space<vmem>>[vector<16xi32>, vector<16xi32>], vector<16xf32>,
          %mul3A_809 = arith.constant 128 : i32
          %mul3A_810 = arith.muli %and3A_681, %mul3A_809 : i32
          %add3A_811 = arith.constant 80 : i32
          %add3A_812 = arith.addi %mul3A_810, %add3A_811 : i32
          %add3A_813 = vector.broadcast %add3A_812 : i32 to vector<16xi32>
          %add3A_814 = arith.addi %add3A_813, %iota3A : vector<16xi32>
          %broadcast_in_dim3A_815 = vector.broadcast %reduce_max3A_739 : i32 to vector<16xi32>
          %gather3A_816 = tpu.vector_load_idx %arg10[%add3A_814, %broadcast_in_dim3A_815] : memref<256x128xf32, #tpu.memory_space<vmem>>[vector<16xi32>, vector<16xi32>], vector<16xf32>,
          %add3A_817 = arith.constant 80 : i32
          %add3A_818 = vector.broadcast %add3A_817 : i32 to vector<16xi32>
          %add3A_819 = arith.addi %add3A_818, %iota3A : vector<16xi32>
          tpu.vector_store_idx %arg11[%broadcast_in_dim3A_754, %add3A_819], %gather3A_816 : memref<128x128xf32, #tpu.memory_space<vmem>>[vector<16xi32>, vector<16xi32>], vector<16xf32>,
          %mul3A_820 = arith.constant 128 : i32
          %mul3A_821 = arith.muli %and3A_681, %mul3A_820 : i32
          %add3A_822 = arith.constant 96 : i32
          %add3A_823 = arith.addi %mul3A_821, %add3A_822 : i32
          %add3A_824 = vector.broadcast %add3A_823 : i32 to vector<16xi32>
          %add3A_825 = arith.addi %add3A_824, %iota3A : vector<16xi32>
          %broadcast_in_dim3A_826 = vector.broadcast %reduce_max3A_739 : i32 to vector<16xi32>
          %gather3A_827 = tpu.vector_load_idx %arg10[%add3A_825, %broadcast_in_dim3A_826] : memref<256x128xf32, #tpu.memory_space<vmem>>[vector<16xi32>, vector<16xi32>], vector<16xf32>,
          %add3A_828 = arith.constant 96 : i32
          %add3A_829 = vector.broadcast %add3A_828 : i32 to vector<16xi32>
          %add3A_830 = arith.addi %add3A_829, %iota3A : vector<16xi32>
          tpu.vector_store_idx %arg11[%broadcast_in_dim3A_754, %add3A_830], %gather3A_827 : memref<128x128xf32, #tpu.memory_space<vmem>>[vector<16xi32>, vector<16xi32>], vector<16xf32>,
          %mul3A_831 = arith.constant 128 : i32
          %mul3A_832 = arith.muli %and3A_681, %mul3A_831 : i32
          %add3A_833 = arith.constant 112 : i32
          %add3A_834 = arith.addi %mul3A_832, %add3A_833 : i32
          %add3A_835 = vector.broadcast %add3A_834 : i32 to vector<16xi32>
          %add3A_836 = arith.addi %add3A_835, %iota3A : vector<16xi32>
          %broadcast_in_dim3A_837 = vector.broadcast %reduce_max3A_739 : i32 to vector<16xi32>
          %gather3A_838 = tpu.vector_load_idx %arg10[%add3A_836, %broadcast_in_dim3A_837] : memref<256x128xf32, #tpu.memory_space<vmem>>[vector<16xi32>, vector<16xi32>], vector<16xf32>,
          %add3A_839 = arith.constant 112 : i32
          %add3A_840 = vector.broadcast %add3A_839 : i32 to vector<16xi32>
          %add3A_841 = arith.addi %add3A_840, %iota3A : vector<16xi32>
          tpu.vector_store_idx %arg11[%broadcast_in_dim3A_754, %add3A_841], %gather3A_838 : memref<128x128xf32, #tpu.memory_space<vmem>>[vector<16xi32>, vector<16xi32>], vector<16xf32>,
          %shift_right_logical3A_842 = arith.constant 6 : i32
          %shift_right_logical3A_843 = arith.shrui %get3A_751, %shift_right_logical3A_842 : i32
          %and3A_844 = arith.constant 1 : i32
          %and3A_845 = arith.andi %shift_right_logical3A_843, %and3A_844 : i32
          %and3A_846 = arith.constant 63 : i32
          %and3A_847 = arith.andi %get3A_751, %and3A_846 : i32
          %broadcast_in_dim3A_848 = vector.broadcast %and3A_845 : i32 to vector<16xi32>
          %broadcast_in_dim3A_849 = vector.broadcast %and3A_847 : i32 to vector<16xi32>
          %broadcast_in_dim3A_850 = vector.broadcast %reduce_max3A_748 : i32 to vector<16xi32>
          %eq3A_851 = arith.constant 0 : i32
          %eq3A_852 = vector.broadcast %eq3A_851 : i32 to vector<16xi32>
          %eq3A_853 = arith.cmpi eq, %iota3A, %eq3A_852 : vector<16xi32>
          tpu.vector_store_idx %arg12[%broadcast_in_dim3A_848, %broadcast_in_dim3A_849], %broadcast_in_dim3A_850 masked %eq3A_853 : memref<2x64xi32, #tpu.memory_space<vmem>>[vector<16xi32>, vector<16xi32>], vector<16xi32>, vector<16xi1>
          %add3A_854 = arith.constant 1 : i32
          %add3A_855 = arith.addi %get3A_751, %add3A_854 : i32
          %swap3A_856 = arith.constant 1 : i32
          %swap3A_857 = arith.index_cast %swap3A_856 : i32 to index
          %swap3A_858 = memref.load %arg14[%swap3A_857] : memref<64xi32, #tpu.memory_space<smem>>
          memref.store %add3A_855, %arg14[%swap3A_857] : memref<64xi32, #tpu.memory_space<smem>>
          %get3A_859 = arith.constant 1 : i32
          %get3A_860 = arith.index_cast %get3A_859 : i32 to index
          %get3A_861 = memref.load %arg14[%get3A_860] : memref<64xi32, #tpu.memory_space<smem>>
          %get3A_862 = arith.constant 2 : i32
          %get3A_863 = arith.index_cast %get3A_862 : i32 to index
          %get3A_864 = memref.load %arg14[%get3A_863] : memref<64xi32, #tpu.memory_space<smem>>
          %sub3A_865 = arith.subi %get3A_861, %get3A_864 : i32
          %ge3A_866 = arith.constant 64 : i32
          %ge3A_867 = arith.cmpi sge, %sub3A_865, %ge3A_866 : i32
          %convert_element_type3A_868 = arith.extui %ge3A_867 : i1 to i32
          %cond3A_869 = arith.constant 0 : i32
          %cond3A_870 = arith.cmpi ne, %convert_element_type3A_868, %cond3A_869 : i32
          scf.if %cond3A_870 {
            %get3A_873 = arith.constant 2 : i32
            %get3A_874 = arith.index_cast %get3A_873 : i32 to index
            %get3A_875 = memref.load %arg14[%get3A_874] : memref<64xi32, #tpu.memory_space<smem>>
            %shift_right_logical3A_876 = arith.constant 6 : i32
            %shift_right_logical3A_877 = arith.shrui %get3A_875, %shift_right_logical3A_876 : i32
            %and3A_878 = arith.constant 1 : i32
            %and3A_879 = arith.andi %shift_right_logical3A_877, %and3A_878 : i32
            %get3A_880 = arith.constant 5 : i32
            %get3A_881 = arith.index_cast %get3A_880 : i32 to index
            %get3A_882 = memref.load %arg14[%get3A_881] : memref<64xi32, #tpu.memory_space<smem>>
            %add3A_883 = arith.addi %get3A_882, %get3A_875 : i32
            %multiple_of3A_884 = tpu.assume_multiple %add3A_883, 64 : i32
            %broadcast_in_dim3A_885 = vector.broadcast %multiple_of3A_884 : i32 to vector<16xi32>
            %broadcast_in_dim3A_886 = vector.broadcast %and3A_879 : i32 to vector<16xi32>
            %add3A_887 = arith.constant 0 : i32
            %add3A_888 = vector.broadcast %add3A_887 : i32 to vector<16xi32>
            %add3A_889 = arith.addi %add3A_888, %iota3A : vector<16xi32>
            %add3A_890 = arith.constant 0 : i32
            %add3A_891 = vector.broadcast %add3A_890 : i32 to vector<16xi32>
            %add3A_892 = arith.addi %broadcast_in_dim3A_885, %add3A_891 : vector<16xi32>
            %add3A_893 = arith.addi %add3A_892, %iota3A : vector<16xi32>
            tpu.vector_store_idx %arg13[%broadcast_in_dim3A_886, %add3A_889], %add3A_893 : memref<2x64xi32, #tpu.memory_space<vmem>>[vector<16xi32>, vector<16xi32>], vector<16xi32>,
            %broadcast_in_dim3A_894 = vector.broadcast %and3A_879 : i32 to vector<16xi32>
            %add3A_895 = arith.constant 16 : i32
            %add3A_896 = vector.broadcast %add3A_895 : i32 to vector<16xi32>
            %add3A_897 = arith.addi %add3A_896, %iota3A : vector<16xi32>
            %add3A_898 = arith.constant 16 : i32
            %add3A_899 = vector.broadcast %add3A_898 : i32 to vector<16xi32>
            %add3A_900 = arith.addi %broadcast_in_dim3A_885, %add3A_899 : vector<16xi32>
            %add3A_901 = arith.addi %add3A_900, %iota3A : vector<16xi32>
            tpu.vector_store_idx %arg13[%broadcast_in_dim3A_894, %add3A_897], %add3A_901 : memref<2x64xi32, #tpu.memory_space<vmem>>[vector<16xi32>, vector<16xi32>], vector<16xi32>,
            %broadcast_in_dim3A_902 = vector.broadcast %and3A_879 : i32 to vector<16xi32>
            %add3A_903 = arith.constant 32 : i32
            %add3A_904 = vector.broadcast %add3A_903 : i32 to vector<16xi32>
            %add3A_905 = arith.addi %add3A_904, %iota3A : vector<16xi32>
            %add3A_906 = arith.constant 32 : i32
            %add3A_907 = vector.broadcast %add3A_906 : i32 to vector<16xi32>
            %add3A_908 = arith.addi %broadcast_in_dim3A_885, %add3A_907 : vector<16xi32>
            %add3A_909 = arith.addi %add3A_908, %iota3A : vector<16xi32>
            tpu.vector_store_idx %arg13[%broadcast_in_dim3A_902, %add3A_905], %add3A_909 : memref<2x64xi32, #tpu.memory_space<vmem>>[vector<16xi32>, vector<16xi32>], vector<16xi32>,
            %broadcast_in_dim3A_910 = vector.broadcast %and3A_879 : i32 to vector<16xi32>
            %add3A_911 = arith.constant 48 : i32
            %add3A_912 = vector.broadcast %add3A_911 : i32 to vector<16xi32>
            %add3A_913 = arith.addi %add3A_912, %iota3A : vector<16xi32>
            %add3A_914 = arith.constant 48 : i32
            %add3A_915 = vector.broadcast %add3A_914 : i32 to vector<16xi32>
            %add3A_916 = arith.addi %broadcast_in_dim3A_885, %add3A_915 : vector<16xi32>
            %add3A_917 = arith.addi %add3A_916, %iota3A : vector<16xi32>
            tpu.vector_store_idx %arg13[%broadcast_in_dim3A_910, %add3A_913], %add3A_917 : memref<2x64xi32, #tpu.memory_space<vmem>>[vector<16xi32>, vector<16xi32>], vector<16xi32>,
            %mul3A_918 = arith.constant 64 : i32
            %mul3A_919 = arith.muli %and3A_879, %mul3A_918 : i32
            %dma_start3A_920 = arith.constant 0 : i32
            %dma_start3A_921 = tpu.memref_slice %arg11[%mul3A_919, %dma_start3A_920] : memref<128x128xf32, #tpu.memory_space<vmem>> -> memref<64x128xf32, #tpu.memory_space<vmem>>
            %dma_start3A_922 = arith.constant 0 : i32
            %dma_start3A_923 = tpu.memref_slice %arg4[%multiple_of3A_884, %dma_start3A_922] : memref<34816x128xf32, #tpu.memory_space<hbm>> -> memref<64x128xf32, #tpu.memory_space<hbm>>
            %dma_start3A_924 = arith.constant 0 : i32
            %dma_start3A_925 = tpu.memref_slice %arg4[%multiple_of3A_884, %dma_start3A_924] : memref<34816x128xf32, #tpu.memory_space<hbm>> -> memref<64x128xf32, #tpu.memory_space<hbm>>
            %dma_start3A_926 = arith.constant 0 : i32
            %dma_start3A_927 = tpu.memref_slice %arg11[%mul3A_919, %dma_start3A_926] : memref<128x128xf32, #tpu.memory_space<vmem>> -> memref<64x128xf32, #tpu.memory_space<vmem>>
            tpu.enqueue_dma source(%dma_start3A_927 : memref<64x128xf32, #tpu.memory_space<vmem>>) target(%dma_start3A_925 : memref<64x128xf32, #tpu.memory_space<hbm>>) target_semaphore(%arg16 : memref<!tpu.dma_semaphore, #tpu.memory_space<semaphore_mem>>)
            %dma_start3A_928 = arith.constant 0 : i32
            %dma_start3A_929 = tpu.memref_slice %arg13[%and3A_879, %dma_start3A_928] : memref<2x64xi32, #tpu.memory_space<vmem>> -> memref<1x64xi32, #tpu.memory_space<vmem>>
            %dma_start3A_930 = tpu.memref_squeeze %dma_start3A_929 : memref<1x64xi32, #tpu.memory_space<vmem>> -> memref<64xi32, #tpu.memory_space<vmem>>
            %dma_start3A_931 = arith.constant 0 : i32
            %dma_start3A_932 = tpu.memref_slice %arg12[%and3A_879, %dma_start3A_931] : memref<2x64xi32, #tpu.memory_space<vmem>> -> memref<1x64xi32, #tpu.memory_space<vmem>>
            %dma_start3A_933 = tpu.memref_squeeze %dma_start3A_932 : memref<1x64xi32, #tpu.memory_space<vmem>> -> memref<64xi32, #tpu.memory_space<vmem>>
            %dma_start3A_934 = arith.constant 0 : i32
            %dma_start3A_935 = tpu.memref_slice %arg5[%dma_start3A_934] : memref<16416xi32, #tpu.memory_space<hbm>> -> memref<16416xi32, #tpu.memory_space<hbm>>
            tpu.enqueue_indirect_dma source(%dma_start3A_930 : memref<64xi32, #tpu.memory_space<vmem>>) target(%dma_start3A_935 : memref<16416xi32, #tpu.memory_space<hbm>>) offsets(%dma_start3A_933 : memref<64xi32, #tpu.memory_space<vmem>>) semaphore(%arg16 : memref<!tpu.dma_semaphore, #tpu.memory_space<semaphore_mem>>)
            %add3A_936 = arith.constant 64 : i32
            %add3A_937 = arith.addi %get3A_875, %add3A_936 : i32
            %swap3A_938 = arith.constant 2 : i32
            %swap3A_939 = arith.index_cast %swap3A_938 : i32 to index
            %swap3A_940 = memref.load %arg14[%swap3A_939] : memref<64xi32, #tpu.memory_space<smem>>
            memref.store %add3A_937, %arg14[%swap3A_939] : memref<64xi32, #tpu.memory_space<smem>>
            %get3A_941 = arith.constant 3 : i32
            %get3A_942 = arith.index_cast %get3A_941 : i32 to index
            %get3A_943 = memref.load %arg14[%get3A_942] : memref<64xi32, #tpu.memory_space<smem>>
            %add3A_944 = arith.constant 1 : i32
            %add3A_945 = arith.addi %get3A_943, %add3A_944 : i32
            %swap3A_946 = arith.constant 3 : i32
            %swap3A_947 = arith.index_cast %swap3A_946 : i32 to index
            %swap3A_948 = memref.load %arg14[%swap3A_947] : memref<64xi32, #tpu.memory_space<smem>>
            memref.store %add3A_945, %arg14[%swap3A_947] : memref<64xi32, #tpu.memory_space<smem>>
            %get3A_949 = arith.constant 3 : i32
            %get3A_950 = arith.index_cast %get3A_949 : i32 to index
            %get3A_951 = memref.load %arg14[%get3A_950] : memref<64xi32, #tpu.memory_space<smem>>
            %get3A_952 = arith.constant 4 : i32
            %get3A_953 = arith.index_cast %get3A_952 : i32 to index
            %get3A_954 = memref.load %arg14[%get3A_953] : memref<64xi32, #tpu.memory_space<smem>>
            %sub3A_955 = arith.subi %get3A_951, %get3A_954 : i32
            %ge3A_956 = arith.constant 2 : i32
            %ge3A_957 = arith.cmpi sge, %sub3A_955, %ge3A_956 : i32
            %convert_element_type3A_958 = arith.extui %ge3A_957 : i1 to i32
            %cond3A_959 = arith.constant 0 : i32
            %cond3A_960 = arith.cmpi ne, %convert_element_type3A_958, %cond3A_959 : i32
            scf.if %cond3A_960 {
              %dma_wait3A_961 = arith.constant 0 : i32
              %dma_wait3A_962 = arith.constant 0 : i32
              %dma_wait3A_963 = tpu.memref_slice %arg11[%dma_wait3A_961, %dma_wait3A_962] : memref<128x128xf32, #tpu.memory_space<vmem>> -> memref<64x128xf32, #tpu.memory_space<vmem>>
              %dma_wait3A_964 = arith.constant 0 : i32
              %dma_wait3A_965 = arith.constant 0 : i32
              %dma_wait3A_966 = tpu.memref_slice %arg4[%dma_wait3A_964, %dma_wait3A_965] : memref<34816x128xf32, #tpu.memory_space<hbm>> -> memref<64x128xf32, #tpu.memory_space<hbm>>
              %dma_wait3A_967 = arith.constant 0 : i32
              %dma_wait3A_968 = arith.constant 0 : i32
              %dma_wait3A_969 = tpu.memref_slice %arg11[%dma_wait3A_967, %dma_wait3A_968] : memref<128x128xf32, #tpu.memory_space<vmem>> -> memref<64x128xf32, #tpu.memory_space<vmem>>
              %dma_wait3A_970 = arith.constant 0 : i32
              %dma_wait3A_971 = arith.constant 0 : i32
              %dma_wait3A_972 = tpu.memref_slice %arg4[%dma_wait3A_970, %dma_wait3A_971] : memref<34816x128xf32, #tpu.memory_space<hbm>> -> memref<64x128xf32, #tpu.memory_space<hbm>>
              tpu.wait_dma2 semaphore(%arg16 : memref<!tpu.dma_semaphore, #tpu.memory_space<semaphore_mem>>) src(%dma_wait3A_972 : memref<64x128xf32, #tpu.memory_space<hbm>>) dst(%dma_wait3A_969 : memref<64x128xf32, #tpu.memory_space<vmem>>)
              %dma_wait3A_973 = arith.constant 0 : i32
              %dma_wait3A_974 = arith.constant 0 : i32
              %dma_wait3A_975 = tpu.memref_slice %arg13[%dma_wait3A_973, %dma_wait3A_974] : memref<2x64xi32, #tpu.memory_space<vmem>> -> memref<1x64xi32, #tpu.memory_space<vmem>>
              %dma_wait3A_976 = tpu.memref_squeeze %dma_wait3A_975 : memref<1x64xi32, #tpu.memory_space<vmem>> -> memref<64xi32, #tpu.memory_space<vmem>>
              %dma_wait3A_977 = arith.constant 0 : i32
              %dma_wait3A_978 = tpu.memref_slice %arg3[%dma_wait3A_977] : memref<16384xi32, #tpu.memory_space<hbm>> -> memref<64xi32, #tpu.memory_space<hbm>>
              %dma_wait3A_979 = arith.constant 0 : i32
              %dma_wait3A_980 = tpu.memref_slice %arg13[%dma_wait3A_973, %dma_wait3A_979] : memref<2x64xi32, #tpu.memory_space<vmem>> -> memref<1x64xi32, #tpu.memory_space<vmem>>
              %dma_wait3A_981 = tpu.memref_squeeze %dma_wait3A_980 : memref<1x64xi32, #tpu.memory_space<vmem>> -> memref<64xi32, #tpu.memory_space<vmem>>
              %dma_wait3A_982 = arith.constant 0 : i32
              %dma_wait3A_983 = tpu.memref_slice %arg3[%dma_wait3A_982] : memref<16384xi32, #tpu.memory_space<hbm>> -> memref<64xi32, #tpu.memory_space<hbm>>
              tpu.wait_dma2 semaphore(%arg16 : memref<!tpu.dma_semaphore, #tpu.memory_space<semaphore_mem>>) src(%dma_wait3A_983 : memref<64xi32, #tpu.memory_space<hbm>>) dst(%dma_wait3A_981 : memref<64xi32, #tpu.memory_space<vmem>>)
              %get3A_984 = arith.constant 4 : i32
              %get3A_985 = arith.index_cast %get3A_984 : i32 to index
              %get3A_986 = memref.load %arg14[%get3A_985] : memref<64xi32, #tpu.memory_space<smem>>
              %add3A_987 = arith.constant 1 : i32
              %add3A_988 = arith.addi %get3A_986, %add3A_987 : i32
              %swap3A_989 = arith.constant 4 : i32
              %swap3A_990 = arith.index_cast %swap3A_989 : i32 to index
              %swap3A_991 = memref.load %arg14[%swap3A_990] : memref<64xi32, #tpu.memory_space<smem>>
              memref.store %add3A_988, %arg14[%swap3A_990] : memref<64xi32, #tpu.memory_space<smem>>
            } else {
            }
          } else {
          }
          %not3A = arith.constant dense<true> : vector<16xi1>
          %not3A_871 = arith.xori %eq3A, %not3A : vector<16xi1>
          %and3A_872 = arith.andi %while3A_730, %not3A_871 : vector<16xi1>
          scf.yield %and3A_872 : vector<16xi1>
        }
      }
      %while3A_704 = arith.constant 1 : i32
      scf.for %while3A_710 = %while3A_702 to %while3A_698 step %while3A_704  : i32 {
        %mul3A_711 = arith.constant 16 : i32
        %mul3A_712 = arith.muli %mul3A_711, %while3A_710 : i32
        %add3A_713 = arith.addi %get3A_690, %mul3A_712 : i32
        %get3A_714 = arith.index_cast %add3A_713 : i32 to index
        %get3A_715 = tpu.vector_load %arg6[%get3A_714] {strides = array<i32>} : memref<16640xi32, #tpu.memory_space<vmem>>, vector<16xi32>,
        %ge3A = vector.broadcast %mul3A_684 : i32 to vector<16xi32>
        %ge3A_716 = arith.cmpi sge, %get3A_715, %ge3A : vector<16xi32>
        %add3A_717 = arith.constant 128 : i32
        %add3A_718 = arith.addi %mul3A_684, %add3A_717 : i32
        %lt3A_719 = vector.broadcast %add3A_718 : i32 to vector<16xi32>
        %lt3A_720 = arith.cmpi slt, %get3A_715, %lt3A_719 : vector<16xi32>
        %and3A_721 = arith.andi %ge3A_716, %lt3A_720 : vector<16xi1>
        %sub3A_722 = vector.broadcast %mul3A_684 : i32 to vector<16xi32>
        %sub3A_723 = arith.subi %get3A_715, %sub3A_722 : vector<16xi32>
        %mul3A_724 = arith.constant 16 : i32
        %mul3A_725 = arith.muli %mul3A_724, %while3A_710 : i32
        %add3A_726 = arith.addi %get3A_690, %mul3A_725 : i32
        %get3A_727 = arith.index_cast %add3A_726 : i32 to index
        %get3A_728 = tpu.vector_load %arg9[%get3A_727] {strides = array<i32>} : memref<16640xi32, #tpu.memory_space<vmem>>, vector<16xi32>,
        %while3A_729 = scf.while (%while3A_730 = %and3A_721) : (vector<16xi1>) -> vector<16xi1> {
          %convert_element_type3A_731 = arith.extui %while3A_730 : vector<16xi1> to vector<16xi32>
          %reduce_max3A = arith.constant true
          %reduce_max3A_732 = vector.broadcast %reduce_max3A : i1 to vector<16xi1>
          %reduce_max3A_733 = arith.constant -2147483648 : i32
          %reduce_max3A_734 = vector.broadcast %reduce_max3A_733 : i32 to vector<16xi32>
          %reduce_max3A_735 = arith.xori %convert_element_type3A_731, %reduce_max3A_734 : vector<16xi32>
          %reduce_max3A_736 = tpu.scan <max>, %reduce_max3A_735 masked %reduce_max3A_732 : vector<16xi32>, vector<16xi1> -> vector<16xi32>
          %reduce_max3A_737 = arith.xori %reduce_max3A_736, %reduce_max3A_734 : vector<16xi32>
          %reduce_max3A_738 = vector.extract %reduce_max3A_737[15] : i32 from vector<16xi32>
          %gt3A_739 = arith.constant 0 : i32
          %gt3A_740 = arith.cmpi sgt, %reduce_max3A_738, %gt3A_739 : i32
          scf.condition(%gt3A_740) %while3A_730 : vector<16xi1>
        } do {
        ^bb0(%while3A_730: vector<16xi1>):
          %all_reduce_ffs3A = tpu.all_reduce %while3A_730 {dim = 0 : i64, kind = #tpu.reduction_kind<find_first_set>} : vector<16xi1> -> vector<16xi32>
          %eq3A = arith.cmpi eq, %iota3A, %all_reduce_ffs3A : vector<16xi32>
          %broadcast_in_dim3A_731 = arith.constant 0 : i32
          %broadcast_in_dim3A_732 = vector.broadcast %broadcast_in_dim3A_731 : i32 to vector<16xi32>
          %select_n3A = arith.select %eq3A, %sub3A_723, %broadcast_in_dim3A_732 : vector<16xi1>, vector<16xi32>
          %reduce_max3A = arith.constant true
          %reduce_max3A_733 = vector.broadcast %reduce_max3A : i1 to vector<16xi1>
          %reduce_max3A_734 = arith.constant -2147483648 : i32
          %reduce_max3A_735 = vector.broadcast %reduce_max3A_734 : i32 to vector<16xi32>
          %reduce_max3A_736 = arith.xori %select_n3A, %reduce_max3A_735 : vector<16xi32>
          %reduce_max3A_737 = tpu.scan <max>, %reduce_max3A_736 masked %reduce_max3A_733 : vector<16xi32>, vector<16xi1> -> vector<16xi32>
          %reduce_max3A_738 = arith.xori %reduce_max3A_737, %reduce_max3A_735 : vector<16xi32>
          %reduce_max3A_739 = vector.extract %reduce_max3A_738[15] : i32 from vector<16xi32>
          %select_n3A_740 = arith.select %eq3A, %get3A_728, %broadcast_in_dim3A_732 : vector<16xi1>, vector<16xi32>
          %reduce_max3A_741 = arith.constant true
          %reduce_max3A_742 = vector.broadcast %reduce_max3A_741 : i1 to vector<16xi1>
          %reduce_max3A_743 = arith.constant -2147483648 : i32
          %reduce_max3A_744 = vector.broadcast %reduce_max3A_743 : i32 to vector<16xi32>
          %reduce_max3A_745 = arith.xori %select_n3A_740, %reduce_max3A_744 : vector<16xi32>
          %reduce_max3A_746 = tpu.scan <max>, %reduce_max3A_745 masked %reduce_max3A_742 : vector<16xi32>, vector<16xi1> -> vector<16xi32>
          %reduce_max3A_747 = arith.xori %reduce_max3A_746, %reduce_max3A_744 : vector<16xi32>
          %reduce_max3A_748 = vector.extract %reduce_max3A_747[15] : i32 from vector<16xi32>
          %get3A_749 = arith.constant 1 : i32
          %get3A_750 = arith.index_cast %get3A_749 : i32 to index
          %get3A_751 = memref.load %arg14[%get3A_750] : memref<64xi32, #tpu.memory_space<smem>>
          %and3A_752 = arith.constant 127 : i32
          %and3A_753 = arith.andi %get3A_751, %and3A_752 : i32
          %broadcast_in_dim3A_754 = vector.broadcast %and3A_753 : i32 to vector<16xi32>
          %mul3A_755 = arith.constant 128 : i32
          %mul3A_756 = arith.muli %and3A_681, %mul3A_755 : i32
          %add3A_757 = arith.constant 0 : i32
          %add3A_758 = arith.addi %mul3A_756, %add3A_757 : i32
          %add3A_759 = vector.broadcast %add3A_758 : i32 to vector<16xi32>
          %add3A_760 = arith.addi %add3A_759, %iota3A : vector<16xi32>
          %broadcast_in_dim3A_761 = vector.broadcast %reduce_max3A_739 : i32 to vector<16xi32>
          %gather3A = tpu.vector_load_idx %arg10[%add3A_760, %broadcast_in_dim3A_761] : memref<256x128xf32, #tpu.memory_space<vmem>>[vector<16xi32>, vector<16xi32>], vector<16xf32>,
          %add3A_762 = arith.constant 0 : i32
          %add3A_763 = vector.broadcast %add3A_762 : i32 to vector<16xi32>
          %add3A_764 = arith.addi %add3A_763, %iota3A : vector<16xi32>
          tpu.vector_store_idx %arg11[%broadcast_in_dim3A_754, %add3A_764], %gather3A : memref<128x128xf32, #tpu.memory_space<vmem>>[vector<16xi32>, vector<16xi32>], vector<16xf32>,
          %mul3A_765 = arith.constant 128 : i32
          %mul3A_766 = arith.muli %and3A_681, %mul3A_765 : i32
          %add3A_767 = arith.constant 16 : i32
          %add3A_768 = arith.addi %mul3A_766, %add3A_767 : i32
          %add3A_769 = vector.broadcast %add3A_768 : i32 to vector<16xi32>
          %add3A_770 = arith.addi %add3A_769, %iota3A : vector<16xi32>
          %broadcast_in_dim3A_771 = vector.broadcast %reduce_max3A_739 : i32 to vector<16xi32>
          %gather3A_772 = tpu.vector_load_idx %arg10[%add3A_770, %broadcast_in_dim3A_771] : memref<256x128xf32, #tpu.memory_space<vmem>>[vector<16xi32>, vector<16xi32>], vector<16xf32>,
          %add3A_773 = arith.constant 16 : i32
          %add3A_774 = vector.broadcast %add3A_773 : i32 to vector<16xi32>
          %add3A_775 = arith.addi %add3A_774, %iota3A : vector<16xi32>
          tpu.vector_store_idx %arg11[%broadcast_in_dim3A_754, %add3A_775], %gather3A_772 : memref<128x128xf32, #tpu.memory_space<vmem>>[vector<16xi32>, vector<16xi32>], vector<16xf32>,
          %mul3A_776 = arith.constant 128 : i32
          %mul3A_777 = arith.muli %and3A_681, %mul3A_776 : i32
          %add3A_778 = arith.constant 32 : i32
          %add3A_779 = arith.addi %mul3A_777, %add3A_778 : i32
          %add3A_780 = vector.broadcast %add3A_779 : i32 to vector<16xi32>
          %add3A_781 = arith.addi %add3A_780, %iota3A : vector<16xi32>
          %broadcast_in_dim3A_782 = vector.broadcast %reduce_max3A_739 : i32 to vector<16xi32>
          %gather3A_783 = tpu.vector_load_idx %arg10[%add3A_781, %broadcast_in_dim3A_782] : memref<256x128xf32, #tpu.memory_space<vmem>>[vector<16xi32>, vector<16xi32>], vector<16xf32>,
          %add3A_784 = arith.constant 32 : i32
          %add3A_785 = vector.broadcast %add3A_784 : i32 to vector<16xi32>
          %add3A_786 = arith.addi %add3A_785, %iota3A : vector<16xi32>
          tpu.vector_store_idx %arg11[%broadcast_in_dim3A_754, %add3A_786], %gather3A_783 : memref<128x128xf32, #tpu.memory_space<vmem>>[vector<16xi32>, vector<16xi32>], vector<16xf32>,
          %mul3A_787 = arith.constant 128 : i32
          %mul3A_788 = arith.muli %and3A_681, %mul3A_787 : i32
          %add3A_789 = arith.constant 48 : i32
          %add3A_790 = arith.addi %mul3A_788, %add3A_789 : i32
          %add3A_791 = vector.broadcast %add3A_790 : i32 to vector<16xi32>
          %add3A_792 = arith.addi %add3A_791, %iota3A : vector<16xi32>
          %broadcast_in_dim3A_793 = vector.broadcast %reduce_max3A_739 : i32 to vector<16xi32>
          %gather3A_794 = tpu.vector_load_idx %arg10[%add3A_792, %broadcast_in_dim3A_793] : memref<256x128xf32, #tpu.memory_space<vmem>>[vector<16xi32>, vector<16xi32>], vector<16xf32>,
          %add3A_795 = arith.constant 48 : i32
          %add3A_796 = vector.broadcast %add3A_795 : i32 to vector<16xi32>
          %add3A_797 = arith.addi %add3A_796, %iota3A : vector<16xi32>
          tpu.vector_store_idx %arg11[%broadcast_in_dim3A_754, %add3A_797], %gather3A_794 : memref<128x128xf32, #tpu.memory_space<vmem>>[vector<16xi32>, vector<16xi32>], vector<16xf32>,
          %mul3A_798 = arith.constant 128 : i32
          %mul3A_799 = arith.muli %and3A_681, %mul3A_798 : i32
          %add3A_800 = arith.constant 64 : i32
          %add3A_801 = arith.addi %mul3A_799, %add3A_800 : i32
          %add3A_802 = vector.broadcast %add3A_801 : i32 to vector<16xi32>
          %add3A_803 = arith.addi %add3A_802, %iota3A : vector<16xi32>
          %broadcast_in_dim3A_804 = vector.broadcast %reduce_max3A_739 : i32 to vector<16xi32>
          %gather3A_805 = tpu.vector_load_idx %arg10[%add3A_803, %broadcast_in_dim3A_804] : memref<256x128xf32, #tpu.memory_space<vmem>>[vector<16xi32>, vector<16xi32>], vector<16xf32>,
          %add3A_806 = arith.constant 64 : i32
          %add3A_807 = vector.broadcast %add3A_806 : i32 to vector<16xi32>
          %add3A_808 = arith.addi %add3A_807, %iota3A : vector<16xi32>
          tpu.vector_store_idx %arg11[%broadcast_in_dim3A_754, %add3A_808], %gather3A_805 : memref<128x128xf32, #tpu.memory_space<vmem>>[vector<16xi32>, vector<16xi32>], vector<16xf32>,
          %mul3A_809 = arith.constant 128 : i32
          %mul3A_810 = arith.muli %and3A_681, %mul3A_809 : i32
          %add3A_811 = arith.constant 80 : i32
          %add3A_812 = arith.addi %mul3A_810, %add3A_811 : i32
          %add3A_813 = vector.broadcast %add3A_812 : i32 to vector<16xi32>
          %add3A_814 = arith.addi %add3A_813, %iota3A : vector<16xi32>
          %broadcast_in_dim3A_815 = vector.broadcast %reduce_max3A_739 : i32 to vector<16xi32>
          %gather3A_816 = tpu.vector_load_idx %arg10[%add3A_814, %broadcast_in_dim3A_815] : memref<256x128xf32, #tpu.memory_space<vmem>>[vector<16xi32>, vector<16xi32>], vector<16xf32>,
          %add3A_817 = arith.constant 80 : i32
          %add3A_818 = vector.broadcast %add3A_817 : i32 to vector<16xi32>
          %add3A_819 = arith.addi %add3A_818, %iota3A : vector<16xi32>
          tpu.vector_store_idx %arg11[%broadcast_in_dim3A_754, %add3A_819], %gather3A_816 : memref<128x128xf32, #tpu.memory_space<vmem>>[vector<16xi32>, vector<16xi32>], vector<16xf32>,
          %mul3A_820 = arith.constant 128 : i32
          %mul3A_821 = arith.muli %and3A_681, %mul3A_820 : i32
          %add3A_822 = arith.constant 96 : i32
          %add3A_823 = arith.addi %mul3A_821, %add3A_822 : i32
          %add3A_824 = vector.broadcast %add3A_823 : i32 to vector<16xi32>
          %add3A_825 = arith.addi %add3A_824, %iota3A : vector<16xi32>
          %broadcast_in_dim3A_826 = vector.broadcast %reduce_max3A_739 : i32 to vector<16xi32>
          %gather3A_827 = tpu.vector_load_idx %arg10[%add3A_825, %broadcast_in_dim3A_826] : memref<256x128xf32, #tpu.memory_space<vmem>>[vector<16xi32>, vector<16xi32>], vector<16xf32>,
          %add3A_828 = arith.constant 96 : i32
          %add3A_829 = vector.broadcast %add3A_828 : i32 to vector<16xi32>
          %add3A_830 = arith.addi %add3A_829, %iota3A : vector<16xi32>
          tpu.vector_store_idx %arg11[%broadcast_in_dim3A_754, %add3A_830], %gather3A_827 : memref<128x128xf32, #tpu.memory_space<vmem>>[vector<16xi32>, vector<16xi32>], vector<16xf32>,
          %mul3A_831 = arith.constant 128 : i32
          %mul3A_832 = arith.muli %and3A_681, %mul3A_831 : i32
          %add3A_833 = arith.constant 112 : i32
          %add3A_834 = arith.addi %mul3A_832, %add3A_833 : i32
          %add3A_835 = vector.broadcast %add3A_834 : i32 to vector<16xi32>
          %add3A_836 = arith.addi %add3A_835, %iota3A : vector<16xi32>
          %broadcast_in_dim3A_837 = vector.broadcast %reduce_max3A_739 : i32 to vector<16xi32>
          %gather3A_838 = tpu.vector_load_idx %arg10[%add3A_836, %broadcast_in_dim3A_837] : memref<256x128xf32, #tpu.memory_space<vmem>>[vector<16xi32>, vector<16xi32>], vector<16xf32>,
          %add3A_839 = arith.constant 112 : i32
          %add3A_840 = vector.broadcast %add3A_839 : i32 to vector<16xi32>
          %add3A_841 = arith.addi %add3A_840, %iota3A : vector<16xi32>
          tpu.vector_store_idx %arg11[%broadcast_in_dim3A_754, %add3A_841], %gather3A_838 : memref<128x128xf32, #tpu.memory_space<vmem>>[vector<16xi32>, vector<16xi32>], vector<16xf32>,
          %shift_right_logical3A_842 = arith.constant 6 : i32
          %shift_right_logical3A_843 = arith.shrui %get3A_751, %shift_right_logical3A_842 : i32
          %and3A_844 = arith.constant 1 : i32
          %and3A_845 = arith.andi %shift_right_logical3A_843, %and3A_844 : i32
          %and3A_846 = arith.constant 63 : i32
          %and3A_847 = arith.andi %get3A_751, %and3A_846 : i32
          %broadcast_in_dim3A_848 = vector.broadcast %and3A_845 : i32 to vector<16xi32>
          %broadcast_in_dim3A_849 = vector.broadcast %and3A_847 : i32 to vector<16xi32>
          %broadcast_in_dim3A_850 = vector.broadcast %reduce_max3A_748 : i32 to vector<16xi32>
          %eq3A_851 = arith.constant 0 : i32
          %eq3A_852 = vector.broadcast %eq3A_851 : i32 to vector<16xi32>
          %eq3A_853 = arith.cmpi eq, %iota3A, %eq3A_852 : vector<16xi32>
          tpu.vector_store_idx %arg12[%broadcast_in_dim3A_848, %broadcast_in_dim3A_849], %broadcast_in_dim3A_850 masked %eq3A_853 : memref<2x64xi32, #tpu.memory_space<vmem>>[vector<16xi32>, vector<16xi32>], vector<16xi32>, vector<16xi1>
          %add3A_854 = arith.constant 1 : i32
          %add3A_855 = arith.addi %get3A_751, %add3A_854 : i32
          %swap3A_856 = arith.constant 1 : i32
          %swap3A_857 = arith.index_cast %swap3A_856 : i32 to index
          %swap3A_858 = memref.load %arg14[%swap3A_857] : memref<64xi32, #tpu.memory_space<smem>>
          memref.store %add3A_855, %arg14[%swap3A_857] : memref<64xi32, #tpu.memory_space<smem>>
          %get3A_859 = arith.constant 1 : i32
          %get3A_860 = arith.index_cast %get3A_859 : i32 to index
          %get3A_861 = memref.load %arg14[%get3A_860] : memref<64xi32, #tpu.memory_space<smem>>
          %get3A_862 = arith.constant 2 : i32
          %get3A_863 = arith.index_cast %get3A_862 : i32 to index
          %get3A_864 = memref.load %arg14[%get3A_863] : memref<64xi32, #tpu.memory_space<smem>>
          %sub3A_865 = arith.subi %get3A_861, %get3A_864 : i32
          %ge3A_866 = arith.constant 64 : i32
          %ge3A_867 = arith.cmpi sge, %sub3A_865, %ge3A_866 : i32
          %convert_element_type3A_868 = arith.extui %ge3A_867 : i1 to i32
          %cond3A_869 = arith.constant 0 : i32
          %cond3A_870 = arith.cmpi ne, %convert_element_type3A_868, %cond3A_869 : i32
          scf.if %cond3A_870 {
            %get3A_873 = arith.constant 2 : i32
            %get3A_874 = arith.index_cast %get3A_873 : i32 to index
            %get3A_875 = memref.load %arg14[%get3A_874] : memref<64xi32, #tpu.memory_space<smem>>
            %shift_right_logical3A_876 = arith.constant 6 : i32
            %shift_right_logical3A_877 = arith.shrui %get3A_875, %shift_right_logical3A_876 : i32
            %and3A_878 = arith.constant 1 : i32
            %and3A_879 = arith.andi %shift_right_logical3A_877, %and3A_878 : i32
            %get3A_880 = arith.constant 5 : i32
            %get3A_881 = arith.index_cast %get3A_880 : i32 to index
            %get3A_882 = memref.load %arg14[%get3A_881] : memref<64xi32, #tpu.memory_space<smem>>
            %add3A_883 = arith.addi %get3A_882, %get3A_875 : i32
            %multiple_of3A_884 = tpu.assume_multiple %add3A_883, 64 : i32
            %broadcast_in_dim3A_885 = vector.broadcast %multiple_of3A_884 : i32 to vector<16xi32>
            %broadcast_in_dim3A_886 = vector.broadcast %and3A_879 : i32 to vector<16xi32>
            %add3A_887 = arith.constant 0 : i32
            %add3A_888 = vector.broadcast %add3A_887 : i32 to vector<16xi32>
            %add3A_889 = arith.addi %add3A_888, %iota3A : vector<16xi32>
            %add3A_890 = arith.constant 0 : i32
            %add3A_891 = vector.broadcast %add3A_890 : i32 to vector<16xi32>
            %add3A_892 = arith.addi %broadcast_in_dim3A_885, %add3A_891 : vector<16xi32>
            %add3A_893 = arith.addi %add3A_892, %iota3A : vector<16xi32>
            tpu.vector_store_idx %arg13[%broadcast_in_dim3A_886, %add3A_889], %add3A_893 : memref<2x64xi32, #tpu.memory_space<vmem>>[vector<16xi32>, vector<16xi32>], vector<16xi32>,
            %broadcast_in_dim3A_894 = vector.broadcast %and3A_879 : i32 to vector<16xi32>
            %add3A_895 = arith.constant 16 : i32
            %add3A_896 = vector.broadcast %add3A_895 : i32 to vector<16xi32>
            %add3A_897 = arith.addi %add3A_896, %iota3A : vector<16xi32>
            %add3A_898 = arith.constant 16 : i32
            %add3A_899 = vector.broadcast %add3A_898 : i32 to vector<16xi32>
            %add3A_900 = arith.addi %broadcast_in_dim3A_885, %add3A_899 : vector<16xi32>
            %add3A_901 = arith.addi %add3A_900, %iota3A : vector<16xi32>
            tpu.vector_store_idx %arg13[%broadcast_in_dim3A_894, %add3A_897], %add3A_901 : memref<2x64xi32, #tpu.memory_space<vmem>>[vector<16xi32>, vector<16xi32>], vector<16xi32>,
            %broadcast_in_dim3A_902 = vector.broadcast %and3A_879 : i32 to vector<16xi32>
            %add3A_903 = arith.constant 32 : i32
            %add3A_904 = vector.broadcast %add3A_903 : i32 to vector<16xi32>
            %add3A_905 = arith.addi %add3A_904, %iota3A : vector<16xi32>
            %add3A_906 = arith.constant 32 : i32
            %add3A_907 = vector.broadcast %add3A_906 : i32 to vector<16xi32>
            %add3A_908 = arith.addi %broadcast_in_dim3A_885, %add3A_907 : vector<16xi32>
            %add3A_909 = arith.addi %add3A_908, %iota3A : vector<16xi32>
            tpu.vector_store_idx %arg13[%broadcast_in_dim3A_902, %add3A_905], %add3A_909 : memref<2x64xi32, #tpu.memory_space<vmem>>[vector<16xi32>, vector<16xi32>], vector<16xi32>,
            %broadcast_in_dim3A_910 = vector.broadcast %and3A_879 : i32 to vector<16xi32>
            %add3A_911 = arith.constant 48 : i32
            %add3A_912 = vector.broadcast %add3A_911 : i32 to vector<16xi32>
            %add3A_913 = arith.addi %add3A_912, %iota3A : vector<16xi32>
            %add3A_914 = arith.constant 48 : i32
            %add3A_915 = vector.broadcast %add3A_914 : i32 to vector<16xi32>
            %add3A_916 = arith.addi %broadcast_in_dim3A_885, %add3A_915 : vector<16xi32>
            %add3A_917 = arith.addi %add3A_916, %iota3A : vector<16xi32>
            tpu.vector_store_idx %arg13[%broadcast_in_dim3A_910, %add3A_913], %add3A_917 : memref<2x64xi32, #tpu.memory_space<vmem>>[vector<16xi32>, vector<16xi32>], vector<16xi32>,
            %mul3A_918 = arith.constant 64 : i32
            %mul3A_919 = arith.muli %and3A_879, %mul3A_918 : i32
            %dma_start3A_920 = arith.constant 0 : i32
            %dma_start3A_921 = tpu.memref_slice %arg11[%mul3A_919, %dma_start3A_920] : memref<128x128xf32, #tpu.memory_space<vmem>> -> memref<64x128xf32, #tpu.memory_space<vmem>>
            %dma_start3A_922 = arith.constant 0 : i32
            %dma_start3A_923 = tpu.memref_slice %arg4[%multiple_of3A_884, %dma_start3A_922] : memref<34816x128xf32, #tpu.memory_space<hbm>> -> memref<64x128xf32, #tpu.memory_space<hbm>>
            %dma_start3A_924 = arith.constant 0 : i32
            %dma_start3A_925 = tpu.memref_slice %arg4[%multiple_of3A_884, %dma_start3A_924] : memref<34816x128xf32, #tpu.memory_space<hbm>> -> memref<64x128xf32, #tpu.memory_space<hbm>>
            %dma_start3A_926 = arith.constant 0 : i32
            %dma_start3A_927 = tpu.memref_slice %arg11[%mul3A_919, %dma_start3A_926] : memref<128x128xf32, #tpu.memory_space<vmem>> -> memref<64x128xf32, #tpu.memory_space<vmem>>
            tpu.enqueue_dma source(%dma_start3A_927 : memref<64x128xf32, #tpu.memory_space<vmem>>) target(%dma_start3A_925 : memref<64x128xf32, #tpu.memory_space<hbm>>) target_semaphore(%arg16 : memref<!tpu.dma_semaphore, #tpu.memory_space<semaphore_mem>>)
            %dma_start3A_928 = arith.constant 0 : i32
            %dma_start3A_929 = tpu.memref_slice %arg13[%and3A_879, %dma_start3A_928] : memref<2x64xi32, #tpu.memory_space<vmem>> -> memref<1x64xi32, #tpu.memory_space<vmem>>
            %dma_start3A_930 = tpu.memref_squeeze %dma_start3A_929 : memref<1x64xi32, #tpu.memory_space<vmem>> -> memref<64xi32, #tpu.memory_space<vmem>>
            %dma_start3A_931 = arith.constant 0 : i32
            %dma_start3A_932 = tpu.memref_slice %arg12[%and3A_879, %dma_start3A_931] : memref<2x64xi32, #tpu.memory_space<vmem>> -> memref<1x64xi32, #tpu.memory_space<vmem>>
            %dma_start3A_933 = tpu.memref_squeeze %dma_start3A_932 : memref<1x64xi32, #tpu.memory_space<vmem>> -> memref<64xi32, #tpu.memory_space<vmem>>
            %dma_start3A_934 = arith.constant 0 : i32
            %dma_start3A_935 = tpu.memref_slice %arg5[%dma_start3A_934] : memref<16416xi32, #tpu.memory_space<hbm>> -> memref<16416xi32, #tpu.memory_space<hbm>>
            tpu.enqueue_indirect_dma source(%dma_start3A_930 : memref<64xi32, #tpu.memory_space<vmem>>) target(%dma_start3A_935 : memref<16416xi32, #tpu.memory_space<hbm>>) offsets(%dma_start3A_933 : memref<64xi32, #tpu.memory_space<vmem>>) semaphore(%arg16 : memref<!tpu.dma_semaphore, #tpu.memory_space<semaphore_mem>>)
            %add3A_936 = arith.constant 64 : i32
            %add3A_937 = arith.addi %get3A_875, %add3A_936 : i32
            %swap3A_938 = arith.constant 2 : i32
            %swap3A_939 = arith.index_cast %swap3A_938 : i32 to index
            %swap3A_940 = memref.load %arg14[%swap3A_939] : memref<64xi32, #tpu.memory_space<smem>>
            memref.store %add3A_937, %arg14[%swap3A_939] : memref<64xi32, #tpu.memory_space<smem>>
            %get3A_941 = arith.constant 3 : i32
            %get3A_942 = arith.index_cast %get3A_941 : i32 to index
            %get3A_943 = memref.load %arg14[%get3A_942] : memref<64xi32, #tpu.memory_space<smem>>
            %add3A_944 = arith.constant 1 : i32
            %add3A_945 = arith.addi %get3A_943, %add3A_944 : i32
            %swap3A_946 = arith.constant 3 : i32
            %swap3A_947 = arith.index_cast %swap3A_946 : i32 to index
            %swap3A_948 = memref.load %arg14[%swap3A_947] : memref<64xi32, #tpu.memory_space<smem>>
            memref.store %add3A_945, %arg14[%swap3A_947] : memref<64xi32, #tpu.memory_space<smem>>
            %get3A_949 = arith.constant 3 : i32
            %get3A_950 = arith.index_cast %get3A_949 : i32 to index
            %get3A_951 = memref.load %arg14[%get3A_950] : memref<64xi32, #tpu.memory_space<smem>>
            %get3A_952 = arith.constant 4 : i32
            %get3A_953 = arith.index_cast %get3A_952 : i32 to index
            %get3A_954 = memref.load %arg14[%get3A_953] : memref<64xi32, #tpu.memory_space<smem>>
            %sub3A_955 = arith.subi %get3A_951, %get3A_954 : i32
            %ge3A_956 = arith.constant 2 : i32
            %ge3A_957 = arith.cmpi sge, %sub3A_955, %ge3A_956 : i32
            %convert_element_type3A_958 = arith.extui %ge3A_957 : i1 to i32
            %cond3A_959 = arith.constant 0 : i32
            %cond3A_960 = arith.cmpi ne, %convert_element_type3A_958, %cond3A_959 : i32
            scf.if %cond3A_960 {
              %dma_wait3A_961 = arith.constant 0 : i32
              %dma_wait3A_962 = arith.constant 0 : i32
              %dma_wait3A_963 = tpu.memref_slice %arg11[%dma_wait3A_961, %dma_wait3A_962] : memref<128x128xf32, #tpu.memory_space<vmem>> -> memref<64x128xf32, #tpu.memory_space<vmem>>
              %dma_wait3A_964 = arith.constant 0 : i32
              %dma_wait3A_965 = arith.constant 0 : i32
              %dma_wait3A_966 = tpu.memref_slice %arg4[%dma_wait3A_964, %dma_wait3A_965] : memref<34816x128xf32, #tpu.memory_space<hbm>> -> memref<64x128xf32, #tpu.memory_space<hbm>>
              %dma_wait3A_967 = arith.constant 0 : i32
              %dma_wait3A_968 = arith.constant 0 : i32
              %dma_wait3A_969 = tpu.memref_slice %arg11[%dma_wait3A_967, %dma_wait3A_968] : memref<128x128xf32, #tpu.memory_space<vmem>> -> memref<64x128xf32, #tpu.memory_space<vmem>>
              %dma_wait3A_970 = arith.constant 0 : i32
              %dma_wait3A_971 = arith.constant 0 : i32
              %dma_wait3A_972 = tpu.memref_slice %arg4[%dma_wait3A_970, %dma_wait3A_971] : memref<34816x128xf32, #tpu.memory_space<hbm>> -> memref<64x128xf32, #tpu.memory_space<hbm>>
              tpu.wait_dma2 semaphore(%arg16 : memref<!tpu.dma_semaphore, #tpu.memory_space<semaphore_mem>>) src(%dma_wait3A_972 : memref<64x128xf32, #tpu.memory_space<hbm>>) dst(%dma_wait3A_969 : memref<64x128xf32, #tpu.memory_space<vmem>>)
              %dma_wait3A_973 = arith.constant 0 : i32
              %dma_wait3A_974 = arith.constant 0 : i32
              %dma_wait3A_975 = tpu.memref_slice %arg13[%dma_wait3A_973, %dma_wait3A_974] : memref<2x64xi32, #tpu.memory_space<vmem>> -> memref<1x64xi32, #tpu.memory_space<vmem>>
              %dma_wait3A_976 = tpu.memref_squeeze %dma_wait3A_975 : memref<1x64xi32, #tpu.memory_space<vmem>> -> memref<64xi32, #tpu.memory_space<vmem>>
              %dma_wait3A_977 = arith.constant 0 : i32
              %dma_wait3A_978 = tpu.memref_slice %arg3[%dma_wait3A_977] : memref<16384xi32, #tpu.memory_space<hbm>> -> memref<64xi32, #tpu.memory_space<hbm>>
              %dma_wait3A_979 = arith.constant 0 : i32
              %dma_wait3A_980 = tpu.memref_slice %arg13[%dma_wait3A_973, %dma_wait3A_979] : memref<2x64xi32, #tpu.memory_space<vmem>> -> memref<1x64xi32, #tpu.memory_space<vmem>>
              %dma_wait3A_981 = tpu.memref_squeeze %dma_wait3A_980 : memref<1x64xi32, #tpu.memory_space<vmem>> -> memref<64xi32, #tpu.memory_space<vmem>>
              %dma_wait3A_982 = arith.constant 0 : i32
              %dma_wait3A_983 = tpu.memref_slice %arg3[%dma_wait3A_982] : memref<16384xi32, #tpu.memory_space<hbm>> -> memref<64xi32, #tpu.memory_space<hbm>>
              tpu.wait_dma2 semaphore(%arg16 : memref<!tpu.dma_semaphore, #tpu.memory_space<semaphore_mem>>) src(%dma_wait3A_983 : memref<64xi32, #tpu.memory_space<hbm>>) dst(%dma_wait3A_981 : memref<64xi32, #tpu.memory_space<vmem>>)
              %get3A_984 = arith.constant 4 : i32
              %get3A_985 = arith.index_cast %get3A_984 : i32 to index
              %get3A_986 = memref.load %arg14[%get3A_985] : memref<64xi32, #tpu.memory_space<smem>>
              %add3A_987 = arith.constant 1 : i32
              %add3A_988 = arith.addi %get3A_986, %add3A_987 : i32
              %swap3A_989 = arith.constant 4 : i32
              %swap3A_990 = arith.index_cast %swap3A_989 : i32 to index
              %swap3A_991 = memref.load %arg14[%swap3A_990] : memref<64xi32, #tpu.memory_space<smem>>
              memref.store %add3A_988, %arg14[%swap3A_990] : memref<64xi32, #tpu.memory_space<smem>>
            } else {
            }
          } else {
          }
          %not3A = arith.constant dense<true> : vector<16xi1>
          %not3A_871 = arith.xori %eq3A, %not3A : vector<16xi1>
          %and3A_872 = arith.andi %while3A_730, %not3A_871 : vector<16xi1>
          scf.yield %and3A_872 : vector<16xi1>
        }
      }
      %add3A_705 = arith.constant 2 : i32
      %add3A_706 = arith.addi %while3A_668, %add3A_705 : i32
      %lt3A = arith.cmpi slt, %add3A_706, %min3A_4 : i32
      %convert_element_type3A_707 = arith.extui %lt3A : i1 to i32
      %cond3A_708 = arith.constant 0 : i32
      %cond3A_709 = arith.cmpi ne, %convert_element_type3A_707, %cond3A_708 : i32
      scf.if %cond3A_709 {
        %add3A_710 = arith.constant 2 : i32
        %add3A_711 = arith.addi %while3A_668, %add3A_710 : i32
        %and3A_712 = arith.constant 1 : i32
        %and3A_713 = arith.andi %add3A_711, %and3A_712 : i32
        %add3A_714 = arith.addi %mul3A_2, %add3A_711 : i32
        %mul3A_715 = arith.constant 128 : i32
        %mul3A_716 = arith.muli %add3A_714, %mul3A_715 : i32
        %multiple_of3A_717 = tpu.assume_multiple %mul3A_716, 128 : i32
        %mul3A_718 = arith.constant 128 : i32
        %mul3A_719 = arith.muli %and3A_713, %mul3A_718 : i32
        %dma_start3A_720 = arith.constant 0 : i32
        %dma_start3A_721 = tpu.memref_slice %arg10[%mul3A_719, %dma_start3A_720] : memref<256x128xf32, #tpu.memory_space<vmem>> -> memref<128x128xf32, #tpu.memory_space<vmem>>
        %dma_start3A_722 = arith.constant 0 : i32
        %dma_start3A_723 = tpu.memref_slice %arg2[%dma_start3A_722, %multiple_of3A_717] : memref<128x1000000xf32, #tpu.memory_space<hbm>> -> memref<128x128xf32, #tpu.memory_space<hbm>>
        %dma_start3A_724 = arith.constant 0 : i32
        %dma_start3A_725 = tpu.memref_slice %arg10[%mul3A_719, %dma_start3A_724] : memref<256x128xf32, #tpu.memory_space<vmem>> -> memref<128x128xf32, #tpu.memory_space<vmem>>
        %dma_start3A_726 = arith.constant 0 : i32
        %dma_start3A_727 = tpu.memref_slice %arg2[%dma_start3A_726, %multiple_of3A_717] : memref<128x1000000xf32, #tpu.memory_space<hbm>> -> memref<128x128xf32, #tpu.memory_space<hbm>>
        tpu.enqueue_dma source(%dma_start3A_727 : memref<128x128xf32, #tpu.memory_space<hbm>>) target(%dma_start3A_725 : memref<128x128xf32, #tpu.memory_space<vmem>>) target_semaphore(%arg15 : memref<!tpu.dma_semaphore, #tpu.memory_space<semaphore_mem>>)
      } else {
      }
    }
    %while3A_640 = arith.constant 1 : i32
    scf.for %while3A_668 = %while3A_638 to %while3A_634 step %while3A_640  : i32 {
      %dma_wait3A = arith.constant 0 : i32
      %dma_wait3A_669 = arith.constant 0 : i32
      %dma_wait3A_670 = tpu.memref_slice %arg10[%dma_wait3A, %dma_wait3A_669] : memref<256x128xf32, #tpu.memory_space<vmem>> -> memref<128x128xf32, #tpu.memory_space<vmem>>
      %dma_wait3A_671 = arith.constant 0 : i32
      %dma_wait3A_672 = arith.constant 0 : i32
      %dma_wait3A_673 = tpu.memref_slice %arg2[%dma_wait3A_671, %dma_wait3A_672] : memref<128x1000000xf32, #tpu.memory_space<hbm>> -> memref<128x128xf32, #tpu.memory_space<hbm>>
      %dma_wait3A_674 = arith.constant 0 : i32
      %dma_wait3A_675 = arith.constant 0 : i32
      %dma_wait3A_676 = tpu.memref_slice %arg10[%dma_wait3A_674, %dma_wait3A_675] : memref<256x128xf32, #tpu.memory_space<vmem>> -> memref<128x128xf32, #tpu.memory_space<vmem>>
      %dma_wait3A_677 = arith.constant 0 : i32
      %dma_wait3A_678 = arith.constant 0 : i32
      %dma_wait3A_679 = tpu.memref_slice %arg2[%dma_wait3A_677, %dma_wait3A_678] : memref<128x1000000xf32, #tpu.memory_space<hbm>> -> memref<128x128xf32, #tpu.memory_space<hbm>>
      tpu.wait_dma2 semaphore(%arg15 : memref<!tpu.dma_semaphore, #tpu.memory_space<semaphore_mem>>) src(%dma_wait3A_679 : memref<128x128xf32, #tpu.memory_space<hbm>>) dst(%dma_wait3A_676 : memref<128x128xf32, #tpu.memory_space<vmem>>)
      %and3A_680 = arith.constant 1 : i32
      %and3A_681 = arith.andi %while3A_668, %and3A_680 : i32
      %add3A_682 = arith.addi %mul3A_2, %while3A_668 : i32
      %mul3A_683 = arith.constant 128 : i32
      %mul3A_684 = arith.muli %add3A_682, %mul3A_683 : i32
      %shift_right_logical3A_685 = arith.constant 4 : i32
      %shift_right_logical3A_686 = arith.shrui %while3A_668, %shift_right_logical3A_685 : i32
      %add3A_687 = arith.constant 8 : i32
      %add3A_688 = arith.addi %add3A_687, %shift_right_logical3A_686 : i32
      %get3A_689 = arith.index_cast %add3A_688 : i32 to index
      %get3A_690 = memref.load %arg14[%get3A_689] : memref<64xi32, #tpu.memory_space<smem>>
      %add3A_691 = arith.constant 24 : i32
      %add3A_692 = arith.addi %add3A_691, %shift_right_logical3A_686 : i32
      %get3A_693 = arith.index_cast %add3A_692 : i32 to index
      %get3A_694 = memref.load %arg14[%get3A_693] : memref<64xi32, #tpu.memory_space<smem>>
      %while3A_695 = arith.constant 0 : i32
      %while3A_696 = arith.constant 0 : i32
      %while3A_697 = arith.subi %get3A_694, %while3A_696 : i32
      %while3A_698 = arith.addi %while3A_696, %while3A_697 : i32
      %while3A_699 = arith.constant 1 : i32
      %while3A_700 = arith.divsi %while3A_697, %while3A_699 : i32
      %while3A_701 = arith.muli %while3A_700, %while3A_699 : i32
      %while3A_702 = arith.addi %while3A_696, %while3A_701 : i32
      %while3A_703 = arith.constant 1 : i32
      scf.for %while3A_710 = %while3A_696 to %while3A_702 step %while3A_703  : i32 {
        %mul3A_711 = arith.constant 16 : i32
        %mul3A_712 = arith.muli %mul3A_711, %while3A_710 : i32
        %add3A_713 = arith.addi %get3A_690, %mul3A_712 : i32
        %get3A_714 = arith.index_cast %add3A_713 : i32 to index
        %get3A_715 = tpu.vector_load %arg6[%get3A_714] {strides = array<i32>} : memref<16640xi32, #tpu.memory_space<vmem>>, vector<16xi32>,
        %ge3A = vector.broadcast %mul3A_684 : i32 to vector<16xi32>
        %ge3A_716 = arith.cmpi sge, %get3A_715, %ge3A : vector<16xi32>
        %add3A_717 = arith.constant 128 : i32
        %add3A_718 = arith.addi %mul3A_684, %add3A_717 : i32
        %lt3A_719 = vector.broadcast %add3A_718 : i32 to vector<16xi32>
        %lt3A_720 = arith.cmpi slt, %get3A_715, %lt3A_719 : vector<16xi32>
        %and3A_721 = arith.andi %ge3A_716, %lt3A_720 : vector<16xi1>
        %sub3A_722 = vector.broadcast %mul3A_684 : i32 to vector<16xi32>
        %sub3A_723 = arith.subi %get3A_715, %sub3A_722 : vector<16xi32>
        %mul3A_724 = arith.constant 16 : i32
        %mul3A_725 = arith.muli %mul3A_724, %while3A_710 : i32
        %add3A_726 = arith.addi %get3A_690, %mul3A_725 : i32
        %get3A_727 = arith.index_cast %add3A_726 : i32 to index
        %get3A_728 = tpu.vector_load %arg9[%get3A_727] {strides = array<i32>} : memref<16640xi32, #tpu.memory_space<vmem>>, vector<16xi32>,
        %while3A_729 = scf.while (%while3A_730 = %and3A_721) : (vector<16xi1>) -> vector<16xi1> {
          %convert_element_type3A_731 = arith.extui %while3A_730 : vector<16xi1> to vector<16xi32>
          %reduce_max3A = arith.constant true
          %reduce_max3A_732 = vector.broadcast %reduce_max3A : i1 to vector<16xi1>
          %reduce_max3A_733 = arith.constant -2147483648 : i32
          %reduce_max3A_734 = vector.broadcast %reduce_max3A_733 : i32 to vector<16xi32>
          %reduce_max3A_735 = arith.xori %convert_element_type3A_731, %reduce_max3A_734 : vector<16xi32>
          %reduce_max3A_736 = tpu.scan <max>, %reduce_max3A_735 masked %reduce_max3A_732 : vector<16xi32>, vector<16xi1> -> vector<16xi32>
          %reduce_max3A_737 = arith.xori %reduce_max3A_736, %reduce_max3A_734 : vector<16xi32>
          %reduce_max3A_738 = vector.extract %reduce_max3A_737[15] : i32 from vector<16xi32>
          %gt3A_739 = arith.constant 0 : i32
          %gt3A_740 = arith.cmpi sgt, %reduce_max3A_738, %gt3A_739 : i32
          scf.condition(%gt3A_740) %while3A_730 : vector<16xi1>
        } do {
        ^bb0(%while3A_730: vector<16xi1>):
          %all_reduce_ffs3A = tpu.all_reduce %while3A_730 {dim = 0 : i64, kind = #tpu.reduction_kind<find_first_set>} : vector<16xi1> -> vector<16xi32>
          %eq3A = arith.cmpi eq, %iota3A, %all_reduce_ffs3A : vector<16xi32>
          %broadcast_in_dim3A_731 = arith.constant 0 : i32
          %broadcast_in_dim3A_732 = vector.broadcast %broadcast_in_dim3A_731 : i32 to vector<16xi32>
          %select_n3A = arith.select %eq3A, %sub3A_723, %broadcast_in_dim3A_732 : vector<16xi1>, vector<16xi32>
          %reduce_max3A = arith.constant true
          %reduce_max3A_733 = vector.broadcast %reduce_max3A : i1 to vector<16xi1>
          %reduce_max3A_734 = arith.constant -2147483648 : i32
          %reduce_max3A_735 = vector.broadcast %reduce_max3A_734 : i32 to vector<16xi32>
          %reduce_max3A_736 = arith.xori %select_n3A, %reduce_max3A_735 : vector<16xi32>
          %reduce_max3A_737 = tpu.scan <max>, %reduce_max3A_736 masked %reduce_max3A_733 : vector<16xi32>, vector<16xi1> -> vector<16xi32>
          %reduce_max3A_738 = arith.xori %reduce_max3A_737, %reduce_max3A_735 : vector<16xi32>
          %reduce_max3A_739 = vector.extract %reduce_max3A_738[15] : i32 from vector<16xi32>
          %select_n3A_740 = arith.select %eq3A, %get3A_728, %broadcast_in_dim3A_732 : vector<16xi1>, vector<16xi32>
          %reduce_max3A_741 = arith.constant true
          %reduce_max3A_742 = vector.broadcast %reduce_max3A_741 : i1 to vector<16xi1>
          %reduce_max3A_743 = arith.constant -2147483648 : i32
          %reduce_max3A_744 = vector.broadcast %reduce_max3A_743 : i32 to vector<16xi32>
          %reduce_max3A_745 = arith.xori %select_n3A_740, %reduce_max3A_744 : vector<16xi32>
          %reduce_max3A_746 = tpu.scan <max>, %reduce_max3A_745 masked %reduce_max3A_742 : vector<16xi32>, vector<16xi1> -> vector<16xi32>
          %reduce_max3A_747 = arith.xori %reduce_max3A_746, %reduce_max3A_744 : vector<16xi32>
          %reduce_max3A_748 = vector.extract %reduce_max3A_747[15] : i32 from vector<16xi32>
          %get3A_749 = arith.constant 1 : i32
          %get3A_750 = arith.index_cast %get3A_749 : i32 to index
          %get3A_751 = memref.load %arg14[%get3A_750] : memref<64xi32, #tpu.memory_space<smem>>
          %and3A_752 = arith.constant 127 : i32
          %and3A_753 = arith.andi %get3A_751, %and3A_752 : i32
          %broadcast_in_dim3A_754 = vector.broadcast %and3A_753 : i32 to vector<16xi32>
          %mul3A_755 = arith.constant 128 : i32
          %mul3A_756 = arith.muli %and3A_681, %mul3A_755 : i32
          %add3A_757 = arith.constant 0 : i32
          %add3A_758 = arith.addi %mul3A_756, %add3A_757 : i32
          %add3A_759 = vector.broadcast %add3A_758 : i32 to vector<16xi32>
          %add3A_760 = arith.addi %add3A_759, %iota3A : vector<16xi32>
          %broadcast_in_dim3A_761 = vector.broadcast %reduce_max3A_739 : i32 to vector<16xi32>
          %gather3A = tpu.vector_load_idx %arg10[%add3A_760, %broadcast_in_dim3A_761] : memref<256x128xf32, #tpu.memory_space<vmem>>[vector<16xi32>, vector<16xi32>], vector<16xf32>,
          %add3A_762 = arith.constant 0 : i32
          %add3A_763 = vector.broadcast %add3A_762 : i32 to vector<16xi32>
          %add3A_764 = arith.addi %add3A_763, %iota3A : vector<16xi32>
          tpu.vector_store_idx %arg11[%broadcast_in_dim3A_754, %add3A_764], %gather3A : memref<128x128xf32, #tpu.memory_space<vmem>>[vector<16xi32>, vector<16xi32>], vector<16xf32>,
          %mul3A_765 = arith.constant 128 : i32
          %mul3A_766 = arith.muli %and3A_681, %mul3A_765 : i32
          %add3A_767 = arith.constant 16 : i32
          %add3A_768 = arith.addi %mul3A_766, %add3A_767 : i32
          %add3A_769 = vector.broadcast %add3A_768 : i32 to vector<16xi32>
          %add3A_770 = arith.addi %add3A_769, %iota3A : vector<16xi32>
          %broadcast_in_dim3A_771 = vector.broadcast %reduce_max3A_739 : i32 to vector<16xi32>
          %gather3A_772 = tpu.vector_load_idx %arg10[%add3A_770, %broadcast_in_dim3A_771] : memref<256x128xf32, #tpu.memory_space<vmem>>[vector<16xi32>, vector<16xi32>], vector<16xf32>,
          %add3A_773 = arith.constant 16 : i32
          %add3A_774 = vector.broadcast %add3A_773 : i32 to vector<16xi32>
          %add3A_775 = arith.addi %add3A_774, %iota3A : vector<16xi32>
          tpu.vector_store_idx %arg11[%broadcast_in_dim3A_754, %add3A_775], %gather3A_772 : memref<128x128xf32, #tpu.memory_space<vmem>>[vector<16xi32>, vector<16xi32>], vector<16xf32>,
          %mul3A_776 = arith.constant 128 : i32
          %mul3A_777 = arith.muli %and3A_681, %mul3A_776 : i32
          %add3A_778 = arith.constant 32 : i32
          %add3A_779 = arith.addi %mul3A_777, %add3A_778 : i32
          %add3A_780 = vector.broadcast %add3A_779 : i32 to vector<16xi32>
          %add3A_781 = arith.addi %add3A_780, %iota3A : vector<16xi32>
          %broadcast_in_dim3A_782 = vector.broadcast %reduce_max3A_739 : i32 to vector<16xi32>
          %gather3A_783 = tpu.vector_load_idx %arg10[%add3A_781, %broadcast_in_dim3A_782] : memref<256x128xf32, #tpu.memory_space<vmem>>[vector<16xi32>, vector<16xi32>], vector<16xf32>,
          %add3A_784 = arith.constant 32 : i32
          %add3A_785 = vector.broadcast %add3A_784 : i32 to vector<16xi32>
          %add3A_786 = arith.addi %add3A_785, %iota3A : vector<16xi32>
          tpu.vector_store_idx %arg11[%broadcast_in_dim3A_754, %add3A_786], %gather3A_783 : memref<128x128xf32, #tpu.memory_space<vmem>>[vector<16xi32>, vector<16xi32>], vector<16xf32>,
          %mul3A_787 = arith.constant 128 : i32
          %mul3A_788 = arith.muli %and3A_681, %mul3A_787 : i32
          %add3A_789 = arith.constant 48 : i32
          %add3A_790 = arith.addi %mul3A_788, %add3A_789 : i32
          %add3A_791 = vector.broadcast %add3A_790 : i32 to vector<16xi32>
          %add3A_792 = arith.addi %add3A_791, %iota3A : vector<16xi32>
          %broadcast_in_dim3A_793 = vector.broadcast %reduce_max3A_739 : i32 to vector<16xi32>
          %gather3A_794 = tpu.vector_load_idx %arg10[%add3A_792, %broadcast_in_dim3A_793] : memref<256x128xf32, #tpu.memory_space<vmem>>[vector<16xi32>, vector<16xi32>], vector<16xf32>,
          %add3A_795 = arith.constant 48 : i32
          %add3A_796 = vector.broadcast %add3A_795 : i32 to vector<16xi32>
          %add3A_797 = arith.addi %add3A_796, %iota3A : vector<16xi32>
          tpu.vector_store_idx %arg11[%broadcast_in_dim3A_754, %add3A_797], %gather3A_794 : memref<128x128xf32, #tpu.memory_space<vmem>>[vector<16xi32>, vector<16xi32>], vector<16xf32>,
          %mul3A_798 = arith.constant 128 : i32
          %mul3A_799 = arith.muli %and3A_681, %mul3A_798 : i32
          %add3A_800 = arith.constant 64 : i32
          %add3A_801 = arith.addi %mul3A_799, %add3A_800 : i32
          %add3A_802 = vector.broadcast %add3A_801 : i32 to vector<16xi32>
          %add3A_803 = arith.addi %add3A_802, %iota3A : vector<16xi32>
          %broadcast_in_dim3A_804 = vector.broadcast %reduce_max3A_739 : i32 to vector<16xi32>
          %gather3A_805 = tpu.vector_load_idx %arg10[%add3A_803, %broadcast_in_dim3A_804] : memref<256x128xf32, #tpu.memory_space<vmem>>[vector<16xi32>, vector<16xi32>], vector<16xf32>,
          %add3A_806 = arith.constant 64 : i32
          %add3A_807 = vector.broadcast %add3A_806 : i32 to vector<16xi32>
          %add3A_808 = arith.addi %add3A_807, %iota3A : vector<16xi32>
          tpu.vector_store_idx %arg11[%broadcast_in_dim3A_754, %add3A_808], %gather3A_805 : memref<128x128xf32, #tpu.memory_space<vmem>>[vector<16xi32>, vector<16xi32>], vector<16xf32>,
          %mul3A_809 = arith.constant 128 : i32
          %mul3A_810 = arith.muli %and3A_681, %mul3A_809 : i32
          %add3A_811 = arith.constant 80 : i32
          %add3A_812 = arith.addi %mul3A_810, %add3A_811 : i32
          %add3A_813 = vector.broadcast %add3A_812 : i32 to vector<16xi32>
          %add3A_814 = arith.addi %add3A_813, %iota3A : vector<16xi32>
          %broadcast_in_dim3A_815 = vector.broadcast %reduce_max3A_739 : i32 to vector<16xi32>
          %gather3A_816 = tpu.vector_load_idx %arg10[%add3A_814, %broadcast_in_dim3A_815] : memref<256x128xf32, #tpu.memory_space<vmem>>[vector<16xi32>, vector<16xi32>], vector<16xf32>,
          %add3A_817 = arith.constant 80 : i32
          %add3A_818 = vector.broadcast %add3A_817 : i32 to vector<16xi32>
          %add3A_819 = arith.addi %add3A_818, %iota3A : vector<16xi32>
          tpu.vector_store_idx %arg11[%broadcast_in_dim3A_754, %add3A_819], %gather3A_816 : memref<128x128xf32, #tpu.memory_space<vmem>>[vector<16xi32>, vector<16xi32>], vector<16xf32>,
          %mul3A_820 = arith.constant 128 : i32
          %mul3A_821 = arith.muli %and3A_681, %mul3A_820 : i32
          %add3A_822 = arith.constant 96 : i32
          %add3A_823 = arith.addi %mul3A_821, %add3A_822 : i32
          %add3A_824 = vector.broadcast %add3A_823 : i32 to vector<16xi32>
          %add3A_825 = arith.addi %add3A_824, %iota3A : vector<16xi32>
          %broadcast_in_dim3A_826 = vector.broadcast %reduce_max3A_739 : i32 to vector<16xi32>
          %gather3A_827 = tpu.vector_load_idx %arg10[%add3A_825, %broadcast_in_dim3A_826] : memref<256x128xf32, #tpu.memory_space<vmem>>[vector<16xi32>, vector<16xi32>], vector<16xf32>,
          %add3A_828 = arith.constant 96 : i32
          %add3A_829 = vector.broadcast %add3A_828 : i32 to vector<16xi32>
          %add3A_830 = arith.addi %add3A_829, %iota3A : vector<16xi32>
          tpu.vector_store_idx %arg11[%broadcast_in_dim3A_754, %add3A_830], %gather3A_827 : memref<128x128xf32, #tpu.memory_space<vmem>>[vector<16xi32>, vector<16xi32>], vector<16xf32>,
          %mul3A_831 = arith.constant 128 : i32
          %mul3A_832 = arith.muli %and3A_681, %mul3A_831 : i32
          %add3A_833 = arith.constant 112 : i32
          %add3A_834 = arith.addi %mul3A_832, %add3A_833 : i32
          %add3A_835 = vector.broadcast %add3A_834 : i32 to vector<16xi32>
          %add3A_836 = arith.addi %add3A_835, %iota3A : vector<16xi32>
          %broadcast_in_dim3A_837 = vector.broadcast %reduce_max3A_739 : i32 to vector<16xi32>
          %gather3A_838 = tpu.vector_load_idx %arg10[%add3A_836, %broadcast_in_dim3A_837] : memref<256x128xf32, #tpu.memory_space<vmem>>[vector<16xi32>, vector<16xi32>], vector<16xf32>,
          %add3A_839 = arith.constant 112 : i32
          %add3A_840 = vector.broadcast %add3A_839 : i32 to vector<16xi32>
          %add3A_841 = arith.addi %add3A_840, %iota3A : vector<16xi32>
          tpu.vector_store_idx %arg11[%broadcast_in_dim3A_754, %add3A_841], %gather3A_838 : memref<128x128xf32, #tpu.memory_space<vmem>>[vector<16xi32>, vector<16xi32>], vector<16xf32>,
          %shift_right_logical3A_842 = arith.constant 6 : i32
          %shift_right_logical3A_843 = arith.shrui %get3A_751, %shift_right_logical3A_842 : i32
          %and3A_844 = arith.constant 1 : i32
          %and3A_845 = arith.andi %shift_right_logical3A_843, %and3A_844 : i32
          %and3A_846 = arith.constant 63 : i32
          %and3A_847 = arith.andi %get3A_751, %and3A_846 : i32
          %broadcast_in_dim3A_848 = vector.broadcast %and3A_845 : i32 to vector<16xi32>
          %broadcast_in_dim3A_849 = vector.broadcast %and3A_847 : i32 to vector<16xi32>
          %broadcast_in_dim3A_850 = vector.broadcast %reduce_max3A_748 : i32 to vector<16xi32>
          %eq3A_851 = arith.constant 0 : i32
          %eq3A_852 = vector.broadcast %eq3A_851 : i32 to vector<16xi32>
          %eq3A_853 = arith.cmpi eq, %iota3A, %eq3A_852 : vector<16xi32>
          tpu.vector_store_idx %arg12[%broadcast_in_dim3A_848, %broadcast_in_dim3A_849], %broadcast_in_dim3A_850 masked %eq3A_853 : memref<2x64xi32, #tpu.memory_space<vmem>>[vector<16xi32>, vector<16xi32>], vector<16xi32>, vector<16xi1>
          %add3A_854 = arith.constant 1 : i32
          %add3A_855 = arith.addi %get3A_751, %add3A_854 : i32
          %swap3A_856 = arith.constant 1 : i32
          %swap3A_857 = arith.index_cast %swap3A_856 : i32 to index
          %swap3A_858 = memref.load %arg14[%swap3A_857] : memref<64xi32, #tpu.memory_space<smem>>
          memref.store %add3A_855, %arg14[%swap3A_857] : memref<64xi32, #tpu.memory_space<smem>>
          %get3A_859 = arith.constant 1 : i32
          %get3A_860 = arith.index_cast %get3A_859 : i32 to index
          %get3A_861 = memref.load %arg14[%get3A_860] : memref<64xi32, #tpu.memory_space<smem>>
          %get3A_862 = arith.constant 2 : i32
          %get3A_863 = arith.index_cast %get3A_862 : i32 to index
          %get3A_864 = memref.load %arg14[%get3A_863] : memref<64xi32, #tpu.memory_space<smem>>
          %sub3A_865 = arith.subi %get3A_861, %get3A_864 : i32
          %ge3A_866 = arith.constant 64 : i32
          %ge3A_867 = arith.cmpi sge, %sub3A_865, %ge3A_866 : i32
          %convert_element_type3A_868 = arith.extui %ge3A_867 : i1 to i32
          %cond3A_869 = arith.constant 0 : i32
          %cond3A_870 = arith.cmpi ne, %convert_element_type3A_868, %cond3A_869 : i32
          scf.if %cond3A_870 {
            %get3A_873 = arith.constant 2 : i32
            %get3A_874 = arith.index_cast %get3A_873 : i32 to index
            %get3A_875 = memref.load %arg14[%get3A_874] : memref<64xi32, #tpu.memory_space<smem>>
            %shift_right_logical3A_876 = arith.constant 6 : i32
            %shift_right_logical3A_877 = arith.shrui %get3A_875, %shift_right_logical3A_876 : i32
            %and3A_878 = arith.constant 1 : i32
            %and3A_879 = arith.andi %shift_right_logical3A_877, %and3A_878 : i32
            %get3A_880 = arith.constant 5 : i32
            %get3A_881 = arith.index_cast %get3A_880 : i32 to index
            %get3A_882 = memref.load %arg14[%get3A_881] : memref<64xi32, #tpu.memory_space<smem>>
            %add3A_883 = arith.addi %get3A_882, %get3A_875 : i32
            %multiple_of3A_884 = tpu.assume_multiple %add3A_883, 64 : i32
            %broadcast_in_dim3A_885 = vector.broadcast %multiple_of3A_884 : i32 to vector<16xi32>
            %broadcast_in_dim3A_886 = vector.broadcast %and3A_879 : i32 to vector<16xi32>
            %add3A_887 = arith.constant 0 : i32
            %add3A_888 = vector.broadcast %add3A_887 : i32 to vector<16xi32>
            %add3A_889 = arith.addi %add3A_888, %iota3A : vector<16xi32>
            %add3A_890 = arith.constant 0 : i32
            %add3A_891 = vector.broadcast %add3A_890 : i32 to vector<16xi32>
            %add3A_892 = arith.addi %broadcast_in_dim3A_885, %add3A_891 : vector<16xi32>
            %add3A_893 = arith.addi %add3A_892, %iota3A : vector<16xi32>
            tpu.vector_store_idx %arg13[%broadcast_in_dim3A_886, %add3A_889], %add3A_893 : memref<2x64xi32, #tpu.memory_space<vmem>>[vector<16xi32>, vector<16xi32>], vector<16xi32>,
            %broadcast_in_dim3A_894 = vector.broadcast %and3A_879 : i32 to vector<16xi32>
            %add3A_895 = arith.constant 16 : i32
            %add3A_896 = vector.broadcast %add3A_895 : i32 to vector<16xi32>
            %add3A_897 = arith.addi %add3A_896, %iota3A : vector<16xi32>
            %add3A_898 = arith.constant 16 : i32
            %add3A_899 = vector.broadcast %add3A_898 : i32 to vector<16xi32>
            %add3A_900 = arith.addi %broadcast_in_dim3A_885, %add3A_899 : vector<16xi32>
            %add3A_901 = arith.addi %add3A_900, %iota3A : vector<16xi32>
            tpu.vector_store_idx %arg13[%broadcast_in_dim3A_894, %add3A_897], %add3A_901 : memref<2x64xi32, #tpu.memory_space<vmem>>[vector<16xi32>, vector<16xi32>], vector<16xi32>,
            %broadcast_in_dim3A_902 = vector.broadcast %and3A_879 : i32 to vector<16xi32>
            %add3A_903 = arith.constant 32 : i32
            %add3A_904 = vector.broadcast %add3A_903 : i32 to vector<16xi32>
            %add3A_905 = arith.addi %add3A_904, %iota3A : vector<16xi32>
            %add3A_906 = arith.constant 32 : i32
            %add3A_907 = vector.broadcast %add3A_906 : i32 to vector<16xi32>
            %add3A_908 = arith.addi %broadcast_in_dim3A_885, %add3A_907 : vector<16xi32>
            %add3A_909 = arith.addi %add3A_908, %iota3A : vector<16xi32>
            tpu.vector_store_idx %arg13[%broadcast_in_dim3A_902, %add3A_905], %add3A_909 : memref<2x64xi32, #tpu.memory_space<vmem>>[vector<16xi32>, vector<16xi32>], vector<16xi32>,
            %broadcast_in_dim3A_910 = vector.broadcast %and3A_879 : i32 to vector<16xi32>
            %add3A_911 = arith.constant 48 : i32
            %add3A_912 = vector.broadcast %add3A_911 : i32 to vector<16xi32>
            %add3A_913 = arith.addi %add3A_912, %iota3A : vector<16xi32>
            %add3A_914 = arith.constant 48 : i32
            %add3A_915 = vector.broadcast %add3A_914 : i32 to vector<16xi32>
            %add3A_916 = arith.addi %broadcast_in_dim3A_885, %add3A_915 : vector<16xi32>
            %add3A_917 = arith.addi %add3A_916, %iota3A : vector<16xi32>
            tpu.vector_store_idx %arg13[%broadcast_in_dim3A_910, %add3A_913], %add3A_917 : memref<2x64xi32, #tpu.memory_space<vmem>>[vector<16xi32>, vector<16xi32>], vector<16xi32>,
            %mul3A_918 = arith.constant 64 : i32
            %mul3A_919 = arith.muli %and3A_879, %mul3A_918 : i32
            %dma_start3A_920 = arith.constant 0 : i32
            %dma_start3A_921 = tpu.memref_slice %arg11[%mul3A_919, %dma_start3A_920] : memref<128x128xf32, #tpu.memory_space<vmem>> -> memref<64x128xf32, #tpu.memory_space<vmem>>
            %dma_start3A_922 = arith.constant 0 : i32
            %dma_start3A_923 = tpu.memref_slice %arg4[%multiple_of3A_884, %dma_start3A_922] : memref<34816x128xf32, #tpu.memory_space<hbm>> -> memref<64x128xf32, #tpu.memory_space<hbm>>
            %dma_start3A_924 = arith.constant 0 : i32
            %dma_start3A_925 = tpu.memref_slice %arg4[%multiple_of3A_884, %dma_start3A_924] : memref<34816x128xf32, #tpu.memory_space<hbm>> -> memref<64x128xf32, #tpu.memory_space<hbm>>
            %dma_start3A_926 = arith.constant 0 : i32
            %dma_start3A_927 = tpu.memref_slice %arg11[%mul3A_919, %dma_start3A_926] : memref<128x128xf32, #tpu.memory_space<vmem>> -> memref<64x128xf32, #tpu.memory_space<vmem>>
            tpu.enqueue_dma source(%dma_start3A_927 : memref<64x128xf32, #tpu.memory_space<vmem>>) target(%dma_start3A_925 : memref<64x128xf32, #tpu.memory_space<hbm>>) target_semaphore(%arg16 : memref<!tpu.dma_semaphore, #tpu.memory_space<semaphore_mem>>)
            %dma_start3A_928 = arith.constant 0 : i32
            %dma_start3A_929 = tpu.memref_slice %arg13[%and3A_879, %dma_start3A_928] : memref<2x64xi32, #tpu.memory_space<vmem>> -> memref<1x64xi32, #tpu.memory_space<vmem>>
            %dma_start3A_930 = tpu.memref_squeeze %dma_start3A_929 : memref<1x64xi32, #tpu.memory_space<vmem>> -> memref<64xi32, #tpu.memory_space<vmem>>
            %dma_start3A_931 = arith.constant 0 : i32
            %dma_start3A_932 = tpu.memref_slice %arg12[%and3A_879, %dma_start3A_931] : memref<2x64xi32, #tpu.memory_space<vmem>> -> memref<1x64xi32, #tpu.memory_space<vmem>>
            %dma_start3A_933 = tpu.memref_squeeze %dma_start3A_932 : memref<1x64xi32, #tpu.memory_space<vmem>> -> memref<64xi32, #tpu.memory_space<vmem>>
            %dma_start3A_934 = arith.constant 0 : i32
            %dma_start3A_935 = tpu.memref_slice %arg5[%dma_start3A_934] : memref<16416xi32, #tpu.memory_space<hbm>> -> memref<16416xi32, #tpu.memory_space<hbm>>
            tpu.enqueue_indirect_dma source(%dma_start3A_930 : memref<64xi32, #tpu.memory_space<vmem>>) target(%dma_start3A_935 : memref<16416xi32, #tpu.memory_space<hbm>>) offsets(%dma_start3A_933 : memref<64xi32, #tpu.memory_space<vmem>>) semaphore(%arg16 : memref<!tpu.dma_semaphore, #tpu.memory_space<semaphore_mem>>)
            %add3A_936 = arith.constant 64 : i32
            %add3A_937 = arith.addi %get3A_875, %add3A_936 : i32
            %swap3A_938 = arith.constant 2 : i32
            %swap3A_939 = arith.index_cast %swap3A_938 : i32 to index
            %swap3A_940 = memref.load %arg14[%swap3A_939] : memref<64xi32, #tpu.memory_space<smem>>
            memref.store %add3A_937, %arg14[%swap3A_939] : memref<64xi32, #tpu.memory_space<smem>>
            %get3A_941 = arith.constant 3 : i32
            %get3A_942 = arith.index_cast %get3A_941 : i32 to index
            %get3A_943 = memref.load %arg14[%get3A_942] : memref<64xi32, #tpu.memory_space<smem>>
            %add3A_944 = arith.constant 1 : i32
            %add3A_945 = arith.addi %get3A_943, %add3A_944 : i32
            %swap3A_946 = arith.constant 3 : i32
            %swap3A_947 = arith.index_cast %swap3A_946 : i32 to index
            %swap3A_948 = memref.load %arg14[%swap3A_947] : memref<64xi32, #tpu.memory_space<smem>>
            memref.store %add3A_945, %arg14[%swap3A_947] : memref<64xi32, #tpu.memory_space<smem>>
            %get3A_949 = arith.constant 3 : i32
            %get3A_950 = arith.index_cast %get3A_949 : i32 to index
            %get3A_951 = memref.load %arg14[%get3A_950] : memref<64xi32, #tpu.memory_space<smem>>
            %get3A_952 = arith.constant 4 : i32
            %get3A_953 = arith.index_cast %get3A_952 : i32 to index
            %get3A_954 = memref.load %arg14[%get3A_953] : memref<64xi32, #tpu.memory_space<smem>>
            %sub3A_955 = arith.subi %get3A_951, %get3A_954 : i32
            %ge3A_956 = arith.constant 2 : i32
            %ge3A_957 = arith.cmpi sge, %sub3A_955, %ge3A_956 : i32
            %convert_element_type3A_958 = arith.extui %ge3A_957 : i1 to i32
            %cond3A_959 = arith.constant 0 : i32
            %cond3A_960 = arith.cmpi ne, %convert_element_type3A_958, %cond3A_959 : i32
            scf.if %cond3A_960 {
              %dma_wait3A_961 = arith.constant 0 : i32
              %dma_wait3A_962 = arith.constant 0 : i32
              %dma_wait3A_963 = tpu.memref_slice %arg11[%dma_wait3A_961, %dma_wait3A_962] : memref<128x128xf32, #tpu.memory_space<vmem>> -> memref<64x128xf32, #tpu.memory_space<vmem>>
              %dma_wait3A_964 = arith.constant 0 : i32
              %dma_wait3A_965 = arith.constant 0 : i32
              %dma_wait3A_966 = tpu.memref_slice %arg4[%dma_wait3A_964, %dma_wait3A_965] : memref<34816x128xf32, #tpu.memory_space<hbm>> -> memref<64x128xf32, #tpu.memory_space<hbm>>
              %dma_wait3A_967 = arith.constant 0 : i32
              %dma_wait3A_968 = arith.constant 0 : i32
              %dma_wait3A_969 = tpu.memref_slice %arg11[%dma_wait3A_967, %dma_wait3A_968] : memref<128x128xf32, #tpu.memory_space<vmem>> -> memref<64x128xf32, #tpu.memory_space<vmem>>
              %dma_wait3A_970 = arith.constant 0 : i32
              %dma_wait3A_971 = arith.constant 0 : i32
              %dma_wait3A_972 = tpu.memref_slice %arg4[%dma_wait3A_970, %dma_wait3A_971] : memref<34816x128xf32, #tpu.memory_space<hbm>> -> memref<64x128xf32, #tpu.memory_space<hbm>>
              tpu.wait_dma2 semaphore(%arg16 : memref<!tpu.dma_semaphore, #tpu.memory_space<semaphore_mem>>) src(%dma_wait3A_972 : memref<64x128xf32, #tpu.memory_space<hbm>>) dst(%dma_wait3A_969 : memref<64x128xf32, #tpu.memory_space<vmem>>)
              %dma_wait3A_973 = arith.constant 0 : i32
              %dma_wait3A_974 = arith.constant 0 : i32
              %dma_wait3A_975 = tpu.memref_slice %arg13[%dma_wait3A_973, %dma_wait3A_974] : memref<2x64xi32, #tpu.memory_space<vmem>> -> memref<1x64xi32, #tpu.memory_space<vmem>>
              %dma_wait3A_976 = tpu.memref_squeeze %dma_wait3A_975 : memref<1x64xi32, #tpu.memory_space<vmem>> -> memref<64xi32, #tpu.memory_space<vmem>>
              %dma_wait3A_977 = arith.constant 0 : i32
              %dma_wait3A_978 = tpu.memref_slice %arg3[%dma_wait3A_977] : memref<16384xi32, #tpu.memory_space<hbm>> -> memref<64xi32, #tpu.memory_space<hbm>>
              %dma_wait3A_979 = arith.constant 0 : i32
              %dma_wait3A_980 = tpu.memref_slice %arg13[%dma_wait3A_973, %dma_wait3A_979] : memref<2x64xi32, #tpu.memory_space<vmem>> -> memref<1x64xi32, #tpu.memory_space<vmem>>
              %dma_wait3A_981 = tpu.memref_squeeze %dma_wait3A_980 : memref<1x64xi32, #tpu.memory_space<vmem>> -> memref<64xi32, #tpu.memory_space<vmem>>
              %dma_wait3A_982 = arith.constant 0 : i32
              %dma_wait3A_983 = tpu.memref_slice %arg3[%dma_wait3A_982] : memref<16384xi32, #tpu.memory_space<hbm>> -> memref<64xi32, #tpu.memory_space<hbm>>
              tpu.wait_dma2 semaphore(%arg16 : memref<!tpu.dma_semaphore, #tpu.memory_space<semaphore_mem>>) src(%dma_wait3A_983 : memref<64xi32, #tpu.memory_space<hbm>>) dst(%dma_wait3A_981 : memref<64xi32, #tpu.memory_space<vmem>>)
              %get3A_984 = arith.constant 4 : i32
              %get3A_985 = arith.index_cast %get3A_984 : i32 to index
              %get3A_986 = memref.load %arg14[%get3A_985] : memref<64xi32, #tpu.memory_space<smem>>
              %add3A_987 = arith.constant 1 : i32
              %add3A_988 = arith.addi %get3A_986, %add3A_987 : i32
              %swap3A_989 = arith.constant 4 : i32
              %swap3A_990 = arith.index_cast %swap3A_989 : i32 to index
              %swap3A_991 = memref.load %arg14[%swap3A_990] : memref<64xi32, #tpu.memory_space<smem>>
              memref.store %add3A_988, %arg14[%swap3A_990] : memref<64xi32, #tpu.memory_space<smem>>
            } else {
            }
          } else {
          }
          %not3A = arith.constant dense<true> : vector<16xi1>
          %not3A_871 = arith.xori %eq3A, %not3A : vector<16xi1>
          %and3A_872 = arith.andi %while3A_730, %not3A_871 : vector<16xi1>
          scf.yield %and3A_872 : vector<16xi1>
        }
      }
      %while3A_704 = arith.constant 1 : i32
      scf.for %while3A_710 = %while3A_702 to %while3A_698 step %while3A_704  : i32 {
        %mul3A_711 = arith.constant 16 : i32
        %mul3A_712 = arith.muli %mul3A_711, %while3A_710 : i32
        %add3A_713 = arith.addi %get3A_690, %mul3A_712 : i32
        %get3A_714 = arith.index_cast %add3A_713 : i32 to index
        %get3A_715 = tpu.vector_load %arg6[%get3A_714] {strides = array<i32>} : memref<16640xi32, #tpu.memory_space<vmem>>, vector<16xi32>,
        %ge3A = vector.broadcast %mul3A_684 : i32 to vector<16xi32>
        %ge3A_716 = arith.cmpi sge, %get3A_715, %ge3A : vector<16xi32>
        %add3A_717 = arith.constant 128 : i32
        %add3A_718 = arith.addi %mul3A_684, %add3A_717 : i32
        %lt3A_719 = vector.broadcast %add3A_718 : i32 to vector<16xi32>
        %lt3A_720 = arith.cmpi slt, %get3A_715, %lt3A_719 : vector<16xi32>
        %and3A_721 = arith.andi %ge3A_716, %lt3A_720 : vector<16xi1>
        %sub3A_722 = vector.broadcast %mul3A_684 : i32 to vector<16xi32>
        %sub3A_723 = arith.subi %get3A_715, %sub3A_722 : vector<16xi32>
        %mul3A_724 = arith.constant 16 : i32
        %mul3A_725 = arith.muli %mul3A_724, %while3A_710 : i32
        %add3A_726 = arith.addi %get3A_690, %mul3A_725 : i32
        %get3A_727 = arith.index_cast %add3A_726 : i32 to index
        %get3A_728 = tpu.vector_load %arg9[%get3A_727] {strides = array<i32>} : memref<16640xi32, #tpu.memory_space<vmem>>, vector<16xi32>,
        %while3A_729 = scf.while (%while3A_730 = %and3A_721) : (vector<16xi1>) -> vector<16xi1> {
          %convert_element_type3A_731 = arith.extui %while3A_730 : vector<16xi1> to vector<16xi32>
          %reduce_max3A = arith.constant true
          %reduce_max3A_732 = vector.broadcast %reduce_max3A : i1 to vector<16xi1>
          %reduce_max3A_733 = arith.constant -2147483648 : i32
          %reduce_max3A_734 = vector.broadcast %reduce_max3A_733 : i32 to vector<16xi32>
          %reduce_max3A_735 = arith.xori %convert_element_type3A_731, %reduce_max3A_734 : vector<16xi32>
          %reduce_max3A_736 = tpu.scan <max>, %reduce_max3A_735 masked %reduce_max3A_732 : vector<16xi32>, vector<16xi1> -> vector<16xi32>
          %reduce_max3A_737 = arith.xori %reduce_max3A_736, %reduce_max3A_734 : vector<16xi32>
          %reduce_max3A_738 = vector.extract %reduce_max3A_737[15] : i32 from vector<16xi32>
          %gt3A_739 = arith.constant 0 : i32
          %gt3A_740 = arith.cmpi sgt, %reduce_max3A_738, %gt3A_739 : i32
          scf.condition(%gt3A_740) %while3A_730 : vector<16xi1>
        } do {
        ^bb0(%while3A_730: vector<16xi1>):
          %all_reduce_ffs3A = tpu.all_reduce %while3A_730 {dim = 0 : i64, kind = #tpu.reduction_kind<find_first_set>} : vector<16xi1> -> vector<16xi32>
          %eq3A = arith.cmpi eq, %iota3A, %all_reduce_ffs3A : vector<16xi32>
          %broadcast_in_dim3A_731 = arith.constant 0 : i32
          %broadcast_in_dim3A_732 = vector.broadcast %broadcast_in_dim3A_731 : i32 to vector<16xi32>
          %select_n3A = arith.select %eq3A, %sub3A_723, %broadcast_in_dim3A_732 : vector<16xi1>, vector<16xi32>
          %reduce_max3A = arith.constant true
          %reduce_max3A_733 = vector.broadcast %reduce_max3A : i1 to vector<16xi1>
          %reduce_max3A_734 = arith.constant -2147483648 : i32
          %reduce_max3A_735 = vector.broadcast %reduce_max3A_734 : i32 to vector<16xi32>
          %reduce_max3A_736 = arith.xori %select_n3A, %reduce_max3A_735 : vector<16xi32>
          %reduce_max3A_737 = tpu.scan <max>, %reduce_max3A_736 masked %reduce_max3A_733 : vector<16xi32>, vector<16xi1> -> vector<16xi32>
          %reduce_max3A_738 = arith.xori %reduce_max3A_737, %reduce_max3A_735 : vector<16xi32>
          %reduce_max3A_739 = vector.extract %reduce_max3A_738[15] : i32 from vector<16xi32>
          %select_n3A_740 = arith.select %eq3A, %get3A_728, %broadcast_in_dim3A_732 : vector<16xi1>, vector<16xi32>
          %reduce_max3A_741 = arith.constant true
          %reduce_max3A_742 = vector.broadcast %reduce_max3A_741 : i1 to vector<16xi1>
          %reduce_max3A_743 = arith.constant -2147483648 : i32
          %reduce_max3A_744 = vector.broadcast %reduce_max3A_743 : i32 to vector<16xi32>
          %reduce_max3A_745 = arith.xori %select_n3A_740, %reduce_max3A_744 : vector<16xi32>
          %reduce_max3A_746 = tpu.scan <max>, %reduce_max3A_745 masked %reduce_max3A_742 : vector<16xi32>, vector<16xi1> -> vector<16xi32>
          %reduce_max3A_747 = arith.xori %reduce_max3A_746, %reduce_max3A_744 : vector<16xi32>
          %reduce_max3A_748 = vector.extract %reduce_max3A_747[15] : i32 from vector<16xi32>
          %get3A_749 = arith.constant 1 : i32
          %get3A_750 = arith.index_cast %get3A_749 : i32 to index
          %get3A_751 = memref.load %arg14[%get3A_750] : memref<64xi32, #tpu.memory_space<smem>>
          %and3A_752 = arith.constant 127 : i32
          %and3A_753 = arith.andi %get3A_751, %and3A_752 : i32
          %broadcast_in_dim3A_754 = vector.broadcast %and3A_753 : i32 to vector<16xi32>
          %mul3A_755 = arith.constant 128 : i32
          %mul3A_756 = arith.muli %and3A_681, %mul3A_755 : i32
          %add3A_757 = arith.constant 0 : i32
          %add3A_758 = arith.addi %mul3A_756, %add3A_757 : i32
          %add3A_759 = vector.broadcast %add3A_758 : i32 to vector<16xi32>
          %add3A_760 = arith.addi %add3A_759, %iota3A : vector<16xi32>
          %broadcast_in_dim3A_761 = vector.broadcast %reduce_max3A_739 : i32 to vector<16xi32>
          %gather3A = tpu.vector_load_idx %arg10[%add3A_760, %broadcast_in_dim3A_761] : memref<256x128xf32, #tpu.memory_space<vmem>>[vector<16xi32>, vector<16xi32>], vector<16xf32>,
          %add3A_762 = arith.constant 0 : i32
          %add3A_763 = vector.broadcast %add3A_762 : i32 to vector<16xi32>
          %add3A_764 = arith.addi %add3A_763, %iota3A : vector<16xi32>
          tpu.vector_store_idx %arg11[%broadcast_in_dim3A_754, %add3A_764], %gather3A : memref<128x128xf32, #tpu.memory_space<vmem>>[vector<16xi32>, vector<16xi32>], vector<16xf32>,
          %mul3A_765 = arith.constant 128 : i32
          %mul3A_766 = arith.muli %and3A_681, %mul3A_765 : i32
          %add3A_767 = arith.constant 16 : i32
          %add3A_768 = arith.addi %mul3A_766, %add3A_767 : i32
          %add3A_769 = vector.broadcast %add3A_768 : i32 to vector<16xi32>
          %add3A_770 = arith.addi %add3A_769, %iota3A : vector<16xi32>
          %broadcast_in_dim3A_771 = vector.broadcast %reduce_max3A_739 : i32 to vector<16xi32>
          %gather3A_772 = tpu.vector_load_idx %arg10[%add3A_770, %broadcast_in_dim3A_771] : memref<256x128xf32, #tpu.memory_space<vmem>>[vector<16xi32>, vector<16xi32>], vector<16xf32>,
          %add3A_773 = arith.constant 16 : i32
          %add3A_774 = vector.broadcast %add3A_773 : i32 to vector<16xi32>
          %add3A_775 = arith.addi %add3A_774, %iota3A : vector<16xi32>
          tpu.vector_store_idx %arg11[%broadcast_in_dim3A_754, %add3A_775], %gather3A_772 : memref<128x128xf32, #tpu.memory_space<vmem>>[vector<16xi32>, vector<16xi32>], vector<16xf32>,
          %mul3A_776 = arith.constant 128 : i32
          %mul3A_777 = arith.muli %and3A_681, %mul3A_776 : i32
          %add3A_778 = arith.constant 32 : i32
          %add3A_779 = arith.addi %mul3A_777, %add3A_778 : i32
          %add3A_780 = vector.broadcast %add3A_779 : i32 to vector<16xi32>
          %add3A_781 = arith.addi %add3A_780, %iota3A : vector<16xi32>
          %broadcast_in_dim3A_782 = vector.broadcast %reduce_max3A_739 : i32 to vector<16xi32>
          %gather3A_783 = tpu.vector_load_idx %arg10[%add3A_781, %broadcast_in_dim3A_782] : memref<256x128xf32, #tpu.memory_space<vmem>>[vector<16xi32>, vector<16xi32>], vector<16xf32>,
          %add3A_784 = arith.constant 32 : i32
          %add3A_785 = vector.broadcast %add3A_784 : i32 to vector<16xi32>
          %add3A_786 = arith.addi %add3A_785, %iota3A : vector<16xi32>
          tpu.vector_store_idx %arg11[%broadcast_in_dim3A_754, %add3A_786], %gather3A_783 : memref<128x128xf32, #tpu.memory_space<vmem>>[vector<16xi32>, vector<16xi32>], vector<16xf32>,
          %mul3A_787 = arith.constant 128 : i32
          %mul3A_788 = arith.muli %and3A_681, %mul3A_787 : i32
          %add3A_789 = arith.constant 48 : i32
          %add3A_790 = arith.addi %mul3A_788, %add3A_789 : i32
          %add3A_791 = vector.broadcast %add3A_790 : i32 to vector<16xi32>
          %add3A_792 = arith.addi %add3A_791, %iota3A : vector<16xi32>
          %broadcast_in_dim3A_793 = vector.broadcast %reduce_max3A_739 : i32 to vector<16xi32>
          %gather3A_794 = tpu.vector_load_idx %arg10[%add3A_792, %broadcast_in_dim3A_793] : memref<256x128xf32, #tpu.memory_space<vmem>>[vector<16xi32>, vector<16xi32>], vector<16xf32>,
          %add3A_795 = arith.constant 48 : i32
          %add3A_796 = vector.broadcast %add3A_795 : i32 to vector<16xi32>
          %add3A_797 = arith.addi %add3A_796, %iota3A : vector<16xi32>
          tpu.vector_store_idx %arg11[%broadcast_in_dim3A_754, %add3A_797], %gather3A_794 : memref<128x128xf32, #tpu.memory_space<vmem>>[vector<16xi32>, vector<16xi32>], vector<16xf32>,
          %mul3A_798 = arith.constant 128 : i32
          %mul3A_799 = arith.muli %and3A_681, %mul3A_798 : i32
          %add3A_800 = arith.constant 64 : i32
          %add3A_801 = arith.addi %mul3A_799, %add3A_800 : i32
          %add3A_802 = vector.broadcast %add3A_801 : i32 to vector<16xi32>
          %add3A_803 = arith.addi %add3A_802, %iota3A : vector<16xi32>
          %broadcast_in_dim3A_804 = vector.broadcast %reduce_max3A_739 : i32 to vector<16xi32>
          %gather3A_805 = tpu.vector_load_idx %arg10[%add3A_803, %broadcast_in_dim3A_804] : memref<256x128xf32, #tpu.memory_space<vmem>>[vector<16xi32>, vector<16xi32>], vector<16xf32>,
          %add3A_806 = arith.constant 64 : i32
          %add3A_807 = vector.broadcast %add3A_806 : i32 to vector<16xi32>
          %add3A_808 = arith.addi %add3A_807, %iota3A : vector<16xi32>
          tpu.vector_store_idx %arg11[%broadcast_in_dim3A_754, %add3A_808], %gather3A_805 : memref<128x128xf32, #tpu.memory_space<vmem>>[vector<16xi32>, vector<16xi32>], vector<16xf32>,
          %mul3A_809 = arith.constant 128 : i32
          %mul3A_810 = arith.muli %and3A_681, %mul3A_809 : i32
          %add3A_811 = arith.constant 80 : i32
          %add3A_812 = arith.addi %mul3A_810, %add3A_811 : i32
          %add3A_813 = vector.broadcast %add3A_812 : i32 to vector<16xi32>
          %add3A_814 = arith.addi %add3A_813, %iota3A : vector<16xi32>
          %broadcast_in_dim3A_815 = vector.broadcast %reduce_max3A_739 : i32 to vector<16xi32>
          %gather3A_816 = tpu.vector_load_idx %arg10[%add3A_814, %broadcast_in_dim3A_815] : memref<256x128xf32, #tpu.memory_space<vmem>>[vector<16xi32>, vector<16xi32>], vector<16xf32>,
          %add3A_817 = arith.constant 80 : i32
          %add3A_818 = vector.broadcast %add3A_817 : i32 to vector<16xi32>
          %add3A_819 = arith.addi %add3A_818, %iota3A : vector<16xi32>
          tpu.vector_store_idx %arg11[%broadcast_in_dim3A_754, %add3A_819], %gather3A_816 : memref<128x128xf32, #tpu.memory_space<vmem>>[vector<16xi32>, vector<16xi32>], vector<16xf32>,
          %mul3A_820 = arith.constant 128 : i32
          %mul3A_821 = arith.muli %and3A_681, %mul3A_820 : i32
          %add3A_822 = arith.constant 96 : i32
          %add3A_823 = arith.addi %mul3A_821, %add3A_822 : i32
          %add3A_824 = vector.broadcast %add3A_823 : i32 to vector<16xi32>
          %add3A_825 = arith.addi %add3A_824, %iota3A : vector<16xi32>
          %broadcast_in_dim3A_826 = vector.broadcast %reduce_max3A_739 : i32 to vector<16xi32>
          %gather3A_827 = tpu.vector_load_idx %arg10[%add3A_825, %broadcast_in_dim3A_826] : memref<256x128xf32, #tpu.memory_space<vmem>>[vector<16xi32>, vector<16xi32>], vector<16xf32>,
          %add3A_828 = arith.constant 96 : i32
          %add3A_829 = vector.broadcast %add3A_828 : i32 to vector<16xi32>
          %add3A_830 = arith.addi %add3A_829, %iota3A : vector<16xi32>
          tpu.vector_store_idx %arg11[%broadcast_in_dim3A_754, %add3A_830], %gather3A_827 : memref<128x128xf32, #tpu.memory_space<vmem>>[vector<16xi32>, vector<16xi32>], vector<16xf32>,
          %mul3A_831 = arith.constant 128 : i32
          %mul3A_832 = arith.muli %and3A_681, %mul3A_831 : i32
          %add3A_833 = arith.constant 112 : i32
          %add3A_834 = arith.addi %mul3A_832, %add3A_833 : i32
          %add3A_835 = vector.broadcast %add3A_834 : i32 to vector<16xi32>
          %add3A_836 = arith.addi %add3A_835, %iota3A : vector<16xi32>
          %broadcast_in_dim3A_837 = vector.broadcast %reduce_max3A_739 : i32 to vector<16xi32>
          %gather3A_838 = tpu.vector_load_idx %arg10[%add3A_836, %broadcast_in_dim3A_837] : memref<256x128xf32, #tpu.memory_space<vmem>>[vector<16xi32>, vector<16xi32>], vector<16xf32>,
          %add3A_839 = arith.constant 112 : i32
          %add3A_840 = vector.broadcast %add3A_839 : i32 to vector<16xi32>
          %add3A_841 = arith.addi %add3A_840, %iota3A : vector<16xi32>
          tpu.vector_store_idx %arg11[%broadcast_in_dim3A_754, %add3A_841], %gather3A_838 : memref<128x128xf32, #tpu.memory_space<vmem>>[vector<16xi32>, vector<16xi32>], vector<16xf32>,
          %shift_right_logical3A_842 = arith.constant 6 : i32
          %shift_right_logical3A_843 = arith.shrui %get3A_751, %shift_right_logical3A_842 : i32
          %and3A_844 = arith.constant 1 : i32
          %and3A_845 = arith.andi %shift_right_logical3A_843, %and3A_844 : i32
          %and3A_846 = arith.constant 63 : i32
          %and3A_847 = arith.andi %get3A_751, %and3A_846 : i32
          %broadcast_in_dim3A_848 = vector.broadcast %and3A_845 : i32 to vector<16xi32>
          %broadcast_in_dim3A_849 = vector.broadcast %and3A_847 : i32 to vector<16xi32>
          %broadcast_in_dim3A_850 = vector.broadcast %reduce_max3A_748 : i32 to vector<16xi32>
          %eq3A_851 = arith.constant 0 : i32
          %eq3A_852 = vector.broadcast %eq3A_851 : i32 to vector<16xi32>
          %eq3A_853 = arith.cmpi eq, %iota3A, %eq3A_852 : vector<16xi32>
          tpu.vector_store_idx %arg12[%broadcast_in_dim3A_848, %broadcast_in_dim3A_849], %broadcast_in_dim3A_850 masked %eq3A_853 : memref<2x64xi32, #tpu.memory_space<vmem>>[vector<16xi32>, vector<16xi32>], vector<16xi32>, vector<16xi1>
          %add3A_854 = arith.constant 1 : i32
          %add3A_855 = arith.addi %get3A_751, %add3A_854 : i32
          %swap3A_856 = arith.constant 1 : i32
          %swap3A_857 = arith.index_cast %swap3A_856 : i32 to index
          %swap3A_858 = memref.load %arg14[%swap3A_857] : memref<64xi32, #tpu.memory_space<smem>>
          memref.store %add3A_855, %arg14[%swap3A_857] : memref<64xi32, #tpu.memory_space<smem>>
          %get3A_859 = arith.constant 1 : i32
          %get3A_860 = arith.index_cast %get3A_859 : i32 to index
          %get3A_861 = memref.load %arg14[%get3A_860] : memref<64xi32, #tpu.memory_space<smem>>
          %get3A_862 = arith.constant 2 : i32
          %get3A_863 = arith.index_cast %get3A_862 : i32 to index
          %get3A_864 = memref.load %arg14[%get3A_863] : memref<64xi32, #tpu.memory_space<smem>>
          %sub3A_865 = arith.subi %get3A_861, %get3A_864 : i32
          %ge3A_866 = arith.constant 64 : i32
          %ge3A_867 = arith.cmpi sge, %sub3A_865, %ge3A_866 : i32
          %convert_element_type3A_868 = arith.extui %ge3A_867 : i1 to i32
          %cond3A_869 = arith.constant 0 : i32
          %cond3A_870 = arith.cmpi ne, %convert_element_type3A_868, %cond3A_869 : i32
          scf.if %cond3A_870 {
            %get3A_873 = arith.constant 2 : i32
            %get3A_874 = arith.index_cast %get3A_873 : i32 to index
            %get3A_875 = memref.load %arg14[%get3A_874] : memref<64xi32, #tpu.memory_space<smem>>
            %shift_right_logical3A_876 = arith.constant 6 : i32
            %shift_right_logical3A_877 = arith.shrui %get3A_875, %shift_right_logical3A_876 : i32
            %and3A_878 = arith.constant 1 : i32
            %and3A_879 = arith.andi %shift_right_logical3A_877, %and3A_878 : i32
            %get3A_880 = arith.constant 5 : i32
            %get3A_881 = arith.index_cast %get3A_880 : i32 to index
            %get3A_882 = memref.load %arg14[%get3A_881] : memref<64xi32, #tpu.memory_space<smem>>
            %add3A_883 = arith.addi %get3A_882, %get3A_875 : i32
            %multiple_of3A_884 = tpu.assume_multiple %add3A_883, 64 : i32
            %broadcast_in_dim3A_885 = vector.broadcast %multiple_of3A_884 : i32 to vector<16xi32>
            %broadcast_in_dim3A_886 = vector.broadcast %and3A_879 : i32 to vector<16xi32>
            %add3A_887 = arith.constant 0 : i32
            %add3A_888 = vector.broadcast %add3A_887 : i32 to vector<16xi32>
            %add3A_889 = arith.addi %add3A_888, %iota3A : vector<16xi32>
            %add3A_890 = arith.constant 0 : i32
            %add3A_891 = vector.broadcast %add3A_890 : i32 to vector<16xi32>
            %add3A_892 = arith.addi %broadcast_in_dim3A_885, %add3A_891 : vector<16xi32>
            %add3A_893 = arith.addi %add3A_892, %iota3A : vector<16xi32>
            tpu.vector_store_idx %arg13[%broadcast_in_dim3A_886, %add3A_889], %add3A_893 : memref<2x64xi32, #tpu.memory_space<vmem>>[vector<16xi32>, vector<16xi32>], vector<16xi32>,
            %broadcast_in_dim3A_894 = vector.broadcast %and3A_879 : i32 to vector<16xi32>
            %add3A_895 = arith.constant 16 : i32
            %add3A_896 = vector.broadcast %add3A_895 : i32 to vector<16xi32>
            %add3A_897 = arith.addi %add3A_896, %iota3A : vector<16xi32>
            %add3A_898 = arith.constant 16 : i32
            %add3A_899 = vector.broadcast %add3A_898 : i32 to vector<16xi32>
            %add3A_900 = arith.addi %broadcast_in_dim3A_885, %add3A_899 : vector<16xi32>
            %add3A_901 = arith.addi %add3A_900, %iota3A : vector<16xi32>
            tpu.vector_store_idx %arg13[%broadcast_in_dim3A_894, %add3A_897], %add3A_901 : memref<2x64xi32, #tpu.memory_space<vmem>>[vector<16xi32>, vector<16xi32>], vector<16xi32>,
            %broadcast_in_dim3A_902 = vector.broadcast %and3A_879 : i32 to vector<16xi32>
            %add3A_903 = arith.constant 32 : i32
            %add3A_904 = vector.broadcast %add3A_903 : i32 to vector<16xi32>
            %add3A_905 = arith.addi %add3A_904, %iota3A : vector<16xi32>
            %add3A_906 = arith.constant 32 : i32
            %add3A_907 = vector.broadcast %add3A_906 : i32 to vector<16xi32>
            %add3A_908 = arith.addi %broadcast_in_dim3A_885, %add3A_907 : vector<16xi32>
            %add3A_909 = arith.addi %add3A_908, %iota3A : vector<16xi32>
            tpu.vector_store_idx %arg13[%broadcast_in_dim3A_902, %add3A_905], %add3A_909 : memref<2x64xi32, #tpu.memory_space<vmem>>[vector<16xi32>, vector<16xi32>], vector<16xi32>,
            %broadcast_in_dim3A_910 = vector.broadcast %and3A_879 : i32 to vector<16xi32>
            %add3A_911 = arith.constant 48 : i32
            %add3A_912 = vector.broadcast %add3A_911 : i32 to vector<16xi32>
            %add3A_913 = arith.addi %add3A_912, %iota3A : vector<16xi32>
            %add3A_914 = arith.constant 48 : i32
            %add3A_915 = vector.broadcast %add3A_914 : i32 to vector<16xi32>
            %add3A_916 = arith.addi %broadcast_in_dim3A_885, %add3A_915 : vector<16xi32>
            %add3A_917 = arith.addi %add3A_916, %iota3A : vector<16xi32>
            tpu.vector_store_idx %arg13[%broadcast_in_dim3A_910, %add3A_913], %add3A_917 : memref<2x64xi32, #tpu.memory_space<vmem>>[vector<16xi32>, vector<16xi32>], vector<16xi32>,
            %mul3A_918 = arith.constant 64 : i32
            %mul3A_919 = arith.muli %and3A_879, %mul3A_918 : i32
            %dma_start3A_920 = arith.constant 0 : i32
            %dma_start3A_921 = tpu.memref_slice %arg11[%mul3A_919, %dma_start3A_920] : memref<128x128xf32, #tpu.memory_space<vmem>> -> memref<64x128xf32, #tpu.memory_space<vmem>>
            %dma_start3A_922 = arith.constant 0 : i32
            %dma_start3A_923 = tpu.memref_slice %arg4[%multiple_of3A_884, %dma_start3A_922] : memref<34816x128xf32, #tpu.memory_space<hbm>> -> memref<64x128xf32, #tpu.memory_space<hbm>>
            %dma_start3A_924 = arith.constant 0 : i32
            %dma_start3A_925 = tpu.memref_slice %arg4[%multiple_of3A_884, %dma_start3A_924] : memref<34816x128xf32, #tpu.memory_space<hbm>> -> memref<64x128xf32, #tpu.memory_space<hbm>>
            %dma_start3A_926 = arith.constant 0 : i32
            %dma_start3A_927 = tpu.memref_slice %arg11[%mul3A_919, %dma_start3A_926] : memref<128x128xf32, #tpu.memory_space<vmem>> -> memref<64x128xf32, #tpu.memory_space<vmem>>
            tpu.enqueue_dma source(%dma_start3A_927 : memref<64x128xf32, #tpu.memory_space<vmem>>) target(%dma_start3A_925 : memref<64x128xf32, #tpu.memory_space<hbm>>) target_semaphore(%arg16 : memref<!tpu.dma_semaphore, #tpu.memory_space<semaphore_mem>>)
            %dma_start3A_928 = arith.constant 0 : i32
            %dma_start3A_929 = tpu.memref_slice %arg13[%and3A_879, %dma_start3A_928] : memref<2x64xi32, #tpu.memory_space<vmem>> -> memref<1x64xi32, #tpu.memory_space<vmem>>
            %dma_start3A_930 = tpu.memref_squeeze %dma_start3A_929 : memref<1x64xi32, #tpu.memory_space<vmem>> -> memref<64xi32, #tpu.memory_space<vmem>>
            %dma_start3A_931 = arith.constant 0 : i32
            %dma_start3A_932 = tpu.memref_slice %arg12[%and3A_879, %dma_start3A_931] : memref<2x64xi32, #tpu.memory_space<vmem>> -> memref<1x64xi32, #tpu.memory_space<vmem>>
            %dma_start3A_933 = tpu.memref_squeeze %dma_start3A_932 : memref<1x64xi32, #tpu.memory_space<vmem>> -> memref<64xi32, #tpu.memory_space<vmem>>
            %dma_start3A_934 = arith.constant 0 : i32
            %dma_start3A_935 = tpu.memref_slice %arg5[%dma_start3A_934] : memref<16416xi32, #tpu.memory_space<hbm>> -> memref<16416xi32, #tpu.memory_space<hbm>>
            tpu.enqueue_indirect_dma source(%dma_start3A_930 : memref<64xi32, #tpu.memory_space<vmem>>) target(%dma_start3A_935 : memref<16416xi32, #tpu.memory_space<hbm>>) offsets(%dma_start3A_933 : memref<64xi32, #tpu.memory_space<vmem>>) semaphore(%arg16 : memref<!tpu.dma_semaphore, #tpu.memory_space<semaphore_mem>>)
            %add3A_936 = arith.constant 64 : i32
            %add3A_937 = arith.addi %get3A_875, %add3A_936 : i32
            %swap3A_938 = arith.constant 2 : i32
            %swap3A_939 = arith.index_cast %swap3A_938 : i32 to index
            %swap3A_940 = memref.load %arg14[%swap3A_939] : memref<64xi32, #tpu.memory_space<smem>>
            memref.store %add3A_937, %arg14[%swap3A_939] : memref<64xi32, #tpu.memory_space<smem>>
            %get3A_941 = arith.constant 3 : i32
            %get3A_942 = arith.index_cast %get3A_941 : i32 to index
            %get3A_943 = memref.load %arg14[%get3A_942] : memref<64xi32, #tpu.memory_space<smem>>
            %add3A_944 = arith.constant 1 : i32
            %add3A_945 = arith.addi %get3A_943, %add3A_944 : i32
            %swap3A_946 = arith.constant 3 : i32
            %swap3A_947 = arith.index_cast %swap3A_946 : i32 to index
            %swap3A_948 = memref.load %arg14[%swap3A_947] : memref<64xi32, #tpu.memory_space<smem>>
            memref.store %add3A_945, %arg14[%swap3A_947] : memref<64xi32, #tpu.memory_space<smem>>
            %get3A_949 = arith.constant 3 : i32
            %get3A_950 = arith.index_cast %get3A_949 : i32 to index
            %get3A_951 = memref.load %arg14[%get3A_950] : memref<64xi32, #tpu.memory_space<smem>>
            %get3A_952 = arith.constant 4 : i32
            %get3A_953 = arith.index_cast %get3A_952 : i32 to index
            %get3A_954 = memref.load %arg14[%get3A_953] : memref<64xi32, #tpu.memory_space<smem>>
            %sub3A_955 = arith.subi %get3A_951, %get3A_954 : i32
            %ge3A_956 = arith.constant 2 : i32
            %ge3A_957 = arith.cmpi sge, %sub3A_955, %ge3A_956 : i32
            %convert_element_type3A_958 = arith.extui %ge3A_957 : i1 to i32
            %cond3A_959 = arith.constant 0 : i32
            %cond3A_960 = arith.cmpi ne, %convert_element_type3A_958, %cond3A_959 : i32
            scf.if %cond3A_960 {
              %dma_wait3A_961 = arith.constant 0 : i32
              %dma_wait3A_962 = arith.constant 0 : i32
              %dma_wait3A_963 = tpu.memref_slice %arg11[%dma_wait3A_961, %dma_wait3A_962] : memref<128x128xf32, #tpu.memory_space<vmem>> -> memref<64x128xf32, #tpu.memory_space<vmem>>
              %dma_wait3A_964 = arith.constant 0 : i32
              %dma_wait3A_965 = arith.constant 0 : i32
              %dma_wait3A_966 = tpu.memref_slice %arg4[%dma_wait3A_964, %dma_wait3A_965] : memref<34816x128xf32, #tpu.memory_space<hbm>> -> memref<64x128xf32, #tpu.memory_space<hbm>>
              %dma_wait3A_967 = arith.constant 0 : i32
              %dma_wait3A_968 = arith.constant 0 : i32
              %dma_wait3A_969 = tpu.memref_slice %arg11[%dma_wait3A_967, %dma_wait3A_968] : memref<128x128xf32, #tpu.memory_space<vmem>> -> memref<64x128xf32, #tpu.memory_space<vmem>>
              %dma_wait3A_970 = arith.constant 0 : i32
              %dma_wait3A_971 = arith.constant 0 : i32
              %dma_wait3A_972 = tpu.memref_slice %arg4[%dma_wait3A_970, %dma_wait3A_971] : memref<34816x128xf32, #tpu.memory_space<hbm>> -> memref<64x128xf32, #tpu.memory_space<hbm>>
              tpu.wait_dma2 semaphore(%arg16 : memref<!tpu.dma_semaphore, #tpu.memory_space<semaphore_mem>>) src(%dma_wait3A_972 : memref<64x128xf32, #tpu.memory_space<hbm>>) dst(%dma_wait3A_969 : memref<64x128xf32, #tpu.memory_space<vmem>>)
              %dma_wait3A_973 = arith.constant 0 : i32
              %dma_wait3A_974 = arith.constant 0 : i32
              %dma_wait3A_975 = tpu.memref_slice %arg13[%dma_wait3A_973, %dma_wait3A_974] : memref<2x64xi32, #tpu.memory_space<vmem>> -> memref<1x64xi32, #tpu.memory_space<vmem>>
              %dma_wait3A_976 = tpu.memref_squeeze %dma_wait3A_975 : memref<1x64xi32, #tpu.memory_space<vmem>> -> memref<64xi32, #tpu.memory_space<vmem>>
              %dma_wait3A_977 = arith.constant 0 : i32
              %dma_wait3A_978 = tpu.memref_slice %arg3[%dma_wait3A_977] : memref<16384xi32, #tpu.memory_space<hbm>> -> memref<64xi32, #tpu.memory_space<hbm>>
              %dma_wait3A_979 = arith.constant 0 : i32
              %dma_wait3A_980 = tpu.memref_slice %arg13[%dma_wait3A_973, %dma_wait3A_979] : memref<2x64xi32, #tpu.memory_space<vmem>> -> memref<1x64xi32, #tpu.memory_space<vmem>>
              %dma_wait3A_981 = tpu.memref_squeeze %dma_wait3A_980 : memref<1x64xi32, #tpu.memory_space<vmem>> -> memref<64xi32, #tpu.memory_space<vmem>>
              %dma_wait3A_982 = arith.constant 0 : i32
              %dma_wait3A_983 = tpu.memref_slice %arg3[%dma_wait3A_982] : memref<16384xi32, #tpu.memory_space<hbm>> -> memref<64xi32, #tpu.memory_space<hbm>>
              tpu.wait_dma2 semaphore(%arg16 : memref<!tpu.dma_semaphore, #tpu.memory_space<semaphore_mem>>) src(%dma_wait3A_983 : memref<64xi32, #tpu.memory_space<hbm>>) dst(%dma_wait3A_981 : memref<64xi32, #tpu.memory_space<vmem>>)
              %get3A_984 = arith.constant 4 : i32
              %get3A_985 = arith.index_cast %get3A_984 : i32 to index
              %get3A_986 = memref.load %arg14[%get3A_985] : memref<64xi32, #tpu.memory_space<smem>>
              %add3A_987 = arith.constant 1 : i32
              %add3A_988 = arith.addi %get3A_986, %add3A_987 : i32
              %swap3A_989 = arith.constant 4 : i32
              %swap3A_990 = arith.index_cast %swap3A_989 : i32 to index
              %swap3A_991 = memref.load %arg14[%swap3A_990] : memref<64xi32, #tpu.memory_space<smem>>
              memref.store %add3A_988, %arg14[%swap3A_990] : memref<64xi32, #tpu.memory_space<smem>>
            } else {
            }
          } else {
          }
          %not3A = arith.constant dense<true> : vector<16xi1>
          %not3A_871 = arith.xori %eq3A, %not3A : vector<16xi1>
          %and3A_872 = arith.andi %while3A_730, %not3A_871 : vector<16xi1>
          scf.yield %and3A_872 : vector<16xi1>
        }
      }
      %add3A_705 = arith.constant 2 : i32
      %add3A_706 = arith.addi %while3A_668, %add3A_705 : i32
      %lt3A = arith.cmpi slt, %add3A_706, %min3A_4 : i32
      %convert_element_type3A_707 = arith.extui %lt3A : i1 to i32
      %cond3A_708 = arith.constant 0 : i32
      %cond3A_709 = arith.cmpi ne, %convert_element_type3A_707, %cond3A_708 : i32
      scf.if %cond3A_709 {
        %add3A_710 = arith.constant 2 : i32
        %add3A_711 = arith.addi %while3A_668, %add3A_710 : i32
        %and3A_712 = arith.constant 1 : i32
        %and3A_713 = arith.andi %add3A_711, %and3A_712 : i32
        %add3A_714 = arith.addi %mul3A_2, %add3A_711 : i32
        %mul3A_715 = arith.constant 128 : i32
        %mul3A_716 = arith.muli %add3A_714, %mul3A_715 : i32
        %multiple_of3A_717 = tpu.assume_multiple %mul3A_716, 128 : i32
        %mul3A_718 = arith.constant 128 : i32
        %mul3A_719 = arith.muli %and3A_713, %mul3A_718 : i32
        %dma_start3A_720 = arith.constant 0 : i32
        %dma_start3A_721 = tpu.memref_slice %arg10[%mul3A_719, %dma_start3A_720] : memref<256x128xf32, #tpu.memory_space<vmem>> -> memref<128x128xf32, #tpu.memory_space<vmem>>
        %dma_start3A_722 = arith.constant 0 : i32
        %dma_start3A_723 = tpu.memref_slice %arg2[%dma_start3A_722, %multiple_of3A_717] : memref<128x1000000xf32, #tpu.memory_space<hbm>> -> memref<128x128xf32, #tpu.memory_space<hbm>>
        %dma_start3A_724 = arith.constant 0 : i32
        %dma_start3A_725 = tpu.memref_slice %arg10[%mul3A_719, %dma_start3A_724] : memref<256x128xf32, #tpu.memory_space<vmem>> -> memref<128x128xf32, #tpu.memory_space<vmem>>
        %dma_start3A_726 = arith.constant 0 : i32
        %dma_start3A_727 = tpu.memref_slice %arg2[%dma_start3A_726, %multiple_of3A_717] : memref<128x1000000xf32, #tpu.memory_space<hbm>> -> memref<128x128xf32, #tpu.memory_space<hbm>>
        tpu.enqueue_dma source(%dma_start3A_727 : memref<128x128xf32, #tpu.memory_space<hbm>>) target(%dma_start3A_725 : memref<128x128xf32, #tpu.memory_space<vmem>>) target_semaphore(%arg15 : memref<!tpu.dma_semaphore, #tpu.memory_space<semaphore_mem>>)
      } else {
      }
    }
    %get3A_641 = arith.constant 1 : i32
    %get3A_642 = arith.index_cast %get3A_641 : i32 to index
    %get3A_643 = memref.load %arg14[%get3A_642] : memref<64xi32, #tpu.memory_space<smem>>
    %get3A_644 = arith.constant 2 : i32
    %get3A_645 = arith.index_cast %get3A_644 : i32 to index
    %get3A_646 = memref.load %arg14[%get3A_645] : memref<64xi32, #tpu.memory_space<smem>>
    %gt3A_647 = arith.cmpi sgt, %get3A_643, %get3A_646 : i32
    %convert_element_type3A_648 = arith.extui %gt3A_647 : i1 to i32
    %cond3A_649 = arith.constant 0 : i32
    %cond3A_650 = arith.cmpi ne, %convert_element_type3A_648, %cond3A_649 : i32
    scf.if %cond3A_650 {
      %get3A_668 = arith.constant 2 : i32
      %get3A_669 = arith.index_cast %get3A_668 : i32 to index
      %get3A_670 = memref.load %arg14[%get3A_669] : memref<64xi32, #tpu.memory_space<smem>>
      %shift_right_logical3A_671 = arith.constant 6 : i32
      %shift_right_logical3A_672 = arith.shrui %get3A_670, %shift_right_logical3A_671 : i32
      %and3A_673 = arith.constant 1 : i32
      %and3A_674 = arith.andi %shift_right_logical3A_672, %and3A_673 : i32
      %get3A_675 = arith.constant 5 : i32
      %get3A_676 = arith.index_cast %get3A_675 : i32 to index
      %get3A_677 = memref.load %arg14[%get3A_676] : memref<64xi32, #tpu.memory_space<smem>>
      %add3A_678 = arith.addi %get3A_677, %get3A_670 : i32
      %multiple_of3A_679 = tpu.assume_multiple %add3A_678, 64 : i32
      %broadcast_in_dim3A_680 = vector.broadcast %multiple_of3A_679 : i32 to vector<16xi32>
      %broadcast_in_dim3A_681 = vector.broadcast %and3A_674 : i32 to vector<16xi32>
      %add3A_682 = arith.constant 0 : i32
      %add3A_683 = vector.broadcast %add3A_682 : i32 to vector<16xi32>
      %add3A_684 = arith.addi %add3A_683, %iota3A : vector<16xi32>
      %add3A_685 = arith.constant 0 : i32
      %add3A_686 = vector.broadcast %add3A_685 : i32 to vector<16xi32>
      %add3A_687 = arith.addi %broadcast_in_dim3A_680, %add3A_686 : vector<16xi32>
      %add3A_688 = arith.addi %add3A_687, %iota3A : vector<16xi32>
      tpu.vector_store_idx %arg13[%broadcast_in_dim3A_681, %add3A_684], %add3A_688 : memref<2x64xi32, #tpu.memory_space<vmem>>[vector<16xi32>, vector<16xi32>], vector<16xi32>,
      %broadcast_in_dim3A_689 = vector.broadcast %and3A_674 : i32 to vector<16xi32>
      %add3A_690 = arith.constant 16 : i32
      %add3A_691 = vector.broadcast %add3A_690 : i32 to vector<16xi32>
      %add3A_692 = arith.addi %add3A_691, %iota3A : vector<16xi32>
      %add3A_693 = arith.constant 16 : i32
      %add3A_694 = vector.broadcast %add3A_693 : i32 to vector<16xi32>
      %add3A_695 = arith.addi %broadcast_in_dim3A_680, %add3A_694 : vector<16xi32>
      %add3A_696 = arith.addi %add3A_695, %iota3A : vector<16xi32>
      tpu.vector_store_idx %arg13[%broadcast_in_dim3A_689, %add3A_692], %add3A_696 : memref<2x64xi32, #tpu.memory_space<vmem>>[vector<16xi32>, vector<16xi32>], vector<16xi32>,
      %broadcast_in_dim3A_697 = vector.broadcast %and3A_674 : i32 to vector<16xi32>
      %add3A_698 = arith.constant 32 : i32
      %add3A_699 = vector.broadcast %add3A_698 : i32 to vector<16xi32>
      %add3A_700 = arith.addi %add3A_699, %iota3A : vector<16xi32>
      %add3A_701 = arith.constant 32 : i32
      %add3A_702 = vector.broadcast %add3A_701 : i32 to vector<16xi32>
      %add3A_703 = arith.addi %broadcast_in_dim3A_680, %add3A_702 : vector<16xi32>
      %add3A_704 = arith.addi %add3A_703, %iota3A : vector<16xi32>
      tpu.vector_store_idx %arg13[%broadcast_in_dim3A_697, %add3A_700], %add3A_704 : memref<2x64xi32, #tpu.memory_space<vmem>>[vector<16xi32>, vector<16xi32>], vector<16xi32>,
      %broadcast_in_dim3A_705 = vector.broadcast %and3A_674 : i32 to vector<16xi32>
      %add3A_706 = arith.constant 48 : i32
      %add3A_707 = vector.broadcast %add3A_706 : i32 to vector<16xi32>
      %add3A_708 = arith.addi %add3A_707, %iota3A : vector<16xi32>
      %add3A_709 = arith.constant 48 : i32
      %add3A_710 = vector.broadcast %add3A_709 : i32 to vector<16xi32>
      %add3A_711 = arith.addi %broadcast_in_dim3A_680, %add3A_710 : vector<16xi32>
      %add3A_712 = arith.addi %add3A_711, %iota3A : vector<16xi32>
      tpu.vector_store_idx %arg13[%broadcast_in_dim3A_705, %add3A_708], %add3A_712 : memref<2x64xi32, #tpu.memory_space<vmem>>[vector<16xi32>, vector<16xi32>], vector<16xi32>,
      %mul3A_713 = arith.constant 64 : i32
      %mul3A_714 = arith.muli %and3A_674, %mul3A_713 : i32
      %dma_start3A_715 = arith.constant 0 : i32
      %dma_start3A_716 = tpu.memref_slice %arg11[%mul3A_714, %dma_start3A_715] : memref<128x128xf32, #tpu.memory_space<vmem>> -> memref<64x128xf32, #tpu.memory_space<vmem>>
      %dma_start3A_717 = arith.constant 0 : i32
      %dma_start3A_718 = tpu.memref_slice %arg4[%multiple_of3A_679, %dma_start3A_717] : memref<34816x128xf32, #tpu.memory_space<hbm>> -> memref<64x128xf32, #tpu.memory_space<hbm>>
      %dma_start3A_719 = arith.constant 0 : i32
      %dma_start3A_720 = tpu.memref_slice %arg4[%multiple_of3A_679, %dma_start3A_719] : memref<34816x128xf32, #tpu.memory_space<hbm>> -> memref<64x128xf32, #tpu.memory_space<hbm>>
      %dma_start3A_721 = arith.constant 0 : i32
      %dma_start3A_722 = tpu.memref_slice %arg11[%mul3A_714, %dma_start3A_721] : memref<128x128xf32, #tpu.memory_space<vmem>> -> memref<64x128xf32, #tpu.memory_space<vmem>>
      tpu.enqueue_dma source(%dma_start3A_722 : memref<64x128xf32, #tpu.memory_space<vmem>>) target(%dma_start3A_720 : memref<64x128xf32, #tpu.memory_space<hbm>>) target_semaphore(%arg16 : memref<!tpu.dma_semaphore, #tpu.memory_space<semaphore_mem>>)
      %dma_start3A_723 = arith.constant 0 : i32
      %dma_start3A_724 = tpu.memref_slice %arg13[%and3A_674, %dma_start3A_723] : memref<2x64xi32, #tpu.memory_space<vmem>> -> memref<1x64xi32, #tpu.memory_space<vmem>>
      %dma_start3A_725 = tpu.memref_squeeze %dma_start3A_724 : memref<1x64xi32, #tpu.memory_space<vmem>> -> memref<64xi32, #tpu.memory_space<vmem>>
      %dma_start3A_726 = arith.constant 0 : i32
      %dma_start3A_727 = tpu.memref_slice %arg12[%and3A_674, %dma_start3A_726] : memref<2x64xi32, #tpu.memory_space<vmem>> -> memref<1x64xi32, #tpu.memory_space<vmem>>
      %dma_start3A_728 = tpu.memref_squeeze %dma_start3A_727 : memref<1x64xi32, #tpu.memory_space<vmem>> -> memref<64xi32, #tpu.memory_space<vmem>>
      %dma_start3A_729 = arith.constant 0 : i32
      %dma_start3A_730 = tpu.memref_slice %arg5[%dma_start3A_729] : memref<16416xi32, #tpu.memory_space<hbm>> -> memref<16416xi32, #tpu.memory_space<hbm>>
      tpu.enqueue_indirect_dma source(%dma_start3A_725 : memref<64xi32, #tpu.memory_space<vmem>>) target(%dma_start3A_730 : memref<16416xi32, #tpu.memory_space<hbm>>) offsets(%dma_start3A_728 : memref<64xi32, #tpu.memory_space<vmem>>) semaphore(%arg16 : memref<!tpu.dma_semaphore, #tpu.memory_space<semaphore_mem>>)
      %add3A_731 = arith.constant 64 : i32
      %add3A_732 = arith.addi %get3A_670, %add3A_731 : i32
      %swap3A_733 = arith.constant 2 : i32
      %swap3A_734 = arith.index_cast %swap3A_733 : i32 to index
      %swap3A_735 = memref.load %arg14[%swap3A_734] : memref<64xi32, #tpu.memory_space<smem>>
      memref.store %add3A_732, %arg14[%swap3A_734] : memref<64xi32, #tpu.memory_space<smem>>
      %get3A_736 = arith.constant 3 : i32
      %get3A_737 = arith.index_cast %get3A_736 : i32 to index
      %get3A_738 = memref.load %arg14[%get3A_737] : memref<64xi32, #tpu.memory_space<smem>>
      %add3A_739 = arith.constant 1 : i32
      %add3A_740 = arith.addi %get3A_738, %add3A_739 : i32
      %swap3A_741 = arith.constant 3 : i32
      %swap3A_742 = arith.index_cast %swap3A_741 : i32 to index
      %swap3A_743 = memref.load %arg14[%swap3A_742] : memref<64xi32, #tpu.memory_space<smem>>
      memref.store %add3A_740, %arg14[%swap3A_742] : memref<64xi32, #tpu.memory_space<smem>>
      %get3A_744 = arith.constant 3 : i32
      %get3A_745 = arith.index_cast %get3A_744 : i32 to index
      %get3A_746 = memref.load %arg14[%get3A_745] : memref<64xi32, #tpu.memory_space<smem>>
      %get3A_747 = arith.constant 4 : i32
      %get3A_748 = arith.index_cast %get3A_747 : i32 to index
      %get3A_749 = memref.load %arg14[%get3A_748] : memref<64xi32, #tpu.memory_space<smem>>
      %sub3A_750 = arith.subi %get3A_746, %get3A_749 : i32
      %ge3A = arith.constant 2 : i32
      %ge3A_751 = arith.cmpi sge, %sub3A_750, %ge3A : i32
      %convert_element_type3A_752 = arith.extui %ge3A_751 : i1 to i32
      %cond3A_753 = arith.constant 0 : i32
      %cond3A_754 = arith.cmpi ne, %convert_element_type3A_752, %cond3A_753 : i32
      scf.if %cond3A_754 {
        %dma_wait3A = arith.constant 0 : i32
        %dma_wait3A_755 = arith.constant 0 : i32
        %dma_wait3A_756 = tpu.memref_slice %arg11[%dma_wait3A, %dma_wait3A_755] : memref<128x128xf32, #tpu.memory_space<vmem>> -> memref<64x128xf32, #tpu.memory_space<vmem>>
        %dma_wait3A_757 = arith.constant 0 : i32
        %dma_wait3A_758 = arith.constant 0 : i32
        %dma_wait3A_759 = tpu.memref_slice %arg4[%dma_wait3A_757, %dma_wait3A_758] : memref<34816x128xf32, #tpu.memory_space<hbm>> -> memref<64x128xf32, #tpu.memory_space<hbm>>
        %dma_wait3A_760 = arith.constant 0 : i32
        %dma_wait3A_761 = arith.constant 0 : i32
        %dma_wait3A_762 = tpu.memref_slice %arg11[%dma_wait3A_760, %dma_wait3A_761] : memref<128x128xf32, #tpu.memory_space<vmem>> -> memref<64x128xf32, #tpu.memory_space<vmem>>
        %dma_wait3A_763 = arith.constant 0 : i32
        %dma_wait3A_764 = arith.constant 0 : i32
        %dma_wait3A_765 = tpu.memref_slice %arg4[%dma_wait3A_763, %dma_wait3A_764] : memref<34816x128xf32, #tpu.memory_space<hbm>> -> memref<64x128xf32, #tpu.memory_space<hbm>>
        tpu.wait_dma2 semaphore(%arg16 : memref<!tpu.dma_semaphore, #tpu.memory_space<semaphore_mem>>) src(%dma_wait3A_765 : memref<64x128xf32, #tpu.memory_space<hbm>>) dst(%dma_wait3A_762 : memref<64x128xf32, #tpu.memory_space<vmem>>)
        %dma_wait3A_766 = arith.constant 0 : i32
        %dma_wait3A_767 = arith.constant 0 : i32
        %dma_wait3A_768 = tpu.memref_slice %arg13[%dma_wait3A_766, %dma_wait3A_767] : memref<2x64xi32, #tpu.memory_space<vmem>> -> memref<1x64xi32, #tpu.memory_space<vmem>>
        %dma_wait3A_769 = tpu.memref_squeeze %dma_wait3A_768 : memref<1x64xi32, #tpu.memory_space<vmem>> -> memref<64xi32, #tpu.memory_space<vmem>>
        %dma_wait3A_770 = arith.constant 0 : i32
        %dma_wait3A_771 = tpu.memref_slice %arg3[%dma_wait3A_770] : memref<16384xi32, #tpu.memory_space<hbm>> -> memref<64xi32, #tpu.memory_space<hbm>>
        %dma_wait3A_772 = arith.constant 0 : i32
        %dma_wait3A_773 = tpu.memref_slice %arg13[%dma_wait3A_766, %dma_wait3A_772] : memref<2x64xi32, #tpu.memory_space<vmem>> -> memref<1x64xi32, #tpu.memory_space<vmem>>
        %dma_wait3A_774 = tpu.memref_squeeze %dma_wait3A_773 : memref<1x64xi32, #tpu.memory_space<vmem>> -> memref<64xi32, #tpu.memory_space<vmem>>
        %dma_wait3A_775 = arith.constant 0 : i32
        %dma_wait3A_776 = tpu.memref_slice %arg3[%dma_wait3A_775] : memref<16384xi32, #tpu.memory_space<hbm>> -> memref<64xi32, #tpu.memory_space<hbm>>
        tpu.wait_dma2 semaphore(%arg16 : memref<!tpu.dma_semaphore, #tpu.memory_space<semaphore_mem>>) src(%dma_wait3A_776 : memref<64xi32, #tpu.memory_space<hbm>>) dst(%dma_wait3A_774 : memref<64xi32, #tpu.memory_space<vmem>>)
        %get3A_777 = arith.constant 4 : i32
        %get3A_778 = arith.index_cast %get3A_777 : i32 to index
        %get3A_779 = memref.load %arg14[%get3A_778] : memref<64xi32, #tpu.memory_space<smem>>
        %add3A_780 = arith.constant 1 : i32
        %add3A_781 = arith.addi %get3A_779, %add3A_780 : i32
        %swap3A_782 = arith.constant 4 : i32
        %swap3A_783 = arith.index_cast %swap3A_782 : i32 to index
        %swap3A_784 = memref.load %arg14[%swap3A_783] : memref<64xi32, #tpu.memory_space<smem>>
        memref.store %add3A_781, %arg14[%swap3A_783] : memref<64xi32, #tpu.memory_space<smem>>
      } else {
      }
    } else {
    }
    %get3A_651 = arith.constant 3 : i32
    %get3A_652 = arith.index_cast %get3A_651 : i32 to index
    %get3A_653 = memref.load %arg14[%get3A_652] : memref<64xi32, #tpu.memory_space<smem>>
    %get3A_654 = arith.constant 4 : i32
    %get3A_655 = arith.index_cast %get3A_654 : i32 to index
    %get3A_656 = memref.load %arg14[%get3A_655] : memref<64xi32, #tpu.memory_space<smem>>
    %sub3A_657 = arith.subi %get3A_653, %get3A_656 : i32
    %while3A_658 = arith.constant 0 : i32
    %while3A_659 = arith.constant 0 : i32
    %while3A_660 = arith.subi %sub3A_657, %while3A_659 : i32
    %while3A_661 = arith.addi %while3A_659, %while3A_660 : i32
    %while3A_662 = arith.constant 1 : i32
    %while3A_663 = arith.divsi %while3A_660, %while3A_662 : i32
    %while3A_664 = arith.muli %while3A_663, %while3A_662 : i32
    %while3A_665 = arith.addi %while3A_659, %while3A_664 : i32
    %while3A_666 = arith.constant 1 : i32
    scf.for %while3A_668 = %while3A_659 to %while3A_665 step %while3A_666  : i32 {
      %dma_wait3A = arith.constant 0 : i32
      %dma_wait3A_669 = arith.constant 0 : i32
      %dma_wait3A_670 = tpu.memref_slice %arg11[%dma_wait3A, %dma_wait3A_669] : memref<128x128xf32, #tpu.memory_space<vmem>> -> memref<64x128xf32, #tpu.memory_space<vmem>>
      %dma_wait3A_671 = arith.constant 0 : i32
      %dma_wait3A_672 = arith.constant 0 : i32
      %dma_wait3A_673 = tpu.memref_slice %arg4[%dma_wait3A_671, %dma_wait3A_672] : memref<34816x128xf32, #tpu.memory_space<hbm>> -> memref<64x128xf32, #tpu.memory_space<hbm>>
      %dma_wait3A_674 = arith.constant 0 : i32
      %dma_wait3A_675 = arith.constant 0 : i32
      %dma_wait3A_676 = tpu.memref_slice %arg11[%dma_wait3A_674, %dma_wait3A_675] : memref<128x128xf32, #tpu.memory_space<vmem>> -> memref<64x128xf32, #tpu.memory_space<vmem>>
      %dma_wait3A_677 = arith.constant 0 : i32
      %dma_wait3A_678 = arith.constant 0 : i32
      %dma_wait3A_679 = tpu.memref_slice %arg4[%dma_wait3A_677, %dma_wait3A_678] : memref<34816x128xf32, #tpu.memory_space<hbm>> -> memref<64x128xf32, #tpu.memory_space<hbm>>
      tpu.wait_dma2 semaphore(%arg16 : memref<!tpu.dma_semaphore, #tpu.memory_space<semaphore_mem>>) src(%dma_wait3A_679 : memref<64x128xf32, #tpu.memory_space<hbm>>) dst(%dma_wait3A_676 : memref<64x128xf32, #tpu.memory_space<vmem>>)
      %dma_wait3A_680 = arith.constant 0 : i32
      %dma_wait3A_681 = arith.constant 0 : i32
      %dma_wait3A_682 = tpu.memref_slice %arg13[%dma_wait3A_680, %dma_wait3A_681] : memref<2x64xi32, #tpu.memory_space<vmem>> -> memref<1x64xi32, #tpu.memory_space<vmem>>
      %dma_wait3A_683 = tpu.memref_squeeze %dma_wait3A_682 : memref<1x64xi32, #tpu.memory_space<vmem>> -> memref<64xi32, #tpu.memory_space<vmem>>
      %dma_wait3A_684 = arith.constant 0 : i32
      %dma_wait3A_685 = tpu.memref_slice %arg3[%dma_wait3A_684] : memref<16384xi32, #tpu.memory_space<hbm>> -> memref<64xi32, #tpu.memory_space<hbm>>
      %dma_wait3A_686 = arith.constant 0 : i32
      %dma_wait3A_687 = tpu.memref_slice %arg13[%dma_wait3A_680, %dma_wait3A_686] : memref<2x64xi32, #tpu.memory_space<vmem>> -> memref<1x64xi32, #tpu.memory_space<vmem>>
      %dma_wait3A_688 = tpu.memref_squeeze %dma_wait3A_687 : memref<1x64xi32, #tpu.memory_space<vmem>> -> memref<64xi32, #tpu.memory_space<vmem>>
      %dma_wait3A_689 = arith.constant 0 : i32
      %dma_wait3A_690 = tpu.memref_slice %arg3[%dma_wait3A_689] : memref<16384xi32, #tpu.memory_space<hbm>> -> memref<64xi32, #tpu.memory_space<hbm>>
      tpu.wait_dma2 semaphore(%arg16 : memref<!tpu.dma_semaphore, #tpu.memory_space<semaphore_mem>>) src(%dma_wait3A_690 : memref<64xi32, #tpu.memory_space<hbm>>) dst(%dma_wait3A_688 : memref<64xi32, #tpu.memory_space<vmem>>)
      %get3A_691 = arith.constant 4 : i32
      %get3A_692 = arith.index_cast %get3A_691 : i32 to index
      %get3A_693 = memref.load %arg14[%get3A_692] : memref<64xi32, #tpu.memory_space<smem>>
      %add3A_694 = arith.constant 1 : i32
      %add3A_695 = arith.addi %get3A_693, %add3A_694 : i32
      %swap3A_696 = arith.constant 4 : i32
      %swap3A_697 = arith.index_cast %swap3A_696 : i32 to index
      %swap3A_698 = memref.load %arg14[%swap3A_697] : memref<64xi32, #tpu.memory_space<smem>>
      memref.store %add3A_695, %arg14[%swap3A_697] : memref<64xi32, #tpu.memory_space<smem>>
    }
    %while3A_667 = arith.constant 1 : i32
    scf.for %while3A_668 = %while3A_665 to %while3A_661 step %while3A_667  : i32 {
      %dma_wait3A = arith.constant 0 : i32
      %dma_wait3A_669 = arith.constant 0 : i32
      %dma_wait3A_670 = tpu.memref_slice %arg11[%dma_wait3A, %dma_wait3A_669] : memref<128x128xf32, #tpu.memory_space<vmem>> -> memref<64x128xf32, #tpu.memory_space<vmem>>
      %dma_wait3A_671 = arith.constant 0 : i32
      %dma_wait3A_672 = arith.constant 0 : i32
      %dma_wait3A_673 = tpu.memref_slice %arg4[%dma_wait3A_671, %dma_wait3A_672] : memref<34816x128xf32, #tpu.memory_space<hbm>> -> memref<64x128xf32, #tpu.memory_space<hbm>>
      %dma_wait3A_674 = arith.constant 0 : i32
      %dma_wait3A_675 = arith.constant 0 : i32
      %dma_wait3A_676 = tpu.memref_slice %arg11[%dma_wait3A_674, %dma_wait3A_675] : memref<128x128xf32, #tpu.memory_space<vmem>> -> memref<64x128xf32, #tpu.memory_space<vmem>>
      %dma_wait3A_677 = arith.constant 0 : i32
      %dma_wait3A_678 = arith.constant 0 : i32
      %dma_wait3A_679 = tpu.memref_slice %arg4[%dma_wait3A_677, %dma_wait3A_678] : memref<34816x128xf32, #tpu.memory_space<hbm>> -> memref<64x128xf32, #tpu.memory_space<hbm>>
      tpu.wait_dma2 semaphore(%arg16 : memref<!tpu.dma_semaphore, #tpu.memory_space<semaphore_mem>>) src(%dma_wait3A_679 : memref<64x128xf32, #tpu.memory_space<hbm>>) dst(%dma_wait3A_676 : memref<64x128xf32, #tpu.memory_space<vmem>>)
      %dma_wait3A_680 = arith.constant 0 : i32
      %dma_wait3A_681 = arith.constant 0 : i32
      %dma_wait3A_682 = tpu.memref_slice %arg13[%dma_wait3A_680, %dma_wait3A_681] : memref<2x64xi32, #tpu.memory_space<vmem>> -> memref<1x64xi32, #tpu.memory_space<vmem>>
      %dma_wait3A_683 = tpu.memref_squeeze %dma_wait3A_682 : memref<1x64xi32, #tpu.memory_space<vmem>> -> memref<64xi32, #tpu.memory_space<vmem>>
      %dma_wait3A_684 = arith.constant 0 : i32
      %dma_wait3A_685 = tpu.memref_slice %arg3[%dma_wait3A_684] : memref<16384xi32, #tpu.memory_space<hbm>> -> memref<64xi32, #tpu.memory_space<hbm>>
      %dma_wait3A_686 = arith.constant 0 : i32
      %dma_wait3A_687 = tpu.memref_slice %arg13[%dma_wait3A_680, %dma_wait3A_686] : memref<2x64xi32, #tpu.memory_space<vmem>> -> memref<1x64xi32, #tpu.memory_space<vmem>>
      %dma_wait3A_688 = tpu.memref_squeeze %dma_wait3A_687 : memref<1x64xi32, #tpu.memory_space<vmem>> -> memref<64xi32, #tpu.memory_space<vmem>>
      %dma_wait3A_689 = arith.constant 0 : i32
      %dma_wait3A_690 = tpu.memref_slice %arg3[%dma_wait3A_689] : memref<16384xi32, #tpu.memory_space<hbm>> -> memref<64xi32, #tpu.memory_space<hbm>>
      tpu.wait_dma2 semaphore(%arg16 : memref<!tpu.dma_semaphore, #tpu.memory_space<semaphore_mem>>) src(%dma_wait3A_690 : memref<64xi32, #tpu.memory_space<hbm>>) dst(%dma_wait3A_688 : memref<64xi32, #tpu.memory_space<vmem>>)
      %get3A_691 = arith.constant 4 : i32
      %get3A_692 = arith.index_cast %get3A_691 : i32 to index
      %get3A_693 = memref.load %arg14[%get3A_692] : memref<64xi32, #tpu.memory_space<smem>>
      %add3A_694 = arith.constant 1 : i32
      %add3A_695 = arith.addi %get3A_693, %add3A_694 : i32
      %swap3A_696 = arith.constant 4 : i32
      %swap3A_697 = arith.index_cast %swap3A_696 : i32 to index
      %swap3A_698 = memref.load %arg14[%swap3A_697] : memref<64xi32, #tpu.memory_space<smem>>
      memref.store %add3A_695, %arg14[%swap3A_697] : memref<64xi32, #tpu.memory_space<smem>>
    }
    return
  }
}

#map = affine_map<(d0, d1) -> (0, 0)>
#map1 = affine_map<(d0, d1) -> (0)>
module attributes {stable_mosaic.version = 14 : i64} {
  func.func @_permute(%arg0: i32, %arg1: i32, %arg2: memref<34816x128xf32, #tpu.memory_space<hbm>>, %arg3: memref<16416xi32, #tpu.memory_space<hbm>>, %arg4: memref<16384x128xf32, #tpu.memory_space<hbm>>, %arg5: memref<512xi32, #tpu.memory_space<vmem>>, %arg6: memref<512x128xf32, #tpu.memory_space<vmem>>, %arg7: memref<!tpu.dma_semaphore, #tpu.memory_space<semaphore_mem>>) attributes {dimension_semantics = [#tpu.dimension_semantics<core_parallel>, #tpu.dimension_semantics<subcore_parallel>], iteration_bounds = array<i64: 2, 16>, scalar_prefetch = 0 : i64, scratch_operands = 3 : i64, tpu.core_type = #tpu.core_type<sc_vector_subcore>, window_params = [{transform_indices = #map}, {transform_indices = #map1}, {transform_indices = #map}]} {
    %mul3A = arith.constant 2 : i32
    %mul3A_0 = arith.muli %arg1, %mul3A : i32
    %add3A = arith.addi %mul3A_0, %arg0 : i32
    %mul3A_1 = arith.constant 512 : i32
    %mul3A_2 = arith.muli %add3A, %mul3A_1 : i32
    "tpu.region"() ({
      %run_scoped3A = tpu.sem_alloc : memref<!tpu.dma_semaphore, #tpu.memory_space<semaphore_mem>>
      %dma_start3A_7 = tpu.memref_slice %arg3[%mul3A_2] : memref<16416xi32, #tpu.memory_space<hbm>> -> memref<512xi32, #tpu.memory_space<hbm>>
      %dma_start3A_8 = tpu.memref_slice %arg3[%mul3A_2] : memref<16416xi32, #tpu.memory_space<hbm>> -> memref<512xi32, #tpu.memory_space<hbm>>
      tpu.enqueue_dma source(%dma_start3A_8 : memref<512xi32, #tpu.memory_space<hbm>>) target(%arg5 : memref<512xi32, #tpu.memory_space<vmem>>) target_semaphore(%run_scoped3A : memref<!tpu.dma_semaphore, #tpu.memory_space<semaphore_mem>>)
      %dma_wait3A_9 = tpu.memref_slice %arg3[%mul3A_2] : memref<16416xi32, #tpu.memory_space<hbm>> -> memref<512xi32, #tpu.memory_space<hbm>>
      %dma_wait3A_10 = tpu.memref_slice %arg3[%mul3A_2] : memref<16416xi32, #tpu.memory_space<hbm>> -> memref<512xi32, #tpu.memory_space<hbm>>
      tpu.wait_dma2 semaphore(%run_scoped3A : memref<!tpu.dma_semaphore, #tpu.memory_space<semaphore_mem>>) src(%dma_wait3A_10 : memref<512xi32, #tpu.memory_space<hbm>>) dst(%arg5 : memref<512xi32, #tpu.memory_space<vmem>>)
      tpu.yield
    }) : () -> ()
    %dma_start3A = arith.constant 0 : i32
    %dma_start3A_3 = arith.constant 0 : i32
    %dma_start3A_4 = tpu.memref_slice %arg2[%dma_start3A, %dma_start3A_3] : memref<34816x128xf32, #tpu.memory_space<hbm>> -> memref<34816x128xf32, #tpu.memory_space<hbm>>
    tpu.enqueue_indirect_dma source(%dma_start3A_4 : memref<34816x128xf32, #tpu.memory_space<hbm>>) target(%arg6 : memref<512x128xf32, #tpu.memory_space<vmem>>) offsets(%arg5 : memref<512xi32, #tpu.memory_space<vmem>>) semaphore(%arg7 : memref<!tpu.dma_semaphore, #tpu.memory_space<semaphore_mem>>)
    %dma_wait3A = arith.constant 0 : i32
    %dma_wait3A_5 = arith.constant 0 : i32
    %dma_wait3A_6 = tpu.memref_slice %arg2[%dma_wait3A, %dma_wait3A_5] : memref<34816x128xf32, #tpu.memory_space<hbm>> -> memref<34816x128xf32, #tpu.memory_space<hbm>>
    tpu.wait_indirect_dma semaphore(%arg7 : memref<!tpu.dma_semaphore, #tpu.memory_space<semaphore_mem>>) src(%dma_wait3A_6 : memref<34816x128xf32, #tpu.memory_space<hbm>>) dst(%arg6 : memref<512x128xf32, #tpu.memory_space<vmem>>)
    "tpu.region"() ({
      %run_scoped3A = tpu.sem_alloc : memref<!tpu.dma_semaphore, #tpu.memory_space<semaphore_mem>>
      %dma_start3A_7 = arith.constant 0 : i32
      %dma_start3A_8 = tpu.memref_slice %arg4[%mul3A_2, %dma_start3A_7] : memref<16384x128xf32, #tpu.memory_space<hbm>> -> memref<512x128xf32, #tpu.memory_space<hbm>>
      %dma_start3A_9 = arith.constant 0 : i32
      %dma_start3A_10 = tpu.memref_slice %arg4[%mul3A_2, %dma_start3A_9] : memref<16384x128xf32, #tpu.memory_space<hbm>> -> memref<512x128xf32, #tpu.memory_space<hbm>>
      tpu.enqueue_dma source(%arg6 : memref<512x128xf32, #tpu.memory_space<vmem>>) target(%dma_start3A_10 : memref<512x128xf32, #tpu.memory_space<hbm>>) target_semaphore(%run_scoped3A : memref<!tpu.dma_semaphore, #tpu.memory_space<semaphore_mem>>)
      %dma_wait3A_11 = arith.constant 0 : i32
      %dma_wait3A_12 = tpu.memref_slice %arg4[%mul3A_2, %dma_wait3A_11] : memref<16384x128xf32, #tpu.memory_space<hbm>> -> memref<512x128xf32, #tpu.memory_space<hbm>>
      %dma_wait3A_13 = arith.constant 0 : i32
      %dma_wait3A_14 = tpu.memref_slice %arg4[%mul3A_2, %dma_wait3A_13] : memref<16384x128xf32, #tpu.memory_space<hbm>> -> memref<512x128xf32, #tpu.memory_space<hbm>>
      tpu.wait_dma2 semaphore(%run_scoped3A : memref<!tpu.dma_semaphore, #tpu.memory_space<semaphore_mem>>) src(%arg6 : memref<512x128xf32, #tpu.memory_space<vmem>>) dst(%dma_wait3A_14 : memref<512x128xf32, #tpu.memory_space<hbm>>)
      tpu.yield
    }) : () -> ()
    return
  }
}

</mosaic_0001>

<sc_bundles>
// kernel: kernel.4.cloned.1.call-start
scs
__scs_entry_jumppad:
0x0: {  	(pc) =	sbr.rel $0x88, $3  }
0x1: {  	(tag) =	ssettag $0x0;
	lr =	simm.s32 $0x1  }
0x2: {  	[smem:$0x3F9F] =	sst lr;
	_ =	strace $0xD0000000  }
0x3: {  	_ = 	snop  }
0x4: {  	_ = 	snop  }
0x5: {  	_ = 	snop  }
0x6: {  	_ = 	snop  }
0x7: {  	_ = 	snop  }
__scs_overlays_trampoline_lowered:
0x8: {  	[smem:$0x3FAE] =	sst s0  }
0x9: {  	[smem:$0x3FAF] =	sst s1  }
0xa: {  	[smem:$0x3FB0] =	sst s2  }
0xb: {  	[smem:$0x3FB1] =	sst s3  }
0xc: {  	[smem:$0x3FB2] =	sst s4  }
0xd: {  	[smem:$0x3FB3] =	sst s5  }
0xe: {  	[smem:$0x3FB4] =	sst s6  }
0xf: {  	[smem:$0x3FB5] =	sst s7  }
0x10: {  	[smem:$0x3FB6] =	sst s8  }
0x11: {  	[smem:$0x3FB7] =	sst s9;
	s0 =	simm.s32 @!p0 $0x0  }
0x12: {  	s1 =	sld [smem:$0x3F9D];
	s0 =	simm.s32 @p0 $0x1  }
0x13: {  	[smem:$0x3FB8] =	sst s0;
	s0 =	simm.s32 @!p1 $0x0  }
0x14: {  	s2 =	sld [smem:$0x3F9C];
	s0 =	simm.s32 @p1 $0x1  }
0x15: {  	[smem:$0x3FB9] =	sst s0;
	s0 =	simm.s32 @!p2 $0x0  }
0x16: {  	s3 =	sld [smem:$0x3FDB];
	s0 =	simm.s32 @p2 $0x1  }
0x17: {  	s4 =	simm.s32 $0x1BF5;
	[smem:$0x3FBB] =	sst s0  }
0x18: {  	s0 =	sld [smem:$0x3F9E];
	_ =	swait.ge [sflag:s4], $0x0  }
0x19: {  	s7 =	sld [smem:$0x3F9F]  }
0x1a: {  	s8 =	sadd.s32 $0xFFFFE003, lr  }
0x1b: {  	s9 =	sadd.s32 $0xFFFFFEF7, lr;
	s5 =	simm.s32 $0xFFFFFFFF;
	p2 =	slt.u32 s8, $0xFFFFF086  }
0x1c: {  	p1 =	slt.u32 s9, $0xF7A;
	s5 =	simm.s32 @!p2 $0x0  }
0x1d: {  	s5 =	simm.s32 @p1 $0x1;
	p0 =	seq.s32 s7, s2  }
0x1e: {  	s7 =	smul.u32 @!p0 $0xF7A, s2;
	p2 =	seq.s32 @!p0 s5, $0x0  }
0x1f: {  	s9 =	smul.u32 $0xF7A, s1;
	s8 =	simm.s32 @!p0 $0x1BF5;
	p2 =	por !p2, p0  }
0x20: {  	[sflag:s8] =	ssyncset.s32 @!p0 $0xFFFFF086;
	s6 =	sadd.s32 @!p0 s3, s7;
	s7 =	simm.s32 @!p0 $0x108  }
0x21: {  	s3 =	sadd.s32 s3, s9;
	s6 =	sadd.s32 @!p0 $0x88, s6;
	s7 =	simm.s32 @p2 $0x1082  }
0x22: {  	[simem:s7], [sflag:s8] =	dma.local @!p0 [hbm:s6], $0xF7A  }
0x23: {  	s9 =	sor.u32 $0xD0000000, s2;
	s6 =	simm.s32 $0x108;
	_ =	swait.ge @!p0 [sflag:s8], $0x0  }
0x24: {  	s3 =	sadd.s32 $0x88, s3;
	s6 =	simm.s32 @!p1 $0x1082;
	[sflag:s4] =	ssyncset.s32 $0xFFFFF086  }
0x25: {  	[simem:s6], [sflag:s4] =	dma.local [hbm:s3], $0xF7A  }
0x26: {  	[smem:$0x3F9F] =	sst s1;
	(tag) =	ssettag s2;
	_ =	strace s9  }
0x27: {  	s1 =	sld [smem:$0x3FAF]  }
0x28: {  	s2 =	sld [smem:$0x3FB0]  }
0x29: {  	s4 =	sld [smem:$0x3FB2]  }
0x2a: {  	p0 =	seq.s32 s5, $0x0;
	s5 =	sld [smem:$0x3FB3]  }
0x2b: {  	s6 =	sld [smem:$0x3FB4]  }
0x2c: {  	s7 =	sld [smem:$0x3FB5]  }
0x2d: {  	s3 =	simm.s32 $0x108;
	s8 =	sld [smem:$0x3FB6]  }
0x2e: {  	s3 =	simm.s32 @!p0 $0x1082;
	s9 =	sld [smem:$0x3FB7]  }
0x2f: {  	lr =	sadd.s32 s0, s3;
	s0 =	sld [smem:$0x3FAE]  }
0x30: {  	s3 =	sld [smem:$0x3FB1]  }
0x31: {  	[smem:$0x3FBA] =	sst s10  }
0x32: {  	s10 =	sld [smem:$0x3FB8];
	_ =	sdelay $0x3  }
0x33: {  	p0 =	seq.s32 s10, $0x1;
	s10 =	sld [smem:$0x3FBA];
	_ =	sdelay $0x3  }
0x34: {  	[smem:$0x3FBA] =	sst s10  }
0x35: {  	s10 =	sld [smem:$0x3FB9];
	_ =	sdelay $0x3  }
0x36: {  	p1 =	seq.s32 s10, $0x1;
	s10 =	sld [smem:$0x3FBA];
	_ =	sdelay $0x3  }
0x37: {  	[smem:$0x3FBA] =	sst s10  }
0x38: {  	s10 =	sld [smem:$0x3FBB]  }
0x39: {  	_ = 	snop;
	(pc) =	sbr.ind lr, $3  }
0x3a: {  	_ = 	snop  }
0x3b: {  	_ = 	snop  }
0x3c: {  	p2 =	seq.s32 s10, $0x1;
	s10 =	sld [smem:$0x3FBA]  }
0x3d: {  	_ =	shalt  }
0x3e: {  	_ =	shalt  }
0x3f: {  	_ =	shalt  }
0x40: {  	_ =	shalt  }
0x41: {  	_ =	shalt  }
0x42: {  	_ =	shalt  }
0x43: {  	_ =	shalt  }
0x44: {  	_ =	shalt  }
0x45: {  	_ =	shalt  }
0x46: {  	_ =	shalt  }
0x47: {  	_ =	shalt  }
0x48: {  	_ =	shalt  }
0x49: {  	_ =	shalt  }
0x4a: {  	_ =	shalt  }
0x4b: {  	_ =	shalt  }
0x4c: {  	_ =	shalt  }
0x4d: {  	_ =	shalt  }
0x4e: {  	_ =	shalt  }
0x4f: {  	_ =	shalt  }
0x50: {  	_ =	shalt  }
0x51: {  	_ =	shalt  }
0x52: {  	_ =	shalt  }
0x53: {  	_ =	shalt  }
0x54: {  	_ =	shalt  }
0x55: {  	_ =	shalt  }
0x56: {  	_ =	shalt  }
0x57: {  	_ =	shalt  }
0x58: {  	_ =	shalt  }
0x59: {  	_ =	shalt  }
0x5a: {  	_ =	shalt  }
0x5b: {  	_ =	shalt  }
0x5c: {  	_ =	shalt  }
0x5d: {  	_ =	shalt  }
0x5e: {  	_ =	shalt  }
0x5f: {  	_ =	shalt  }
0x60: {  	_ =	shalt  }
0x61: {  	_ =	shalt  }
0x62: {  	_ =	shalt  }
0x63: {  	_ =	shalt  }
0x64: {  	_ =	shalt  }
0x65: {  	_ =	shalt  }
0x66: {  	_ =	shalt  }
0x67: {  	_ =	shalt  }
0x68: {  	_ =	shalt  }
0x69: {  	_ =	shalt  }
0x6a: {  	_ =	shalt  }
0x6b: {  	_ =	shalt  }
0x6c: {  	_ =	shalt  }
0x6d: {  	_ =	shalt  }
0x6e: {  	_ =	shalt  }
0x6f: {  	_ =	shalt  }
0x70: {  	_ =	shalt  }
0x71: {  	_ =	shalt  }
0x72: {  	_ =	shalt  }
0x73: {  	_ =	shalt  }
0x74: {  	_ =	shalt  }
0x75: {  	_ =	shalt  }
0x76: {  	_ =	shalt  }
0x77: {  	_ =	shalt  }
0x78: {  	_ =	shalt  }
0x79: {  	_ =	shalt  }
0x7a: {  	_ =	shalt  }
0x7b: {  	_ =	shalt  }
0x7c: {  	_ =	shalt  }
0x7d: {  	_ =	shalt  }
0x7e: {  	_ =	shalt  }
0x7f: {  	_ =	shalt  }
0x80: {  	_ =	shalt  }
0x81: {  	_ =	shalt  }
0x82: {  	_ =	shalt  }
0x83: {  	_ =	shalt  }
0x84: {  	_ =	shalt  }
0x85: {  	_ =	shalt  }
0x86: {  	_ =	shalt  }
0x87: {  	_ =	shalt  }
.Lfunc_end0:
.L_simem_size_0:
called_computation_lowered:
.L_overlay_start_0:
0x88: {  	s2 =	sld [smem:$0x3FD9]  }
0x89: {  	s3 =	sld [smem:$0x3FFE];
	_ =	sdelay $0x1  }
0x8a: {  	s1 =	srdreg.scid  }
0x8b: {  	s0 =	sand.u32 $0x1, s1  }
0x8c: {  	s17 =	sshll.u32 s0, $0xA;
	s2 =	sadd.s32 s3, s2  }
0x8d: {  	s2 =	sadd.s32 s2, s17  }
0x8e: {  	[smem:$0x3FC6] =	sst s2  }
0x8f: {  	_ = 	snop  }
0x90: {  	s2 =	sld [smem:$0x3FC8]  }
0x91: {  	s18 =	sld [smem:$0x3FD0];
	(tm) =	ssettm $0x1  }
0x92: {  	s4 =	sld [smem:$0x3FFB];
	_ =	sdelay $0x3  }
0x93: {  	_ =	strace s4  }
0x94: {  	s4 =	sld [smem:$0x3FFC];
	_ =	sdelay $0x3  }
0x95: {  	_ =	strace s4  }
0x96: {  	s4 =	sld [smem:$0x3FFD];
	_ =	sdelay $0x3  }
0x97: {  	_ =	strace s4  }
0x98: {  	_ =	strace $0x8FFFFFFF  }
0x99: {  	s19 =	sld [smem:$0x3FDB];
	_ =	sdelay $0x1  }
0x9a: {  	s5 =	simm.s32 $_scs_section_size  }
0x9b: {  	s6 =	simm.s32 $_size__tile_overlayer_lowered;
	s7 =	simm.s32 $_tile_overlayer_lowered  }
0x9c: {  	s22 =	simm.s32 $0x1BFF;
	s21 =	sshll.u32 s7, $0x1;
	s4 =	sadd.s32 s5, s19  }
0x9d: {  	s8 =	simm.s32 $0x0;
	s20 =	sshll.u32 s6, $0x1;
	s6 =	sadd.s32 s21, s4  }
0x9e: {  	[timem:s8], [sflag:s22] =	dma.local [hbm:s6], s20  }
0x9f: {  	_ =	swait.ge [sflag:s22], s20  }
0xa0: {  	s5 =	ssub.s32 $0x0, s20;
	[sflag:s22] =	ssyncset.done $0x0  }
0xa1: {  	[sflag:s22] =	ssyncadd.s32 s5;
	_ =	sdelay $0x1  }
0xa2: {  	s23 =	simm.s32 $0x1B8B  }
0xa3: {  	_ =	swait.ge [sflag:s23], $0x1  }
0xa4: {  	[sflag:s23] =	ssyncset.done $0x0  }
0xa5: {  	s25 =	simm.s32 $0x1B8E;
	s24 =	sld [smem:$0x3FFE];
	[sflag:s23] =	ssyncadd.s32 $0xFFFFFFFF  }
0xa6: {  	s26 =	simm.s32 $execute0_lowered;
	[smem:$0x3FD2] =	sst s25  }
0xa7: {  	s6 =	sshll.u32 s26, $0x1;
	_ =	strace $0x80000046;
	[dreg:$0x1] =	wrdreg $0xFFFFFFFF  }
0xa8: {  	s28 =	simm.s32 $_size_execute0_lowered;
	s4 =	sadd.s32 s4, s6;
	[dreg:$0x0] =	wrdreg $0x0  }
0xa9: {  	s6 =	sshll.u32 s28, $0x1;
	[dreg:$0x2] =	wrdreg s4  }
0xaa: {  	[dreg:$0x3] =	wrdreg s6  }
0xab: {  	[dreg:$0x4] =	wrdreg $0xC0  }
0xac: {  	_ =	task [dreg:s8], $0x5FFFF  }
0xad: {  	[dreg:$0x1] =	wrdreg $0xFFFFFFFF  }
0xae: {  	[dreg:$0x0] =	wrdreg $0x60  }
0xaf: {  	[dreg:$0x2] =	wrdreg s24  }
0xb0: {  	[dreg:$0x3] =	wrdreg s2  }
0xb1: {  	[dreg:$0x4] =	wrdreg s18  }
0xb2: {  	[dreg:$0x5] =	wrdreg $0x9  }
0xb3: {  	_ =	task.clear_ibuf [dreg:s8], $0x6FFFF;
	_ =	strace $0x90000046  }
0xb4: {  	s29 =	simm.s32 $0x9;
	_ =	strace $0x80000048  }
0xb5: {  	_ =	swait.ge [sflag:s29], $0x1  }
0xb6: {  	[sflag:s29] =	ssyncadd.s32 $0xFFFFFFFF  }
0xb7: {  	_ =	strace $0x90000048  }
0xb8: {  	_ =	sfence  }
0xb9: {  	s30 =	sld [smem:$0x0];
	_ =	sdelay $0x2  }
0xba: {  	s31 =	sshll.u32 s1, $0xD;
	s1 =	sshrl.u32 s1, $0x2  }
0xbb: {  	s3 =	sand.u32 $0x4000, s31;
	s1 =	sadd.s32 s1, s30  }
0xbc: {  	s0 =	sor.u32 s3, s0;
	s1 =	sshll.u32 s1, $0x11  }
0xbd: {  	s0 =	sor.u32 s1, s0  }
0xbe: {  	s0 =	sadd.s32 $0x8F2B, s0  }
0xbf: {  	[sflag:s0] =	ssyncadd.remote.s32 $0x1  }
0xc0: {  	_ =	sfence.sel $0xFFFF  }
0xc1: {  	[dreg:$0x0] =	wrdreg $0xFFFFFFFF;
	(pc) =	sbr.abs _section_cstart, $3  }
0xc2: {  	[dreg:$0x1] =	wrdreg $0xFFFFFFFF  }
0xc3: {  	_ =	task.clear_ibuf [dreg:s8], $0x2FFFF;
	_ =	strace $0x9FFFFFFF  }
0xc4: {  	(tm) =	ssettm $0x7FFFFFFF  }
0xc5: {  	_ =	shalt  }
tec
execute0_lowered:
.L_overlay_start_1:
0x0: {  	(tag) =	ssettag $0x1  }
0x1: {  	s0 =	rddreg [dreg:$0x0];
	s1 =	srdreg.scid  }
0x2: {  	s5 =	stileid.u32;
	s3 =	rddreg [dreg:$0x2]  }
0x3: {  	s4 =	simm.s32 $0x0;
	s14 =	simm.s32 $0x1C400;
	s18 =	simm.s32 $0x10400  }
0x4: {  	s20 =	simm.s32 $0x4100;
	s21 =	simm.s32 $0x8200;
	s28 =	simm.s32 $0xC300  }
0x5: {  	s1 =	sand.u32 $0x1, s1;
	s2 =	sshll.u32 s5, $0x1;
	s25 =	smul.u32 $0xFFFFFE16, s5  }
0x6: {  	[smem:$0x7FF] =	sst s4;
	s7 =	sadd.s32 $0xF43400, s0;
	s12 =	smul.u32 $0xFFFFFF0B, s1  }
0x7: {  	s2 =	sor.u32 s1, s2;
	s9 =	ssub.s32 $0x2, s1;
	s1 =	smul.u32 $0x4400, s1  }
0x8: {  	s16 =	sadd.s32 $0xC00, s0;
	_ =	strace $0x80000047;
	s15 =	smul.u32 $0xF5, s2  }
0x9: {  	[dreg:$0x5] =	wrdreg s16;
	s23 =	smul.u32 $0x3D400, s2;
	s10 =	sshrl.u32 s9, $0x1  }
0xa: {  	s13 =	smul.u32 $0x7A80, s2;
	s2 =	sor.u32 $0x4000, s2;
	s9 =	ssub.s32 s9, s10  }
0xb: {  	v0 =	vmov s2;
	[dreg:$0x9] =	wrdreg s1;
	s2 =	simm.s32 $0x0;
	s22 =	ssub.s32 $0x1E85, s15  }
0xc: {  	s0 =	sshrl.u32 s23, $0x3;
	s26 =	sadd.s32 s16, s13;
	s31 =	smax.u32 s9, $0x1  }
0xd: {  	v2 =	vlaneseq.u32;
	v11 =	vimm.s32 $0x0;
	[dreg:$0x4] =	wrdreg s15;
	s17 =	smin.u32 s22, $0xF5;
	s0 =	sadd.s32 s16, s0  }
.Ltmp0:
0xe: {  	v12 =	vimm.s32 $0x8000000;
	v3 =	vor.u32 $0x10, v2;
	v4 =	vor.u32 $0x20, v2;
	[dreg:$0x7] =	wrdreg s26;
	s11 =	sadd.s32 s15, s17;
	(pc) =	sbr.rel .LBB2_1-.Ltmp0, $4  }
0xf: {  	v5 =	vor.u32 $0x30, v2;
	v7 =	vor.u32 $0x80, v2;
	v8 =	vor.u32 $0x90, v2;
	[dreg:$0xb] =	wrdreg s31;
	s24 =	sshll.u32 s11, $0x7;
	s11 =	sadd.s32 s25, s12  }
0x10: {  	v9 =	vor.u32 $0xA0, v2;
	v10 =	vor.u32 $0xB0, v2;
	v13 =	vmul.u32 $0x80, v2;
	s0 =	sadd.s32 $0x80, s0;
	[dreg:$0x6] =	wrdreg s17;
	s29 =	sadd.s32 $0x1E85, s11  }
0x11: {  	v14 =	vor.u32 $0x40, v2;
	v15 =	vor.u32 $0x50, v2;
	v16 =	vor.u32 $0x60, v2;
	[dreg:$0x8] =	wrdreg s0;
	s10 =	smin.u32 s24, $0xF4240;
	s30 =	smin.u32 s29, $0xF5  }
0x12: {  	v17 =	vor.u32 $0x70, v2;
	v1 =	vmov s13;
	s26 =	simm.s32 $0x2;
	s25 =	simm.s32 $0x18400;
	v6 =	vmov s10;
	[dreg:$0xa] =	wrdreg s30  }
.LBB2_30:
0x13: {  	[smem:$0x4] =	sst s1  }
0x14: {  	s2 =	rddreg [dreg:$0xc]  }
.LBB2_31:
0x15: {  	s2 =	sadd.s32 $0x1, s2;
	s0 =	rddreg [dreg:$0xb]  }
0x16: {  	p0 =	sne.s32 s2, s0  }
.Ltmp1:
0x17: {  	_ = 	snop;
	(pc) =	sbr.rel @!p0 .LBB2_32-.Ltmp1, $1  }
0x18: {  	_ =	sdelay $0x3  }
.LBB2_1:
0x19: {  	_ =	sdelay $0x2  }
0x1a: {  	[dreg:$0xc] =	wrdreg s2  }
0x1b: {  	[tilespmem:v2+s14+$0x0] =	vst.idx.msk $0xffff, v0;
	[smem:$0x0] =	sst s4  }
0x1c: {  	s0 =	rddreg [dreg:$0x1];
	[tilespmem:v3+s14+$0x0] =	vst.idx.msk $0xffff, v0  }
0x1d: {  	[smem:$0x1] =	sst s4;
	[tilespmem:v4+s14+$0x0] =	vst.idx.msk $0xffff, v0  }
0x1e: {  	[smem:$0x2] =	sst s4;
	[tilespmem:v5+s14+$0x0] =	vst.idx.msk $0xffff, v0  }
0x1f: {  	[smem:$0x3] =	sst s4;
	[tilespmem:v7+s14+$0x0] =	vst.idx.msk $0xffff, v0  }
0x20: {  	[smem:$0x4] =	sst s4;
	[tilespmem:v8+s14+$0x0] =	vst.idx.msk $0xffff, v0  }
0x21: {  	[smem:$0x5] =	sst s4;
	[tilespmem:v9+s14+$0x0] =	vst.idx.msk $0xffff, v0  }
0x22: {  	s24 =	simm.s32 $0x4;
	[smem:$0x6] =	sst s4;
	[tilespmem:v10+s14+$0x0] =	vst.idx.msk $0xffff, v0  }
0x23: {  	[tilespmem:s4], [sflag:$0x4] =	stream.linear.gather [hbm4b:s0+s4], $0x4000, $0x38;
	[tilespmem:$0x1C600] =	vst v63  }
0x24: {  	_ =	swait.ge [sflag:s24], $0x4000  }
0x25: {  	s1 =	simm.s32 $0x400;
	[sflag:s24] =	ssyncset.done $0x0  }
0x26: {  	s30 =	simm.s32 $0x7A1400;
	s29 =	rddreg [dreg:$0x7];
	[sflag:s24] =	ssyncadd.s32 $0xFFFFC000  }
0x27: {  	[tilespmem:s18], [sflag:$0x1] =	stream.strided.gather [hbm4b:s29+s1], $0x4000, s30, s1, $0x38;
	[tilespmem:$0x1C600] =	vst v63  }
0x28: {  	s5 =	simm.s32 $0x14400;
	s31 =	rddreg [dreg:$0x8]  }
0x29: {  	[tilespmem:s5], [sflag:$0x1] =	stream.strided.gather [hbm4b:s31+s1], $0x4000, s30, s1, $0x38;
	[tilespmem:$0x1C600] =	vst v63  }
0x2a: {  	v18 =	vld [tilespmem:s4+$0x0];
	_ =	sdelay $0x4  }
0x2b: {  	vm0 =	vge.s32 v18, v1;
	vm1 =	vlt.s32 v18, v6  }
0x2c: {  	vm0 =	vmand vm0, vm1  }
0x2d: {  	v19 =	vsel vm0, $0x1, v11  }
0x2e: {  	(xrf0) =	vadd.scan.msk.s32 $0xffff, v19;
	_ =	sdelay $0x5  }
0x2f: {  	v20, _, _ =	vpop (xrf0)  }
0x30: {  	v19 =	vmov s4;
	v21 =	vxor.u32 $0x80000000, v20  }
0x31: {  	v19 =	vadd.s32 $0xFFFFFFFF, v19;
	(xrf0) =	vmax.scan.msk.u32 $0xffff, v21  }
0x32: {  	v19 =	vbroadcast v19, $0x0;
	_ =	sdelay $0x1  }
0x33: {  	v19 =	vadd.s32 v20, v19;
	_ =	sdelay $0x2  }
0x34: {  	v63, _, _ =	vpop (xrf0)  }
0x35: {  	(v2sf) =	vpush v63, $0xF  }
0x36: {  	[tilespmem:v19+s20+$0x0] =	vst.idx.msk vm0, v18;
	v18 =	vor.u32 s4, v2  }
0x37: {  	s2 =	simm.s32 $0x0;
	s0 =	simm.s32 $0x10;
	s1 =	simm.s32 $0x10;
	[tilespmem:v19+s21+$0x0] =	vst.idx.msk vm0, v18  }
.LBB2_2:
0x38: {  	v18 =	vld [tilespmem:s0+$0x0];
	p0 =	sne.s32 s1, $0x3FF0;
	_ =	sdelay $0x4  }
0x39: {  	vm0 =	vge.s32 v18, v1;
	vm1 =	vlt.s32 v18, v6  }
0x3a: {  	vm0 =	vmand vm0, vm1  }
0x3b: {  	v19 =	vsel vm0, $0x1, v11  }
0x3c: {  	(xrf0) =	vadd.scan.msk.s32 $0xffff, v19;
	_ =	sdelay $0x3  }
0x3d: {  	s9 =	spop (v2sf)  }
0x3e: {  	s2 =	sadd.s32 s9, s2  }
0x3f: {  	v19, _, _ =	vpop (xrf0);
	s2 =	sadd.s32 $0x80000000, s2  }
0x40: {  	v20 =	vmov s2;
	v21 =	vxor.u32 $0x80000000, v19;
	[smem:$0x0] =	sst s2  }
0x41: {  	v20 =	vadd.s32 $0xFFFFFFFF, v20;
	(xrf0) =	vmax.scan.msk.u32 $0xffff, v21  }
0x42: {  	v20 =	vbroadcast v20, $0x0;
	_ =	sdelay $0x1  }
0x43: {  	v19 =	vadd.s32 v19, v20;
	_ =	sdelay $0x1  }
.Ltmp2:
0x44: {  	(pc) =	sbr.rel @p0 .LBB2_2-.Ltmp2, $4  }
0x45: {  	v20, _, _ =	vpop (xrf0)  }
0x46: {  	(v2sf) =	vpush v20, $0xF  }
0x47: {  	[tilespmem:v19+s20+$0x0] =	vst.idx.msk vm0, v18;
	v18 =	vor.u32 s1, v2  }
0x48: {  	s0 =	sadd.s32 $0x10, s0;
	s1 =	sadd.s32 $0x10, s1;
	[tilespmem:v19+s21+$0x0] =	vst.idx.msk vm0, v18  }
0x49: {  	_ =	sdelay $0xb  }
0x4a: {  	s0 =	spop (v2sf)  }
0x4b: {  	s0 =	sadd.s32 s0, s2  }
0x4c: {  	s6 =	sadd.s32 $0x80000000, s0  }
0x4d: {  	[smem:$0x0] =	sst s6  }
0x4e: {  	s1 =	simm.s32 $0x3;
	s0 =	sadd.s32 $0x3F, s6;
	[bflag:$0x0] =	sbarrier.arrive $0xFFFF  }
0x4f: {  	s24 =	simm.s32 $0x6;
	s0 =	sand.u32 $0xFFFFFFC0, s0;
	[sflag:s1] =	ssyncset.done $0x0  }
0x50: {  	[smem:s24], [sflag:$0x3] =	smem.add.s32 s0  }
0x51: {  	_ =	swait.done [sflag:s1]  }
0x52: {  	s29 =	ssyncread [sflag:$0x3]  }
0x53: {  	[sflag:s1] =	ssyncset.s32 $0x0  }
0x54: {  	s16 =	simm.s32 $0x0;
	s30 =	rddreg [dreg:$0x9];
	[sflag:s1] =	ssyncset.done $0x0  }
0x55: {  	[smem:$0x28] =	sst s16  }
0x56: {  	s0 =	sadd.s32 s30, s29;
	[smem:$0x29] =	sst s16  }
0x57: {  	[smem:$0x5] =	sst s0  }
0x58: {  	[smem:$0x2A] =	sst s16  }
0x59: {  	[smem:$0x2B] =	sst s16  }
0x5a: {  	[smem:$0x2C] =	sst s16  }
0x5b: {  	[smem:$0x2D] =	sst s16  }
0x5c: {  	[smem:$0x2E] =	sst s16  }
0x5d: {  	s31 =	sadd.s32 $0xF, s6;
	[smem:$0x30] =	sst s16  }
0x5e: {  	s5 =	sshrl.u32 s31, $0x4;
	[smem:$0x31] =	sst s16  }
0x5f: {  	p0 =	seq.s32 s5, $0x0;
	[smem:$0x32] =	sst s16  }
.Ltmp3:
0x60: {  	[smem:$0x33] =	sst s16;
	(pc) =	sbr.rel @p0 .LBB2_15-.Ltmp3, $4  }
0x61: {  	[smem:$0x34] =	sst s16  }
0x62: {  	[smem:$0x35] =	sst s16  }
0x63: {  	[smem:$0x36] =	sst s16  }
0x64: {  	[smem:$0x37] =	sst s16  }
0x65: {  	s0 =	simm.s32 $0x4100  }
0x66: {  	v18 =	vld [tilespmem:s0+$0x0];
	_ =	sdelay $0x4  }
0x67: {  	s8 =	simm.s32 $0x0;
	v19 =	vsub.s32 v18, v1  }
0x68: {  	v20 =	vor.u32 s8, v2;
	v18 =	vmov s6;
	v19 =	vshrl.u32 v19, $0xB  }
0x69: {  	vm0 =	vlt.s32 v20, v18;
	vm1 =	veq.s32 v19, $0x0  }
0x6a: {  	vm2 =	veq.s32 v19, $0x4;
	vm3 =	veq.s32 v19, $0x1;
	vm14 =	veq.s32 v19, $0x2  }
0x6b: {  	vm4 =	veq.s32 v19, $0x3;
	vm5 =	veq.s32 v19, $0x7;
	vm15 =	veq.s32 v19, $0x5  }
0x6c: {  	vm1 =	vmand vm0, vm1;
	vm2 =	vmand vm0, vm2;
	vm13 =	vmand vm0, vm3  }
0x6d: {  	vm3 =	vmand vm0, vm14;
	vm4 =	vmand vm0, vm4;
	v20 =	vmpcnt.ones.xlane vm1  }
0x6e: {  	vm5 =	vmand vm0, vm5;
	v21 =	vmpcnt.ones.xlane vm13;
	v22 =	vmpcnt.ones.xlane vm2  }
0x6f: {  	v23 =	vmpcnt.ones.xlane vm4;
	v24 =	vmpcnt.ones.xlane vm5;
	v20 =	vxor.u32 $0x80000000, v20  }
0x70: {  	vm1 =	vmand vm0, vm15;
	vm4 =	veq.s32 v19, $0x6;
	(xrf0) =	vmax.scan.msk.u32 $0xffff, v20;
	v20 =	vxor.u32 $0x80000000, v21  }
0x71: {  	vm5 =	veq.s32 v19, $0x8;
	v24 =	vxor.u32 $0x80000000, v24;
	v21 =	vmpcnt.ones.xlane vm3;
	(xrf0) =	vmax.scan.msk.u32 $0xffff, v20  }
0x72: {  	v25 =	vmpcnt.ones.xlane vm1;
	vm1 =	vmand vm0, vm4;
	v22 =	vxor.u32 $0x80000000, v22;
	(xrf0) =	vmax.scan.msk.u32 $0xffff, v24  }
0x73: {  	vm6 =	vmand vm0, vm5;
	v20 =	vxor.u32 $0x80000000, v21;
	v21 =	vmpcnt.ones.xlane vm1;
	(xrf0) =	vmax.scan.msk.u32 $0xffff, v22  }
0x74: {  	vm7 =	veq.s32 v19, $0x9;
	(xrf0) =	vmax.scan.msk.u32 $0xffff, v20;
	v20 =	vmpcnt.ones.xlane vm6  }
0x75: {  	vm9 =	veq.s32 v19, $0xA;
	v22 =	vxor.u32 $0x80000000, v25;
	v21 =	vxor.u32 $0x80000000, v21  }
0x76: {  	vm10 =	veq.s32 v19, $0xB;
	vm8 =	vmand vm0, vm7;
	(xrf0) =	vmax.scan.msk.u32 $0xffff, v22;
	v20 =	vxor.u32 $0x80000000, v20  }
0x77: {  	v61 =	vxor.u32 $0x80000000, v23;
	vm1 =	vmand vm0, vm9;
	v22 =	vmpcnt.ones.xlane vm8;
	v23, _, _ =	vpop (xrf0);
	(xrf0) =	vmax.scan.msk.u32 $0xffff, v21  }
0x78: {  	vm11 =	veq.s32 v19, $0xC;
	(v2sf) =	vpush v23, $0xF;
	v21, _, _ =	vpop (xrf0);
	(xrf0) =	vmax.scan.msk.u32 $0xffff, v20;
	v23 =	vmpcnt.ones.xlane vm1  }
0x79: {  	vm12 =	veq.s32 v19, $0xD;
	vm2 =	vmand vm0, vm10;
	v22 =	vxor.u32 $0x80000000, v22;
	v20, _, _ =	vpop (xrf0)  }
0x7a: {  	vm13 =	veq.s32 v19, $0xE;
	v62 =	vmpcnt.ones.xlane vm2;
	(xrf0) =	vmax.scan.msk.u32 $0xffff, v22;
	v22 =	vxor.u32 $0x80000000, v23;
	v30, _, _ =	vpop (xrf0)  }
0x7b: {  	p4 =	sne.s32 s5, $0x1;
	vm2 =	vmand vm0, vm12;
	vm1 =	vmand vm0, vm11;
	(v2sf) =	vpush v20, $0xF;
	v20, _, _ =	vpop (xrf0)  }
.Ltmp4:
0x7c: {  	v26 =	vmpcnt.ones.xlane vm2;
	(v2sf) =	vpush v21, $0xF;
	v21 =	vmpcnt.ones.xlane vm1;
	v23, _, _ =	vpop (xrf0);
	(pc) =	sbr.rel @!p4 .LBB2_5-.Ltmp4, $4  }
0x7d: {  	vm14 =	vmand vm0, vm13;
	v25 =	vxor.u32 $0x80000000, v62;
	(xrf0) =	vmax.scan.msk.u32 $0xffff, v22;
	v22, _, _ =	vpop (xrf0)  }
0x7e: {  	vm15 =	veq.s32 v19, $0xF;
	v63 =	vmpcnt.ones.xlane vm14;
	v31 =	vxor.u32 $0x80000000, v26;
	(xrf0) =	vmax.scan.msk.u32 $0xffff, v25;
	v19, _, _ =	vpop (xrf0)  }
0x7f: {  	s2 =	simm.s32 $0x4110;
	p1 =	por $0x0, $0x0;
	vm0 =	vmand vm0, vm15;
	(xrf0) =	vmax.scan.msk.u32 $0xffff, v61;
	v27 =	vxor.u32 $0x80000000, v21;
	(v2sf) =	vpush v19, $0xF  }
0x80: {  	p2 =	por $0x0, $0x0;
	p3 =	por $0x0, $0x0;
	s0 =	sadd.s32 $0xFFFFFFFF, s5;
	v32 =	vxor.u32 $0x80000000, v63;
	v34 =	vmpcnt.ones.xlane vm0;
	(xrf0) =	vmax.scan.msk.u32 $0xffff, v27;
	v21, _, _ =	vpop (xrf0);
	(v2sf) =	vpush v20, $0xF  }
0x81: {  	_ =	sdelay $0x3  }
0x82: {  	v19 =	vld [tilespmem:s2+$0x0];
	s19 =	sld [smem:$0x28];
	_ =	sdelay $0x1  }
0x83: {  	v28, _, _ =	vpop (xrf0);
	s9 =	spop (v2sf)  }
0x84: {  	v29, _, _ =	vpop (xrf0);
	s2 =	sadd.s32 s9, s19  }
0x85: {  	s22 =	simm.s32 $0x10;
	v20, _, _ =	vpop (xrf0);
	s2 =	sadd.s32 $0x80000000, s2  }
0x86: {  	v24 =	vor.u32 s22, v2;
	v19 =	vsub.s32 v19, v1;
	(v2sf) =	vpush v20, $0xF;
	[smem:$0x28] =	sst s2  }
0x87: {  	vm0 =	vlt.s32 v24, v18;
	v26 =	vshrl.u32 v19, $0xB;
	s23 =	sld [smem:$0x29]  }
0x88: {  	v20 =	vxor.u32 $0x80000000, v34;
	(v2sf) =	vpush v30, $0xF;
	vm1 =	veq.s32 v26, $0x0;
	s24 =	spop (v2sf)  }
0x89: {  	vm2 =	veq.s32 v26, $0x4;
	vm3 =	veq.s32 v26, $0x1;
	vm1 =	vmand vm0, vm1;
	s10 =	spop (v2sf)  }
0x8a: {  	(xrf0) =	vmax.scan.msk.u32 $0xffff, v31;
	vm4 =	veq.s32 v26, $0x3;
	vm5 =	veq.s32 v26, $0x7;
	v19 =	vmpcnt.ones.xlane vm1;
	s2 =	sadd.s32 s10, s23  }
0x8b: {  	(xrf0) =	vmax.scan.msk.u32 $0xffff, v32;
	vm14 =	veq.s32 v26, $0x5;
	vm2 =	vmand vm0, vm2;
	vm3 =	vmand vm0, vm3;
	s2 =	sadd.s32 $0x80000000, s2  }
0x8c: {  	(xrf0) =	vmax.scan.msk.u32 $0xffff, v20;
	vm4 =	vmand vm0, vm4;
	v20 =	vmpcnt.ones.xlane vm3;
	v19 =	vxor.u32 $0x80000000, v19;
	[smem:$0x29] =	sst s2  }
0x8d: {  	vm5 =	vmand vm0, vm5;
	v25 =	vmpcnt.ones.xlane vm4;
	(xrf0) =	vmax.scan.msk.u32 $0xffff, v19;
	v19 =	vmpcnt.ones.xlane vm2;
	s29 =	sld [smem:$0x2A]  }
0x8e: {  	vm13 =	veq.s32 v26, $0x2;
	vm15 =	vmand vm0, vm14;
	v27 =	vmpcnt.ones.xlane vm5;
	s2 =	spop (v2sf)  }
0x8f: {  	v20 =	vxor.u32 $0x80000000, v20;
	v62 =	vxor.u32 $0x80000000, v25;
	v25 =	vmpcnt.ones.xlane vm15;
	s11 =	spop (v2sf)  }
0x90: {  	v24, _, _ =	vpop (xrf0);
	vm1 =	vmand vm0, vm13;
	vm4 =	veq.s32 v26, $0x6;
	vm5 =	veq.s32 v26, $0x8;
	s10 =	sadd.s32 s11, s29  }
0x91: {  	v30 =	vmpcnt.ones.xlane vm1;
	v27 =	vxor.u32 $0x80000000, v27;
	(xrf0) =	vmax.scan.msk.u32 $0xffff, v20;
	v31 =	vxor.u32 $0x80000000, v19;
	v19, _, _ =	vpop (xrf0);
	s10 =	sadd.s32 $0x80000000, s10  }
0x92: {  	vm7 =	veq.s32 v26, $0x9;
	vm1 =	vmand vm0, vm4;
	vm6 =	vmand vm0, vm5;
	(xrf0) =	vmax.scan.msk.u32 $0xffff, v27;
	v20, _, _ =	vpop (xrf0);
	[smem:$0x2A] =	sst s10  }
0x93: {  	v30 =	vxor.u32 $0x80000000, v30;
	v27 =	vxor.u32 $0x80000000, v25;
	v25, _, _ =	vpop (xrf0);
	(xrf0) =	vmax.scan.msk.u32 $0xffff, v31;
	v31 =	vmpcnt.ones.xlane vm1;
	s10 =	sld [smem:$0x2B]  }
0x94: {  	(v2sf) =	vpush v23, $0xF;
	vm8 =	vmand vm0, vm7;
	v23, _, _ =	vpop (xrf0);
	(xrf0) =	vmax.scan.msk.u32 $0xffff, v30;
	v30 =	vmpcnt.ones.xlane vm6  }
0x95: {  	(v2sf) =	vpush v23, $0xF;
	(xrf0) =	vmax.scan.msk.u32 $0xffff, v27;
	v23 =	vxor.u32 $0x80000000, v31;
	v27 =	vmpcnt.ones.xlane vm8;
	s30 =	spop (v2sf)  }
0x96: {  	vm9 =	veq.s32 v26, $0xA;
	vm10 =	veq.s32 v26, $0xB;
	v30 =	vxor.u32 $0x80000000, v30;
	(xrf0) =	vmax.scan.msk.u32 $0xffff, v23;
	s10 =	sadd.s32 s30, s10  }
0x97: {  	vm11 =	veq.s32 v26, $0xC;
	(v2sf) =	vpush v22, $0xF;
	v22, _, _ =	vpop (xrf0);
	(xrf0) =	vmax.scan.msk.u32 $0xffff, v30;
	v27 =	vxor.u32 $0x80000000, v27;
	s10 =	sadd.s32 $0x80000000, s10  }
0x98: {  	vm12 =	veq.s32 v26, $0xD;
	vm13 =	veq.s32 v26, $0xE;
	vm1 =	vmand vm0, vm9;
	v23, _, _ =	vpop (xrf0);
	[smem:$0x2B] =	sst s10  }
0x99: {  	vm14 =	vmand vm0, vm13;
	vm2 =	vmand vm0, vm10;
	v31 =	vmpcnt.ones.xlane vm1;
	v30, _, _ =	vpop (xrf0);
	(xrf0) =	vmax.scan.msk.u32 $0xffff, v27;
	s10 =	sld [smem:$0x2C]  }
0x9a: {  	p4 =	sne.s32 s0, $0x1;
	v35 =	vmpcnt.ones.xlane vm14;
	v33 =	vmpcnt.ones.xlane vm2;
	vm2 =	vmand vm0, vm12;
	v27, _, _ =	vpop (xrf0)  }
.Ltmp5:
0x9b: {  	vm1 =	vmand vm0, vm11;
	s31 =	spop (v2sf);
	v31 =	vxor.u32 $0x80000000, v31;
	(v2sf) =	vpush v23, $0xF;
	v23, _, _ =	vpop (xrf0);
	(pc) =	sbr.rel @!p4 .LBB2_7-.Ltmp5, $4  }
0x9c: {  	v33 =	vxor.u32 $0x80000000, v33;
	v63 =	vmpcnt.ones.xlane vm1;
	(v2sf) =	vpush v22, $0xF;
	(xrf0) =	vmax.scan.msk.u32 $0xffff, v31;
	v22, _, _ =	vpop (xrf0);
	s10 =	sadd.s32 s31, s10  }
0x9d: {  	vm15 =	veq.s32 v26, $0xF;
	v32 =	vxor.u32 $0x80000000, v35;
	v31 =	vmpcnt.ones.xlane vm2;
	(xrf0) =	vmax.scan.msk.u32 $0xffff, v33;
	v26, _, _ =	vpop (xrf0);
	s10 =	sadd.s32 $0x80000000, s10  }
0x9e: {  	s0 =	sadd.s32 $0xFFFFFFFF, s0;
	p1 =	por $0x1, $0x1;
	vm0 =	vmand vm0, vm15;
	v36 =	vxor.u32 $0x80000000, v63;
	(xrf0) =	vmax.scan.msk.u32 $0xffff, v62;
	(v2sf) =	vpush v26, $0xF;
	[smem:$0x2C] =	sst s10  }
0x9f: {  	s9 =	simm.s32 $0x4120;
	s19 =	sadd.s32 $0x0, s24;
	v34 =	vmpcnt.ones.xlane vm0;
	v31 =	vxor.u32 $0x80000000, v31;
	(xrf0) =	vmax.scan.msk.u32 $0xffff, v36;
	v33, _, _ =	vpop (xrf0);
	(v2sf) =	vpush v27, $0xF;
	s11 =	sld [smem:$0x2D]  }
0xa0: {  	_ =	sdelay $0x2  }
0xa1: {  	s23 =	sld [smem:$0x28];
	s10 =	spop (v2sf)  }
0xa2: {  	s10 =	sadd.s32 s10, s11  }
0xa3: {  	v26 =	vld [tilespmem:s9+$0x0];
	s24 =	spop (v2sf);
	s10 =	sadd.s32 $0x80000000, s10  }
0xa4: {  	s9 =	sadd.s32 s24, s23;
	[smem:$0x2D] =	sst s10  }
0xa5: {  	v35, _, _ =	vpop (xrf0);
	(v2sf) =	vpush v29, $0xF;
	s9 =	sadd.s32 $0x80000000, s9;
	s29 =	sld [smem:$0x2E]  }
0xa6: {  	v29, _, _ =	vpop (xrf0);
	(v2sf) =	vpush v28, $0xF;
	[smem:$0x28] =	sst s9  }
0xa7: {  	v27, _, _ =	vpop (xrf0);
	(v2sf) =	vpush v21, $0xF;
	s13 =	spop (v2sf);
	s31 =	sld [smem:$0x29]  }
0xa8: {  	s30 =	simm.s32 $0x20;
	v21 =	vsub.s32 v26, v1;
	(v2sf) =	vpush v27, $0xF;
	s10 =	spop (v2sf);
	s11 =	sadd.s32 s13, s29  }
0xa9: {  	v26 =	vor.u32 s30, v2;
	v21 =	vshrl.u32 v21, $0xB;
	s1 =	spop (v2sf);
	s11 =	sadd.s32 $0x80000000, s11  }
0xaa: {  	s12 =	sadd.s32 $0x80000000, s19;
	v27 =	vxor.u32 $0x80000000, v34;
	vm0 =	vlt.s32 v26, v18;
	vm1 =	veq.s32 v21, $0x0;
	s9 =	sadd.s32 s1, s31;
	[smem:$0x2E] =	sst s11  }
0xab: {  	(v2sf) =	vpush v30, $0xF;
	vm2 =	veq.s32 v21, $0x4;
	vm1 =	vmand vm0, vm1;
	s9 =	sadd.s32 $0x80000000, s9;
	[smem:$0x2F] =	sst s12  }
0xac: {  	(xrf0) =	vmax.scan.msk.u32 $0xffff, v31;
	vm3 =	veq.s32 v21, $0x1;
	vm14 =	veq.s32 v21, $0x2;
	v26 =	vmpcnt.ones.xlane vm1;
	[smem:$0x29] =	sst s9  }
0xad: {  	(xrf0) =	vmax.scan.msk.u32 $0xffff, v32;
	vm4 =	veq.s32 v21, $0x3;
	vm5 =	veq.s32 v21, $0x7;
	vm15 =	veq.s32 v21, $0x5;
	s15 =	sld [smem:$0x30]  }
0xae: {  	(xrf0) =	vmax.scan.msk.u32 $0xffff, v27;
	vm2 =	vmand vm0, vm2;
	vm3 =	vmand vm0, vm3;
	v26 =	vxor.u32 $0x80000000, v26;
	s17 =	sld [smem:$0x2A]  }
0xaf: {  	vm6 =	veq.s32 v21, $0x8;
	v27 =	vmpcnt.ones.xlane vm3;
	(xrf0) =	vmax.scan.msk.u32 $0xffff, v26;
	v26 =	vmpcnt.ones.xlane vm2;
	s9 =	spop (v2sf)  }
0xb0: {  	vm8 =	veq.s32 v21, $0x9;
	vm4 =	vmand vm0, vm4;
	vm5 =	vmand vm0, vm5;
	s16 =	spop (v2sf);
	s2 =	sadd.s32 s2, s15  }
0xb1: {  	vm1 =	vmand vm0, vm14;
	v30 =	vmpcnt.ones.xlane vm5;
	v27 =	vxor.u32 $0x80000000, v27;
	s13 =	sadd.s32 s16, s17;
	s19 =	sadd.s32 $0x80000000, s2  }
0xb2: {  	v36, _, _ =	vpop (xrf0);
	v28 =	vmpcnt.ones.xlane vm4;
	vm4 =	vmand vm0, vm15;
	vm5 =	veq.s32 v21, $0x6;
	s13 =	sadd.s32 $0x80000000, s13;
	[smem:$0x30] =	sst s19  }
0xb3: {  	v31 =	vmpcnt.ones.xlane vm1;
	v30 =	vxor.u32 $0x80000000, v30;
	v57 =	vxor.u32 $0x80000000, v26;
	v26, _, _ =	vpop (xrf0);
	(xrf0) =	vmax.scan.msk.u32 $0xffff, v27;
	[smem:$0x2A] =	sst s13  }
0xb4: {  	vm7 =	vmand vm0, vm6;
	v58 =	vmpcnt.ones.xlane vm4;
	vm1 =	vmand vm0, vm5;
	v27, _, _ =	vpop (xrf0);
	(xrf0) =	vmax.scan.msk.u32 $0xffff, v30;
	s16 =	spop (v2sf);
	s29 =	sld [smem:$0x31]  }
0xb5: {  	vm9 =	vmand vm0, vm8;
	v59 =	vmpcnt.ones.xlane vm1;
	v31 =	vxor.u32 $0x80000000, v31;
	v37, _, _ =	vpop (xrf0);
	(xrf0) =	vmax.scan.msk.u32 $0xffff, v57;
	s23 =	spop (v2sf);
	s22 =	sld [smem:$0x2B]  }
0xb6: {  	v30 =	vxor.u32 $0x80000000, v58;
	(v2sf) =	vpush v23, $0xF;
	v23, _, _ =	vpop (xrf0);
	(xrf0) =	vmax.scan.msk.u32 $0xffff, v31;
	v31 =	vmpcnt.ones.xlane vm7;
	s24 =	spop (v2sf)  }
0xb7: {  	(v2sf) =	vpush v23, $0xF;
	(xrf0) =	vmax.scan.msk.u32 $0xffff, v30;
	v23 =	vxor.u32 $0x80000000, v59;
	v30 =	vmpcnt.ones.xlane vm9;
	s17 =	spop (v2sf);
	s13 =	sadd.s32 s24, s29  }
0xb8: {  	vm10 =	veq.s32 v21, $0xA;
	vm11 =	veq.s32 v21, $0xB;
	v31 =	vxor.u32 $0x80000000, v31;
	(xrf0) =	vmax.scan.msk.u32 $0xffff, v23;
	s15 =	sadd.s32 s17, s22;
	s13 =	sadd.s32 $0x80000000, s13  }
0xb9: {  	vm12 =	veq.s32 v21, $0xC;
	vm14 =	veq.s32 v21, $0xE;
	(v2sf) =	vpush v22, $0xF;
	v22, _, _ =	vpop (xrf0);
	(xrf0) =	vmax.scan.msk.u32 $0xffff, v31;
	s15 =	sadd.s32 $0x80000000, s15;
	[smem:$0x31] =	sst s13  }
0xba: {  	vm13 =	veq.s32 v21, $0xD;
	vm15 =	veq.s32 v21, $0xF;
	vm3 =	vmand vm0, vm14;
	v23, _, _ =	vpop (xrf0);
	[smem:$0x2B] =	sst s15  }
0xbb: {  	v28 =	vxor.u32 $0x80000000, v28;
	vm1 =	vmand vm0, vm10;
	v31 =	vxor.u32 $0x80000000, v30;
	v30, _, _ =	vpop (xrf0);
	s31 =	sld [smem:$0x32]  }
0xbc: {  	vm2 =	vmand vm0, vm11;
	v60 =	vmpcnt.ones.xlane vm1;
	vm1 =	vmand vm0, vm12;
	(xrf0) =	vmax.scan.msk.u32 $0xffff, v31;
	v38, _, _ =	vpop (xrf0);
	s15 =	sld [smem:$0x2C]  }
0xbd: {  	p4 =	sne.s32 s0, $0x1;
	v61 =	vmpcnt.ones.xlane vm2;
	vm2 =	vmand vm0, vm13;
	(v2sf) =	vpush v23, $0xF;
	v23, _, _ =	vpop (xrf0)  }
.Ltmp6:
0xbe: {  	v63 =	vmpcnt.ones.xlane vm1;
	s30 =	spop (v2sf);
	v31 =	vxor.u32 $0x80000000, v60;
	(v2sf) =	vpush v22, $0xF;
	v22, _, _ =	vpop (xrf0);
	s2 =	sadd.s32 s23, s31;
	(pc) =	sbr.rel @!p4 .LBB2_9-.Ltmp6, $4  }
0xbf: {  	vm0 =	vmand vm0, vm15;
	v62 =	vxor.u32 $0x80000000, v61;
	(xrf0) =	vmax.scan.msk.u32 $0xffff, v31;
	(v2sf) =	vpush v24, $0xF;
	v39, _, _ =	vpop (xrf0);
	s13 =	sadd.s32 s30, s15;
	s2 =	sadd.s32 $0x80000000, s2  }
0xc0: {  	v31 =	vmpcnt.ones.xlane vm2;
	v24 =	vmpcnt.ones.xlane vm3;
	(xrf0) =	vmax.scan.msk.u32 $0xffff, v62;
	(v2sf) =	vpush v39, $0xF;
	s13 =	sadd.s32 $0x80000000, s13;
	[smem:$0x32] =	sst s2  }
0xc1: {  	p2 =	por $0x1, $0x1;
	v34 =	vmpcnt.ones.xlane vm0;
	v40 =	vxor.u32 $0x80000000, v63;
	s19 =	sadd.s32 s10, s12;
	(xrf0) =	vmax.scan.msk.u32 $0xffff, v28;
	(v2sf) =	vpush v25, $0xF;
	[smem:$0x2C] =	sst s13  }
0xc2: {  	s17 =	sadd.s32 $0xFFFFFFFF, s0;
	s0 =	simm.s32 $0x4130;
	v31 =	vxor.u32 $0x80000000, v31;
	v32 =	vxor.u32 $0x80000000, v24;
	v21, _, _ =	vpop (xrf0);
	(xrf0) =	vmax.scan.msk.u32 $0xffff, v40;
	(v2sf) =	vpush v38, $0xF;
	s11 =	sld [smem:$0x2D]  }
0xc3: {  	_ =	sdelay $0x1  }
0xc4: {  	v24 =	vld [tilespmem:s0+$0x0];
	s13 =	sld [smem:$0x28];
	(v2sf) =	vpush v20, $0xF;
	s2 =	spop (v2sf)  }
0xc5: {  	(v2sf) =	vpush v19, $0xF;
	s2 =	sadd.s32 s2, s11  }
0xc6: {  	s15 =	sld [smem:$0x33];
	v28, _, _ =	vpop (xrf0);
	(v2sf) =	vpush v29, $0xF;
	s10 =	spop (v2sf);
	s2 =	sadd.s32 $0x80000000, s2  }
0xc7: {  	v29, _, _ =	vpop (xrf0);
	(v2sf) =	vpush v35, $0xF;
	s0 =	sadd.s32 s10, s13;
	[smem:$0x2D] =	sst s2  }
0xc8: {  	v25, _, _ =	vpop (xrf0);
	(v2sf) =	vpush v33, $0xF;
	s0 =	sadd.s32 $0x80000000, s0;
	s2 =	sld [smem:$0x2E]  }
0xc9: {  	s23 =	simm.s32 $0x30;
	v24 =	vsub.s32 v24, v1;
	(v2sf) =	vpush v25, $0xF;
	[smem:$0x28] =	sst s0  }
0xca: {  	s11 =	sadd.s32 s16, s15;
	s22 =	spop (v2sf);
	v25 =	vor.u32 s23, v2;
	v38 =	vshrl.u32 v24, $0xB;
	v24 =	vxor.u32 $0x80000000, v34;
	s13 =	sld [smem:$0x29]  }
0xcb: {  	s11 =	sadd.s32 $0x80000000, s11;
	vm0 =	vlt.s32 v25, v18;
	(v2sf) =	vpush v30, $0xF;
	vm1 =	veq.s32 v38, $0x0;
	s10 =	spop (v2sf)  }
0xcc: {  	[smem:$0x33] =	sst s11;
	vm2 =	veq.s32 v38, $0x4;
	vm3 =	veq.s32 v38, $0x1;
	vm14 =	veq.s32 v38, $0x2;
	s0 =	sadd.s32 s22, s2;
	s24 =	spop (v2sf)  }
0xcd: {  	(xrf0) =	vmax.scan.msk.u32 $0xffff, v31;
	s15 =	sld [smem:$0x34];
	vm4 =	veq.s32 v38, $0x3;
	vm5 =	veq.s32 v38, $0x7;
	vm1 =	vmand vm0, vm1;
	s0 =	sadd.s32 $0x80000000, s0;
	s2 =	sadd.s32 s24, s13  }
0xce: {  	(xrf0) =	vmax.scan.msk.u32 $0xffff, v32;
	vm15 =	veq.s32 v38, $0x5;
	vm3 =	vmand vm0, vm3;
	v25 =	vmpcnt.ones.xlane vm1;
	[smem:$0x2E] =	sst s0;
	s29 =	sadd.s32 $0x80000000, s2  }
0xcf: {  	(xrf0) =	vmax.scan.msk.u32 $0xffff, v24;
	vm2 =	vmand vm0, vm2;
	vm4 =	vmand vm0, vm4;
	v24 =	vmpcnt.ones.xlane vm3;
	s30 =	spop (v2sf);
	[smem:$0x29] =	sst s29  }
0xd0: {  	s11 =	sadd.s32 $0x80000000, s19;
	vm5 =	vmand vm0, vm5;
	v30 =	vmpcnt.ones.xlane vm4;
	v25 =	vxor.u32 $0x80000000, v25;
	s2 =	spop (v2sf);
	s0 =	sld [smem:$0x2A]  }
0xd1: {  	vm6 =	veq.s32 v38, $0x8;
	v31 =	vmpcnt.ones.xlane vm5;
	[smem:$0x2F] =	sst s11;
	s15 =	sadd.s32 s30, s15;
	(xrf0) =	vmax.scan.msk.u32 $0xffff, v25;
	v25 =	vmpcnt.ones.xlane vm2;
	s13 =	spop (v2sf)  }
0xd2: {  	vm8 =	veq.s32 v38, $0x9;
	vm1 =	vmand vm0, vm14;
	v54 =	vxor.u32 $0x80000000, v24;
	s15 =	sadd.s32 $0x80000000, s15;
	s31 =	sld [smem:$0x30];
	s22 =	spop (v2sf)  }
0xd3: {  	v39 =	vxor.u32 $0x80000000, v30;
	v24, _, _ =	vpop (xrf0);
	[smem:$0x34] =	sst s15;
	v30 =	vxor.u32 $0x80000000, v25;
	v25 =	vxor.u32 $0x80000000, v31;
	s15 =	spop (v2sf);
	s0 =	sadd.s32 s22, s0  }
0xd4: {  	vm4 =	vmand vm0, vm15;
	vm5 =	veq.s32 v38, $0x6;
	v55 =	vmpcnt.ones.xlane vm1;
	(xrf0) =	vmax.scan.msk.u32 $0xffff, v54;
	v33, _, _ =	vpop (xrf0);
	s1 =	sld [smem:$0x35];
	s29 =	spop (v2sf);
	s0 =	sadd.s32 $0x80000000, s0  }
0xd5: {  	vm7 =	vmand vm0, vm6;
	v40 =	vmpcnt.ones.xlane vm4;
	vm1 =	vmand vm0, vm5;
	v35, _, _ =	vpop (xrf0);
	(xrf0) =	vmax.scan.msk.u32 $0xffff, v25;
	s9 =	sadd.s32 s9, s31;
	[smem:$0x2A] =	sst s0;
	s0 =	spop (v2sf)  }
0xd6: {  	v31 =	vxor.u32 $0x80000000, v55;
	(xrf0) =	vmax.scan.msk.u32 $0xffff, v30;
	v30 =	vmpcnt.ones.xlane vm1;
	v25, _, _ =	vpop (xrf0);
	s19 =	sadd.s32 $0x80000000, s9;
	s9 =	spop (v2sf);
	(v2sf) =	vpush v23, $0xF  }
0xd7: {  	vm9 =	vmand vm0, vm8;
	v56 =	vxor.u32 $0x80000000, v40;
	(xrf0) =	vmax.scan.msk.u32 $0xffff, v31;
	v31 =	vmpcnt.ones.xlane vm7;
	s30 =	sld [smem:$0x2B];
	v23, _, _ =	vpop (xrf0)  }
0xd8: {  	s22 =	sadd.s32 s29, s1;
	[smem:$0x30] =	sst s19;
	(xrf0) =	vmax.scan.msk.u32 $0xffff, v56;
	s12 =	spop (v2sf);
	(v2sf) =	vpush v23, $0xF;
	v23 =	vxor.u32 $0x80000000, v30;
	v30 =	vmpcnt.ones.xlane vm9  }
0xd9: {  	s22 =	sadd.s32 $0x80000000, s22;
	s1 =	sld [smem:$0x31];
	v31 =	vxor.u32 $0x80000000, v31;
	s24 =	spop (v2sf);
	(xrf0) =	vmax.scan.msk.u32 $0xffff, v23;
	(v2sf) =	vpush v22, $0xF  }
0xda: {  	vm10 =	veq.s32 v38, $0xA;
	vm11 =	veq.s32 v38, $0xB;
	[smem:$0x35] =	sst s22;
	v22, _, _ =	vpop (xrf0);
	s29 =	sadd.s32 s24, s30;
	(xrf0) =	vmax.scan.msk.u32 $0xffff, v31  }
0xdb: {  	vm2 =	vmand vm0, vm11;
	vm1 =	vmand vm0, vm10;
	s31 =	sld [smem:$0x36];
	s30 =	sadd.s32 $0x80000000, s29;
	v23, _, _ =	vpop (xrf0)  }
0xdc: {  	v57 =	vmpcnt.ones.xlane vm1;
	s1 =	sadd.s32 s12, s1;
	v31 =	vxor.u32 $0x80000000, v30;
	[smem:$0x2B] =	sst s30;
	v30, _, _ =	vpop (xrf0);
	(v2sf) =	vpush v23, $0xF  }
0xdd: {  	vm12 =	veq.s32 v38, $0xC;
	v58 =	vmpcnt.ones.xlane vm2;
	s1 =	sadd.s32 $0x80000000, s1;
	s12 =	sld [smem:$0x2C];
	v59, _, _ =	vpop (xrf0)  }
0xde: {  	p4 =	sne.s32 s17, $0x1;
	vm14 =	veq.s32 v38, $0xE;
	(xrf0) =	vmax.scan.msk.u32 $0xffff, v31;
	v31 =	vxor.u32 $0x80000000, v57;
	[smem:$0x31] =	sst s1;
	s15 =	sadd.s32 s15, s31;
	(v2sf) =	vpush v22, $0xF;
	v23, _, _ =	vpop (xrf0)  }
0xdf: {  	vm13 =	veq.s32 v38, $0xD;
	vm3 =	vmand vm0, vm14;
	v60 =	vxor.u32 $0x80000000, v58;
	s22 =	spop (v2sf);
	s24 =	sld [smem:$0x32];
	s1 =	sadd.s32 $0x80000000, s15;
	(xrf0) =	vmax.scan.msk.u32 $0xffff, v31;
	v22, _, _ =	vpop (xrf0)  }
.Ltmp7:
0xe0: {  	v41 =	vmpcnt.ones.xlane vm3;
	vm1 =	vmand vm0, vm12;
	[smem:$0x36] =	sst s1;
	(v2sf) =	vpush v36, $0xF;
	s15 =	sadd.s32 s22, s12;
	v62, _, _ =	vpop (xrf0);
	(xrf0) =	vmax.scan.msk.u32 $0xffff, v60;
	(pc) =	sbr.rel @!p4 .LBB2_11-.Ltmp7, $4  }
0xe1: {  	s17 =	sadd.s32 $0xFFFFFFFF, s17;
	vm15 =	veq.s32 v38, $0xF;
	vm2 =	vmand vm0, vm13;
	v61 =	vmpcnt.ones.xlane vm1;
	s30 =	sld [smem:$0x37];
	s29 =	sadd.s32 $0x80000000, s15  }
0xe2: {  	p3 =	por $0x1, $0x1;
	v32 =	vxor.u32 $0x80000000, v41;
	v31 =	vmpcnt.ones.xlane vm2;
	s31 =	sadd.s32 s9, s24;
	(v2sf) =	vpush v62, $0xF;
	[smem:$0x2C] =	sst s29  }
0xe3: {  	vm0 =	vmand vm0, vm15;
	s19 =	sadd.s32 s10, s11;
	v63 =	vxor.u32 $0x80000000, v61;
	s1 =	sadd.s32 $0x80000000, s31;
	(xrf0) =	vmax.scan.msk.u32 $0xffff, v39;
	(v2sf) =	vpush v37, $0xF;
	s11 =	sld [smem:$0x2D]  }
0xe4: {  	v34 =	vmpcnt.ones.xlane vm0;
	v31 =	vxor.u32 $0x80000000, v31;
	s9 =	simm.s32 $0x4140;
	v36, _, _ =	vpop (xrf0);
	[smem:$0x32] =	sst s1;
	s10 =	sadd.s32 s13, s30;
	(xrf0) =	vmax.scan.msk.u32 $0xffff, v63;
	(v2sf) =	vpush v59, $0xF  }
.LBB2_12:
0xe5: {  	v37 =	vld [tilespmem:s9+$0x0];
	s1 =	sld [smem:$0x28];
	v38, _, _ =	vpop (xrf0);
	(xrf0) =	vmax.scan.msk.u32 $0xffff, v31;
	s13 =	spop (v2sf);
	(v2sf) =	vpush v27, $0xF;
	s10 =	sadd.s32 $0x80000000, s10;
	v27 =	vmov v35  }
0xe6: {  	p4 =	sne.s32 s17, $0x1;
	v31 =	vxor.u32 $0x80000000, v34;
	v34, _, _ =	vpop (xrf0);
	(xrf0) =	vmax.scan.msk.u32 $0xffff, v32;
	s11 =	sadd.s32 s13, s11;
	(v2sf) =	vpush v26, $0xF;
	[smem:$0x37] =	sst s10;
	v26 =	vmov v33  }
0xe7: {  	s10 =	spop (v2sf);
	(xrf0) =	vmax.scan.msk.u32 $0xffff, v31;
	s11 =	sadd.s32 $0x80000000, s11;
	(v2sf) =	vpush v29, $0xF;
	s13 =	sld [smem:$0x33];
	v29 =	vmov v34  }
0xe8: {  	s1 =	sadd.s32 s10, s1;
	[smem:$0x2D] =	sst s11;
	s10 =	spop (v2sf);
	(v2sf) =	vpush v28, $0xF;
	v28 =	vmov v38  }
0xe9: {  	s15 =	sadd.s32 $0x80000000, s19;
	s1 =	sadd.s32 $0x80000000, s1;
	v31, _, _ =	vpop (xrf0);
	s11 =	sld [smem:$0x2E];
	(v2sf) =	vpush v21, $0xF;
	v21 =	vmov v36  }
0xea: {  	s23 =	sadd.s32 $0x10, s23;
	v32 =	vsub.s32 v37, v1;
	[smem:$0x28] =	sst s1;
	(v2sf) =	vpush v31, $0xF;
	v31, _, _ =	vpop (xrf0);
	s0 =	sadd.s32 s0, s13  }
0xeb: {  	v36 =	vor.u32 s23, v2;
	v32 =	vshrl.u32 v32, $0xB;
	s1 =	sld [smem:$0x29];
	(v2sf) =	vpush v30, $0xF;
	s13 =	spop (v2sf);
	v33, _, _ =	vpop (xrf0);
	s0 =	sadd.s32 $0x80000000, s0  }
0xec: {  	vm0 =	vlt.s32 v36, v18;
	vm1 =	veq.s32 v32, $0x0;
	vm2 =	veq.s32 v32, $0x4;
	s19 =	sadd.s32 s13, s15;
	v35, _, _ =	vpop (xrf0);
	s10 =	sadd.s32 s10, s11;
	[smem:$0x33] =	sst s0  }
0xed: {  	vm4 =	veq.s32 v32, $0x1;
	vm3 =	vmand vm0, vm1;
	vm1 =	vmand vm0, vm2;
	s0 =	spop (v2sf);
	v34, _, _ =	vpop (xrf0);
	s10 =	sadd.s32 $0x80000000, s10;
	s11 =	sld [smem:$0x34]  }
0xee: {  	s17 =	sadd.s32 $0xFFFFFFFF, s17;
	vm2 =	vmand vm0, vm4;
	v30 =	vmpcnt.ones.xlane vm3;
	vm3 =	veq.s32 v32, $0x2;
	s0 =	sadd.s32 s0, s1;
	[smem:$0x2E] =	sst s10  }
0xef: {  	vm5 =	veq.s32 v32, $0x7;
	vm4 =	veq.s32 v32, $0x3;
	vm3 =	vmand vm0, vm3;
	s0 =	sadd.s32 $0x80000000, s0;
	[smem:$0x2F] =	sst s15;
	s1 =	spop (v2sf)  }
0xf0: {  	vm5 =	vmand vm0, vm5;
	vm4 =	vmand vm0, vm4;
	v30 =	vxor.u32 $0x80000000, v30;
	[smem:$0x29] =	sst s0;
	s0 =	sadd.s32 s1, s11  }
0xf1: {  	v36 =	vmpcnt.ones.xlane vm2;
	vm2 =	veq.s32 v32, $0x5;
	v37 =	vmpcnt.ones.xlane vm4;
	(xrf0) =	vmax.scan.msk.u32 $0xffff, v30;
	s1 =	sld [smem:$0x2A];
	s15 =	spop (v2sf);
	s0 =	sadd.s32 $0x80000000, s0  }
0xf2: {  	v38 =	vmpcnt.ones.xlane vm5;
	v30 =	vmpcnt.ones.xlane vm1;
	vm1 =	vmand vm0, vm2;
	s11 =	sld [smem:$0x30];
	s10 =	spop (v2sf)  }
0xf3: {  	v36 =	vxor.u32 $0x80000000, v36;
	v39 =	vmpcnt.ones.xlane vm3;
	v37 =	vxor.u32 $0x80000000, v37;
	s13 =	spop (v2sf);
	[smem:$0x34] =	sst s0  }
0xf4: {  	v38 =	vxor.u32 $0x80000000, v38;
	v40 =	vmpcnt.ones.xlane vm1;
	v30 =	vxor.u32 $0x80000000, v30;
	(xrf0) =	vmax.scan.msk.u32 $0xffff, v36;
	s0 =	sadd.s32 s13, s1;
	s1 =	sld [smem:$0x35];
	s13 =	spop (v2sf)  }
0xf5: {  	vm2 =	veq.s32 v32, $0x8;
	vm1 =	veq.s32 v32, $0x6;
	v36 =	vxor.u32 $0x80000000, v39;
	(xrf0) =	vmax.scan.msk.u32 $0xffff, v38;
	s0 =	sadd.s32 $0x80000000, s0;
	s2 =	sadd.s32 s2, s11;
	s22 =	spop (v2sf)  }
0xf6: {  	vm1 =	vmand vm0, vm1;
	v38 =	vxor.u32 $0x80000000, v40;
	(xrf0) =	vmax.scan.msk.u32 $0xffff, v30;
	[smem:$0x2A] =	sst s0;
	(v2sf) =	vpush v23, $0xF;
	s2 =	sadd.s32 $0x80000000, s2;
	s0 =	spop (v2sf)  }
0xf7: {  	v23 =	vmpcnt.ones.xlane vm1;
	vm1 =	vmand vm0, vm2;
	vm2 =	veq.s32 v32, $0x9;
	v30, _, _ =	vpop (xrf0);
	(xrf0) =	vmax.scan.msk.u32 $0xffff, v36;
	s29 =	sld [smem:$0x2B];
	s11 =	spop (v2sf);
	s1 =	sadd.s32 s22, s1  }
0xf8: {  	v39 =	vmpcnt.ones.xlane vm1;
	vm1 =	vmand vm0, vm2;
	(v2sf) =	vpush v30, $0xF;
	(xrf0) =	vmax.scan.msk.u32 $0xffff, v38;
	[smem:$0x30] =	sst s2;
	s22 =	spop (v2sf);
	s1 =	sadd.s32 $0x80000000, s1  }
0xf9: {  	v23 =	vxor.u32 $0x80000000, v23;
	v40 =	vmpcnt.ones.xlane vm1;
	s2 =	smov.u32 s15;
	s30 =	spop (v2sf);
	(v2sf) =	vpush v22, $0xF;
	s31 =	sld [smem:$0x31]  }
0xfa: {  	vm2 =	veq.s32 v32, $0xB;
	vm1 =	veq.s32 v32, $0xA;
	v22 =	vxor.u32 $0x80000000, v39;
	v36, _, _ =	vpop (xrf0);
	(xrf0) =	vmax.scan.msk.u32 $0xffff, v23;
	s15 =	sadd.s32 s30, s29;
	s29 =	spop (v2sf);
	[smem:$0x35] =	sst s1  }
0xfb: {  	vm2 =	vmand vm0, vm2;
	vm1 =	vmand vm0, vm1;
	v23 =	vxor.u32 $0x80000000, v40;
	v38, _, _ =	vpop (xrf0);
	(xrf0) =	vmax.scan.msk.u32 $0xffff, v22;
	s1 =	sadd.s32 $0x80000000, s15;
	s15 =	sld [smem:$0x36]  }
0xfc: {  	v39 =	vmpcnt.ones.xlane vm2;
	v22 =	vmpcnt.ones.xlane vm1;
	v30, _, _ =	vpop (xrf0);
	(v2sf) =	vpush v38, $0xF;
	(xrf0) =	vmax.scan.msk.u32 $0xffff, v23;
	[smem:$0x2B] =	sst s1;
	s1 =	sadd.s32 s22, s31  }
0xfd: {  	vm3 =	veq.s32 v32, $0xE;
	vm2 =	veq.s32 v32, $0xD;
	vm1 =	veq.s32 v32, $0xC;
	v38, _, _ =	vpop (xrf0);
	s22 =	sld [smem:$0x2C];
	s1 =	sadd.s32 $0x80000000, s1  }
0xfe: {  	v39 =	vxor.u32 $0x80000000, v39;
	v41 =	vxor.u32 $0x80000000, v22;
	(v2sf) =	vpush v36, $0xF;
	v23, _, _ =	vpop (xrf0);
	[smem:$0x31] =	sst s1;
	s1 =	sadd.s32 s13, s15  }
0xff: {  	vm3 =	vmand vm0, vm3;
	vm2 =	vmand vm0, vm2;
	vm1 =	vmand vm0, vm1;
	(xrf0) =	vmax.scan.msk.u32 $0xffff, v41;
	s13 =	sld [smem:$0x32];
	s1 =	sadd.s32 $0x80000000, s1  }
.Ltmp8:
0x100: {  	v40 =	vmpcnt.ones.xlane vm2;
	v42 =	vmpcnt.ones.xlane vm1;
	v22, _, _ =	vpop (xrf0);
	(xrf0) =	vmax.scan.msk.u32 $0xffff, v39;
	s15 =	sadd.s32 s29, s22;
	(v2sf) =	vpush v24, $0xF;
	[smem:$0x36] =	sst s1;
	(pc) =	sbr.rel @p4 .LBB2_12-.Ltmp8, $4  }
0x101: {  	vm1 =	veq.s32 v32, $0xF;
	v39 =	vmpcnt.ones.xlane vm3;
	v24 =	vmov v31;
	v32, _, _ =	vpop (xrf0);
	s1 =	sadd.s32 $0x80000000, s15;
	s15 =	sld [smem:$0x37]  }
0x102: {  	v41 =	vxor.u32 $0x80000000, v42;
	v31 =	vxor.u32 $0x80000000, v40;
	(v2sf) =	vpush v32, $0xF;
	v36, _, _ =	vpop (xrf0);
	[smem:$0x2C] =	sst s1;
	s1 =	sadd.s32 s11, s13  }
0x103: {  	vm0 =	vmand vm0, vm1;
	v32 =	vxor.u32 $0x80000000, v39;
	(xrf0) =	vmax.scan.msk.u32 $0xffff, v37;
	s11 =	sld [smem:$0x2D];
	s1 =	sadd.s32 $0x80000000, s1;
	(v2sf) =	vpush v25, $0xF;
	v25 =	vmovc v34  }
0x104: {  	s9 =	sadd.s32 $0x10, s9;
	v34 =	vmpcnt.ones.xlane vm0;
	(v2sf) =	vpush v38, $0xF;
	(xrf0) =	vmax.scan.msk.u32 $0xffff, v41;
	[smem:$0x32] =	sst s1;
	s10 =	sadd.s32 s10, s15  }
0x105: {  	v18 =	vmov v27  }
0x106: {  	v39 =	vmovc v26;
	v38 =	vmovc v21;
	v27 =	vmov v35;
	v26 =	vmov v33;
	v21 =	vmov v36  }
.LBB2_14:
0x107: {  	s1 =	sld [smem:$0x28];
	s9 =	spop @p1 (v2sf);
	(v2sf) =	vpush @p2 v18, $0xF  }
0x108: {  	s9 =	sadd.s32 @p1 s9, s11;
	(v2sf) =	vpush @p2 v39, $0xF  }
0x109: {  	v18, _, _ =	vpop (xrf0);
	s13 =	sld @p2 [smem:$0x33];
	s23 =	spop (v2sf);
	s9 =	sadd.s32 @p1 $0x80000000, s9;
	(v2sf) =	vpush @p1 v29, $0xF  }
0x10a: {  	v61, _, _ =	vpop (xrf0);
	s1 =	sadd.s32 s23, s1;
	[smem:$0x2D] =	sst @p1 s9;
	(v2sf) =	vpush @p1 v28, $0xF  }
0x10b: {  	v62, _, _ =	vpop (xrf0);
	s1 =	sadd.s32 $0x80000000, s1;
	s9 =	sld @p1 [smem:$0x2E];
	(v2sf) =	vpush @p1 v38, $0xF  }
0x10c: {  	s10 =	sadd.s32 @p3 $0x80000000, s10;
	[smem:$0x28] =	sst s1;
	(v2sf) =	vpush v62, $0xF  }
0x10d: {  	s11 =	sadd.s32 @p2 s0, s13;
	s1 =	spop @p1 (v2sf);
	s24 =	sld [smem:$0x29]  }
0x10e: {  	[smem:$0x37] =	sst @p3 s10;
	s10 =	sadd.s32 @p2 $0x80000000, s11;
	s0 =	spop (v2sf)  }
0x10f: {  	[smem:$0x33] =	sst @p2 s10;
	s1 =	sadd.s32 @p1 s1, s9;
	s29 =	spop (v2sf)  }
0x110: {  	s11 =	sld @p2 [smem:$0x34];
	s1 =	sadd.s32 @p1 $0x80000000, s1;
	s9 =	sadd.s32 s29, s24  }
0x111: {  	[smem:$0x2E] =	sst @p1 s1;
	s30 =	sadd.s32 $0x80000000, s9  }
0x112: {  	s13 =	spop @p2 (v2sf);
	[smem:$0x29] =	sst s30  }
0x113: {  	s10 =	sadd.s32 @p1 $0x80000000, s19;
	(v2sf) =	vpush v30, $0xF;
	s9 =	spop (v2sf);
	s1 =	sld [smem:$0x2A]  }
0x114: {  	s11 =	sadd.s32 @p2 s13, s11;
	[smem:$0x2F] =	sst @p1 s10;
	s13 =	spop @p2 (v2sf)  }
0x115: {  	s11 =	sadd.s32 @p2 $0x80000000, s11;
	s15 =	sld @p1 [smem:$0x30];
	s17 =	spop (v2sf)  }
0x116: {  	[smem:$0x34] =	sst @p2 s11;
	s1 =	sadd.s32 s17, s1;
	s11 =	spop @p2 (v2sf)  }
0x117: {  	s17 =	sld @p2 [smem:$0x35];
	s1 =	sadd.s32 $0x80000000, s1;
	s19 =	spop @p2 (v2sf)  }
0x118: {  	[smem:$0x2A] =	sst s1;
	s1 =	spop @p1 (v2sf)  }
0x119: {  	(v2sf) =	vpush v23, $0xF;
	s2 =	sadd.s32 @p1 s2, s15;
	s31 =	sld [smem:$0x2B];
	s22 =	spop @p1 (v2sf)  }
0x11a: {  	s2 =	sadd.s32 @p1 $0x80000000, s2;
	s17 =	sadd.s32 @p2 s19, s17;
	s19 =	spop @p1 (v2sf)  }
0x11b: {  	[smem:$0x30] =	sst @p1 s2;
	s2 =	sadd.s32 @p2 $0x80000000, s17;
	s12 =	spop (v2sf)  }
0x11c: {  	[smem:$0x35] =	sst @p2 s2;
	s15 =	sadd.s32 s12, s31  }
0x11d: {  	s2 =	sld @p1 [smem:$0x31];
	s15 =	sadd.s32 $0x80000000, s15  }
0x11e: {  	[smem:$0x2B] =	sst s15  }
0x11f: {  	(v2sf) =	vpush v22, $0xF;
	s15 =	sld @p2 [smem:$0x36]  }
0x120: {  	s2 =	sadd.s32 @p1 s19, s2;
	s23 =	sld [smem:$0x2C]  }
0x121: {  	s2 =	sadd.s32 @p1 $0x80000000, s2  }
0x122: {  	s24 =	spop (v2sf);
	[smem:$0x31] =	sst @p1 s2;
	s11 =	sadd.s32 @p2 s11, s15  }
0x123: {  	s15 =	sld @p1 [smem:$0x32];
	s11 =	sadd.s32 @p2 $0x80000000, s11;
	s2 =	sadd.s32 s24, s23  }
0x124: {  	(v2sf) =	vpush @p1 v24, $0xF;
	[smem:$0x36] =	sst @p2 s11;
	s2 =	sadd.s32 $0x80000000, s2  }
0x125: {  	[smem:$0x2C] =	sst s2  }
0x126: {  	v22 =	vmov @p1 v27;
	s2 =	sld [smem:$0x2D]  }
0x127: {  	v23 =	vmov @p1 v26;
	v20 =	vpsel p1, v22, v20;
	(v2sf) =	vpush @p1 v25, $0xF;
	s11 =	sld @p2 [smem:$0x37];
	s15 =	sadd.s32 @p1 s22, s15  }
0x128: {  	v19 =	vpsel p1, v23, v19;
	(v2sf) =	vpush @p1 v20, $0xF;
	s29 =	spop (v2sf);
	s15 =	sadd.s32 @p1 $0x80000000, s15  }
0x129: {  	(v2sf) =	vpush @p1 v19, $0xF;
	[smem:$0x32] =	sst @p1 s15;
	s2 =	sadd.s32 s29, s2  }
0x12a: {  	(v2sf) =	vpush v61, $0xF;
	s11 =	sadd.s32 @p2 s13, s11;
	s13 =	sld @p1 [smem:$0x33];
	s2 =	sadd.s32 $0x80000000, s2  }
0x12b: {  	(v2sf) =	vpush v18, $0xF;
	[smem:$0x2D] =	sst s2  }
0x12c: {  	s16 =	smov.u32 @p1 s1;
	(v2sf) =	vpush v21, $0xF;
	s11 =	smov.u32 @p2 s11;
	s30 =	sld [smem:$0x2E]  }
0x12d: {  	s2 =	sadd.s32 @p2 $0x80000000, s11;
	s11 =	sadd.s32 @p1 s16, s13  }
0x12e: {  	s31 =	spop (v2sf);
	[smem:$0x37] =	sst @p2 s2;
	s11 =	sadd.s32 @p1 $0x80000000, s11  }
0x12f: {  	s8 =	smov.u32 @p1 s10;
	[smem:$0x33] =	sst @p1 s11;
	s1 =	sadd.s32 s31, s30  }
0x130: {  	s0 =	sadd.s32 s0, s8;
	s2 =	sld @p1 [smem:$0x34];
	s1 =	sadd.s32 $0x80000000, s1  }
0x131: {  	s16 =	sadd.s32 $0x80000000, s0;
	[smem:$0x2E] =	sst s1  }
0x132: {  	[smem:$0x2F] =	sst s16  }
0x133: {  	s1 =	spop @p1 (v2sf);
	s8 =	sld [smem:$0x30]  }
0x134: {  	s1 =	sadd.s32 @p1 s1, s2  }
0x135: {  	s1 =	sadd.s32 @p1 $0x80000000, s1  }
0x136: {  	s2 =	spop @p1 (v2sf);
	[smem:$0x34] =	sst @p1 s1;
	s11 =	sadd.s32 s9, s8  }
0x137: {  	s10 =	spop @p1 (v2sf);
	s9 =	sld @p1 [smem:$0x35];
	s1 =	sadd.s32 $0x80000000, s11  }
0x138: {  	s11 =	spop @p1 (v2sf);
	[smem:$0x30] =	sst s1  }
0x139: {  	(xrf0) =	vmax.scan.msk.u32 $0xffff, v31;
	s12 =	spop (v2sf);
	s15 =	sld [smem:$0x31]  }
0x13a: {  	(xrf0) =	vmax.scan.msk.u32 $0xffff, v32;
	v18 =	vxor.u32 $0x80000000, v34;
	s17 =	spop (v2sf);
	s9 =	sadd.s32 @p1 s11, s9  }
0x13b: {  	(xrf0) =	vmax.scan.msk.u32 $0xffff, v18;
	s19 =	spop (v2sf);
	s9 =	sadd.s32 @p1 $0x80000000, s9  }
0x13c: {  	[smem:$0x35] =	sst @p1 s9;
	s22 =	sadd.s32 s19, s15  }
0x13d: {  	v18, _, _ =	vpop (xrf0);
	s11 =	sld @p1 [smem:$0x36];
	s9 =	sadd.s32 $0x80000000, s22  }
0x13e: {  	(v2sf) =	vpush v18, $0xF;
	[smem:$0x31] =	sst s9  }
0x13f: {  	v18, _, _ =	vpop (xrf0);
	s9 =	sld [smem:$0x32]  }
0x140: {  	v19, _, _ =	vpop (xrf0);
	s10 =	sadd.s32 @p1 s10, s11  }
0x141: {  	v63, _, _ =	vpop (xrf0);
	s10 =	sadd.s32 @p1 $0x80000000, s10  }
0x142: {  	(v2sf) =	vpush v63, $0xF;
	[smem:$0x36] =	sst @p1 s10;
	s9 =	sadd.s32 s17, s9  }
0x143: {  	(v2sf) =	vpush v19, $0xF;
	s10 =	sld @p1 [smem:$0x37];
	s9 =	sadd.s32 $0x80000000, s9  }
0x144: {  	(v2sf) =	vpush v18, $0xF;
	[smem:$0x32] =	sst s9  }
0x145: {  	s9 =	sld [smem:$0x33]  }
0x146: {  	s2 =	sadd.s32 @p1 s2, s10  }
0x147: {  	s2 =	smov.u32 @p1 s2  }
0x148: {  	s2 =	sadd.s32 @p1 $0x80000000, s2;
	s1 =	sadd.s32 s12, s9  }
0x149: {  	[smem:$0x37] =	sst @p1 s2;
	s1 =	sadd.s32 $0x80000000, s1  }
0x14a: {  	[smem:$0x33] =	sst s1  }
0x14b: {  	s1 =	sld [smem:$0x34];
	_ =	sdelay $0x1  }
0x14c: {  	s23 =	spop (v2sf)  }
0x14d: {  	s1 =	sadd.s32 s23, s1  }
0x14e: {  	s1 =	sadd.s32 $0x80000000, s1  }
0x14f: {  	[smem:$0x34] =	sst s1  }
0x150: {  	s24 =	spop (v2sf);
	s29 =	sld [smem:$0x35]  }
0x151: {  	s30 =	spop (v2sf)  }
0x152: {  	s31 =	spop (v2sf)  }
0x153: {  	s2 =	sadd.s32 s31, s29  }
0x154: {  	s2 =	sadd.s32 $0x80000000, s2  }
0x155: {  	[smem:$0x35] =	sst s2  }
0x156: {  	s2 =	sld [smem:$0x36];
	_ =	sdelay $0x2  }
0x157: {  	s2 =	sadd.s32 s30, s2  }
0x158: {  	s2 =	sadd.s32 $0x80000000, s2  }
0x159: {  	[smem:$0x36] =	sst s2  }
0x15a: {  	s2 =	sld [smem:$0x37];
	_ =	sdelay $0x2  }
0x15b: {  	s1 =	sadd.s32 s24, s2  }
0x15c: {  	s1 =	sadd.s32 $0x80000000, s1  }
0x15d: {  	[smem:$0x37] =	sst s1  }
.LBB2_15:
0x15e: {  	[dreg:$0xe] =	wrdreg s6  }
0x15f: {  	s1 =	sld [smem:$0x28]  }
0x160: {  	[dreg:$0xd] =	wrdreg s5  }
0x161: {  	[smem:$0x8] =	sst s4  }
0x162: {  	[smem:$0x28] =	sst s4;
	s9 =	sadd.s32 $0xF, s1  }
0x163: {  	s10 =	sld [smem:$0x29];
	s2 =	sand.u32 $0xFFFFFFF0, s9  }
0x164: {  	s11 =	sshrl.u32 s9, $0x4;
	[smem:$0x29] =	sst s2  }
0x165: {  	[smem:$0x18] =	sst s11  }
0x166: {  	s31 =	sadd.s32 $0xF, s10;
	[smem:$0x9] =	sst s2  }
0x167: {  	s13 =	sand.u32 $0xFFFFFFF0, s31;
	s11 =	sshrl.u32 s31, $0x4;
	s0 =	sld [smem:$0x2A]  }
0x168: {  	[smem:$0x19] =	sst s11;
	s13 =	sadd.s32 s2, s13  }
0x169: {  	[smem:$0x2A] =	sst s13  }
0x16a: {  	[smem:$0xA] =	sst s13  }
0x16b: {  	s11 =	sld [smem:$0x2B]  }
0x16c: {  	s2 =	sadd.s32 s2, s10;
	[dreg:$0xf] =	wrdreg s0;
	s17 =	sadd.s32 $0xF, s0  }
0x16d: {  	v19 =	vadd.s32 s2, v2;
	s5 =	sand.u32 $0xFFFFFFF0, s17;
	s17 =	sshrl.u32 s17, $0x4;
	s2 =	rddreg [dreg:$0xf]  }
0x16e: {  	s15 =	sadd.s32 s13, s5;
	[smem:$0x1A] =	sst s17  }
0x16f: {  	[smem:$0x2B] =	sst s15  }
0x170: {  	s19 =	sadd.s32 $0xF, s11;
	[smem:$0xB] =	sst s15  }
0x171: {  	s8 =	sand.u32 $0xFFFFFFF0, s19;
	s30 =	sshrl.u32 s19, $0x4;
	s6 =	sld [smem:$0x2C]  }
0x172: {  	s17 =	sadd.s32 s15, s8;
	[smem:$0x1B] =	sst s30  }
0x173: {  	[smem:$0x2C] =	sst s17  }
0x174: {  	[smem:$0xC] =	sst s17;
	s29 =	sadd.s32 $0xF, s6  }
0x175: {  	s23 =	sld [smem:$0x2D];
	s22 =	sand.u32 $0xFFFFFFF0, s29  }
0x176: {  	[dreg:$0x10] =	wrdreg s6;
	s22 =	sadd.s32 s17, s22  }
0x177: {  	[smem:$0x2D] =	sst s22  }
0x178: {  	s15 =	sadd.s32 s15, s11;
	s19 =	sld [smem:$0x2E]  }
0x179: {  	v21 =	vadd.s32 s15, v2;
	s29 =	sshrl.u32 s29, $0x4;
	s15 =	rddreg [dreg:$0x10];
	s9 =	sadd.s32 $0xF, s23  }
0x17a: {  	[smem:$0x1C] =	sst s29;
	s12 =	sand.u32 $0xFFFFFFF0, s9  }
0x17b: {  	[smem:$0xD] =	sst s22;
	s8 =	sshrl.u32 s9, $0x4;
	s31 =	sadd.s32 $0xF, s19  }
0x17c: {  	s6 =	sadd.s32 s22, s12;
	[smem:$0x1D] =	sst s8;
	s24 =	sand.u32 $0xFFFFFFF0, s31  }
0x17d: {  	[smem:$0x2E] =	sst s6;
	s29 =	sadd.s32 s6, s24  }
0x17e: {  	[smem:$0x2F] =	sst s29  }
0x17f: {  	s30 =	sld [smem:$0x30]  }
0x180: {  	s8 =	sadd.s32 $0xF, s16;
	[smem:$0xE] =	sst s6;
	s31 =	sshrl.u32 s31, $0x4  }
0x181: {  	s12 =	sand.u32 $0xFFFFFFF0, s8;
	[smem:$0x1E] =	sst s31  }
0x182: {  	s12 =	sadd.s32 s29, s12;
	[smem:$0xF] =	sst s29;
	s0 =	sadd.s32 $0xF, s30  }
0x183: {  	[smem:$0x30] =	sst s12;
	s24 =	sand.u32 $0xFFFFFFF0, s0  }
0x184: {  	s5 =	sld [smem:$0x31];
	s24 =	sadd.s32 s12, s24  }
0x185: {  	[smem:$0x31] =	sst s24  }
0x186: {  	s8 =	sshrl.u32 s8, $0x4;
	s9 =	sld [smem:$0x32]  }
0x187: {  	[smem:$0x1F] =	sst s8;
	s0 =	sshrl.u32 s0, $0x4;
	s31 =	sadd.s32 $0xF, s5  }
0x188: {  	[smem:$0x20] =	sst s0;
	s8 =	sshrl.u32 s31, $0x4;
	s31 =	sand.u32 $0xFFFFFFF0, s31  }
0x189: {  	[smem:$0x21] =	sst s8;
	s31 =	sadd.s32 s24, s31;
	s0 =	sadd.s32 $0xF, s9  }
0x18a: {  	[smem:$0x32] =	sst s31;
	s8 =	sshrl.u32 s0, $0x4  }
0x18b: {  	[smem:$0x22] =	sst s8  }
0x18c: {  	s8 =	sld [smem:$0x33]  }
0x18d: {  	[smem:$0x10] =	sst s12;
	s0 =	sand.u32 $0xFFFFFFF0, s0  }
0x18e: {  	[smem:$0x11] =	sst s24;
	s0 =	sadd.s32 s31, s0  }
0x18f: {  	v18 =	vadd.s32 s1, v2;
	[smem:$0x33] =	sst s0;
	s10 =	sadd.s32 $0xF, s8  }
0x190: {  	s2 =	sadd.s32 s13, s2;
	s1 =	sld [smem:$0x34];
	s13 =	sand.u32 $0xFFFFFFF0, s10  }
0x191: {  	v20 =	vadd.s32 s2, v2;
	[smem:$0x12] =	sst s31;
	s11 =	sadd.s32 s0, s13  }
0x192: {  	s2 =	sadd.s32 s17, s15;
	s23 =	sadd.s32 s22, s23;
	[smem:$0x34] =	sst s11  }
0x193: {  	v22 =	vadd.s32 s2, v2;
	s6 =	sadd.s32 s6, s19;
	s15 =	sadd.s32 $0xF, s1;
	s17 =	sld [smem:$0x35]  }
0x194: {  	[tilespmem:v18+s4+$0x0] =	vst.idx.msk $0xffff, v12;
	v23 =	vadd.s32 s23, v2;
	[smem:$0x13] =	sst s0;
	s10 =	sshrl.u32 s10, $0x4;
	s19 =	sand.u32 $0xFFFFFFF0, s15  }
0x195: {  	[tilespmem:v19+s4+$0x0] =	vst.idx.msk $0xffff, v12;
	v18 =	vadd.s32 s6, v2;
	s22 =	sadd.s32 s29, s16;
	[smem:$0x23] =	sst s10;
	s2 =	sadd.s32 s11, s19  }
0x196: {  	[tilespmem:v20+s4+$0x0] =	vst.idx.msk $0xffff, v12;
	v19 =	vadd.s32 s22, v2;
	s23 =	sadd.s32 s12, s30;
	[smem:$0x35] =	sst s2;
	s12 =	sadd.s32 $0xF, s17  }
0x197: {  	[tilespmem:v21+s4+$0x0] =	vst.idx.msk $0xffff, v12;
	v58 =	vadd.s32 s23, v2;
	s5 =	sadd.s32 s24, s5;
	s30 =	sld [smem:$0x36];
	s29 =	sand.u32 $0xFFFFFFF0, s12  }
0x198: {  	[tilespmem:v22+s4+$0x0] =	vst.idx.msk $0xffff, v12;
	v59 =	vadd.s32 s5, v2;
	s31 =	sadd.s32 s31, s9;
	[smem:$0x14] =	sst s11;
	s6 =	sadd.s32 s2, s29  }
0x199: {  	[tilespmem:v23+s4+$0x0] =	vst.idx.msk $0xffff, v12;
	v60 =	vadd.s32 s31, v2;
	s0 =	sadd.s32 s0, s8;
	s1 =	sadd.s32 s11, s1;
	[smem:$0x36] =	sst s6  }
0x19a: {  	[tilespmem:v18+s4+$0x0] =	vst.idx.msk $0xffff, v12;
	v18 =	vadd.s32 s0, v2;
	s16 =	sshrl.u32 s15, $0x4;
	s5 =	sadd.s32 $0xF, s30;
	s11 =	sld [smem:$0x37]  }
0x19b: {  	[tilespmem:v19+s4+$0x0] =	vst.idx.msk $0xffff, v12;
	v19 =	vadd.s32 s1, v2;
	[smem:$0x24] =	sst s16;
	s17 =	sadd.s32 s2, s17;
	s19 =	sand.u32 $0xFFFFFFF0, s5  }
0x19c: {  	[tilespmem:v58+s4+$0x0] =	vst.idx.msk $0xffff, v12;
	[smem:$0x15] =	sst s2;
	v61 =	vadd.s32 s17, v2;
	s22 =	sadd.s32 s6, s30;
	s23 =	sadd.s32 s6, s19  }
0x19d: {  	[tilespmem:v59+s4+$0x0] =	vst.idx.msk $0xffff, v12;
	s24 =	sshrl.u32 s12, $0x4;
	s12 =	rddreg [dreg:$0xa];
	v62 =	vadd.s32 s22, v2;
	s29 =	sadd.s32 s23, s11  }
0x19e: {  	[tilespmem:v60+s4+$0x0] =	vst.idx.msk $0xffff, v12;
	[smem:$0x25] =	sst s24;
	v63 =	vadd.s32 s29, v2  }
.Ltmp9:
0x19f: {  	[tilespmem:v18+s4+$0x0] =	vst.idx.msk $0xffff, v12;
	[smem:$0x16] =	sst s6;
	s30 =	sshrl.u32 s5, $0x4;
	(pc) =	sbr.rel @p0 .LBB2_19-.Ltmp9, $4  }
0x1a0: {  	[tilespmem:v19+s4+$0x0] =	vst.idx.msk $0xffff, v12;
	[smem:$0x26] =	sst s30  }
0x1a1: {  	[smem:$0x17] =	sst s23;
	[tilespmem:v61+s4+$0x0] =	vst.idx.msk $0xffff, v12;
	s31 =	sadd.s32 $0xF, s11  }
0x1a2: {  	[smem:$0x37] =	sst s23;
	s0 =	sshrl.u32 s31, $0x4;
	[tilespmem:v62+s4+$0x0] =	vst.idx.msk $0xffff, v12  }
0x1a3: {  	[smem:$0x27] =	sst s0;
	[tilespmem:v63+s4+$0x0] =	vst.idx.msk $0xffff, v12  }
0x1a4: {  	s1 =	simm.s32 $0x4100  }
0x1a5: {  	v19 =	vld [tilespmem:s1+$0x0];
	_ =	sdelay $0x4  }
0x1a6: {  	s0 =	simm.s32 $0x0;
	s2 =	rddreg [dreg:$0xe];
	v20 =	vsub.s32 v19, v1  }
0x1a7: {  	v18 =	vmov s2;
	v22 =	vor.u32 s0, v2;
	v21 =	vshrl.u32 v20, $0xB  }
0x1a8: {  	vm6 =	vlt.s32 v22, v18;
	vm0 =	veq.s32 v21, $0x0  }
0x1a9: {  	vm5 =	vmand vm6, vm0  }
0x1aa: {  	v20 =	vsel vm5, $0x1, v11  }
0x1ab: {  	vm12 =	veq.s32 v21, $0x1;
	(xrf0) =	vadd.scan.msk.s32 $0xffff, v20  }
0x1ac: {  	vm13 =	veq.s32 v21, $0x2;
	vm4 =	vmand vm6, vm12  }
0x1ad: {  	vm14 =	veq.s32 v21, $0x3;
	vm3 =	vmand vm6, vm13;
	v20 =	vsel vm4, $0x1, v11  }
0x1ae: {  	vm1 =	veq.s32 v21, $0x4;
	vm2 =	vmand vm6, vm14;
	v22 =	vsel vm3, $0x1, v11;
	(xrf0) =	vadd.scan.msk.s32 $0xffff, v20  }
0x1af: {  	vm15 =	veq.s32 v21, $0x5;
	vm1 =	vmand vm6, vm1;
	v20 =	vsel vm2, $0x1, v11;
	(xrf0) =	vadd.scan.msk.s32 $0xffff, v22  }
0x1b0: {  	vm0 =	vmand vm6, vm15;
	v22 =	vsel vm1, $0x1, v11;
	(xrf0) =	vadd.scan.msk.s32 $0xffff, v20  }
0x1b1: {  	v20 =	vsel vm0, $0x1, v11;
	(xrf0) =	vadd.scan.msk.s32 $0xffff, v22;
	v26, _, _ =	vpop (xrf0)  }
0x1b2: {  	v23 =	vimm.s32 $0x0;
	(xrf0) =	vadd.scan.msk.s32 $0xffff, v20;
	v20 =	vxor.u32 $0x80000000, v26  }
0x1b3: {  	v23 =	vsel vm0, $0xFFFFFFFF, v23;
	(xrf0) =	vmax.scan.msk.u32 $0xffff, v20  }
0x1b4: {  	v25, _, _ =	vpop (xrf0)  }
0x1b5: {  	v24, _, _ =	vpop (xrf0)  }
0x1b6: {  	[tilespmem:$0x1FFF0] =	vst v23;
	v23, _, _ =	vpop (xrf0)  }
0x1b7: {  	v22, _, _ =	vpop (xrf0)  }
0x1b8: {  	v27 =	vxor.u32 $0x80000000, v25;
	v20, _, _ =	vpop (xrf0)  }
0x1b9: {  	(xrf0) =	vmax.scan.msk.u32 $0xffff, v27;
	v37, _, _ =	vpop (xrf0)  }
0x1ba: {  	(v2sf) =	vpush v37, $0xF;
	_ =	sdelay $0x3  }
0x1bb: {  	v38 =	vxor.u32 $0x80000000, v24  }
0x1bc: {  	(xrf0) =	vmax.scan.msk.u32 $0xffff, v38;
	v39, _, _ =	vpop (xrf0)  }
0x1bd: {  	(v2sf) =	vpush v39, $0xF;
	_ =	sdelay $0x3  }
0x1be: {  	v40 =	vxor.u32 $0x80000000, v23  }
0x1bf: {  	(xrf0) =	vmax.scan.msk.u32 $0xffff, v40;
	v41, _, _ =	vpop (xrf0)  }
0x1c0: {  	(v2sf) =	vpush v41, $0xF  }
0x1c1: {  	s2 =	sld [smem:$0x28];
	_ =	sdelay $0x1  }
0x1c2: {  	s5 =	spop (v2sf)  }
0x1c3: {  	v42 =	vxor.u32 $0x80000000, v22;
	s5 =	sadd.s32 s5, s2  }
0x1c4: {  	(xrf0) =	vmax.scan.msk.u32 $0xffff, v42;
	v43, _, _ =	vpop (xrf0);
	s31 =	sadd.s32 $0x80000000, s5  }
0x1c5: {  	vm7 =	veq.s32 v21, $0x6;
	(v2sf) =	vpush v43, $0xF;
	[smem:$0x28] =	sst s31  }
0x1c6: {  	vm7 =	vmand vm6, vm7;
	v44 =	vxor.u32 $0x80000000, v20;
	s9 =	sld [smem:$0x29]  }
0x1c7: {  	v45 =	vsel vm7, $0x1, v11;
	(xrf0) =	vmax.scan.msk.u32 $0xffff, v44  }
0x1c8: {  	(xrf0) =	vadd.scan.msk.s32 $0xffff, v45;
	s23 =	spop (v2sf)  }
0x1c9: {  	s5 =	sadd.s32 s23, s9  }
0x1ca: {  	v46, _, _ =	vpop (xrf0);
	s5 =	sadd.s32 $0x80000000, s5  }
0x1cb: {  	vm8 =	veq.s32 v21, $0x7;
	(v2sf) =	vpush v46, $0xF;
	[smem:$0x29] =	sst s5  }
0x1cc: {  	vm8 =	vmand vm6, vm8;
	s10 =	sld [smem:$0x2A]  }
0x1cd: {  	v29 =	vsel vm8, $0x1, v11;
	v28, _, _ =	vpop (xrf0)  }
0x1ce: {  	(xrf0) =	vadd.scan.msk.s32 $0xffff, v29;
	v27, _, _ =	vpop (xrf0);
	s24 =	spop (v2sf)  }
0x1cf: {  	v47 =	vxor.u32 $0x80000000, v27;
	s5 =	sadd.s32 s24, s10  }
0x1d0: {  	(xrf0) =	vmax.scan.msk.u32 $0xffff, v47;
	s5 =	sadd.s32 $0x80000000, s5  }
0x1d1: {  	vm9 =	veq.s32 v21, $0x8;
	(v2sf) =	vpush v28, $0xF;
	[smem:$0x2A] =	sst s5  }
0x1d2: {  	vm9 =	vmand vm6, vm9;
	s11 =	sld [smem:$0x2B]  }
0x1d3: {  	v48 =	vsel vm9, $0x1, v11  }
0x1d4: {  	v28, _, _ =	vpop (xrf0);
	(xrf0) =	vadd.scan.msk.s32 $0xffff, v48;
	s29 =	spop (v2sf)  }
0x1d5: {  	v49 =	vxor.u32 $0x80000000, v28;
	s5 =	sadd.s32 s29, s11  }
0x1d6: {  	v30, _, _ =	vpop (xrf0);
	(xrf0) =	vmax.scan.msk.u32 $0xffff, v49;
	s5 =	sadd.s32 $0x80000000, s5  }
0x1d7: {  	vm10 =	veq.s32 v21, $0x9;
	(v2sf) =	vpush v30, $0xF;
	[smem:$0x2B] =	sst s5  }
0x1d8: {  	vm10 =	vmand vm6, vm10;
	s13 =	sld [smem:$0x2C]  }
0x1d9: {  	v50 =	vsel vm10, $0x1, v11  }
0x1da: {  	v29, _, _ =	vpop (xrf0);
	(xrf0) =	vadd.scan.msk.s32 $0xffff, v50;
	s30 =	spop (v2sf)  }
0x1db: {  	v51 =	vxor.u32 $0x80000000, v29;
	s5 =	sadd.s32 s30, s13  }
0x1dc: {  	v31, _, _ =	vpop (xrf0);
	(xrf0) =	vmax.scan.msk.u32 $0xffff, v51;
	s5 =	sadd.s32 $0x80000000, s5  }
0x1dd: {  	vm11 =	veq.s32 v21, $0xA;
	(v2sf) =	vpush v31, $0xF;
	[smem:$0x2C] =	sst s5  }
0x1de: {  	vm11 =	vmand vm6, vm11;
	s16 =	sld [smem:$0x2D]  }
0x1df: {  	v52 =	vsel vm11, $0x1, v11  }
0x1e0: {  	v30, _, _ =	vpop (xrf0);
	(xrf0) =	vadd.scan.msk.s32 $0xffff, v52;
	s6 =	spop (v2sf)  }
0x1e1: {  	v53 =	vxor.u32 $0x80000000, v30;
	s5 =	sadd.s32 s6, s16  }
0x1e2: {  	v32, _, _ =	vpop (xrf0);
	(xrf0) =	vmax.scan.msk.u32 $0xffff, v53;
	s5 =	sadd.s32 $0x80000000, s5  }
0x1e3: {  	vm12 =	veq.s32 v21, $0xB;
	(v2sf) =	vpush v32, $0xF;
	[smem:$0x2D] =	sst s5  }
0x1e4: {  	vm12 =	vmand vm6, vm12;
	s17 =	sld [smem:$0x2E]  }
0x1e5: {  	v54 =	vsel vm12, $0x1, v11  }
0x1e6: {  	v31, _, _ =	vpop (xrf0);
	(xrf0) =	vadd.scan.msk.s32 $0xffff, v54;
	s8 =	spop (v2sf)  }
0x1e7: {  	v55 =	vxor.u32 $0x80000000, v31;
	s5 =	sadd.s32 s8, s17  }
0x1e8: {  	v33, _, _ =	vpop (xrf0);
	(xrf0) =	vmax.scan.msk.u32 $0xffff, v55;
	s5 =	sadd.s32 $0x80000000, s5  }
0x1e9: {  	vm13 =	veq.s32 v21, $0xC;
	(v2sf) =	vpush v33, $0xF;
	[smem:$0x2E] =	sst s5  }
0x1ea: {  	vm13 =	vmand vm6, vm13;
	s19 =	sld [smem:$0x2F]  }
0x1eb: {  	v56 =	vsel vm13, $0x1, v11  }
0x1ec: {  	v32, _, _ =	vpop (xrf0);
	(xrf0) =	vadd.scan.msk.s32 $0xffff, v56;
	s15 =	spop (v2sf)  }
0x1ed: {  	v57 =	vxor.u32 $0x80000000, v32;
	s5 =	sadd.s32 s15, s19  }
0x1ee: {  	v34, _, _ =	vpop (xrf0);
	(xrf0) =	vmax.scan.msk.u32 $0xffff, v57;
	s5 =	sadd.s32 $0x80000000, s5  }
0x1ef: {  	vm14 =	veq.s32 v21, $0xD;
	(v2sf) =	vpush v34, $0xF;
	[smem:$0x2F] =	sst s5  }
0x1f0: {  	vm14 =	vmand vm6, vm14;
	s23 =	sld [smem:$0x30]  }
0x1f1: {  	v58 =	vsel vm14, $0x1, v11  }
0x1f2: {  	s22 =	spop (v2sf);
	v33, _, _ =	vpop (xrf0);
	(xrf0) =	vadd.scan.msk.s32 $0xffff, v58  }
0x1f3: {  	v59 =	vxor.u32 $0x80000000, v33;
	s5 =	sadd.s32 s22, s23  }
0x1f4: {  	v35, _, _ =	vpop (xrf0);
	(xrf0) =	vmax.scan.msk.u32 $0xffff, v59;
	s5 =	sadd.s32 $0x80000000, s5  }
0x1f5: {  	vm15 =	veq.s32 v21, $0xE;
	(v2sf) =	vpush v35, $0xF;
	[smem:$0x30] =	sst s5  }
0x1f6: {  	vm15 =	vmand vm6, vm15;
	s15 =	sld [smem:$0x31]  }
0x1f7: {  	v60 =	vsel vm15, $0x1, v11  }
0x1f8: {  	v34, _, _ =	vpop (xrf0);
	(xrf0) =	vadd.scan.msk.s32 $0xffff, v60;
	s24 =	spop (v2sf)  }
0x1f9: {  	v61 =	vxor.u32 $0x80000000, v34;
	s5 =	sadd.s32 s24, s15  }
0x1fa: {  	v36, _, _ =	vpop (xrf0);
	(xrf0) =	vmax.scan.msk.u32 $0xffff, v61;
	s5 =	sadd.s32 $0x80000000, s5  }
0x1fb: {  	(v2sf) =	vpush v36, $0xF;
	[smem:$0x31] =	sst s5  }
0x1fc: {  	vm0 =	veq.s32 v21, $0xF;
	s22 =	sld [smem:$0x32]  }
0x1fd: {  	vm6 =	vmand vm6, vm0  }
0x1fe: {  	v21 =	vmov s2;
	v62 =	vsel vm6, $0x1, v11;
	v36, _, _ =	vpop (xrf0);
	s29 =	spop (v2sf)  }
0x1ff: {  	v21 =	vadd.s32 $0xFFFFFFFF, v21;
	(xrf0) =	vadd.scan.msk.s32 $0xffff, v62;
	v63 =	vxor.u32 $0x80000000, v36;
	s2 =	sadd.s32 s29, s22  }
0x200: {  	v21 =	vbroadcast v21, $0x0;
	v38, _, _ =	vpop (xrf0);
	(xrf0) =	vmax.scan.msk.u32 $0xffff, v63;
	s2 =	sadd.s32 $0x80000000, s2  }
0x201: {  	v37 =	vmov s9;
	(v2sf) =	vpush v38, $0xF;
	[smem:$0x32] =	sst s2  }
0x202: {  	v26 =	vadd.s32 v26, v21;
	v40 =	vadd.s32 $0xFFFFFFFF, v37;
	v21 =	vmov s10;
	s30 =	sld [smem:$0x33]  }
0x203: {  	v41 =	vadd.s32 $0xFFFFFFFF, v21;
	v35 =	vbroadcast v40, $0x0;
	s2 =	simm.s32 $0x8200  }
0x204: {  	v42 =	vbroadcast v41, $0x0;
	s10 =	spop (v2sf);
	v21 =	vld [tilespmem:s2+$0x0]  }
0x205: {  	v43 =	vmov s11;
	v57 =	vld [tilespmem:$0x1FFF0];
	v25 =	vadd.s32 v25, v35;
	v44, _, _ =	vpop (xrf0);
	s5 =	sadd.s32 s10, s30  }
0x206: {  	v24 =	vadd.s32 v24, v42;
	v45 =	vadd.s32 $0xFFFFFFFF, v43;
	v46, _, _ =	vpop (xrf0);
	s5 =	sadd.s32 $0x80000000, s5  }
0x207: {  	v39 =	vmov s13;
	v35 =	vbroadcast v45, $0x0;
	(v2sf) =	vpush v46, $0xF;
	[smem:$0x33] =	sst s5  }
0x208: {  	v47 =	vadd.s32 $0xFFFFFFFF, v39;
	[tilespmem:v26+s4+$0x0] =	vst.idx.msk vm5, v19;
	s5 =	sld [smem:$0x34]  }
0x209: {  	v48 =	vmov s16;
	v23 =	vadd.s32 v23, v35;
	[tilespmem:v26+s28+$0x0] =	vst.idx.msk vm5, v21;
	v26 =	vbroadcast v47, $0x0  }
0x20a: {  	v49 =	vadd.s32 $0xFFFFFFFF, v48;
	vm0 =	vnez.u8 v57;
	s6 =	spop (v2sf);
	[tilespmem:v25+s4+$0x0] =	vst.idx.msk vm4, v19  }
0x20b: {  	v50 =	vmov s17;
	[tilespmem:v25+s28+$0x0] =	vst.idx.msk vm4, v21;
	v22 =	vadd.s32 v22, v26;
	v25 =	vbroadcast v49, $0x0;
	s6 =	sadd.s32 s6, s5  }
0x20c: {  	v51 =	vadd.s32 $0xFFFFFFFF, v50;
	v53 =	vmov s19;
	v52 =	vxor.u32 $0x80000000, v44;
	[tilespmem:v24+s4+$0x0] =	vst.idx.msk vm3, v19;
	s6 =	sadd.s32 $0x80000000, s6  }
0x20d: {  	(xrf0) =	vmax.scan.msk.u32 $0xffff, v52;
	[tilespmem:v24+s28+$0x0] =	vst.idx.msk vm3, v21;
	v20 =	vadd.s32 v20, v25;
	v24 =	vbroadcast v51, $0x0;
	[smem:$0x34] =	sst s6  }
0x20e: {  	v54 =	vadd.s32 $0xFFFFFFFF, v53;
	[tilespmem:v23+s4+$0x0] =	vst.idx.msk vm2, v19;
	s6 =	sld [smem:$0x35]  }
0x20f: {  	v55 =	vbroadcast v54, $0x0;
	v56 =	vmov s23;
	[tilespmem:v23+s28+$0x0] =	vst.idx.msk vm2, v21;
	v23 =	vadd.s32 v27, v24  }
0x210: {  	s8 =	spop (v2sf);
	v25 =	vadd.s32 $0xFFFFFFFF, v56;
	[tilespmem:v22+s4+$0x0] =	vst.idx.msk vm1, v19  }
0x211: {  	v25 =	vbroadcast v25, $0x0;
	v24 =	vadd.s32 v28, v55;
	[tilespmem:v22+s28+$0x0] =	vst.idx.msk vm1, v21;
	v22 =	vmov s15;
	s8 =	sadd.s32 s8, s6  }
0x212: {  	v22 =	vadd.s32 $0xFFFFFFFF, v22;
	[tilespmem:v20+s4+$0x0] =	vst.idx.msk vm0, v19;
	s8 =	sadd.s32 $0x80000000, s8  }
0x213: {  	v58, _, _ =	vpop (xrf0);
	v25 =	vadd.s32 v29, v25;
	[tilespmem:v20+s28+$0x0] =	vst.idx.msk vm0, v21;
	v20 =	vmov s22;
	v22 =	vbroadcast v22, $0x0;
	[smem:$0x35] =	sst s8  }
0x214: {  	(v2sf) =	vpush v58, $0xF;
	v20 =	vadd.s32 $0xFFFFFFFF, v20;
	[tilespmem:v23+s4+$0x0] =	vst.idx.msk vm7, v19;
	s8 =	sld [smem:$0x36]  }
0x215: {  	[tilespmem:v23+s28+$0x0] =	vst.idx.msk vm7, v21;
	v22 =	vadd.s32 v30, v22;
	v20 =	vbroadcast v20, $0x0;
	v23 =	vmov s30  }
0x216: {  	s23 =	spop (v2sf);
	v23 =	vadd.s32 $0xFFFFFFFF, v23;
	[tilespmem:v24+s4+$0x0] =	vst.idx.msk vm8, v19  }
0x217: {  	v59 =	vmov s5;
	[tilespmem:v24+s28+$0x0] =	vst.idx.msk vm8, v21;
	v20 =	vadd.s32 v31, v20;
	v23 =	vbroadcast v23, $0x0;
	s24 =	sadd.s32 s23, s8  }
0x218: {  	v24 =	vadd.s32 $0xFFFFFFFF, v59;
	[tilespmem:v25+s4+$0x0] =	vst.idx.msk vm9, v19;
	s5 =	sadd.s32 $0x80000000, s24  }
0x219: {  	v60 =	vmov s6;
	v24 =	vbroadcast v24, $0x0;
	[tilespmem:v25+s28+$0x0] =	vst.idx.msk vm9, v21;
	v23 =	vadd.s32 v32, v23;
	[smem:$0x36] =	sst s5  }
0x21a: {  	v25 =	vadd.s32 $0xFFFFFFFF, v60;
	[tilespmem:v22+s4+$0x0] =	vst.idx.msk vm10, v19;
	s5 =	sld [smem:$0x37]  }
0x21b: {  	v62 =	vmov s8;
	v61 =	vbroadcast v25, $0x0;
	[tilespmem:v22+s28+$0x0] =	vst.idx.msk vm10, v21;
	v22 =	vadd.s32 v33, v24  }
0x21c: {  	v25 =	vadd.s32 $0xFFFFFFFF, v62;
	[tilespmem:v20+s4+$0x0] =	vst.idx.msk vm11, v19  }
0x21d: {  	v24 =	vadd.s32 v34, v61;
	[tilespmem:v20+s28+$0x0] =	vst.idx.msk vm11, v21;
	v20 =	vbroadcast v25, $0x0;
	v63 =	vmov s5  }
0x21e: {  	[tilespmem:v23+s4+$0x0] =	vst.idx.msk vm12, v19;
	v25 =	vadd.s32 $0xFFFFFFFF, v63  }
0x21f: {  	[tilespmem:v23+s28+$0x0] =	vst.idx.msk vm12, v21;
	v23 =	vadd.s32 v36, v20;
	v20 =	vbroadcast v25, $0x0  }
0x220: {  	s30 =	rddreg [dreg:$0xd];
	[tilespmem:v22+s4+$0x0] =	vst.idx.msk vm13, v19  }
0x221: {  	p0 =	sne.s32 s30, $0x1;
	[tilespmem:v22+s28+$0x0] =	vst.idx.msk vm13, v21;
	v20 =	vadd.s32 v44, v20  }
.Ltmp10:
0x222: {  	[tilespmem:v24+s4+$0x0] =	vst.idx.msk vm14, v19;
	(pc) =	sbr.rel @!p0 .LBB2_18-.Ltmp10, $4  }
0x223: {  	s29 =	spop (v2sf);
	[tilespmem:v24+s28+$0x0] =	vst.idx.msk vm14, v21  }
0x224: {  	s5 =	sadd.s32 s29, s5;
	[tilespmem:v23+s4+$0x0] =	vst.idx.msk vm15, v19  }
0x225: {  	s5 =	sadd.s32 $0x80000000, s5;
	[tilespmem:v23+s28+$0x0] =	vst.idx.msk vm15, v21  }
0x226: {  	s19 =	sadd.s32 $0xFFFFFFFF, s30;
	[smem:$0x37] =	sst s5;
	[tilespmem:v20+s4+$0x0] =	vst.idx.msk vm6, v19  }
.LBB2_17:
0x227: {  	[tilespmem:v20+s28+$0x0] =	vst.idx.msk vm6, v21;
	s1 =	sadd.s32 $0x10, s1  }
0x228: {  	v19 =	vld [tilespmem:s1+$0x0];
	_ =	sdelay $0x3  }
0x229: {  	v22 =	vmov s31  }
0x22a: {  	s0 =	sadd.s32 $0x10, s0;
	v25 =	vimm.s32 $0x0;
	v20 =	vadd.s32 $0xFFFFFFFF, v22;
	v21 =	vsub.s32 v19, v1  }
0x22b: {  	v22 =	vor.u32 s0, v2;
	v20 =	vbroadcast v20, $0x0;
	v21 =	vshrl.u32 v21, $0xB  }
0x22c: {  	vm6 =	vlt.s32 v22, v18;
	vm0 =	veq.s32 v21, $0x0;
	vm1 =	veq.s32 v21, $0x1  }
0x22d: {  	vm12 =	veq.s32 v21, $0x2;
	vm13 =	veq.s32 v21, $0x3;
	vm5 =	vmand vm6, vm0  }
0x22e: {  	vm14 =	veq.s32 v21, $0x4;
	vm15 =	veq.s32 v21, $0x5;
	v22 =	vsel vm5, $0x1, v11  }
0x22f: {  	vm7 =	veq.s32 v21, $0x6;
	vm8 =	veq.s32 v21, $0x7;
	vm4 =	vmand vm6, vm1;
	(xrf0) =	vadd.scan.msk.s32 $0xffff, v22  }
0x230: {  	vm10 =	veq.s32 v21, $0x8;
	vm2 =	vmand vm6, vm12;
	v23 =	vsel vm4, $0x1, v11  }
0x231: {  	vm9 =	veq.s32 v21, $0xC;
	vm3 =	vmand vm6, vm13;
	v24 =	vsel vm2, $0x1, v11;
	(xrf0) =	vadd.scan.msk.s32 $0xffff, v23  }
0x232: {  	vm11 =	veq.s32 v21, $0xF;
	vm1 =	vmand vm6, vm14;
	v22 =	vsel vm3, $0x1, v11;
	(xrf0) =	vadd.scan.msk.s32 $0xffff, v24  }
0x233: {  	vm0 =	vmand vm6, vm15;
	vm12 =	veq.s32 v21, $0x9;
	vm13 =	veq.s32 v21, $0xA;
	(xrf0) =	vadd.scan.msk.s32 $0xffff, v22  }
0x234: {  	vm15 =	veq.s32 v21, $0xB;
	vm14 =	veq.s32 v21, $0xD;
	v23 =	vsel vm1, $0x1, v11  }
0x235: {  	v25 =	vsel vm0, $0xFFFFFFFF, v25;
	v57 =	vsel vm0, $0x1, v11;
	vm0 =	veq.s32 v21, $0xE;
	(xrf0) =	vadd.scan.msk.s32 $0xffff, v23;
	v21, _, _ =	vpop (xrf0)  }
0x236: {  	(xrf0) =	vadd.scan.msk.s32 $0xffff, v57;
	v20 =	vadd.s32 v21, v20;
	v21 =	vxor.u32 $0x80000000, v21  }
0x237: {  	v23 =	vimm.s32 $0x0;
	v22, _, _ =	vpop (xrf0);
	(xrf0) =	vmax.scan.msk.u32 $0xffff, v21  }
0x238: {  	v23 =	vsel vm11, $0xFFFFFFFF, v23;
	v58, _, _ =	vpop (xrf0)  }
0x239: {  	[tilespmem:$0x1FFD0] =	vst v23;
	v23 =	vxor.u32 $0x80000000, v22;
	v26, _, _ =	vpop (xrf0)  }
0x23a: {  	(xrf0) =	vmax.scan.msk.u32 $0xffff, v23;
	v23 =	vxor.u32 $0x80000000, v26  }
0x23b: {  	v28 =	vxor.u32 $0x80000000, v58;
	v59, _, _ =	vpop (xrf0)  }
0x23c: {  	(xrf0) =	vmax.scan.msk.u32 $0xffff, v28;
	v21, _, _ =	vpop (xrf0)  }
0x23d: {  	(xrf0) =	vmax.scan.msk.u32 $0xffff, v23;
	v23, _, _ =	vpop (xrf0)  }
0x23e: {  	(v2sf) =	vpush v23, $0xF;
	_ =	sdelay $0x4  }
0x23f: {  	v23, _, _ =	vpop (xrf0)  }
0x240: {  	(v2sf) =	vpush v23, $0xF;
	_ =	sdelay $0x4  }
0x241: {  	v61, _, _ =	vpop (xrf0)  }
0x242: {  	(v2sf) =	vpush v61, $0xF  }
0x243: {  	v27 =	vxor.u32 $0x80000000, v59  }
0x244: {  	v60 =	vxor.u32 $0x80000000, v21;
	(xrf0) =	vmax.scan.msk.u32 $0xffff, v27  }
0x245: {  	(xrf0) =	vmax.scan.msk.u32 $0xffff, v60;
	s5 =	spop (v2sf)  }
0x246: {  	s5 =	sadd.s32 s5, s31  }
0x247: {  	v62, _, _ =	vpop (xrf0);
	s31 =	sadd.s32 $0x80000000, s5  }
0x248: {  	(v2sf) =	vpush v62, $0xF;
	[smem:$0x28] =	sst s31  }
0x249: {  	vm7 =	vmand vm6, vm7;
	s29 =	sld [smem:$0x29]  }
0x24a: {  	v23 =	vsel vm7, $0x1, v11;
	v29, _, _ =	vpop (xrf0)  }
0x24b: {  	v30, _, _ =	vpop (xrf0);
	(xrf0) =	vadd.scan.msk.s32 $0xffff, v23;
	s6 =	spop (v2sf)  }
0x24c: {  	v23 =	vmov s29;
	s5 =	sadd.s32 s6, s29  }
0x24d: {  	v23 =	vadd.s32 $0xFFFFFFFF, v23;
	s5 =	sadd.s32 $0x80000000, s5  }
0x24e: {  	(v2sf) =	vpush v29, $0xF;
	v23 =	vbroadcast v23, $0x0;
	[smem:$0x29] =	sst s5  }
0x24f: {  	vm8 =	vmand vm6, vm8;
	s5 =	sld [smem:$0x2A]  }
0x250: {  	v22 =	vadd.s32 v22, v23;
	v23 =	vsel vm8, $0x1, v11  }
0x251: {  	v63, _, _ =	vpop (xrf0);
	s30 =	spop (v2sf);
	(xrf0) =	vadd.scan.msk.s32 $0xffff, v23  }
0x252: {  	v34 =	vxor.u32 $0x80000000, v63;
	v23 =	vmov s5;
	s5 =	sadd.s32 s30, s5  }
0x253: {  	(xrf0) =	vmax.scan.msk.u32 $0xffff, v34;
	s5 =	sadd.s32 $0x80000000, s5  }
0x254: {  	(v2sf) =	vpush v30, $0xF;
	[smem:$0x2A] =	sst s5  }
0x255: {  	vm10 =	vmand vm6, vm10;
	s5 =	sld [smem:$0x2B]  }
0x256: {  	v35 =	vsel vm10, $0x1, v11  }
0x257: {  	s8 =	spop (v2sf);
	v36, _, _ =	vpop (xrf0);
	(xrf0) =	vadd.scan.msk.s32 $0xffff, v35  }
0x258: {  	v37 =	vmov s5;
	s5 =	sadd.s32 s8, s5;
	v38 =	vxor.u32 $0x80000000, v36  }
0x259: {  	v39, _, _ =	vpop (xrf0);
	s5 =	sadd.s32 $0x80000000, s5;
	(xrf0) =	vmax.scan.msk.u32 $0xffff, v38  }
0x25a: {  	(v2sf) =	vpush v39, $0xF;
	[smem:$0x2B] =	sst s5  }
0x25b: {  	vm12 =	vmand vm6, vm12;
	s5 =	sld [smem:$0x2C]  }
0x25c: {  	v40 =	vsel vm12, $0x1, v11  }
0x25d: {  	s9 =	spop (v2sf);
	v41, _, _ =	vpop (xrf0);
	(xrf0) =	vadd.scan.msk.s32 $0xffff, v40  }
0x25e: {  	v42 =	vmov s5;
	s5 =	sadd.s32 s9, s5;
	v43 =	vxor.u32 $0x80000000, v41  }
0x25f: {  	v24 =	vadd.s32 $0xFFFFFFFF, v37;
	s5 =	sadd.s32 $0x80000000, s5;
	v31, _, _ =	vpop (xrf0);
	(xrf0) =	vmax.scan.msk.u32 $0xffff, v43  }
0x260: {  	v24 =	vbroadcast v24, $0x0;
	[smem:$0x2C] =	sst s5;
	(v2sf) =	vpush v31, $0xF  }
0x261: {  	vm13 =	vmand vm6, vm13;
	s5 =	sld [smem:$0x2D]  }
0x262: {  	v44 =	vsel vm13, $0x1, v11;
	v24 =	vadd.s32 v26, v24;
	v26 =	vadd.s32 $0xFFFFFFFF, v42  }
0x263: {  	s10 =	spop (v2sf);
	v26 =	vbroadcast v26, $0x0;
	v45, _, _ =	vpop (xrf0);
	(xrf0) =	vadd.scan.msk.s32 $0xffff, v44  }
0x264: {  	v46 =	vmov s5;
	s5 =	sadd.s32 s10, s5;
	v47 =	vxor.u32 $0x80000000, v45  }
0x265: {  	[tilespmem:$0x1FFE0] =	vst v25;
	v25 =	vadd.s32 v59, v26;
	v26 =	vadd.s32 $0xFFFFFFFF, v46;
	s5 =	sadd.s32 $0x80000000, s5;
	v32, _, _ =	vpop (xrf0);
	(xrf0) =	vmax.scan.msk.u32 $0xffff, v47  }
0x266: {  	v26 =	vbroadcast v26, $0x0;
	[smem:$0x2D] =	sst s5;
	(v2sf) =	vpush v32, $0xF  }
0x267: {  	vm15 =	vmand vm6, vm15;
	s5 =	sld [smem:$0x2E]  }
0x268: {  	v26 =	vadd.s32 v21, v26;
	v21 =	vsel vm15, $0x1, v11  }
0x269: {  	s11 =	spop (v2sf);
	v48, _, _ =	vpop (xrf0);
	(xrf0) =	vadd.scan.msk.s32 $0xffff, v21  }
0x26a: {  	v21 =	vmov s5;
	s5 =	sadd.s32 s11, s5;
	v49 =	vxor.u32 $0x80000000, v48  }
0x26b: {  	v21 =	vadd.s32 $0xFFFFFFFF, v21;
	s5 =	sadd.s32 $0x80000000, s5;
	v33, _, _ =	vpop (xrf0);
	(xrf0) =	vmax.scan.msk.u32 $0xffff, v49  }
0x26c: {  	v21 =	vbroadcast v21, $0x0;
	[smem:$0x2E] =	sst s5  }
0x26d: {  	vm9 =	vmand vm6, vm9;
	s5 =	sld [smem:$0x2F]  }
0x26e: {  	v27 =	vadd.s32 v63, v21;
	v21 =	vsel vm9, $0x1, v11  }
0x26f: {  	s13 =	spop (v2sf);
	v50, _, _ =	vpop (xrf0);
	(xrf0) =	vadd.scan.msk.s32 $0xffff, v21  }
0x270: {  	v21 =	vmov s5;
	s5 =	sadd.s32 s13, s5;
	v51 =	vxor.u32 $0x80000000, v50  }
0x271: {  	v21 =	vadd.s32 $0xFFFFFFFF, v21;
	s5 =	sadd.s32 $0x80000000, s5;
	v34, _, _ =	vpop (xrf0);
	(xrf0) =	vmax.scan.msk.u32 $0xffff, v51  }
0x272: {  	(v2sf) =	vpush v33, $0xF;
	v21 =	vbroadcast v21, $0x0;
	[smem:$0x2F] =	sst s5  }
0x273: {  	vm14 =	vmand vm6, vm14;
	s5 =	sld [smem:$0x30]  }
0x274: {  	v28 =	vadd.s32 v36, v21;
	v21 =	vsel vm14, $0x1, v11  }
0x275: {  	s15 =	spop (v2sf);
	v52, _, _ =	vpop (xrf0);
	(xrf0) =	vadd.scan.msk.s32 $0xffff, v21  }
0x276: {  	v21 =	vmov s5;
	s5 =	sadd.s32 s15, s5;
	v53 =	vxor.u32 $0x80000000, v52  }
0x277: {  	v21 =	vadd.s32 $0xFFFFFFFF, v21;
	s5 =	sadd.s32 $0x80000000, s5;
	v35, _, _ =	vpop (xrf0);
	(xrf0) =	vmax.scan.msk.u32 $0xffff, v53  }
0x278: {  	v21 =	vbroadcast v21, $0x0;
	[smem:$0x30] =	sst s5  }
0x279: {  	vm11 =	vmand vm6, vm0;
	v56 =	vld [tilespmem:$0x1FFD0];
	s5 =	sld [smem:$0x31]  }
0x27a: {  	v29 =	vadd.s32 v41, v21;
	v21 =	vsel vm11, $0x1, v11  }
0x27b: {  	v54, _, _ =	vpop (xrf0);
	(xrf0) =	vadd.scan.msk.s32 $0xffff, v21  }
0x27c: {  	(v2sf) =	vpush v34, $0xF;
	v21 =	vmov s5;
	v55 =	vxor.u32 $0x80000000, v54  }
0x27d: {  	v21 =	vadd.s32 $0xFFFFFFFF, v21;
	v36, _, _ =	vpop (xrf0);
	(xrf0) =	vmax.scan.msk.u32 $0xffff, v55  }
0x27e: {  	vm0 =	vnez.u8 v56;
	v21 =	vbroadcast v21, $0x0  }
0x27f: {  	vm6 =	vmand vm6, vm0  }
0x280: {  	(v2sf) =	vpush v35, $0xF;
	v30 =	vadd.s32 v45, v21;
	v21 =	vsel vm6, $0x1, v11  }
0x281: {  	s16 =	spop (v2sf);
	(v2sf) =	vpush v36, $0xF;
	v57, _, _ =	vpop (xrf0);
	(xrf0) =	vadd.scan.msk.s32 $0xffff, v21  }
0x282: {  	v37 =	vxor.u32 $0x80000000, v57  }
0x283: {  	v38, _, _ =	vpop (xrf0);
	(xrf0) =	vmax.scan.msk.u32 $0xffff, v37;
	_ =	sdelay $0x1  }
0x284: {  	s2 =	sadd.s32 $0x10, s2  }
0x285: {  	v23 =	vadd.s32 $0xFFFFFFFF, v23;
	s5 =	sadd.s32 s16, s5;
	v21 =	vld [tilespmem:s2+$0x0]  }
0x286: {  	v23 =	vbroadcast v23, $0x0;
	s5 =	sadd.s32 $0x80000000, s5;
	v60, _, _ =	vpop (xrf0)  }
0x287: {  	[smem:$0x31] =	sst s5;
	v61 =	vxor.u32 $0x80000000, v60  }
0x288: {  	v23 =	vadd.s32 v58, v23;
	s5 =	sld [smem:$0x32];
	v62, _, _ =	vpop (xrf0);
	(xrf0) =	vmax.scan.msk.u32 $0xffff, v61  }
0x289: {  	[tilespmem:v20+s4+$0x0] =	vst.idx.msk vm5, v19  }
0x28a: {  	s17 =	spop (v2sf);
	[tilespmem:v20+s28+$0x0] =	vst.idx.msk vm5, v21  }
0x28b: {  	v58 =	vmov s5;
	s5 =	sadd.s32 s17, s5;
	[tilespmem:v22+s4+$0x0] =	vst.idx.msk vm4, v19  }
0x28c: {  	s5 =	sadd.s32 $0x80000000, s5;
	[tilespmem:v22+s28+$0x0] =	vst.idx.msk vm4, v21  }
0x28d: {  	[smem:$0x32] =	sst s5;
	(v2sf) =	vpush v38, $0xF;
	[tilespmem:v23+s4+$0x0] =	vst.idx.msk vm2, v19  }
0x28e: {  	s5 =	sld [smem:$0x33];
	s22 =	spop (v2sf);
	(v2sf) =	vpush v62, $0xF;
	[tilespmem:v23+s28+$0x0] =	vst.idx.msk vm2, v21;
	v23, _, _ =	vpop (xrf0)  }
0x28f: {  	s23 =	spop (v2sf);
	(v2sf) =	vpush v23, $0xF;
	v23 =	vld [tilespmem:$0x1FFE0];
	_ =	sdelay $0x1  }
0x290: {  	v20 =	vmov s5;
	s5 =	sadd.s32 s22, s5  }
0x291: {  	s5 =	sadd.s32 $0x80000000, s5  }
0x292: {  	[smem:$0x33] =	sst s5  }
0x293: {  	s5 =	sld [smem:$0x34];
	vm0 =	vnez.u8 v23;
	_ =	sdelay $0x1  }
0x294: {  	[tilespmem:v24+s4+$0x0] =	vst.idx.msk vm3, v19  }
0x295: {  	[tilespmem:v24+s28+$0x0] =	vst.idx.msk vm3, v21;
	v22 =	vmov s5;
	s5 =	sadd.s32 s23, s5  }
0x296: {  	[tilespmem:v25+s4+$0x0] =	vst.idx.msk vm1, v19;
	s5 =	sadd.s32 $0x80000000, s5  }
0x297: {  	[tilespmem:v25+s28+$0x0] =	vst.idx.msk vm1, v21;
	[smem:$0x34] =	sst s5  }
0x298: {  	s5 =	sld [smem:$0x35];
	[tilespmem:v26+s4+$0x0] =	vst.idx.msk vm0, v19  }
0x299: {  	[tilespmem:v26+s28+$0x0] =	vst.idx.msk vm0, v21  }
0x29a: {  	v36 =	vadd.s32 $0xFFFFFFFF, v58;
	s24 =	spop (v2sf);
	[tilespmem:v27+s4+$0x0] =	vst.idx.msk vm7, v19  }
0x29b: {  	v59 =	vbroadcast v36, $0x0;
	v23 =	vmov s5;
	s5 =	sadd.s32 s24, s5;
	[tilespmem:v27+s28+$0x0] =	vst.idx.msk vm7, v21  }
0x29c: {  	v20 =	vadd.s32 $0xFFFFFFFF, v20;
	s5 =	sadd.s32 $0x80000000, s5;
	[tilespmem:v28+s4+$0x0] =	vst.idx.msk vm8, v19  }
0x29d: {  	v31 =	vadd.s32 v48, v59;
	v20 =	vbroadcast v20, $0x0;
	[smem:$0x35] =	sst s5;
	[tilespmem:v28+s28+$0x0] =	vst.idx.msk vm8, v21  }
0x29e: {  	v22 =	vadd.s32 $0xFFFFFFFF, v22;
	s5 =	sld [smem:$0x36];
	[tilespmem:v29+s4+$0x0] =	vst.idx.msk vm10, v19  }
0x29f: {  	v20 =	vadd.s32 v50, v20;
	v22 =	vbroadcast v22, $0x0;
	[tilespmem:v29+s28+$0x0] =	vst.idx.msk vm10, v21  }
0x2a0: {  	v23 =	vadd.s32 $0xFFFFFFFF, v23;
	s29 =	spop (v2sf);
	[tilespmem:v30+s4+$0x0] =	vst.idx.msk vm12, v19  }
0x2a1: {  	v22 =	vadd.s32 v52, v22;
	v23 =	vbroadcast v23, $0x0;
	v63 =	vmov s5;
	s5 =	sadd.s32 s29, s5;
	[tilespmem:v30+s28+$0x0] =	vst.idx.msk vm12, v21  }
0x2a2: {  	v24 =	vadd.s32 $0xFFFFFFFF, v63;
	s5 =	sadd.s32 $0x80000000, s5;
	[tilespmem:v31+s4+$0x0] =	vst.idx.msk vm13, v19  }
0x2a3: {  	v23 =	vadd.s32 v54, v23;
	v24 =	vbroadcast v24, $0x0;
	[smem:$0x36] =	sst s5;
	[tilespmem:v31+s28+$0x0] =	vst.idx.msk vm13, v21  }
0x2a4: {  	s5 =	sld [smem:$0x37];
	[tilespmem:v20+s4+$0x0] =	vst.idx.msk vm15, v19  }
0x2a5: {  	[tilespmem:v20+s28+$0x0] =	vst.idx.msk vm15, v21;
	v20 =	vadd.s32 v57, v24  }
0x2a6: {  	[tilespmem:v22+s4+$0x0] =	vst.idx.msk vm9, v19  }
0x2a7: {  	[tilespmem:v22+s28+$0x0] =	vst.idx.msk vm9, v21;
	v22 =	vmov s5  }
0x2a8: {  	[tilespmem:v23+s4+$0x0] =	vst.idx.msk vm14, v19;
	v22 =	vadd.s32 $0xFFFFFFFF, v22  }
0x2a9: {  	[tilespmem:v23+s28+$0x0] =	vst.idx.msk vm14, v21;
	v22 =	vbroadcast v22, $0x0  }
0x2aa: {  	[tilespmem:v20+s4+$0x0] =	vst.idx.msk vm11, v19  }
0x2ab: {  	p0 =	sne.s32 s19, $0x1;
	[tilespmem:v20+s28+$0x0] =	vst.idx.msk vm11, v21;
	v20 =	vadd.s32 v60, v22  }
.Ltmp11:
0x2ac: {  	_ = 	snop;
	(pc) =	sbr.rel @p0 .LBB2_17-.Ltmp11, $4  }
0x2ad: {  	s30 =	spop (v2sf)  }
0x2ae: {  	s5 =	sadd.s32 s30, s5  }
0x2af: {  	s5 =	sadd.s32 $0x80000000, s5  }
0x2b0: {  	s19 =	sadd.s32 $0xFFFFFFFF, s19;
	[smem:$0x37] =	sst s5;
	[tilespmem:v20+s4+$0x0] =	vst.idx.msk vm6, v19  }
.LBB2_18:
0x2b1: {  	_ =	sdelay $0x4  }
0x2b2: {  	[tilespmem:v20+s28+$0x0] =	vst.idx.msk vm6, v21  }
.LBB2_19:
.Ltmp12:
0x2b3: {  	(pc) =	sbr.rel .LBB2_20-.Ltmp12, $4  }
0x2b4: {  	_ = 	snop  }
0x2b5: {  	s15 =	rddreg [dreg:$0x4]  }
0x2b6: {  	s16 =	rddreg [dreg:$0x5]  }
0x2b7: {  	s0 =	simm.s32 $0x0;
	s17 =	rddreg [dreg:$0x6];
	s13 =	simm.s32 $0x1  }
.LBB2_26:
0x2b8: {  	s1 =	sadd.s32 $0x2, s0  }
0x2b9: {  	p0 =	sge.u32 s1, s17  }
0x2ba: {  	s1 =	sadd.s32 @!p0 s15, s1  }
0x2bb: {  	s2 =	sshll.u32 @!p0 s0, $0xE;
	s6 =	simm.s32 @!p0 $0x7A1400;
	s1 =	sshll.u32 @!p0 s1, $0x7  }
0x2bc: {  	s5 =	simm.s32 @!p0 $0x400;
	s2 =	sand.u32 @!p0 $0x4000, s2;
	s1 =	sand.u32 @!p0 $0x1FFFFF80, s1  }
0x2bd: {  	s0 =	sadd.s32 $0x1, s0;
	s2 =	sor.u32 @!p0 $0x10400, s2;
	s1 =	sadd.s32 @!p0 s16, s1  }
0x2be: {  	[tilespmem:s2], [sflag:$0x1] =	stream.strided.gather @!p0 [hbm4b:s1+s5], $0x4000, s6, s5, $0x38;
	[tilespmem:$0x1C600] =	vst v63  }
0x2bf: {  	p0 =	sne.s32 s0, s12  }
.Ltmp13:
0x2c0: {  	_ = 	snop;
	(pc) =	sbr.rel @!p0 .LBB2_27-.Ltmp13, $1  }
0x2c1: {  	_ =	sdelay $0x3  }
.LBB2_20:
0x2c2: {  	_ =	swait.ge [sflag:s13], $0x4000  }
0x2c3: {  	[sflag:s13] =	ssyncset.done $0x0  }
0x2c4: {  	s2 =	sshrl.u32 s0, $0x4;
	[sflag:s13] =	ssyncadd.s32 $0xFFFFC000  }
0x2c5: {  	s1 =	sld [smem:s2+$0x18];
	_ =	sdelay $0x2  }
0x2c6: {  	p0 =	slt.s32 s1, $0x1  }
.Ltmp14:
0x2c7: {  	_ = 	snop;
	(pc) =	sbr.rel @p0 .LBB2_26-.Ltmp14, $1  }
0x2c8: {  	_ =	sdelay $0x3  }
0x2c9: {  	s5 =	sadd.s32 s15, s0  }
0x2ca: {  	s6 =	sshll.u32 s0, $0x7;
	s5 =	sshll.u32 s5, $0x7  }
0x2cb: {  	s6 =	sand.u32 $0x80, s6;
	s8 =	sadd.s32 $0x80, s5  }
0x2cc: {  	s2 =	sld [smem:s2+$0x8];
	v18 =	vmov s5;
	v20 =	vmov s6;
	s22 =	sor.u32 $0x10, s6;
	s23 =	sor.u32 $0x20, s6;
	v19 =	vmov s8  }
0x2cd: {  	s24 =	sor.u32 $0x30, s6;
	s29 =	sor.u32 $0x40, s6;
	s30 =	sor.u32 $0x50, s6;
	v21 =	vmov s22;
	v20 =	vshll.u32 v20, $0x7;
	v22 =	vmov s23  }
0x2ce: {  	s31 =	sor.u32 $0x60, s6;
	s6 =	sor.u32 $0x70, s6;
	v23 =	vmov s24;
	v24 =	vmov s29;
	v25 =	vmov s30  }
0x2cf: {  	v26 =	vmov s31;
	v27 =	vmov s6;
	v28 =	vmov s2  }
.Ltmp15:
0x2d0: {  	v20 =	vor.u32 v13, v20;
	v21 =	vshll.u32 v21, $0x7;
	v22 =	vshll.u32 v22, $0x7;
	(pc) =	sbr.rel .LBB2_22-.Ltmp15, $4  }
0x2d1: {  	v23 =	vshll.u32 v23, $0x7;
	v24 =	vshll.u32 v24, $0x7;
	v25 =	vshll.u32 v25, $0x7  }
0x2d2: {  	v26 =	vshll.u32 v26, $0x7;
	v27 =	vshll.u32 v27, $0x7;
	v21 =	vor.u32 v13, v21  }
0x2d3: {  	v22 =	vor.u32 v13, v22;
	v23 =	vor.u32 v13, v23;
	v24 =	vor.u32 v13, v24  }
0x2d4: {  	s9 =	simm.s32 $0x0;
	v25 =	vor.u32 v13, v25;
	v26 =	vor.u32 v13, v26;
	v27 =	vor.u32 v13, v27  }
.LBB2_25:
0x2d5: {  	s9 =	sadd.s32 $0x1, s9  }
0x2d6: {  	p0 =	sne.s32 s9, s1  }
.Ltmp16:
0x2d7: {  	_ = 	snop;
	(pc) =	sbr.rel @!p0 .LBB2_26-.Ltmp16, $1  }
0x2d8: {  	_ =	sdelay $0x3  }
.LBB2_22:
0x2d9: {  	_ =	sdelay $0x2  }
0x2da: {  	s5 =	sshll.u32 s9, $0x4  }
0x2db: {  	v29 =	vld.idx.msk [tilespmem:v28+s5+$0x0 ss:$0x1], $0xffff;
	_ =	sdelay $0x4  }
0x2dc: {  	vm0 =	vge.s32 v29, v18;
	vm1 =	vlt.s32 v29, v19  }
0x2dd: {  	vm0 =	vmand vm0, vm1  }
0x2de: {  	v30 =	vsel vm0, $0x1, v11  }
0x2df: {  	v30 =	vor.u32 $0x80000000, v30  }
0x2e0: {  	(xrf0) =	vmax.scan.msk.u32 $0xffff, v30;
	_ =	sdelay $0x5  }
0x2e1: {  	v30, _, _ =	vpop (xrf0)  }
0x2e2: {  	(v2sf) =	vpush v30, $0xF;
	_ =	sdelay $0xe  }
0x2e3: {  	s6 =	spop (v2sf)  }
0x2e4: {  	p0 =	slt.u32 s6, $0x80000001  }
.Ltmp17:
0x2e5: {  	_ = 	snop;
	(pc) =	sbr.rel @p0 .LBB2_25-.Ltmp17, $2  }
0x2e6: {  	_ =	sdelay $0x2  }
0x2e7: {  	s10 =	sadd.s32 s2, s5  }
0x2e8: {  	v30 =	vld [tilespmem:s10+$0xC300];
	_ =	sdelay $0x3  }
0x2e9: {  	v29 =	vsub.s32 v29, v18  }
0x2ea: {  	v29 =	vxor.u32 $0x80000000, v29;
	v30 =	vxor.u32 $0x80000000, v30  }
.LBB2_24:
0x2eb: {  	v31 =	vmctz.xlane vm0;
	_ =	sdelay $0x1  }
0x2ec: {  	vm1 =	vne.s32 v31, v2  }
0x2ed: {  	v31 =	vsel vm1, $0x80000000, v29  }
0x2ee: {  	(xrf0) =	vmax.scan.msk.u32 $0xffff, v31;
	_ =	sdelay $0x5  }
0x2ef: {  	v31, _, _ =	vpop (xrf0)  }
0x2f0: {  	(v2sf) =	vpush v31, $0xF;
	_ =	sdelay $0xe  }
0x2f1: {  	s5 =	spop (v2sf)  }
0x2f2: {  	s5 =	sxor.u32 $0x80000000, s5  }
0x2f3: {  	v31 =	vmov s5  }
0x2f4: {  	v32 =	vand.u32 $0xFFFFFF80, v31  }
0x2f5: {  	v31 =	vand.u32 $0x7F, v31;
	v33 =	vadd.s32 v20, v32  }
0x2f6: {  	s24 =	sld [smem:$0x1];
	v33 =	vor.u32 v31, v33;
	_ =	sdelay $0x2  }
0x2f7: {  	s6 =	sand.u32 $0x7F, s24  }
0x2f8: {  	s6 =	sshll.u32 s6, $0x7  }
0x2f9: {  	v34 =	vor.u32 s6, v2;
	v35 =	vadd.s32 v21, v32;
	v33 =	vld.idx.msk [tilespmem:v33+s18+$0x0], $0xffff  }
0x2fa: {  	v35 =	vor.u32 v31, v35;
	_ =	sdelay $0x3  }
0x2fb: {  	[tilespmem:v34+s25+$0x0] =	vst.idx.msk $0xffff, v33  }
0x2fc: {  	v51 =	vor.u32 s6, v3;
	v52 =	vadd.s32 v22, v32;
	v33 =	vld.idx.msk [tilespmem:v35+s18+$0x0], $0xffff  }
0x2fd: {  	v35 =	vor.u32 v31, v52;
	_ =	sdelay $0x3  }
0x2fe: {  	[tilespmem:v51+s25+$0x0] =	vst.idx.msk $0xffff, v33  }
0x2ff: {  	v53 =	vor.u32 s6, v4;
	v54 =	vadd.s32 v23, v32;
	v33 =	vld.idx.msk [tilespmem:v35+s18+$0x0], $0xffff  }
0x300: {  	v35 =	vor.u32 v31, v54;
	_ =	sdelay $0x3  }
0x301: {  	[tilespmem:v53+s25+$0x0] =	vst.idx.msk $0xffff, v33  }
0x302: {  	v55 =	vor.u32 s6, v5;
	v56 =	vadd.s32 v24, v32;
	v33 =	vld.idx.msk [tilespmem:v35+s18+$0x0], $0xffff  }
0x303: {  	v35 =	vor.u32 v31, v56;
	_ =	sdelay $0x2  }
0x304: {  	v36 =	vsel vm1, $0x80000000, v30  }
0x305: {  	(xrf0) =	vmax.scan.msk.u32 $0xffff, v36;
	[tilespmem:v55+s25+$0x0] =	vst.idx.msk $0xffff, v33  }
0x306: {  	v57 =	vor.u32 s6, v14;
	v58 =	vadd.s32 v25, v32;
	v33 =	vld.idx.msk [tilespmem:v35+s18+$0x0], $0xffff  }
0x307: {  	v35 =	vor.u32 v31, v58;
	_ =	sdelay $0x3  }
0x308: {  	v36, _, _ =	vpop (xrf0);
	[tilespmem:v57+s25+$0x0] =	vst.idx.msk $0xffff, v33  }
0x309: {  	v59 =	vor.u32 s6, v15;
	(v2sf) =	vpush v36, $0xF;
	v60 =	vadd.s32 v26, v32;
	v33 =	vld.idx.msk [tilespmem:v35+s18+$0x0], $0xffff  }
0x30a: {  	v35 =	vor.u32 v31, v60;
	_ =	sdelay $0x2  }
0x30b: {  	s8 =	sadd.s32 $0x1, s24  }
0x30c: {  	[smem:$0x1] =	sst s8;
	[tilespmem:v59+s25+$0x0] =	vst.idx.msk $0xffff, v33  }
0x30d: {  	v61 =	vor.u32 s6, v16;
	s10 =	sld [smem:$0x2];
	v32 =	vadd.s32 v27, v32;
	v33 =	vld.idx.msk [tilespmem:v35+s18+$0x0], $0xffff  }
0x30e: {  	v31 =	vor.u32 v31, v32;
	_ =	sdelay $0x1  }
0x30f: {  	s8 =	ssub.s32 s8, s10  }
0x310: {  	s11 =	sshll.u32 s24, $0x1;
	p0 =	slt.s32 s8, $0x40  }
0x311: {  	s29 =	sand.u32 $0x80, s11;
	s11 =	sshrl.u32 @!p0 s10, $0x6;
	s5 =	sand.u32 $0x3F, s24;
	[tilespmem:v61+s25+$0x0] =	vst.idx.msk $0xffff, v33  }
0x312: {  	v62 =	vor.u32 s6, v17;
	s6 =	sand.u32 @!p0 $0x1, s11;
	s5 =	sor.u32 s5, s29;
	v31 =	vld.idx.msk [tilespmem:v31+s18+$0x0], $0xffff  }
0x313: {  	v63 =	vmov s5;
	s5 =	sshll.u32 @!p0 s6, $0x7;
	v34 =	vlaneseq.u32 @!p0  }
0x314: {  	s8 =	sld @!p0 [smem:$0x5];
	v36 =	vor.u32 @!p0 $0x10, v34;
	v35 =	vor.u32 @!p0 s5, v34  }
0x315: {  	s30 =	spop (v2sf);
	v38 =	vor.u32 @!p0 $0x20, v34;
	v37 =	vor.u32 @!p0 s5, v36  }
0x316: {  	s11 =	sxor.u32 $0x80000000, s30;
	v40 =	vor.u32 @!p0 $0x30, v34;
	v39 =	vor.u32 @!p0 s5, v38  }
0x317: {  	s8 =	sadd.s32 @!p0 s10, s8;
	v32 =	vor.u32 @!p0 s5, v40;
	[tilespmem:v62+s25+$0x0] =	vst.idx.msk $0xffff, v31;
	v31 =	vmov s11  }
0x318: {  	s11 =	simm.s32 @!p0 $0x1C500;
	[tilespmem:v63+s14+$0x0] =	vst.idx.msk $0x1, v31;
	v31 =	vor.u32 @!p0 s8, v34  }
0x319: {  	s10 =	sadd.s32 @!p0 $0x40, s10;
	[tilespmem:v35+s11+$0x0] =	vst.idx.msk @!p0 $0xffff, v31;
	v31 =	vor.u32 @!p0 s8, v36  }
0x31a: {  	[smem:$0x2] =	sst @!p0 s10;
	[tilespmem:v37+s11+$0x0] =	vst.idx.msk @!p0 $0xffff, v31;
	v31 =	vor.u32 @!p0 s8, v38  }
0x31b: {  	s10 =	sld @!p0 [smem:$0x3];
	s6 =	sshll.u32 @!p0 s6, $0xD;
	[tilespmem:v39+s11+$0x0] =	vst.idx.msk @!p0 $0xffff, v31;
	v31 =	vor.u32 @!p0 s8, v40;
	s8 =	sshll.u32 @!p0 s8, $0x4  }
0x31c: {  	s6 =	sor.u32 @!p0 $0x18400, s6;
	[tilespmem:v32+s11+$0x0] =	vst.idx.msk @!p0 $0xffff, v31;
	s8 =	sadd.s32 @!p0 s7, s8;
	s11 =	simm.s32 @!p0 $0x0  }
0x31d: {  	[hbm4b:s8+s11] =	stream.linear.scatter @!p0 [tilespmem:s6], [sflag:$0x2], $0x2000, $0x38;
	[tilespmem:$0x1C600] =	vst v63  }
0x31e: {  	s6 =	sadd.s32 @!p0 $0x1, s10  }
0x31f: {  	[smem:$0x3] =	sst @!p0 s6  }
0x320: {  	s8 =	sld @!p0 [smem:$0x4]  }
0x321: {  	s10 =	sor.u32 @!p0 $0x1C500, s5;
	s5 =	sor.u32 @!p0 $0x1C400, s5;
	s11 =	simm.s32 @!p0 $0x40  }
0x322: {  	[hbm4b:s3+s11] =	stream.indirect.scatter @!p0 [tilespmem:s10], [sflag:$0x2], $0x1, s5, s11, $0xb8;
	[tilespmem:$0x1C600] =	vst v63  }
0x323: {  	s5 =	ssub.s32 @!p0 s6, s8  }
0x324: {  	p1 =	slt.s32 @!p0 s5, $0x2  }
0x325: {  	p0 =	por p1, p0  }
0x326: {  	s5 =	simm.s32 @!p0 $0x2  }
0x327: {  	_ =	swait.ge @!p0 [sflag:s5], $0x2000  }
0x328: {  	vm0 =	vmand vm0, vm1;
	[sflag:s5] =	ssyncset.done @!p0 $0x0  }
0x329: {  	v31 =	vsel vm0, $0x1, v11;
	[sflag:s5] =	ssyncadd.s32 @!p0 $0xFFFFE000  }
0x32a: {  	v31 =	vor.u32 $0x80000000, v31;
	_ =	swait.ge @!p0 [sflag:s5], $0x40  }
0x32b: {  	(xrf0) =	vmax.scan.msk.u32 $0xffff, v31;
	_ =	sdelay $0x5  }
0x32c: {  	v31, _, _ =	vpop (xrf0)  }
0x32d: {  	(v2sf) =	vpush v31, $0xF;
	_ =	sdelay $0xe  }
0x32e: {  	s31 =	spop (v2sf)  }
0x32f: {  	p1 =	sgt.u32 s31, $0x80000000  }
.Ltmp18:
0x330: {  	_ = 	snop;
	(pc) =	sbr.rel @p1 .LBB2_24-.Ltmp18, $4  }
0x331: {  	_ = 	snop  }
0x332: {  	[sflag:s5] =	ssyncset.done @!p0 $0x0  }
0x333: {  	[sflag:s5] =	ssyncadd.s32 @!p0 $0xFFFFFFC0;
	s5 =	sadd.s32 @!p0 $0x1, s8  }
0x334: {  	[smem:$0x4] =	sst @!p0 s5  }
.Ltmp19:
0x335: {  	_ = 	snop;
	(pc) =	sbr.rel .LBB2_25-.Ltmp19, $1  }
0x336: {  	_ =	sdelay $0x3  }
.LBB2_27:
0x337: {  	s0 =	sld [smem:$0x1]  }
0x338: {  	s1 =	sld [smem:$0x2];
	_ =	sdelay $0x2  }
0x339: {  	p0 =	sle.s32 s0, s1  }
0x33a: {  	s0 =	sshrl.u32 @!p0 s1, $0x6  }
0x33b: {  	s0 =	sand.u32 @!p0 $0x1, s0  }
0x33c: {  	v18 =	vlaneseq.u32 @!p0;
	s2 =	sshll.u32 @!p0 s0, $0x7  }
0x33d: {  	s5 =	sld @!p0 [smem:$0x5];
	v20 =	vor.u32 @!p0 $0x10, v18;
	v19 =	vor.u32 @!p0 s2, v18  }
0x33e: {  	v22 =	vor.u32 @!p0 $0x20, v18;
	v21 =	vor.u32 @!p0 s2, v20  }
0x33f: {  	v24 =	vor.u32 @!p0 $0x30, v18;
	v23 =	vor.u32 @!p0 s2, v22  }
0x340: {  	s5 =	sadd.s32 @!p0 s1, s5;
	v25 =	vor.u32 @!p0 s2, v24  }
0x341: {  	s6 =	simm.s32 @!p0 $0x1C500;
	v18 =	vor.u32 @!p0 s5, v18  }
0x342: {  	s1 =	sadd.s32 @!p0 $0x40, s1;
	[tilespmem:v19+s6+$0x0] =	vst.idx.msk @!p0 $0xffff, v18;
	v18 =	vor.u32 @!p0 s5, v20  }
0x343: {  	[smem:$0x2] =	sst @!p0 s1;
	[tilespmem:v21+s6+$0x0] =	vst.idx.msk @!p0 $0xffff, v18;
	v18 =	vor.u32 @!p0 s5, v22  }
0x344: {  	s0 =	sshll.u32 @!p0 s0, $0xD;
	s1 =	sshll.u32 @!p0 s5, $0x4;
	[tilespmem:v23+s6+$0x0] =	vst.idx.msk @!p0 $0xffff, v18;
	v18 =	vor.u32 @!p0 s5, v24;
	s5 =	sld @!p0 [smem:$0x3]  }
0x345: {  	s0 =	sor.u32 @!p0 $0x18400, s0;
	s1 =	sadd.s32 @!p0 s7, s1;
	[tilespmem:v25+s6+$0x0] =	vst.idx.msk @!p0 $0xffff, v18;
	s6 =	simm.s32 @!p0 $0x0  }
0x346: {  	[hbm4b:s1+s6] =	stream.linear.scatter @!p0 [tilespmem:s0], [sflag:$0x2], $0x2000, $0x38;
	[tilespmem:$0x1C600] =	vst v63  }
0x347: {  	s0 =	sadd.s32 @!p0 $0x1, s5  }
0x348: {  	[smem:$0x3] =	sst @!p0 s0  }
0x349: {  	s1 =	sld @!p0 [smem:$0x4]  }
0x34a: {  	s6 =	simm.s32 @!p0 $0x40;
	s5 =	sor.u32 @!p0 $0x1C500, s2;
	s2 =	sor.u32 @!p0 $0x1C400, s2  }
0x34b: {  	[hbm4b:s3+s6] =	stream.indirect.scatter @!p0 [tilespmem:s5], [sflag:$0x2], $0x1, s2, s6, $0xb8;
	[tilespmem:$0x1C600] =	vst v63  }
0x34c: {  	s0 =	ssub.s32 @!p0 s0, s1  }
0x34d: {  	p1 =	slt.s32 @!p0 s0, $0x2  }
0x34e: {  	p0 =	por p1, p0  }
0x34f: {  	s0 =	simm.s32 @!p0 $0x2  }
0x350: {  	_ =	swait.ge @!p0 [sflag:s0], $0x2000  }
0x351: {  	[sflag:s0] =	ssyncset.done @!p0 $0x0  }
0x352: {  	[sflag:s0] =	ssyncadd.s32 @!p0 $0xFFFFE000  }
0x353: {  	_ =	swait.ge @!p0 [sflag:s0], $0x40  }
0x354: {  	[sflag:s0] =	ssyncset.done @!p0 $0x0  }
0x355: {  	[sflag:s0] =	ssyncadd.s32 @!p0 $0xFFFFFFC0;
	s0 =	sadd.s32 @!p0 $0x1, s1  }
0x356: {  	[smem:$0x4] =	sst @!p0 s0  }
0x357: {  	s0 =	sld [smem:$0x3]  }
0x358: {  	s1 =	sld [smem:$0x4];
	_ =	sdelay $0x2  }
0x359: {  	s31 =	ssub.s32 s0, s1  }
0x35a: {  	p0 =	slt.s32 s31, $0x1  }
.Ltmp20:
0x35b: {  	_ = 	snop;
	(pc) =	sbr.rel @p0 .LBB2_31-.Ltmp20, $2  }
0x35c: {  	_ =	sdelay $0x2  }
0x35d: {  	s2 =	rddreg [dreg:$0xc]  }
0x35e: {  	s1 =	sadd.s32 $0x1, s1  }
0x35f: {  	_ =	swait.ge [sflag:s26], $0x2000;
	p0 =	sne.s32 s0, s1  }
.Ltmp21:
0x360: {  	[sflag:s26] =	ssyncset.done $0x0;
	(pc) =	sbr.rel @!p0 .LBB2_30-.Ltmp21, $4  }
0x361: {  	[sflag:s26] =	ssyncadd.s32 $0xFFFFE000  }
0x362: {  	_ =	swait.ge [sflag:s26], $0x40  }
0x363: {  	[sflag:s26] =	ssyncset.done $0x0  }
0x364: {  	[sflag:s26] =	ssyncadd.s32 $0xFFFFFFC0  }
.LBB2_29:
0x365: {  	[smem:$0x4] =	sst s1;
	s1 =	sadd.s32 $0x1, s1  }
0x366: {  	_ =	swait.ge [sflag:s26], $0x2000;
	p0 =	sne.s32 s0, s1  }
.Ltmp22:
0x367: {  	[sflag:s26] =	ssyncset.done $0x0;
	(pc) =	sbr.rel @p0 .LBB2_29-.Ltmp22, $4  }
0x368: {  	[sflag:s26] =	ssyncadd.s32 $0xFFFFE000  }
0x369: {  	_ =	swait.ge [sflag:s26], $0x40  }
0x36a: {  	[sflag:s26] =	ssyncset.done $0x0  }
0x36b: {  	[sflag:s26] =	ssyncadd.s32 $0xFFFFFFC0  }
.Ltmp23:
0x36c: {  	_ = 	snop;
	(pc) =	sbr.rel .LBB2_30-.Ltmp23, $1  }
0x36d: {  	_ =	sdelay $0x3  }
.LBB2_5:
.Ltmp24:
0x36e: {  	(pc) =	sbr.rel .LBB2_14-.Ltmp24, $2  }
0x36f: {  	_ =	sdelay $0x2  }
0x370: {  	_ = 	snop  }
.LBB2_7:
.Ltmp25:
0x371: {  	(pc) =	sbr.rel .LBB2_14-.Ltmp25, $2  }
0x372: {  	_ =	sdelay $0x2  }
0x373: {  	v27 =	vmovc v20;
	v26 =	vmov v19;
	v38 =	vmov v21;
	v21 =	vmov v33  }
.LBB2_9:
.Ltmp26:
0x374: {  	(pc) =	sbr.rel .LBB2_14-.Ltmp26, $3  }
0x375: {  	_ =	sdelay $0x1  }
0x376: {  	v18 =	vmov v20  }
0x377: {  	v39 =	vmovc v19;
	v28 =	vmovc v35;
	v38 =	vmov v33;
	s0 =	smov.u32 s16;
	s2 =	smov.u32 s9;
	v24 =	vmov v36;
	v25 =	vmov v37  }
.LBB2_11:
.Ltmp27:
0x378: {  	(pc) =	sbr.rel .LBB2_14-.Ltmp27, $3  }
0x379: {  	_ =	sdelay $0x1  }
0x37a: {  	v18 =	vmov v27  }
0x37b: {  	v39 =	vmovc v26;
	v38 =	vmovc v21;
	v27 =	vmov v35;
	v26 =	vmov v33;
	v21 =	vmov v36  }
.LBB2_32:
0x37c: {  	_ =	sfence.sel $0x180000  }
0x37d: {  	[bflag:$0x0] =	sbarrier.arrive $0xFFFF  }
0x37e: {  	_ =	strace $0x90000047  }
0x37f: {  	s0 =	stileid.u32;
	[bflag:$0x2] =	sbarrier.arrive $0xFFFF  }
0x380: {  	p0 =	sne.s32 s0, $0x0;
	s0 =	rddreg [dreg:$0x3]  }
0x381: {  	s0 =	sadd.s32 @!p0 $0x100000, s0  }
0x382: {  	[sflag:s0] =	ssyncadd.tile.s32 @!p0 $0x1;
	_ =	shalt  }
.Lfunc_end2:
_tile_overlayer_lowered:
.L_overlay_start_2:
0x383: {  	(tag) =	ssettag $0x2  }
0x384: {  	s0 =	rddreg [dreg:$0x0];
	s2 =	stileid.u32  }
0x385: {  	s1 =	rddreg [dreg:$0x1];
	p0 =	sne.s32 s2, $0x0  }
0x386: {  	s3 =	rddreg [dreg:$0x2];
	[bflag:$0x3] =	sbarrier.arrive $0xFFFF;
	s2 =	simm.s32 @!p0 $0x1C03  }
0x387: {  	[timem:s3], [sflag:s2] =	dma.local @!p0 [hbm:s0], s1  }
0x388: {  	s0 =	simm.s32 @!p0 $0x3  }
0x389: {  	_ =	swait.ge @!p0 [sflag:s0], s1  }
0x38a: {  	s1 =	ssub.s32 @!p0 $0x0, s1;
	[sflag:s0] =	ssyncset.done @!p0 $0x0  }
0x38b: {  	[sflag:s0] =	ssyncadd.s32 @!p0 s1  }
0x38c: {  	[bflag:$0x3] =	sbarrier.arrive $0xFFFF  }
0x38d: {  	_ =	shalt  }

// kernel: kernel.7.cloned.1.call-start
scs
__scs_entry_jumppad:
0x0: {  	(pc) =	sbr.rel $0x88, $3  }
0x1: {  	(tag) =	ssettag $0x0;
	lr =	simm.s32 $0x1  }
0x2: {  	[smem:$0x3F9F] =	sst lr;
	_ =	strace $0xD0000000  }
0x3: {  	_ = 	snop  }
0x4: {  	_ = 	snop  }
0x5: {  	_ = 	snop  }
0x6: {  	_ = 	snop  }
0x7: {  	_ = 	snop  }
__scs_overlays_trampoline_lowered:
0x8: {  	[smem:$0x3FAE] =	sst s0  }
0x9: {  	[smem:$0x3FAF] =	sst s1  }
0xa: {  	[smem:$0x3FB0] =	sst s2  }
0xb: {  	[smem:$0x3FB1] =	sst s3  }
0xc: {  	[smem:$0x3FB2] =	sst s4  }
0xd: {  	[smem:$0x3FB3] =	sst s5  }
0xe: {  	[smem:$0x3FB4] =	sst s6  }
0xf: {  	[smem:$0x3FB5] =	sst s7  }
0x10: {  	[smem:$0x3FB6] =	sst s8  }
0x11: {  	[smem:$0x3FB7] =	sst s9;
	s0 =	simm.s32 @!p0 $0x0  }
0x12: {  	s1 =	sld [smem:$0x3F9D];
	s0 =	simm.s32 @p0 $0x1  }
0x13: {  	[smem:$0x3FB8] =	sst s0;
	s0 =	simm.s32 @!p1 $0x0  }
0x14: {  	s2 =	sld [smem:$0x3F9C];
	s0 =	simm.s32 @p1 $0x1  }
0x15: {  	[smem:$0x3FB9] =	sst s0;
	s0 =	simm.s32 @!p2 $0x0  }
0x16: {  	s3 =	sld [smem:$0x3FDB];
	s0 =	simm.s32 @p2 $0x1  }
0x17: {  	s4 =	simm.s32 $0x1BF5;
	[smem:$0x3FBB] =	sst s0  }
0x18: {  	s0 =	sld [smem:$0x3F9E];
	_ =	swait.ge [sflag:s4], $0x0  }
0x19: {  	s7 =	sld [smem:$0x3F9F]  }
0x1a: {  	s8 =	sadd.s32 $0xFFFFE003, lr  }
0x1b: {  	s9 =	sadd.s32 $0xFFFFFEF7, lr;
	s5 =	simm.s32 $0xFFFFFFFF;
	p2 =	slt.u32 s8, $0xFFFFF086  }
0x1c: {  	p1 =	slt.u32 s9, $0xF7A;
	s5 =	simm.s32 @!p2 $0x0  }
0x1d: {  	s5 =	simm.s32 @p1 $0x1;
	p0 =	seq.s32 s7, s2  }
0x1e: {  	s7 =	smul.u32 @!p0 $0xF7A, s2;
	p2 =	seq.s32 @!p0 s5, $0x0  }
0x1f: {  	s9 =	smul.u32 $0xF7A, s1;
	s8 =	simm.s32 @!p0 $0x1BF5;
	p2 =	por !p2, p0  }
0x20: {  	[sflag:s8] =	ssyncset.s32 @!p0 $0xFFFFF086;
	s6 =	sadd.s32 @!p0 s3, s7;
	s7 =	simm.s32 @!p0 $0x108  }
0x21: {  	s3 =	sadd.s32 s3, s9;
	s6 =	sadd.s32 @!p0 $0x88, s6;
	s7 =	simm.s32 @p2 $0x1082  }
0x22: {  	[simem:s7], [sflag:s8] =	dma.local @!p0 [hbm:s6], $0xF7A  }
0x23: {  	s9 =	sor.u32 $0xD0000000, s2;
	s6 =	simm.s32 $0x108;
	_ =	swait.ge @!p0 [sflag:s8], $0x0  }
0x24: {  	s3 =	sadd.s32 $0x88, s3;
	s6 =	simm.s32 @!p1 $0x1082;
	[sflag:s4] =	ssyncset.s32 $0xFFFFF086  }
0x25: {  	[simem:s6], [sflag:s4] =	dma.local [hbm:s3], $0xF7A  }
0x26: {  	[smem:$0x3F9F] =	sst s1;
	(tag) =	ssettag s2;
	_ =	strace s9  }
0x27: {  	s1 =	sld [smem:$0x3FAF]  }
0x28: {  	s2 =	sld [smem:$0x3FB0]  }
0x29: {  	s4 =	sld [smem:$0x3FB2]  }
0x2a: {  	p0 =	seq.s32 s5, $0x0;
	s5 =	sld [smem:$0x3FB3]  }
0x2b: {  	s6 =	sld [smem:$0x3FB4]  }
0x2c: {  	s7 =	sld [smem:$0x3FB5]  }
0x2d: {  	s3 =	simm.s32 $0x108;
	s8 =	sld [smem:$0x3FB6]  }
0x2e: {  	s3 =	simm.s32 @!p0 $0x1082;
	s9 =	sld [smem:$0x3FB7]  }
0x2f: {  	lr =	sadd.s32 s0, s3;
	s0 =	sld [smem:$0x3FAE]  }
0x30: {  	s3 =	sld [smem:$0x3FB1]  }
0x31: {  	[smem:$0x3FBA] =	sst s10  }
0x32: {  	s10 =	sld [smem:$0x3FB8];
	_ =	sdelay $0x3  }
0x33: {  	p0 =	seq.s32 s10, $0x1;
	s10 =	sld [smem:$0x3FBA];
	_ =	sdelay $0x3  }
0x34: {  	[smem:$0x3FBA] =	sst s10  }
0x35: {  	s10 =	sld [smem:$0x3FB9];
	_ =	sdelay $0x3  }
0x36: {  	p1 =	seq.s32 s10, $0x1;
	s10 =	sld [smem:$0x3FBA];
	_ =	sdelay $0x3  }
0x37: {  	[smem:$0x3FBA] =	sst s10  }
0x38: {  	s10 =	sld [smem:$0x3FBB]  }
0x39: {  	_ = 	snop;
	(pc) =	sbr.ind lr, $3  }
0x3a: {  	_ = 	snop  }
0x3b: {  	_ = 	snop  }
0x3c: {  	p2 =	seq.s32 s10, $0x1;
	s10 =	sld [smem:$0x3FBA]  }
0x3d: {  	_ =	shalt  }
0x3e: {  	_ =	shalt  }
0x3f: {  	_ =	shalt  }
0x40: {  	_ =	shalt  }
0x41: {  	_ =	shalt  }
0x42: {  	_ =	shalt  }
0x43: {  	_ =	shalt  }
0x44: {  	_ =	shalt  }
0x45: {  	_ =	shalt  }
0x46: {  	_ =	shalt  }
0x47: {  	_ =	shalt  }
0x48: {  	_ =	shalt  }
0x49: {  	_ =	shalt  }
0x4a: {  	_ =	shalt  }
0x4b: {  	_ =	shalt  }
0x4c: {  	_ =	shalt  }
0x4d: {  	_ =	shalt  }
0x4e: {  	_ =	shalt  }
0x4f: {  	_ =	shalt  }
0x50: {  	_ =	shalt  }
0x51: {  	_ =	shalt  }
0x52: {  	_ =	shalt  }
0x53: {  	_ =	shalt  }
0x54: {  	_ =	shalt  }
0x55: {  	_ =	shalt  }
0x56: {  	_ =	shalt  }
0x57: {  	_ =	shalt  }
0x58: {  	_ =	shalt  }
0x59: {  	_ =	shalt  }
0x5a: {  	_ =	shalt  }
0x5b: {  	_ =	shalt  }
0x5c: {  	_ =	shalt  }
0x5d: {  	_ =	shalt  }
0x5e: {  	_ =	shalt  }
0x5f: {  	_ =	shalt  }
0x60: {  	_ =	shalt  }
0x61: {  	_ =	shalt  }
0x62: {  	_ =	shalt  }
0x63: {  	_ =	shalt  }
0x64: {  	_ =	shalt  }
0x65: {  	_ =	shalt  }
0x66: {  	_ =	shalt  }
0x67: {  	_ =	shalt  }
0x68: {  	_ =	shalt  }
0x69: {  	_ =	shalt  }
0x6a: {  	_ =	shalt  }
0x6b: {  	_ =	shalt  }
0x6c: {  	_ =	shalt  }
0x6d: {  	_ =	shalt  }
0x6e: {  	_ =	shalt  }
0x6f: {  	_ =	shalt  }
0x70: {  	_ =	shalt  }
0x71: {  	_ =	shalt  }
0x72: {  	_ =	shalt  }
0x73: {  	_ =	shalt  }
0x74: {  	_ =	shalt  }
0x75: {  	_ =	shalt  }
0x76: {  	_ =	shalt  }
0x77: {  	_ =	shalt  }
0x78: {  	_ =	shalt  }
0x79: {  	_ =	shalt  }
0x7a: {  	_ =	shalt  }
0x7b: {  	_ =	shalt  }
0x7c: {  	_ =	shalt  }
0x7d: {  	_ =	shalt  }
0x7e: {  	_ =	shalt  }
0x7f: {  	_ =	shalt  }
0x80: {  	_ =	shalt  }
0x81: {  	_ =	shalt  }
0x82: {  	_ =	shalt  }
0x83: {  	_ =	shalt  }
0x84: {  	_ =	shalt  }
0x85: {  	_ =	shalt  }
0x86: {  	_ =	shalt  }
0x87: {  	_ =	shalt  }
.Lfunc_end0:
.L_simem_size_0:
called_computation.1_lowered:
.L_overlay_start_0:
0x88: {  	s2 =	sld [smem:$0x3FD9]  }
0x89: {  	s3 =	sld [smem:$0x3FFE];
	_ =	sdelay $0x1  }
0x8a: {  	s1 =	srdreg.scid  }
0x8b: {  	s0 =	sand.u32 $0x1, s1  }
0x8c: {  	s17 =	sshll.u32 s0, $0xA;
	s2 =	sadd.s32 s3, s2  }
0x8d: {  	s2 =	sadd.s32 s2, s17  }
0x8e: {  	[smem:$0x3FC6] =	sst s2  }
0x8f: {  	_ = 	snop  }
0x90: {  	s2 =	sld [smem:$0x3FD0];
	(tm) =	ssettm $0x1  }
0x91: {  	s18 =	sld [smem:$0x3FFB];
	_ =	sdelay $0x3  }
0x92: {  	_ =	strace s18  }
0x93: {  	s3 =	sld [smem:$0x3FFC];
	_ =	sdelay $0x3  }
0x94: {  	_ =	strace s3  }
0x95: {  	s3 =	sld [smem:$0x3FFD];
	_ =	sdelay $0x3  }
0x96: {  	_ =	strace s3  }
0x97: {  	_ =	strace $0x8FFFFFFF  }
0x98: {  	s19 =	sld [smem:$0x3FDB];
	_ =	sdelay $0x1  }
0x99: {  	s4 =	simm.s32 $_scs_section_size  }
0x9a: {  	s5 =	simm.s32 $_size__tile_overlayer_lowered;
	s6 =	simm.s32 $_tile_overlayer_lowered  }
0x9b: {  	s22 =	simm.s32 $0x1BFF;
	s21 =	sshll.u32 s6, $0x1;
	s3 =	sadd.s32 s4, s19  }
0x9c: {  	s7 =	simm.s32 $0x0;
	s20 =	sshll.u32 s5, $0x1;
	s5 =	sadd.s32 s21, s3  }
0x9d: {  	[timem:s7], [sflag:s22] =	dma.local [hbm:s5], s20  }
0x9e: {  	_ =	swait.ge [sflag:s22], s20  }
0x9f: {  	s4 =	ssub.s32 $0x0, s20;
	[sflag:s22] =	ssyncset.done $0x0  }
0xa0: {  	[sflag:s22] =	ssyncadd.s32 s4;
	_ =	sdelay $0x1  }
0xa1: {  	s23 =	simm.s32 $0x1B8B  }
0xa2: {  	_ =	swait.ge [sflag:s23], $0x1  }
0xa3: {  	[sflag:s23] =	ssyncset.done $0x0  }
0xa4: {  	s25 =	simm.s32 $0x1B8E;
	s24 =	sld [smem:$0x3FFE];
	[sflag:s23] =	ssyncadd.s32 $0xFFFFFFFF  }
0xa5: {  	s26 =	simm.s32 $execute0_lowered;
	[smem:$0x3FD2] =	sst s25  }
0xa6: {  	s5 =	sshll.u32 s26, $0x1;
	_ =	strace $0x80000049;
	[dreg:$0x1] =	wrdreg $0xFFFFFFFF  }
0xa7: {  	s28 =	simm.s32 $_size_execute0_lowered;
	s3 =	sadd.s32 s3, s5;
	[dreg:$0x0] =	wrdreg $0x0  }
0xa8: {  	s5 =	sshll.u32 s28, $0x1;
	[dreg:$0x2] =	wrdreg s3  }
0xa9: {  	[dreg:$0x3] =	wrdreg s5  }
0xaa: {  	[dreg:$0x4] =	wrdreg $0xC0  }
0xab: {  	_ =	task [dreg:s7], $0x5FFFF  }
0xac: {  	[dreg:$0x1] =	wrdreg $0xFFFFFFFF  }
0xad: {  	[dreg:$0x0] =	wrdreg $0x60  }
0xae: {  	[dreg:$0x2] =	wrdreg s24  }
0xaf: {  	[dreg:$0x3] =	wrdreg s2  }
0xb0: {  	[dreg:$0x4] =	wrdreg $0x9  }
0xb1: {  	_ =	task.clear_ibuf [dreg:s7], $0x5FFFF;
	_ =	strace $0x90000049  }
0xb2: {  	s29 =	simm.s32 $0x9;
	_ =	strace $0x8000004B  }
0xb3: {  	_ =	swait.ge [sflag:s29], $0x1  }
0xb4: {  	[sflag:s29] =	ssyncadd.s32 $0xFFFFFFFF  }
0xb5: {  	_ =	strace $0x9000004B  }
0xb6: {  	_ =	sfence  }
0xb7: {  	s30 =	sld [smem:$0x0];
	_ =	sdelay $0x2  }
0xb8: {  	s31 =	sshll.u32 s1, $0xD;
	s1 =	sshrl.u32 s1, $0x2  }
0xb9: {  	s3 =	sand.u32 $0x4000, s31;
	s1 =	sadd.s32 s1, s30  }
0xba: {  	s0 =	sor.u32 s3, s0;
	s1 =	sshll.u32 s1, $0x11  }
0xbb: {  	s0 =	sor.u32 s1, s0  }
0xbc: {  	s0 =	sadd.s32 $0x8F2B, s0  }
0xbd: {  	[sflag:s0] =	ssyncadd.remote.s32 $0x1  }
0xbe: {  	_ =	sfence.sel $0xFFFF  }
0xbf: {  	[dreg:$0x0] =	wrdreg $0xFFFFFFFF;
	(pc) =	sbr.abs _section_cstart, $3  }
0xc0: {  	[dreg:$0x1] =	wrdreg $0xFFFFFFFF  }
0xc1: {  	_ =	task.clear_ibuf [dreg:s7], $0x2FFFF;
	_ =	strace $0x9FFFFFFF  }
0xc2: {  	(tm) =	ssettm $0x7FFFFFFF  }
0xc3: {  	_ =	shalt  }
tec
execute0_lowered:
.L_overlay_start_1:
0x0: {  	(tag) =	ssettag $0x1  }
0x1: {  	s1 =	srdreg.scid  }
0x2: {  	s8 =	rddreg [dreg:$0x0];
	s0 =	stileid.u32  }
0x3: {  	s3 =	rddreg [dreg:$0x1];
	s2 =	simm.s32 $0x0;
	s6 =	sand.u32 $0x1, s1  }
0x4: {  	s4 =	sshll.u32 s0, $0xA;
	s1 =	rddreg [dreg:$0x2];
	s5 =	sshll.u32 s6, $0x9  }
0x5: {  	s7 =	simm.s32 $0x1;
	[smem:$0x7FF] =	sst s2;
	s9 =	sor.u32 s5, s4  }
0x6: {  	_ =	strace $0x8000004A;
	s10 =	ssub.s32 $0x2, s6;
	s4 =	sshrl.u32 s9, $0x3  }
0x7: {  	s6 =	simm.s32 $0x200;
	s4 =	sadd.s32 s3, s4;
	s3 =	simm.s32 $0x2  }
0x8: {  	[tilespmem:s2], [sflag:$0x2] =	stream.linear.gather [hbm4b:s4+s2], $0x200, $0x38;
	[tilespmem:$0x10200] =	vst v63  }
0x9: {  	s5 =	sadd.s32 $0xF43400, s8;
	s11 =	sshrl.u32 s10, $0x1;
	_ =	swait.ge [sflag:s3], $0x200  }
0xa: {  	s9 =	sshll.u32 s9, $0x4;
	s31 =	ssub.s32 s10, s11;
	[sflag:s3] =	ssyncset.done $0x0  }
0xb: {  	s8 =	sadd.s32 s9, s8;
	s9 =	smax.u32 s31, $0x1;
	[sflag:s3] =	ssyncadd.s32 $0xFFFFFE00  }
0xc: {  	[tilespmem:s6], [sflag:$0x1] =	stream.indirect.gather [hbm4b:s5+s6], $0x80, s2, s6, $0xb8;
	[tilespmem:$0x10200] =	vst v63  }
0xd: {  	p0 =	sne.s32 s9, $0x1;
	_ =	swait.ge [sflag:s7], $0x10000  }
.Ltmp0:
0xe: {  	[sflag:s7] =	ssyncset.done $0x0;
	(pc) =	sbr.rel @!p0 .LBB2_2-.Ltmp0, $4  }
0xf: {  	s8 =	sadd.s32 $0xC00, s8;
	[sflag:s7] =	ssyncadd.s32 $0xFFFF0000  }
0x10: {  	[hbm4b:s8+s2] =	stream.linear.scatter [tilespmem:s6], [sflag:$0x2], $0x10000, $0x38;
	[tilespmem:$0x10200] =	vst v63  }
0x11: {  	_ =	swait.ge [sflag:s3], $0x10000  }
0x12: {  	s9 =	sadd.s32 $0xFFFFFFFF, s9;
	[sflag:s3] =	ssyncset.done $0x0  }
.LBB2_1:
0x13: {  	p0 =	sne.s32 s9, $0x1;
	s9 =	sadd.s32 $0xFFFFFFFF, s9;
	[sflag:s3] =	ssyncadd.s32 $0xFFFF0000  }
0x14: {  	[tilespmem:s2], [sflag:$0x2] =	stream.linear.gather [hbm4b:s4+s2], $0x200, $0x38;
	[tilespmem:$0x10200] =	vst v63  }
0x15: {  	_ =	swait.ge [sflag:s3], $0x200  }
0x16: {  	[sflag:s3] =	ssyncset.done $0x0  }
0x17: {  	[sflag:s3] =	ssyncadd.s32 $0xFFFFFE00  }
0x18: {  	[tilespmem:s6], [sflag:$0x1] =	stream.indirect.gather [hbm4b:s5+s6], $0x80, s2, s6, $0xb8;
	[tilespmem:$0x10200] =	vst v63  }
0x19: {  	_ =	swait.ge [sflag:s7], $0x10000  }
.Ltmp1:
0x1a: {  	[sflag:s7] =	ssyncset.done $0x0;
	(pc) =	sbr.rel @p0 .LBB2_1-.Ltmp1, $4  }
0x1b: {  	[sflag:s7] =	ssyncadd.s32 $0xFFFF0000  }
0x1c: {  	[hbm4b:s8+s2] =	stream.linear.scatter [tilespmem:s6], [sflag:$0x2], $0x10000, $0x38;
	[tilespmem:$0x10200] =	vst v63  }
0x1d: {  	_ =	swait.ge [sflag:s3], $0x10000  }
0x1e: {  	[sflag:s3] =	ssyncset.done $0x0  }
.LBB2_2:
0x1f: {  	[sflag:s3] =	ssyncadd.s32 $0xFFFF0000  }
0x20: {  	_ =	sfence.sel $0x180000  }
0x21: {  	[bflag:$0x0] =	sbarrier.arrive $0xFFFF  }
0x22: {  	p0 =	sne.s32 s0, $0x0;
	_ =	strace $0x9000004A  }
0x23: {  	s0 =	sadd.s32 @!p0 $0x100000, s1;
	[bflag:$0x2] =	sbarrier.arrive $0xFFFF  }
0x24: {  	[sflag:s0] =	ssyncadd.tile.s32 @!p0 $0x1;
	_ =	shalt  }
.Lfunc_end2:
_tile_overlayer_lowered:
.L_overlay_start_2:
0x25: {  	(tag) =	ssettag $0x2  }
0x26: {  	s0 =	rddreg [dreg:$0x0];
	s2 =	stileid.u32  }
0x27: {  	s1 =	rddreg [dreg:$0x1];
	p0 =	sne.s32 s2, $0x0  }
0x28: {  	s3 =	rddreg [dreg:$0x2];
	[bflag:$0x3] =	sbarrier.arrive $0xFFFF;
	s2 =	simm.s32 @!p0 $0x1C02  }
0x29: {  	[timem:s3], [sflag:s2] =	dma.local @!p0 [hbm:s0], s1  }
0x2a: {  	s0 =	simm.s32 @!p0 $0x2  }
0x2b: {  	_ =	swait.ge @!p0 [sflag:s0], s1  }
0x2c: {  	s1 =	ssub.s32 @!p0 $0x0, s1;
	[sflag:s0] =	ssyncset.done @!p0 $0x0  }
0x2d: {  	[sflag:s0] =	ssyncadd.s32 @!p0 s1  }
0x2e: {  	[bflag:$0x3] =	sbarrier.arrive $0xFFFF  }
0x2f: {  	_ =	shalt  }

</sc_bundles>
